<compile_context>
chip_gen: v7x
topology: tpu7x:2x2x1
jax: 0.10.2.dev20260603
libtpu: 0.0.44.dev20260713+nightly
codegen_flags: <defaults>
</compile_context>

<pallas_src>
import functools

import jax
import jax.numpy as jnp
from jax import lax
from jax.experimental import pallas as pl
from jax.experimental.pallas import tpu as pltpu
from jax.experimental.pallas import tpu_sc as plsc

_B, _S, _D = 4, 8192, 1024
_NC, _NS, _L = 2, 16, 16
_NW = _NC * _NS
_PW = _S // _NW
_R = 32
_NCHUNK = _PW // _R
_VPR = _D // _L


def _add_chunk(x_v, pos_v):
    def row_body(r, _):
        for u in range(_VPR):
            sl = pl.ds(u * _L, _L)
            plsc.addupdate(x_v.at[r, sl], pos_v[r, sl])
        return 0
    lax.fori_loop(0, _R, row_body, 0)


def _sc_body(x_hbm, pos_hbm, out_hbm, pos_v, xa_v, xb_v,
             sem_in_a, sem_in_b, sem_out_a, sem_out_b):
    wid = lax.axis_index("s") * _NC + lax.axis_index("c")
    p0 = wid * _PW
    bufs = (xa_v, xb_v)
    sems_in = (sem_in_a, sem_in_b)
    sems_out = (sem_out_a, sem_out_b)

    def chunk_body(c, _):
        row = p0 + c * _R
        h_in = {}
        h_out = {}
        h_in[0] = pltpu.async_copy(
            x_hbm.at[pl.ds(row, _R)], bufs[0], sems_in[0])
        pltpu.sync_copy(pos_hbm.at[pl.ds(row, _R)], pos_v)
        for b in range(_B):
            cur = b % 2
            if b > 0:
                h_out[b - 1].wait()
            if b + 1 < _B:
                nrow = (b + 1) * _S + row
                h_in[b + 1] = pltpu.async_copy(
                    x_hbm.at[pl.ds(nrow, _R)], bufs[1 - cur],
                    sems_in[1 - cur])
            h_in[b].wait()
            _add_chunk(bufs[cur], pos_v)
            h_out[b] = pltpu.async_copy(
                bufs[cur], out_hbm.at[pl.ds(b * _S + row, _R)],
                sems_out[cur])
        h_out[_B - 1].wait()
        return 0

    lax.fori_loop(0, _NCHUNK, chunk_body, 0)


def kernel(x, pos_table):
    B, S, D = x.shape
    x2 = x.reshape(B * S, D)
    mesh = plsc.VectorSubcoreMesh(core_axis_name="c", subcore_axis_name="s")
    k = functools.partial(
        pl.kernel,
        out_type=jax.ShapeDtypeStruct((B * S, D), jnp.float32),
        mesh=mesh,
        scratch_types=[
            pltpu.VMEM((_R, _D), jnp.float32),
            pltpu.VMEM((_R, _D), jnp.float32),
            pltpu.VMEM((_R, _D), jnp.float32),
            pltpu.SemaphoreType.DMA,
            pltpu.SemaphoreType.DMA,
            pltpu.SemaphoreType.DMA,
            pltpu.SemaphoreType.DMA,
        ],
    )(_sc_body)
    out = k(x2, pos_table)
    return out.reshape(B, S, D)

# --- scband reference (transcript-rebuilt; emitter-appended) ---
"""Pipeline reference for scband-learned-positional-encoding-69793218560270 (READ-ONLY COPY).

The authoritative reference and input builder live on the scoring server;
editing this copy changes nothing except your own understanding.
"""

import jax, jax.numpy as jnp
import numpy as np

B, S, D = 4, 8192, 1024
MAX_SEQ_LEN = 8192

def setup_inputs(seed: int = 0) -> dict:
    key = jax.random.key(seed)
    kx, kt = jax.random.split(key)
    x = jax.random.normal(kx, (B, S, D), dtype=jnp.float32)
    pos_table = jax.random.normal(kt, (MAX_SEQ_LEN, D), dtype=jnp.float32)
    return {"x": x, "pos_table": pos_table}

def reference(x, pos_table):
    # positions = arange(S) expanded over batch; embedding lookup = gather rows
    positions = jnp.arange(x.shape[1])
    pe = jnp.take(pos_table, positions, axis=0)  # [S, D]
    return x + pe[None, :, :]

if __name__ == "__main__":
    import jax
    _d = setup_inputs()
    print(jax.jit(kernel)(*tuple(_d.values())))

</pallas_src>

<mosaic_0001>
#map = affine_map<(d0, d1) -> (0, 0)>
module attributes {stable_mosaic.version = 14 : i64} {
  func.func @_sc_body(%arg0: i32, %arg1: i32, %arg2: memref<32768x1024xf32, #tpu.memory_space<hbm>>, %arg3: memref<8192x1024xf32, #tpu.memory_space<hbm>>, %arg4: memref<32768x1024xf32, #tpu.memory_space<hbm>>, %arg5: memref<32x1024xf32, #tpu.memory_space<vmem>>, %arg6: memref<32x1024xf32, #tpu.memory_space<vmem>>, %arg7: memref<32x1024xf32, #tpu.memory_space<vmem>>, %arg8: memref<!tpu.dma_semaphore, #tpu.memory_space<semaphore_mem>>, %arg9: memref<!tpu.dma_semaphore, #tpu.memory_space<semaphore_mem>>, %arg10: memref<!tpu.dma_semaphore, #tpu.memory_space<semaphore_mem>>, %arg11: memref<!tpu.dma_semaphore, #tpu.memory_space<semaphore_mem>>) attributes {dimension_semantics = [#tpu.dimension_semantics<core_parallel>, #tpu.dimension_semantics<subcore_parallel>], iteration_bounds = array<i64: 2, 16>, scalar_prefetch = 0 : i64, scratch_operands = 7 : i64, tpu.core_type = #tpu.core_type<sc_vector_subcore>, window_params = [{transform_indices = #map}, {transform_indices = #map}, {transform_indices = #map}]} {
    %mul3A = arith.constant 2 : i32
    %mul3A_0 = arith.muli %arg1, %mul3A : i32
    %add3A = arith.addi %mul3A_0, %arg0 : i32
    %mul3A_1 = arith.constant 256 : i32
    %mul3A_2 = arith.muli %add3A, %mul3A_1 : i32
    %scan3A = arith.constant 0 : i32
    %scan3A_3 = arith.constant 0 : i32
    %scan3A_4 = arith.constant 8 : i32
    %scan3A_5 = arith.addi %scan3A_3, %scan3A_4 : i32
    %scan3A_6 = arith.constant 1 : i32
    %scan3A_7 = scf.for %scan3A_9 = %scan3A_3 to %scan3A_5 step %scan3A_6 iter_args(%scan3A_10 = %scan3A) -> (i32)  : i32 {
      %mul3A_11 = arith.constant 32 : i32
      %mul3A_12 = arith.muli %scan3A_9, %mul3A_11 : i32
      %add3A_13 = arith.addi %mul3A_2, %mul3A_12 : i32
      %dma_start3A = arith.constant 0 : i32
      %dma_start3A_14 = tpu.memref_slice %arg2[%add3A_13, %dma_start3A] : memref<32768x1024xf32, #tpu.memory_space<hbm>> -> memref<32x1024xf32, #tpu.memory_space<hbm>>
      %dma_start3A_15 = arith.constant 0 : i32
      %dma_start3A_16 = tpu.memref_slice %arg2[%add3A_13, %dma_start3A_15] : memref<32768x1024xf32, #tpu.memory_space<hbm>> -> memref<32x1024xf32, #tpu.memory_space<hbm>>
      tpu.enqueue_dma source(%dma_start3A_16 : memref<32x1024xf32, #tpu.memory_space<hbm>>) target(%arg6 : memref<32x1024xf32, #tpu.memory_space<vmem>>) target_semaphore(%arg8 : memref<!tpu.dma_semaphore, #tpu.memory_space<semaphore_mem>>)
      "tpu.region"() ({
        %run_scoped3A = tpu.sem_alloc : memref<!tpu.dma_semaphore, #tpu.memory_space<semaphore_mem>>
        %dma_start3A_119 = arith.constant 0 : i32
        %dma_start3A_120 = tpu.memref_slice %arg3[%add3A_13, %dma_start3A_119] : memref<8192x1024xf32, #tpu.memory_space<hbm>> -> memref<32x1024xf32, #tpu.memory_space<hbm>>
        %dma_start3A_121 = arith.constant 0 : i32
        %dma_start3A_122 = tpu.memref_slice %arg3[%add3A_13, %dma_start3A_121] : memref<8192x1024xf32, #tpu.memory_space<hbm>> -> memref<32x1024xf32, #tpu.memory_space<hbm>>
        tpu.enqueue_dma source(%dma_start3A_122 : memref<32x1024xf32, #tpu.memory_space<hbm>>) target(%arg5 : memref<32x1024xf32, #tpu.memory_space<vmem>>) target_semaphore(%run_scoped3A : memref<!tpu.dma_semaphore, #tpu.memory_space<semaphore_mem>>)
        %dma_wait3A_123 = arith.constant 0 : i32
        %dma_wait3A_124 = tpu.memref_slice %arg3[%add3A_13, %dma_wait3A_123] : memref<8192x1024xf32, #tpu.memory_space<hbm>> -> memref<32x1024xf32, #tpu.memory_space<hbm>>
        %dma_wait3A_125 = arith.constant 0 : i32
        %dma_wait3A_126 = tpu.memref_slice %arg3[%add3A_13, %dma_wait3A_125] : memref<8192x1024xf32, #tpu.memory_space<hbm>> -> memref<32x1024xf32, #tpu.memory_space<hbm>>
        tpu.wait_dma2 semaphore(%run_scoped3A : memref<!tpu.dma_semaphore, #tpu.memory_space<semaphore_mem>>) src(%dma_wait3A_126 : memref<32x1024xf32, #tpu.memory_space<hbm>>) dst(%arg5 : memref<32x1024xf32, #tpu.memory_space<vmem>>)
        tpu.yield
      }) : () -> ()
      %add3A_17 = arith.constant 8192 : i32
      %add3A_18 = arith.addi %add3A_17, %add3A_13 : i32
      %dma_start3A_19 = arith.constant 0 : i32
      %dma_start3A_20 = tpu.memref_slice %arg2[%add3A_18, %dma_start3A_19] : memref<32768x1024xf32, #tpu.memory_space<hbm>> -> memref<32x1024xf32, #tpu.memory_space<hbm>>
      %dma_start3A_21 = arith.constant 0 : i32
      %dma_start3A_22 = tpu.memref_slice %arg2[%add3A_18, %dma_start3A_21] : memref<32768x1024xf32, #tpu.memory_space<hbm>> -> memref<32x1024xf32, #tpu.memory_space<hbm>>
      tpu.enqueue_dma source(%dma_start3A_22 : memref<32x1024xf32, #tpu.memory_space<hbm>>) target(%arg7 : memref<32x1024xf32, #tpu.memory_space<vmem>>) target_semaphore(%arg9 : memref<!tpu.dma_semaphore, #tpu.memory_space<semaphore_mem>>)
      %dma_wait3A = arith.constant 0 : i32
      %dma_wait3A_23 = tpu.memref_slice %arg2[%add3A_13, %dma_wait3A] : memref<32768x1024xf32, #tpu.memory_space<hbm>> -> memref<32x1024xf32, #tpu.memory_space<hbm>>
      %dma_wait3A_24 = arith.constant 0 : i32
      %dma_wait3A_25 = tpu.memref_slice %arg2[%add3A_13, %dma_wait3A_24] : memref<32768x1024xf32, #tpu.memory_space<hbm>> -> memref<32x1024xf32, #tpu.memory_space<hbm>>
      tpu.wait_dma2 semaphore(%arg8 : memref<!tpu.dma_semaphore, #tpu.memory_space<semaphore_mem>>) src(%dma_wait3A_25 : memref<32x1024xf32, #tpu.memory_space<hbm>>) dst(%arg6 : memref<32x1024xf32, #tpu.memory_space<vmem>>)
      %scan3A_26 = arith.constant 0 : i32
      %scan3A_27 = arith.constant 0 : i32
      %scan3A_28 = arith.constant 32 : i32
      %scan3A_29 = arith.addi %scan3A_27, %scan3A_28 : i32
      %scan3A_30 = arith.constant 1 : i32
      %scan3A_31 = scf.for %scan3A_119 = %scan3A_27 to %scan3A_29 step %scan3A_30 iter_args(%scan3A_120 = %scan3A_26) -> (i32)  : i32 {
        %get3A = arith.index_cast %scan3A_119 : i32 to index
        %get3A_121 = arith.constant 0 : index
        %get3A_122 = tpu.vector_load %arg5[%get3A, %get3A_121] {strides = array<i32>} : memref<32x1024xf32, #tpu.memory_space<vmem>>, vector<1x16xf32>,
        %get3A_123 = vector.shape_cast %get3A_122 : vector<1x16xf32> to vector<16xf32>
        %swap3A = arith.index_cast %scan3A_119 : i32 to index
        %swap3A_124 = arith.constant 0 : index
        %swap3A_125 = tpu.vector_load %arg6[%swap3A, %swap3A_124] {strides = array<i32>} : memref<32x1024xf32, #tpu.memory_space<vmem>>, vector<1x16xf32>,
        %swap3A_126 = vector.shape_cast %swap3A_125 : vector<1x16xf32> to vector<16xf32>
        %swap3A_127 = vector.shape_cast %get3A_123 : vector<16xf32> to vector<1x16xf32>
        tpu.vector_store %arg6[%swap3A, %swap3A_124], %swap3A_127 {add = true, strides = array<i32>} : memref<32x1024xf32, #tpu.memory_space<vmem>>, vector<1x16xf32>,
        %get3A_128 = arith.index_cast %scan3A_119 : i32 to index
        %get3A_129 = arith.constant 16 : index
        %get3A_130 = tpu.vector_load %arg5[%get3A_128, %get3A_129] {strides = array<i32>} : memref<32x1024xf32, #tpu.memory_space<vmem>>, vector<1x16xf32>,
        %get3A_131 = vector.shape_cast %get3A_130 : vector<1x16xf32> to vector<16xf32>
        %swap3A_132 = arith.index_cast %scan3A_119 : i32 to index
        %swap3A_133 = arith.constant 16 : index
        %swap3A_134 = tpu.vector_load %arg6[%swap3A_132, %swap3A_133] {strides = array<i32>} : memref<32x1024xf32, #tpu.memory_space<vmem>>, vector<1x16xf32>,
        %swap3A_135 = vector.shape_cast %swap3A_134 : vector<1x16xf32> to vector<16xf32>
        %swap3A_136 = vector.shape_cast %get3A_131 : vector<16xf32> to vector<1x16xf32>
        tpu.vector_store %arg6[%swap3A_132, %swap3A_133], %swap3A_136 {add = true, strides = array<i32>} : memref<32x1024xf32, #tpu.memory_space<vmem>>, vector<1x16xf32>,
        %get3A_137 = arith.index_cast %scan3A_119 : i32 to index
        %get3A_138 = arith.constant 32 : index
        %get3A_139 = tpu.vector_load %arg5[%get3A_137, %get3A_138] {strides = array<i32>} : memref<32x1024xf32, #tpu.memory_space<vmem>>, vector<1x16xf32>,
        %get3A_140 = vector.shape_cast %get3A_139 : vector<1x16xf32> to vector<16xf32>
        %swap3A_141 = arith.index_cast %scan3A_119 : i32 to index
        %swap3A_142 = arith.constant 32 : index
        %swap3A_143 = tpu.vector_load %arg6[%swap3A_141, %swap3A_142] {strides = array<i32>} : memref<32x1024xf32, #tpu.memory_space<vmem>>, vector<1x16xf32>,
        %swap3A_144 = vector.shape_cast %swap3A_143 : vector<1x16xf32> to vector<16xf32>
        %swap3A_145 = vector.shape_cast %get3A_140 : vector<16xf32> to vector<1x16xf32>
        tpu.vector_store %arg6[%swap3A_141, %swap3A_142], %swap3A_145 {add = true, strides = array<i32>} : memref<32x1024xf32, #tpu.memory_space<vmem>>, vector<1x16xf32>,
        %get3A_146 = arith.index_cast %scan3A_119 : i32 to index
        %get3A_147 = arith.constant 48 : index
        %get3A_148 = tpu.vector_load %arg5[%get3A_146, %get3A_147] {strides = array<i32>} : memref<32x1024xf32, #tpu.memory_space<vmem>>, vector<1x16xf32>,
        %get3A_149 = vector.shape_cast %get3A_148 : vector<1x16xf32> to vector<16xf32>
        %swap3A_150 = arith.index_cast %scan3A_119 : i32 to index
        %swap3A_151 = arith.constant 48 : index
        %swap3A_152 = tpu.vector_load %arg6[%swap3A_150, %swap3A_151] {strides = array<i32>} : memref<32x1024xf32, #tpu.memory_space<vmem>>, vector<1x16xf32>,
        %swap3A_153 = vector.shape_cast %swap3A_152 : vector<1x16xf32> to vector<16xf32>
        %swap3A_154 = vector.shape_cast %get3A_149 : vector<16xf32> to vector<1x16xf32>
        tpu.vector_store %arg6[%swap3A_150, %swap3A_151], %swap3A_154 {add = true, strides = array<i32>} : memref<32x1024xf32, #tpu.memory_space<vmem>>, vector<1x16xf32>,
        %get3A_155 = arith.index_cast %scan3A_119 : i32 to index
        %get3A_156 = arith.constant 64 : index
        %get3A_157 = tpu.vector_load %arg5[%get3A_155, %get3A_156] {strides = array<i32>} : memref<32x1024xf32, #tpu.memory_space<vmem>>, vector<1x16xf32>,
        %get3A_158 = vector.shape_cast %get3A_157 : vector<1x16xf32> to vector<16xf32>
        %swap3A_159 = arith.index_cast %scan3A_119 : i32 to index
        %swap3A_160 = arith.constant 64 : index
        %swap3A_161 = tpu.vector_load %arg6[%swap3A_159, %swap3A_160] {strides = array<i32>} : memref<32x1024xf32, #tpu.memory_space<vmem>>, vector<1x16xf32>,
        %swap3A_162 = vector.shape_cast %swap3A_161 : vector<1x16xf32> to vector<16xf32>
        %swap3A_163 = vector.shape_cast %get3A_158 : vector<16xf32> to vector<1x16xf32>
        tpu.vector_store %arg6[%swap3A_159, %swap3A_160], %swap3A_163 {add = true, strides = array<i32>} : memref<32x1024xf32, #tpu.memory_space<vmem>>, vector<1x16xf32>,
        %get3A_164 = arith.index_cast %scan3A_119 : i32 to index
        %get3A_165 = arith.constant 80 : index
        %get3A_166 = tpu.vector_load %arg5[%get3A_164, %get3A_165] {strides = array<i32>} : memref<32x1024xf32, #tpu.memory_space<vmem>>, vector<1x16xf32>,
        %get3A_167 = vector.shape_cast %get3A_166 : vector<1x16xf32> to vector<16xf32>
        %swap3A_168 = arith.index_cast %scan3A_119 : i32 to index
        %swap3A_169 = arith.constant 80 : index
        %swap3A_170 = tpu.vector_load %arg6[%swap3A_168, %swap3A_169] {strides = array<i32>} : memref<32x1024xf32, #tpu.memory_space<vmem>>, vector<1x16xf32>,
        %swap3A_171 = vector.shape_cast %swap3A_170 : vector<1x16xf32> to vector<16xf32>
        %swap3A_172 = vector.shape_cast %get3A_167 : vector<16xf32> to vector<1x16xf32>
        tpu.vector_store %arg6[%swap3A_168, %swap3A_169], %swap3A_172 {add = true, strides = array<i32>} : memref<32x1024xf32, #tpu.memory_space<vmem>>, vector<1x16xf32>,
        %get3A_173 = arith.index_cast %scan3A_119 : i32 to index
        %get3A_174 = arith.constant 96 : index
        %get3A_175 = tpu.vector_load %arg5[%get3A_173, %get3A_174] {strides = array<i32>} : memref<32x1024xf32, #tpu.memory_space<vmem>>, vector<1x16xf32>,
        %get3A_176 = vector.shape_cast %get3A_175 : vector<1x16xf32> to vector<16xf32>
        %swap3A_177 = arith.index_cast %scan3A_119 : i32 to index
        %swap3A_178 = arith.constant 96 : index
        %swap3A_179 = tpu.vector_load %arg6[%swap3A_177, %swap3A_178] {strides = array<i32>} : memref<32x1024xf32, #tpu.memory_space<vmem>>, vector<1x16xf32>,
        %swap3A_180 = vector.shape_cast %swap3A_179 : vector<1x16xf32> to vector<16xf32>
        %swap3A_181 = vector.shape_cast %get3A_176 : vector<16xf32> to vector<1x16xf32>
        tpu.vector_store %arg6[%swap3A_177, %swap3A_178], %swap3A_181 {add = true, strides = array<i32>} : memref<32x1024xf32, #tpu.memory_space<vmem>>, vector<1x16xf32>,
        %get3A_182 = arith.index_cast %scan3A_119 : i32 to index
        %get3A_183 = arith.constant 112 : index
        %get3A_184 = tpu.vector_load %arg5[%get3A_182, %get3A_183] {strides = array<i32>} : memref<32x1024xf32, #tpu.memory_space<vmem>>, vector<1x16xf32>,
        %get3A_185 = vector.shape_cast %get3A_184 : vector<1x16xf32> to vector<16xf32>
        %swap3A_186 = arith.index_cast %scan3A_119 : i32 to index
        %swap3A_187 = arith.constant 112 : index
        %swap3A_188 = tpu.vector_load %arg6[%swap3A_186, %swap3A_187] {strides = array<i32>} : memref<32x1024xf32, #tpu.memory_space<vmem>>, vector<1x16xf32>,
        %swap3A_189 = vector.shape_cast %swap3A_188 : vector<1x16xf32> to vector<16xf32>
        %swap3A_190 = vector.shape_cast %get3A_185 : vector<16xf32> to vector<1x16xf32>
        tpu.vector_store %arg6[%swap3A_186, %swap3A_187], %swap3A_190 {add = true, strides = array<i32>} : memref<32x1024xf32, #tpu.memory_space<vmem>>, vector<1x16xf32>,
        %get3A_191 = arith.index_cast %scan3A_119 : i32 to index
        %get3A_192 = arith.constant 128 : index
        %get3A_193 = tpu.vector_load %arg5[%get3A_191, %get3A_192] {strides = array<i32>} : memref<32x1024xf32, #tpu.memory_space<vmem>>, vector<1x16xf32>,
        %get3A_194 = vector.shape_cast %get3A_193 : vector<1x16xf32> to vector<16xf32>
        %swap3A_195 = arith.index_cast %scan3A_119 : i32 to index
        %swap3A_196 = arith.constant 128 : index
        %swap3A_197 = tpu.vector_load %arg6[%swap3A_195, %swap3A_196] {strides = array<i32>} : memref<32x1024xf32, #tpu.memory_space<vmem>>, vector<1x16xf32>,
        %swap3A_198 = vector.shape_cast %swap3A_197 : vector<1x16xf32> to vector<16xf32>
        %swap3A_199 = vector.shape_cast %get3A_194 : vector<16xf32> to vector<1x16xf32>
        tpu.vector_store %arg6[%swap3A_195, %swap3A_196], %swap3A_199 {add = true, strides = array<i32>} : memref<32x1024xf32, #tpu.memory_space<vmem>>, vector<1x16xf32>,
        %get3A_200 = arith.index_cast %scan3A_119 : i32 to index
        %get3A_201 = arith.constant 144 : index
        %get3A_202 = tpu.vector_load %arg5[%get3A_200, %get3A_201] {strides = array<i32>} : memref<32x1024xf32, #tpu.memory_space<vmem>>, vector<1x16xf32>,
        %get3A_203 = vector.shape_cast %get3A_202 : vector<1x16xf32> to vector<16xf32>
        %swap3A_204 = arith.index_cast %scan3A_119 : i32 to index
        %swap3A_205 = arith.constant 144 : index
        %swap3A_206 = tpu.vector_load %arg6[%swap3A_204, %swap3A_205] {strides = array<i32>} : memref<32x1024xf32, #tpu.memory_space<vmem>>, vector<1x16xf32>,
        %swap3A_207 = vector.shape_cast %swap3A_206 : vector<1x16xf32> to vector<16xf32>
        %swap3A_208 = vector.shape_cast %get3A_203 : vector<16xf32> to vector<1x16xf32>
        tpu.vector_store %arg6[%swap3A_204, %swap3A_205], %swap3A_208 {add = true, strides = array<i32>} : memref<32x1024xf32, #tpu.memory_space<vmem>>, vector<1x16xf32>,
        %get3A_209 = arith.index_cast %scan3A_119 : i32 to index
        %get3A_210 = arith.constant 160 : index
        %get3A_211 = tpu.vector_load %arg5[%get3A_209, %get3A_210] {strides = array<i32>} : memref<32x1024xf32, #tpu.memory_space<vmem>>, vector<1x16xf32>,
        %get3A_212 = vector.shape_cast %get3A_211 : vector<1x16xf32> to vector<16xf32>
        %swap3A_213 = arith.index_cast %scan3A_119 : i32 to index
        %swap3A_214 = arith.constant 160 : index
        %swap3A_215 = tpu.vector_load %arg6[%swap3A_213, %swap3A_214] {strides = array<i32>} : memref<32x1024xf32, #tpu.memory_space<vmem>>, vector<1x16xf32>,
        %swap3A_216 = vector.shape_cast %swap3A_215 : vector<1x16xf32> to vector<16xf32>
        %swap3A_217 = vector.shape_cast %get3A_212 : vector<16xf32> to vector<1x16xf32>
        tpu.vector_store %arg6[%swap3A_213, %swap3A_214], %swap3A_217 {add = true, strides = array<i32>} : memref<32x1024xf32, #tpu.memory_space<vmem>>, vector<1x16xf32>,
        %get3A_218 = arith.index_cast %scan3A_119 : i32 to index
        %get3A_219 = arith.constant 176 : index
        %get3A_220 = tpu.vector_load %arg5[%get3A_218, %get3A_219] {strides = array<i32>} : memref<32x1024xf32, #tpu.memory_space<vmem>>, vector<1x16xf32>,
        %get3A_221 = vector.shape_cast %get3A_220 : vector<1x16xf32> to vector<16xf32>
        %swap3A_222 = arith.index_cast %scan3A_119 : i32 to index
        %swap3A_223 = arith.constant 176 : index
        %swap3A_224 = tpu.vector_load %arg6[%swap3A_222, %swap3A_223] {strides = array<i32>} : memref<32x1024xf32, #tpu.memory_space<vmem>>, vector<1x16xf32>,
        %swap3A_225 = vector.shape_cast %swap3A_224 : vector<1x16xf32> to vector<16xf32>
        %swap3A_226 = vector.shape_cast %get3A_221 : vector<16xf32> to vector<1x16xf32>
        tpu.vector_store %arg6[%swap3A_222, %swap3A_223], %swap3A_226 {add = true, strides = array<i32>} : memref<32x1024xf32, #tpu.memory_space<vmem>>, vector<1x16xf32>,
        %get3A_227 = arith.index_cast %scan3A_119 : i32 to index
        %get3A_228 = arith.constant 192 : index
        %get3A_229 = tpu.vector_load %arg5[%get3A_227, %get3A_228] {strides = array<i32>} : memref<32x1024xf32, #tpu.memory_space<vmem>>, vector<1x16xf32>,
        %get3A_230 = vector.shape_cast %get3A_229 : vector<1x16xf32> to vector<16xf32>
        %swap3A_231 = arith.index_cast %scan3A_119 : i32 to index
        %swap3A_232 = arith.constant 192 : index
        %swap3A_233 = tpu.vector_load %arg6[%swap3A_231, %swap3A_232] {strides = array<i32>} : memref<32x1024xf32, #tpu.memory_space<vmem>>, vector<1x16xf32>,
        %swap3A_234 = vector.shape_cast %swap3A_233 : vector<1x16xf32> to vector<16xf32>
        %swap3A_235 = vector.shape_cast %get3A_230 : vector<16xf32> to vector<1x16xf32>
        tpu.vector_store %arg6[%swap3A_231, %swap3A_232], %swap3A_235 {add = true, strides = array<i32>} : memref<32x1024xf32, #tpu.memory_space<vmem>>, vector<1x16xf32>,
        %get3A_236 = arith.index_cast %scan3A_119 : i32 to index
        %get3A_237 = arith.constant 208 : index
        %get3A_238 = tpu.vector_load %arg5[%get3A_236, %get3A_237] {strides = array<i32>} : memref<32x1024xf32, #tpu.memory_space<vmem>>, vector<1x16xf32>,
        %get3A_239 = vector.shape_cast %get3A_238 : vector<1x16xf32> to vector<16xf32>
        %swap3A_240 = arith.index_cast %scan3A_119 : i32 to index
        %swap3A_241 = arith.constant 208 : index
        %swap3A_242 = tpu.vector_load %arg6[%swap3A_240, %swap3A_241] {strides = array<i32>} : memref<32x1024xf32, #tpu.memory_space<vmem>>, vector<1x16xf32>,
        %swap3A_243 = vector.shape_cast %swap3A_242 : vector<1x16xf32> to vector<16xf32>
        %swap3A_244 = vector.shape_cast %get3A_239 : vector<16xf32> to vector<1x16xf32>
        tpu.vector_store %arg6[%swap3A_240, %swap3A_241], %swap3A_244 {add = true, strides = array<i32>} : memref<32x1024xf32, #tpu.memory_space<vmem>>, vector<1x16xf32>,
        %get3A_245 = arith.index_cast %scan3A_119 : i32 to index
        %get3A_246 = arith.constant 224 : index
        %get3A_247 = tpu.vector_load %arg5[%get3A_245, %get3A_246] {strides = array<i32>} : memref<32x1024xf32, #tpu.memory_space<vmem>>, vector<1x16xf32>,
        %get3A_248 = vector.shape_cast %get3A_247 : vector<1x16xf32> to vector<16xf32>
        %swap3A_249 = arith.index_cast %scan3A_119 : i32 to index
        %swap3A_250 = arith.constant 224 : index
        %swap3A_251 = tpu.vector_load %arg6[%swap3A_249, %swap3A_250] {strides = array<i32>} : memref<32x1024xf32, #tpu.memory_space<vmem>>, vector<1x16xf32>,
        %swap3A_252 = vector.shape_cast %swap3A_251 : vector<1x16xf32> to vector<16xf32>
        %swap3A_253 = vector.shape_cast %get3A_248 : vector<16xf32> to vector<1x16xf32>
        tpu.vector_store %arg6[%swap3A_249, %swap3A_250], %swap3A_253 {add = true, strides = array<i32>} : memref<32x1024xf32, #tpu.memory_space<vmem>>, vector<1x16xf32>,
        %get3A_254 = arith.index_cast %scan3A_119 : i32 to index
        %get3A_255 = arith.constant 240 : index
        %get3A_256 = tpu.vector_load %arg5[%get3A_254, %get3A_255] {strides = array<i32>} : memref<32x1024xf32, #tpu.memory_space<vmem>>, vector<1x16xf32>,
        %get3A_257 = vector.shape_cast %get3A_256 : vector<1x16xf32> to vector<16xf32>
        %swap3A_258 = arith.index_cast %scan3A_119 : i32 to index
        %swap3A_259 = arith.constant 240 : index
        %swap3A_260 = tpu.vector_load %arg6[%swap3A_258, %swap3A_259] {strides = array<i32>} : memref<32x1024xf32, #tpu.memory_space<vmem>>, vector<1x16xf32>,
        %swap3A_261 = vector.shape_cast %swap3A_260 : vector<1x16xf32> to vector<16xf32>
        %swap3A_262 = vector.shape_cast %get3A_257 : vector<16xf32> to vector<1x16xf32>
        tpu.vector_store %arg6[%swap3A_258, %swap3A_259], %swap3A_262 {add = true, strides = array<i32>} : memref<32x1024xf32, #tpu.memory_space<vmem>>, vector<1x16xf32>,
        %get3A_263 = arith.index_cast %scan3A_119 : i32 to index
        %get3A_264 = arith.constant 256 : index
        %get3A_265 = tpu.vector_load %arg5[%get3A_263, %get3A_264] {strides = array<i32>} : memref<32x1024xf32, #tpu.memory_space<vmem>>, vector<1x16xf32>,
        %get3A_266 = vector.shape_cast %get3A_265 : vector<1x16xf32> to vector<16xf32>
        %swap3A_267 = arith.index_cast %scan3A_119 : i32 to index
        %swap3A_268 = arith.constant 256 : index
        %swap3A_269 = tpu.vector_load %arg6[%swap3A_267, %swap3A_268] {strides = array<i32>} : memref<32x1024xf32, #tpu.memory_space<vmem>>, vector<1x16xf32>,
        %swap3A_270 = vector.shape_cast %swap3A_269 : vector<1x16xf32> to vector<16xf32>
        %swap3A_271 = vector.shape_cast %get3A_266 : vector<16xf32> to vector<1x16xf32>
        tpu.vector_store %arg6[%swap3A_267, %swap3A_268], %swap3A_271 {add = true, strides = array<i32>} : memref<32x1024xf32, #tpu.memory_space<vmem>>, vector<1x16xf32>,
        %get3A_272 = arith.index_cast %scan3A_119 : i32 to index
        %get3A_273 = arith.constant 272 : index
        %get3A_274 = tpu.vector_load %arg5[%get3A_272, %get3A_273] {strides = array<i32>} : memref<32x1024xf32, #tpu.memory_space<vmem>>, vector<1x16xf32>,
        %get3A_275 = vector.shape_cast %get3A_274 : vector<1x16xf32> to vector<16xf32>
        %swap3A_276 = arith.index_cast %scan3A_119 : i32 to index
        %swap3A_277 = arith.constant 272 : index
        %swap3A_278 = tpu.vector_load %arg6[%swap3A_276, %swap3A_277] {strides = array<i32>} : memref<32x1024xf32, #tpu.memory_space<vmem>>, vector<1x16xf32>,
        %swap3A_279 = vector.shape_cast %swap3A_278 : vector<1x16xf32> to vector<16xf32>
        %swap3A_280 = vector.shape_cast %get3A_275 : vector<16xf32> to vector<1x16xf32>
        tpu.vector_store %arg6[%swap3A_276, %swap3A_277], %swap3A_280 {add = true, strides = array<i32>} : memref<32x1024xf32, #tpu.memory_space<vmem>>, vector<1x16xf32>,
        %get3A_281 = arith.index_cast %scan3A_119 : i32 to index
        %get3A_282 = arith.constant 288 : index
        %get3A_283 = tpu.vector_load %arg5[%get3A_281, %get3A_282] {strides = array<i32>} : memref<32x1024xf32, #tpu.memory_space<vmem>>, vector<1x16xf32>,
        %get3A_284 = vector.shape_cast %get3A_283 : vector<1x16xf32> to vector<16xf32>
        %swap3A_285 = arith.index_cast %scan3A_119 : i32 to index
        %swap3A_286 = arith.constant 288 : index
        %swap3A_287 = tpu.vector_load %arg6[%swap3A_285, %swap3A_286] {strides = array<i32>} : memref<32x1024xf32, #tpu.memory_space<vmem>>, vector<1x16xf32>,
        %swap3A_288 = vector.shape_cast %swap3A_287 : vector<1x16xf32> to vector<16xf32>
        %swap3A_289 = vector.shape_cast %get3A_284 : vector<16xf32> to vector<1x16xf32>
        tpu.vector_store %arg6[%swap3A_285, %swap3A_286], %swap3A_289 {add = true, strides = array<i32>} : memref<32x1024xf32, #tpu.memory_space<vmem>>, vector<1x16xf32>,
        %get3A_290 = arith.index_cast %scan3A_119 : i32 to index
        %get3A_291 = arith.constant 304 : index
        %get3A_292 = tpu.vector_load %arg5[%get3A_290, %get3A_291] {strides = array<i32>} : memref<32x1024xf32, #tpu.memory_space<vmem>>, vector<1x16xf32>,
        %get3A_293 = vector.shape_cast %get3A_292 : vector<1x16xf32> to vector<16xf32>
        %swap3A_294 = arith.index_cast %scan3A_119 : i32 to index
        %swap3A_295 = arith.constant 304 : index
        %swap3A_296 = tpu.vector_load %arg6[%swap3A_294, %swap3A_295] {strides = array<i32>} : memref<32x1024xf32, #tpu.memory_space<vmem>>, vector<1x16xf32>,
        %swap3A_297 = vector.shape_cast %swap3A_296 : vector<1x16xf32> to vector<16xf32>
        %swap3A_298 = vector.shape_cast %get3A_293 : vector<16xf32> to vector<1x16xf32>
        tpu.vector_store %arg6[%swap3A_294, %swap3A_295], %swap3A_298 {add = true, strides = array<i32>} : memref<32x1024xf32, #tpu.memory_space<vmem>>, vector<1x16xf32>,
        %get3A_299 = arith.index_cast %scan3A_119 : i32 to index
        %get3A_300 = arith.constant 320 : index
        %get3A_301 = tpu.vector_load %arg5[%get3A_299, %get3A_300] {strides = array<i32>} : memref<32x1024xf32, #tpu.memory_space<vmem>>, vector<1x16xf32>,
        %get3A_302 = vector.shape_cast %get3A_301 : vector<1x16xf32> to vector<16xf32>
        %swap3A_303 = arith.index_cast %scan3A_119 : i32 to index
        %swap3A_304 = arith.constant 320 : index
        %swap3A_305 = tpu.vector_load %arg6[%swap3A_303, %swap3A_304] {strides = array<i32>} : memref<32x1024xf32, #tpu.memory_space<vmem>>, vector<1x16xf32>,
        %swap3A_306 = vector.shape_cast %swap3A_305 : vector<1x16xf32> to vector<16xf32>
        %swap3A_307 = vector.shape_cast %get3A_302 : vector<16xf32> to vector<1x16xf32>
        tpu.vector_store %arg6[%swap3A_303, %swap3A_304], %swap3A_307 {add = true, strides = array<i32>} : memref<32x1024xf32, #tpu.memory_space<vmem>>, vector<1x16xf32>,
        %get3A_308 = arith.index_cast %scan3A_119 : i32 to index
        %get3A_309 = arith.constant 336 : index
        %get3A_310 = tpu.vector_load %arg5[%get3A_308, %get3A_309] {strides = array<i32>} : memref<32x1024xf32, #tpu.memory_space<vmem>>, vector<1x16xf32>,
        %get3A_311 = vector.shape_cast %get3A_310 : vector<1x16xf32> to vector<16xf32>
        %swap3A_312 = arith.index_cast %scan3A_119 : i32 to index
        %swap3A_313 = arith.constant 336 : index
        %swap3A_314 = tpu.vector_load %arg6[%swap3A_312, %swap3A_313] {strides = array<i32>} : memref<32x1024xf32, #tpu.memory_space<vmem>>, vector<1x16xf32>,
        %swap3A_315 = vector.shape_cast %swap3A_314 : vector<1x16xf32> to vector<16xf32>
        %swap3A_316 = vector.shape_cast %get3A_311 : vector<16xf32> to vector<1x16xf32>
        tpu.vector_store %arg6[%swap3A_312, %swap3A_313], %swap3A_316 {add = true, strides = array<i32>} : memref<32x1024xf32, #tpu.memory_space<vmem>>, vector<1x16xf32>,
        %get3A_317 = arith.index_cast %scan3A_119 : i32 to index
        %get3A_318 = arith.constant 352 : index
        %get3A_319 = tpu.vector_load %arg5[%get3A_317, %get3A_318] {strides = array<i32>} : memref<32x1024xf32, #tpu.memory_space<vmem>>, vector<1x16xf32>,
        %get3A_320 = vector.shape_cast %get3A_319 : vector<1x16xf32> to vector<16xf32>
        %swap3A_321 = arith.index_cast %scan3A_119 : i32 to index
        %swap3A_322 = arith.constant 352 : index
        %swap3A_323 = tpu.vector_load %arg6[%swap3A_321, %swap3A_322] {strides = array<i32>} : memref<32x1024xf32, #tpu.memory_space<vmem>>, vector<1x16xf32>,
        %swap3A_324 = vector.shape_cast %swap3A_323 : vector<1x16xf32> to vector<16xf32>
        %swap3A_325 = vector.shape_cast %get3A_320 : vector<16xf32> to vector<1x16xf32>
        tpu.vector_store %arg6[%swap3A_321, %swap3A_322], %swap3A_325 {add = true, strides = array<i32>} : memref<32x1024xf32, #tpu.memory_space<vmem>>, vector<1x16xf32>,
        %get3A_326 = arith.index_cast %scan3A_119 : i32 to index
        %get3A_327 = arith.constant 368 : index
        %get3A_328 = tpu.vector_load %arg5[%get3A_326, %get3A_327] {strides = array<i32>} : memref<32x1024xf32, #tpu.memory_space<vmem>>, vector<1x16xf32>,
        %get3A_329 = vector.shape_cast %get3A_328 : vector<1x16xf32> to vector<16xf32>
        %swap3A_330 = arith.index_cast %scan3A_119 : i32 to index
        %swap3A_331 = arith.constant 368 : index
        %swap3A_332 = tpu.vector_load %arg6[%swap3A_330, %swap3A_331] {strides = array<i32>} : memref<32x1024xf32, #tpu.memory_space<vmem>>, vector<1x16xf32>,
        %swap3A_333 = vector.shape_cast %swap3A_332 : vector<1x16xf32> to vector<16xf32>
        %swap3A_334 = vector.shape_cast %get3A_329 : vector<16xf32> to vector<1x16xf32>
        tpu.vector_store %arg6[%swap3A_330, %swap3A_331], %swap3A_334 {add = true, strides = array<i32>} : memref<32x1024xf32, #tpu.memory_space<vmem>>, vector<1x16xf32>,
        %get3A_335 = arith.index_cast %scan3A_119 : i32 to index
        %get3A_336 = arith.constant 384 : index
        %get3A_337 = tpu.vector_load %arg5[%get3A_335, %get3A_336] {strides = array<i32>} : memref<32x1024xf32, #tpu.memory_space<vmem>>, vector<1x16xf32>,
        %get3A_338 = vector.shape_cast %get3A_337 : vector<1x16xf32> to vector<16xf32>
        %swap3A_339 = arith.index_cast %scan3A_119 : i32 to index
        %swap3A_340 = arith.constant 384 : index
        %swap3A_341 = tpu.vector_load %arg6[%swap3A_339, %swap3A_340] {strides = array<i32>} : memref<32x1024xf32, #tpu.memory_space<vmem>>, vector<1x16xf32>,
        %swap3A_342 = vector.shape_cast %swap3A_341 : vector<1x16xf32> to vector<16xf32>
        %swap3A_343 = vector.shape_cast %get3A_338 : vector<16xf32> to vector<1x16xf32>
        tpu.vector_store %arg6[%swap3A_339, %swap3A_340], %swap3A_343 {add = true, strides = array<i32>} : memref<32x1024xf32, #tpu.memory_space<vmem>>, vector<1x16xf32>,
        %get3A_344 = arith.index_cast %scan3A_119 : i32 to index
        %get3A_345 = arith.constant 400 : index
        %get3A_346 = tpu.vector_load %arg5[%get3A_344, %get3A_345] {strides = array<i32>} : memref<32x1024xf32, #tpu.memory_space<vmem>>, vector<1x16xf32>,
        %get3A_347 = vector.shape_cast %get3A_346 : vector<1x16xf32> to vector<16xf32>
        %swap3A_348 = arith.index_cast %scan3A_119 : i32 to index
        %swap3A_349 = arith.constant 400 : index
        %swap3A_350 = tpu.vector_load %arg6[%swap3A_348, %swap3A_349] {strides = array<i32>} : memref<32x1024xf32, #tpu.memory_space<vmem>>, vector<1x16xf32>,
        %swap3A_351 = vector.shape_cast %swap3A_350 : vector<1x16xf32> to vector<16xf32>
        %swap3A_352 = vector.shape_cast %get3A_347 : vector<16xf32> to vector<1x16xf32>
        tpu.vector_store %arg6[%swap3A_348, %swap3A_349], %swap3A_352 {add = true, strides = array<i32>} : memref<32x1024xf32, #tpu.memory_space<vmem>>, vector<1x16xf32>,
        %get3A_353 = arith.index_cast %scan3A_119 : i32 to index
        %get3A_354 = arith.constant 416 : index
        %get3A_355 = tpu.vector_load %arg5[%get3A_353, %get3A_354] {strides = array<i32>} : memref<32x1024xf32, #tpu.memory_space<vmem>>, vector<1x16xf32>,
        %get3A_356 = vector.shape_cast %get3A_355 : vector<1x16xf32> to vector<16xf32>
        %swap3A_357 = arith.index_cast %scan3A_119 : i32 to index
        %swap3A_358 = arith.constant 416 : index
        %swap3A_359 = tpu.vector_load %arg6[%swap3A_357, %swap3A_358] {strides = array<i32>} : memref<32x1024xf32, #tpu.memory_space<vmem>>, vector<1x16xf32>,
        %swap3A_360 = vector.shape_cast %swap3A_359 : vector<1x16xf32> to vector<16xf32>
        %swap3A_361 = vector.shape_cast %get3A_356 : vector<16xf32> to vector<1x16xf32>
        tpu.vector_store %arg6[%swap3A_357, %swap3A_358], %swap3A_361 {add = true, strides = array<i32>} : memref<32x1024xf32, #tpu.memory_space<vmem>>, vector<1x16xf32>,
        %get3A_362 = arith.index_cast %scan3A_119 : i32 to index
        %get3A_363 = arith.constant 432 : index
        %get3A_364 = tpu.vector_load %arg5[%get3A_362, %get3A_363] {strides = array<i32>} : memref<32x1024xf32, #tpu.memory_space<vmem>>, vector<1x16xf32>,
        %get3A_365 = vector.shape_cast %get3A_364 : vector<1x16xf32> to vector<16xf32>
        %swap3A_366 = arith.index_cast %scan3A_119 : i32 to index
        %swap3A_367 = arith.constant 432 : index
        %swap3A_368 = tpu.vector_load %arg6[%swap3A_366, %swap3A_367] {strides = array<i32>} : memref<32x1024xf32, #tpu.memory_space<vmem>>, vector<1x16xf32>,
        %swap3A_369 = vector.shape_cast %swap3A_368 : vector<1x16xf32> to vector<16xf32>
        %swap3A_370 = vector.shape_cast %get3A_365 : vector<16xf32> to vector<1x16xf32>
        tpu.vector_store %arg6[%swap3A_366, %swap3A_367], %swap3A_370 {add = true, strides = array<i32>} : memref<32x1024xf32, #tpu.memory_space<vmem>>, vector<1x16xf32>,
        %get3A_371 = arith.index_cast %scan3A_119 : i32 to index
        %get3A_372 = arith.constant 448 : index
        %get3A_373 = tpu.vector_load %arg5[%get3A_371, %get3A_372] {strides = array<i32>} : memref<32x1024xf32, #tpu.memory_space<vmem>>, vector<1x16xf32>,
        %get3A_374 = vector.shape_cast %get3A_373 : vector<1x16xf32> to vector<16xf32>
        %swap3A_375 = arith.index_cast %scan3A_119 : i32 to index
        %swap3A_376 = arith.constant 448 : index
        %swap3A_377 = tpu.vector_load %arg6[%swap3A_375, %swap3A_376] {strides = array<i32>} : memref<32x1024xf32, #tpu.memory_space<vmem>>, vector<1x16xf32>,
        %swap3A_378 = vector.shape_cast %swap3A_377 : vector<1x16xf32> to vector<16xf32>
        %swap3A_379 = vector.shape_cast %get3A_374 : vector<16xf32> to vector<1x16xf32>
        tpu.vector_store %arg6[%swap3A_375, %swap3A_376], %swap3A_379 {add = true, strides = array<i32>} : memref<32x1024xf32, #tpu.memory_space<vmem>>, vector<1x16xf32>,
        %get3A_380 = arith.index_cast %scan3A_119 : i32 to index
        %get3A_381 = arith.constant 464 : index
        %get3A_382 = tpu.vector_load %arg5[%get3A_380, %get3A_381] {strides = array<i32>} : memref<32x1024xf32, #tpu.memory_space<vmem>>, vector<1x16xf32>,
        %get3A_383 = vector.shape_cast %get3A_382 : vector<1x16xf32> to vector<16xf32>
        %swap3A_384 = arith.index_cast %scan3A_119 : i32 to index
        %swap3A_385 = arith.constant 464 : index
        %swap3A_386 = tpu.vector_load %arg6[%swap3A_384, %swap3A_385] {strides = array<i32>} : memref<32x1024xf32, #tpu.memory_space<vmem>>, vector<1x16xf32>,
        %swap3A_387 = vector.shape_cast %swap3A_386 : vector<1x16xf32> to vector<16xf32>
        %swap3A_388 = vector.shape_cast %get3A_383 : vector<16xf32> to vector<1x16xf32>
        tpu.vector_store %arg6[%swap3A_384, %swap3A_385], %swap3A_388 {add = true, strides = array<i32>} : memref<32x1024xf32, #tpu.memory_space<vmem>>, vector<1x16xf32>,
        %get3A_389 = arith.index_cast %scan3A_119 : i32 to index
        %get3A_390 = arith.constant 480 : index
        %get3A_391 = tpu.vector_load %arg5[%get3A_389, %get3A_390] {strides = array<i32>} : memref<32x1024xf32, #tpu.memory_space<vmem>>, vector<1x16xf32>,
        %get3A_392 = vector.shape_cast %get3A_391 : vector<1x16xf32> to vector<16xf32>
        %swap3A_393 = arith.index_cast %scan3A_119 : i32 to index
        %swap3A_394 = arith.constant 480 : index
        %swap3A_395 = tpu.vector_load %arg6[%swap3A_393, %swap3A_394] {strides = array<i32>} : memref<32x1024xf32, #tpu.memory_space<vmem>>, vector<1x16xf32>,
        %swap3A_396 = vector.shape_cast %swap3A_395 : vector<1x16xf32> to vector<16xf32>
        %swap3A_397 = vector.shape_cast %get3A_392 : vector<16xf32> to vector<1x16xf32>
        tpu.vector_store %arg6[%swap3A_393, %swap3A_394], %swap3A_397 {add = true, strides = array<i32>} : memref<32x1024xf32, #tpu.memory_space<vmem>>, vector<1x16xf32>,
        %get3A_398 = arith.index_cast %scan3A_119 : i32 to index
        %get3A_399 = arith.constant 496 : index
        %get3A_400 = tpu.vector_load %arg5[%get3A_398, %get3A_399] {strides = array<i32>} : memref<32x1024xf32, #tpu.memory_space<vmem>>, vector<1x16xf32>,
        %get3A_401 = vector.shape_cast %get3A_400 : vector<1x16xf32> to vector<16xf32>
        %swap3A_402 = arith.index_cast %scan3A_119 : i32 to index
        %swap3A_403 = arith.constant 496 : index
        %swap3A_404 = tpu.vector_load %arg6[%swap3A_402, %swap3A_403] {strides = array<i32>} : memref<32x1024xf32, #tpu.memory_space<vmem>>, vector<1x16xf32>,
        %swap3A_405 = vector.shape_cast %swap3A_404 : vector<1x16xf32> to vector<16xf32>
        %swap3A_406 = vector.shape_cast %get3A_401 : vector<16xf32> to vector<1x16xf32>
        tpu.vector_store %arg6[%swap3A_402, %swap3A_403], %swap3A_406 {add = true, strides = array<i32>} : memref<32x1024xf32, #tpu.memory_space<vmem>>, vector<1x16xf32>,
        %get3A_407 = arith.index_cast %scan3A_119 : i32 to index
        %get3A_408 = arith.constant 512 : index
        %get3A_409 = tpu.vector_load %arg5[%get3A_407, %get3A_408] {strides = array<i32>} : memref<32x1024xf32, #tpu.memory_space<vmem>>, vector<1x16xf32>,
        %get3A_410 = vector.shape_cast %get3A_409 : vector<1x16xf32> to vector<16xf32>
        %swap3A_411 = arith.index_cast %scan3A_119 : i32 to index
        %swap3A_412 = arith.constant 512 : index
        %swap3A_413 = tpu.vector_load %arg6[%swap3A_411, %swap3A_412] {strides = array<i32>} : memref<32x1024xf32, #tpu.memory_space<vmem>>, vector<1x16xf32>,
        %swap3A_414 = vector.shape_cast %swap3A_413 : vector<1x16xf32> to vector<16xf32>
        %swap3A_415 = vector.shape_cast %get3A_410 : vector<16xf32> to vector<1x16xf32>
        tpu.vector_store %arg6[%swap3A_411, %swap3A_412], %swap3A_415 {add = true, strides = array<i32>} : memref<32x1024xf32, #tpu.memory_space<vmem>>, vector<1x16xf32>,
        %get3A_416 = arith.index_cast %scan3A_119 : i32 to index
        %get3A_417 = arith.constant 528 : index
        %get3A_418 = tpu.vector_load %arg5[%get3A_416, %get3A_417] {strides = array<i32>} : memref<32x1024xf32, #tpu.memory_space<vmem>>, vector<1x16xf32>,
        %get3A_419 = vector.shape_cast %get3A_418 : vector<1x16xf32> to vector<16xf32>
        %swap3A_420 = arith.index_cast %scan3A_119 : i32 to index
        %swap3A_421 = arith.constant 528 : index
        %swap3A_422 = tpu.vector_load %arg6[%swap3A_420, %swap3A_421] {strides = array<i32>} : memref<32x1024xf32, #tpu.memory_space<vmem>>, vector<1x16xf32>,
        %swap3A_423 = vector.shape_cast %swap3A_422 : vector<1x16xf32> to vector<16xf32>
        %swap3A_424 = vector.shape_cast %get3A_419 : vector<16xf32> to vector<1x16xf32>
        tpu.vector_store %arg6[%swap3A_420, %swap3A_421], %swap3A_424 {add = true, strides = array<i32>} : memref<32x1024xf32, #tpu.memory_space<vmem>>, vector<1x16xf32>,
        %get3A_425 = arith.index_cast %scan3A_119 : i32 to index
        %get3A_426 = arith.constant 544 : index
        %get3A_427 = tpu.vector_load %arg5[%get3A_425, %get3A_426] {strides = array<i32>} : memref<32x1024xf32, #tpu.memory_space<vmem>>, vector<1x16xf32>,
        %get3A_428 = vector.shape_cast %get3A_427 : vector<1x16xf32> to vector<16xf32>
        %swap3A_429 = arith.index_cast %scan3A_119 : i32 to index
        %swap3A_430 = arith.constant 544 : index
        %swap3A_431 = tpu.vector_load %arg6[%swap3A_429, %swap3A_430] {strides = array<i32>} : memref<32x1024xf32, #tpu.memory_space<vmem>>, vector<1x16xf32>,
        %swap3A_432 = vector.shape_cast %swap3A_431 : vector<1x16xf32> to vector<16xf32>
        %swap3A_433 = vector.shape_cast %get3A_428 : vector<16xf32> to vector<1x16xf32>
        tpu.vector_store %arg6[%swap3A_429, %swap3A_430], %swap3A_433 {add = true, strides = array<i32>} : memref<32x1024xf32, #tpu.memory_space<vmem>>, vector<1x16xf32>,
        %get3A_434 = arith.index_cast %scan3A_119 : i32 to index
        %get3A_435 = arith.constant 560 : index
        %get3A_436 = tpu.vector_load %arg5[%get3A_434, %get3A_435] {strides = array<i32>} : memref<32x1024xf32, #tpu.memory_space<vmem>>, vector<1x16xf32>,
        %get3A_437 = vector.shape_cast %get3A_436 : vector<1x16xf32> to vector<16xf32>
        %swap3A_438 = arith.index_cast %scan3A_119 : i32 to index
        %swap3A_439 = arith.constant 560 : index
        %swap3A_440 = tpu.vector_load %arg6[%swap3A_438, %swap3A_439] {strides = array<i32>} : memref<32x1024xf32, #tpu.memory_space<vmem>>, vector<1x16xf32>,
        %swap3A_441 = vector.shape_cast %swap3A_440 : vector<1x16xf32> to vector<16xf32>
        %swap3A_442 = vector.shape_cast %get3A_437 : vector<16xf32> to vector<1x16xf32>
        tpu.vector_store %arg6[%swap3A_438, %swap3A_439], %swap3A_442 {add = true, strides = array<i32>} : memref<32x1024xf32, #tpu.memory_space<vmem>>, vector<1x16xf32>,
        %get3A_443 = arith.index_cast %scan3A_119 : i32 to index
        %get3A_444 = arith.constant 576 : index
        %get3A_445 = tpu.vector_load %arg5[%get3A_443, %get3A_444] {strides = array<i32>} : memref<32x1024xf32, #tpu.memory_space<vmem>>, vector<1x16xf32>,
        %get3A_446 = vector.shape_cast %get3A_445 : vector<1x16xf32> to vector<16xf32>
        %swap3A_447 = arith.index_cast %scan3A_119 : i32 to index
        %swap3A_448 = arith.constant 576 : index
        %swap3A_449 = tpu.vector_load %arg6[%swap3A_447, %swap3A_448] {strides = array<i32>} : memref<32x1024xf32, #tpu.memory_space<vmem>>, vector<1x16xf32>,
        %swap3A_450 = vector.shape_cast %swap3A_449 : vector<1x16xf32> to vector<16xf32>
        %swap3A_451 = vector.shape_cast %get3A_446 : vector<16xf32> to vector<1x16xf32>
        tpu.vector_store %arg6[%swap3A_447, %swap3A_448], %swap3A_451 {add = true, strides = array<i32>} : memref<32x1024xf32, #tpu.memory_space<vmem>>, vector<1x16xf32>,
        %get3A_452 = arith.index_cast %scan3A_119 : i32 to index
        %get3A_453 = arith.constant 592 : index
        %get3A_454 = tpu.vector_load %arg5[%get3A_452, %get3A_453] {strides = array<i32>} : memref<32x1024xf32, #tpu.memory_space<vmem>>, vector<1x16xf32>,
        %get3A_455 = vector.shape_cast %get3A_454 : vector<1x16xf32> to vector<16xf32>
        %swap3A_456 = arith.index_cast %scan3A_119 : i32 to index
        %swap3A_457 = arith.constant 592 : index
        %swap3A_458 = tpu.vector_load %arg6[%swap3A_456, %swap3A_457] {strides = array<i32>} : memref<32x1024xf32, #tpu.memory_space<vmem>>, vector<1x16xf32>,
        %swap3A_459 = vector.shape_cast %swap3A_458 : vector<1x16xf32> to vector<16xf32>
        %swap3A_460 = vector.shape_cast %get3A_455 : vector<16xf32> to vector<1x16xf32>
        tpu.vector_store %arg6[%swap3A_456, %swap3A_457], %swap3A_460 {add = true, strides = array<i32>} : memref<32x1024xf32, #tpu.memory_space<vmem>>, vector<1x16xf32>,
        %get3A_461 = arith.index_cast %scan3A_119 : i32 to index
        %get3A_462 = arith.constant 608 : index
        %get3A_463 = tpu.vector_load %arg5[%get3A_461, %get3A_462] {strides = array<i32>} : memref<32x1024xf32, #tpu.memory_space<vmem>>, vector<1x16xf32>,
        %get3A_464 = vector.shape_cast %get3A_463 : vector<1x16xf32> to vector<16xf32>
        %swap3A_465 = arith.index_cast %scan3A_119 : i32 to index
        %swap3A_466 = arith.constant 608 : index
        %swap3A_467 = tpu.vector_load %arg6[%swap3A_465, %swap3A_466] {strides = array<i32>} : memref<32x1024xf32, #tpu.memory_space<vmem>>, vector<1x16xf32>,
        %swap3A_468 = vector.shape_cast %swap3A_467 : vector<1x16xf32> to vector<16xf32>
        %swap3A_469 = vector.shape_cast %get3A_464 : vector<16xf32> to vector<1x16xf32>
        tpu.vector_store %arg6[%swap3A_465, %swap3A_466], %swap3A_469 {add = true, strides = array<i32>} : memref<32x1024xf32, #tpu.memory_space<vmem>>, vector<1x16xf32>,
        %get3A_470 = arith.index_cast %scan3A_119 : i32 to index
        %get3A_471 = arith.constant 624 : index
        %get3A_472 = tpu.vector_load %arg5[%get3A_470, %get3A_471] {strides = array<i32>} : memref<32x1024xf32, #tpu.memory_space<vmem>>, vector<1x16xf32>,
        %get3A_473 = vector.shape_cast %get3A_472 : vector<1x16xf32> to vector<16xf32>
        %swap3A_474 = arith.index_cast %scan3A_119 : i32 to index
        %swap3A_475 = arith.constant 624 : index
        %swap3A_476 = tpu.vector_load %arg6[%swap3A_474, %swap3A_475] {strides = array<i32>} : memref<32x1024xf32, #tpu.memory_space<vmem>>, vector<1x16xf32>,
        %swap3A_477 = vector.shape_cast %swap3A_476 : vector<1x16xf32> to vector<16xf32>
        %swap3A_478 = vector.shape_cast %get3A_473 : vector<16xf32> to vector<1x16xf32>
        tpu.vector_store %arg6[%swap3A_474, %swap3A_475], %swap3A_478 {add = true, strides = array<i32>} : memref<32x1024xf32, #tpu.memory_space<vmem>>, vector<1x16xf32>,
        %get3A_479 = arith.index_cast %scan3A_119 : i32 to index
        %get3A_480 = arith.constant 640 : index
        %get3A_481 = tpu.vector_load %arg5[%get3A_479, %get3A_480] {strides = array<i32>} : memref<32x1024xf32, #tpu.memory_space<vmem>>, vector<1x16xf32>,
        %get3A_482 = vector.shape_cast %get3A_481 : vector<1x16xf32> to vector<16xf32>
        %swap3A_483 = arith.index_cast %scan3A_119 : i32 to index
        %swap3A_484 = arith.constant 640 : index
        %swap3A_485 = tpu.vector_load %arg6[%swap3A_483, %swap3A_484] {strides = array<i32>} : memref<32x1024xf32, #tpu.memory_space<vmem>>, vector<1x16xf32>,
        %swap3A_486 = vector.shape_cast %swap3A_485 : vector<1x16xf32> to vector<16xf32>
        %swap3A_487 = vector.shape_cast %get3A_482 : vector<16xf32> to vector<1x16xf32>
        tpu.vector_store %arg6[%swap3A_483, %swap3A_484], %swap3A_487 {add = true, strides = array<i32>} : memref<32x1024xf32, #tpu.memory_space<vmem>>, vector<1x16xf32>,
        %get3A_488 = arith.index_cast %scan3A_119 : i32 to index
        %get3A_489 = arith.constant 656 : index
        %get3A_490 = tpu.vector_load %arg5[%get3A_488, %get3A_489] {strides = array<i32>} : memref<32x1024xf32, #tpu.memory_space<vmem>>, vector<1x16xf32>,
        %get3A_491 = vector.shape_cast %get3A_490 : vector<1x16xf32> to vector<16xf32>
        %swap3A_492 = arith.index_cast %scan3A_119 : i32 to index
        %swap3A_493 = arith.constant 656 : index
        %swap3A_494 = tpu.vector_load %arg6[%swap3A_492, %swap3A_493] {strides = array<i32>} : memref<32x1024xf32, #tpu.memory_space<vmem>>, vector<1x16xf32>,
        %swap3A_495 = vector.shape_cast %swap3A_494 : vector<1x16xf32> to vector<16xf32>
        %swap3A_496 = vector.shape_cast %get3A_491 : vector<16xf32> to vector<1x16xf32>
        tpu.vector_store %arg6[%swap3A_492, %swap3A_493], %swap3A_496 {add = true, strides = array<i32>} : memref<32x1024xf32, #tpu.memory_space<vmem>>, vector<1x16xf32>,
        %get3A_497 = arith.index_cast %scan3A_119 : i32 to index
        %get3A_498 = arith.constant 672 : index
        %get3A_499 = tpu.vector_load %arg5[%get3A_497, %get3A_498] {strides = array<i32>} : memref<32x1024xf32, #tpu.memory_space<vmem>>, vector<1x16xf32>,
        %get3A_500 = vector.shape_cast %get3A_499 : vector<1x16xf32> to vector<16xf32>
        %swap3A_501 = arith.index_cast %scan3A_119 : i32 to index
        %swap3A_502 = arith.constant 672 : index
        %swap3A_503 = tpu.vector_load %arg6[%swap3A_501, %swap3A_502] {strides = array<i32>} : memref<32x1024xf32, #tpu.memory_space<vmem>>, vector<1x16xf32>,
        %swap3A_504 = vector.shape_cast %swap3A_503 : vector<1x16xf32> to vector<16xf32>
        %swap3A_505 = vector.shape_cast %get3A_500 : vector<16xf32> to vector<1x16xf32>
        tpu.vector_store %arg6[%swap3A_501, %swap3A_502], %swap3A_505 {add = true, strides = array<i32>} : memref<32x1024xf32, #tpu.memory_space<vmem>>, vector<1x16xf32>,
        %get3A_506 = arith.index_cast %scan3A_119 : i32 to index
        %get3A_507 = arith.constant 688 : index
        %get3A_508 = tpu.vector_load %arg5[%get3A_506, %get3A_507] {strides = array<i32>} : memref<32x1024xf32, #tpu.memory_space<vmem>>, vector<1x16xf32>,
        %get3A_509 = vector.shape_cast %get3A_508 : vector<1x16xf32> to vector<16xf32>
        %swap3A_510 = arith.index_cast %scan3A_119 : i32 to index
        %swap3A_511 = arith.constant 688 : index
        %swap3A_512 = tpu.vector_load %arg6[%swap3A_510, %swap3A_511] {strides = array<i32>} : memref<32x1024xf32, #tpu.memory_space<vmem>>, vector<1x16xf32>,
        %swap3A_513 = vector.shape_cast %swap3A_512 : vector<1x16xf32> to vector<16xf32>
        %swap3A_514 = vector.shape_cast %get3A_509 : vector<16xf32> to vector<1x16xf32>
        tpu.vector_store %arg6[%swap3A_510, %swap3A_511], %swap3A_514 {add = true, strides = array<i32>} : memref<32x1024xf32, #tpu.memory_space<vmem>>, vector<1x16xf32>,
        %get3A_515 = arith.index_cast %scan3A_119 : i32 to index
        %get3A_516 = arith.constant 704 : index
        %get3A_517 = tpu.vector_load %arg5[%get3A_515, %get3A_516] {strides = array<i32>} : memref<32x1024xf32, #tpu.memory_space<vmem>>, vector<1x16xf32>,
        %get3A_518 = vector.shape_cast %get3A_517 : vector<1x16xf32> to vector<16xf32>
        %swap3A_519 = arith.index_cast %scan3A_119 : i32 to index
        %swap3A_520 = arith.constant 704 : index
        %swap3A_521 = tpu.vector_load %arg6[%swap3A_519, %swap3A_520] {strides = array<i32>} : memref<32x1024xf32, #tpu.memory_space<vmem>>, vector<1x16xf32>,
        %swap3A_522 = vector.shape_cast %swap3A_521 : vector<1x16xf32> to vector<16xf32>
        %swap3A_523 = vector.shape_cast %get3A_518 : vector<16xf32> to vector<1x16xf32>
        tpu.vector_store %arg6[%swap3A_519, %swap3A_520], %swap3A_523 {add = true, strides = array<i32>} : memref<32x1024xf32, #tpu.memory_space<vmem>>, vector<1x16xf32>,
        %get3A_524 = arith.index_cast %scan3A_119 : i32 to index
        %get3A_525 = arith.constant 720 : index
        %get3A_526 = tpu.vector_load %arg5[%get3A_524, %get3A_525] {strides = array<i32>} : memref<32x1024xf32, #tpu.memory_space<vmem>>, vector<1x16xf32>,
        %get3A_527 = vector.shape_cast %get3A_526 : vector<1x16xf32> to vector<16xf32>
        %swap3A_528 = arith.index_cast %scan3A_119 : i32 to index
        %swap3A_529 = arith.constant 720 : index
        %swap3A_530 = tpu.vector_load %arg6[%swap3A_528, %swap3A_529] {strides = array<i32>} : memref<32x1024xf32, #tpu.memory_space<vmem>>, vector<1x16xf32>,
        %swap3A_531 = vector.shape_cast %swap3A_530 : vector<1x16xf32> to vector<16xf32>
        %swap3A_532 = vector.shape_cast %get3A_527 : vector<16xf32> to vector<1x16xf32>
        tpu.vector_store %arg6[%swap3A_528, %swap3A_529], %swap3A_532 {add = true, strides = array<i32>} : memref<32x1024xf32, #tpu.memory_space<vmem>>, vector<1x16xf32>,
        %get3A_533 = arith.index_cast %scan3A_119 : i32 to index
        %get3A_534 = arith.constant 736 : index
        %get3A_535 = tpu.vector_load %arg5[%get3A_533, %get3A_534] {strides = array<i32>} : memref<32x1024xf32, #tpu.memory_space<vmem>>, vector<1x16xf32>,
        %get3A_536 = vector.shape_cast %get3A_535 : vector<1x16xf32> to vector<16xf32>
        %swap3A_537 = arith.index_cast %scan3A_119 : i32 to index
        %swap3A_538 = arith.constant 736 : index
        %swap3A_539 = tpu.vector_load %arg6[%swap3A_537, %swap3A_538] {strides = array<i32>} : memref<32x1024xf32, #tpu.memory_space<vmem>>, vector<1x16xf32>,
        %swap3A_540 = vector.shape_cast %swap3A_539 : vector<1x16xf32> to vector<16xf32>
        %swap3A_541 = vector.shape_cast %get3A_536 : vector<16xf32> to vector<1x16xf32>
        tpu.vector_store %arg6[%swap3A_537, %swap3A_538], %swap3A_541 {add = true, strides = array<i32>} : memref<32x1024xf32, #tpu.memory_space<vmem>>, vector<1x16xf32>,
        %get3A_542 = arith.index_cast %scan3A_119 : i32 to index
        %get3A_543 = arith.constant 752 : index
        %get3A_544 = tpu.vector_load %arg5[%get3A_542, %get3A_543] {strides = array<i32>} : memref<32x1024xf32, #tpu.memory_space<vmem>>, vector<1x16xf32>,
        %get3A_545 = vector.shape_cast %get3A_544 : vector<1x16xf32> to vector<16xf32>
        %swap3A_546 = arith.index_cast %scan3A_119 : i32 to index
        %swap3A_547 = arith.constant 752 : index
        %swap3A_548 = tpu.vector_load %arg6[%swap3A_546, %swap3A_547] {strides = array<i32>} : memref<32x1024xf32, #tpu.memory_space<vmem>>, vector<1x16xf32>,
        %swap3A_549 = vector.shape_cast %swap3A_548 : vector<1x16xf32> to vector<16xf32>
        %swap3A_550 = vector.shape_cast %get3A_545 : vector<16xf32> to vector<1x16xf32>
        tpu.vector_store %arg6[%swap3A_546, %swap3A_547], %swap3A_550 {add = true, strides = array<i32>} : memref<32x1024xf32, #tpu.memory_space<vmem>>, vector<1x16xf32>,
        %get3A_551 = arith.index_cast %scan3A_119 : i32 to index
        %get3A_552 = arith.constant 768 : index
        %get3A_553 = tpu.vector_load %arg5[%get3A_551, %get3A_552] {strides = array<i32>} : memref<32x1024xf32, #tpu.memory_space<vmem>>, vector<1x16xf32>,
        %get3A_554 = vector.shape_cast %get3A_553 : vector<1x16xf32> to vector<16xf32>
        %swap3A_555 = arith.index_cast %scan3A_119 : i32 to index
        %swap3A_556 = arith.constant 768 : index
        %swap3A_557 = tpu.vector_load %arg6[%swap3A_555, %swap3A_556] {strides = array<i32>} : memref<32x1024xf32, #tpu.memory_space<vmem>>, vector<1x16xf32>,
        %swap3A_558 = vector.shape_cast %swap3A_557 : vector<1x16xf32> to vector<16xf32>
        %swap3A_559 = vector.shape_cast %get3A_554 : vector<16xf32> to vector<1x16xf32>
        tpu.vector_store %arg6[%swap3A_555, %swap3A_556], %swap3A_559 {add = true, strides = array<i32>} : memref<32x1024xf32, #tpu.memory_space<vmem>>, vector<1x16xf32>,
        %get3A_560 = arith.index_cast %scan3A_119 : i32 to index
        %get3A_561 = arith.constant 784 : index
        %get3A_562 = tpu.vector_load %arg5[%get3A_560, %get3A_561] {strides = array<i32>} : memref<32x1024xf32, #tpu.memory_space<vmem>>, vector<1x16xf32>,
        %get3A_563 = vector.shape_cast %get3A_562 : vector<1x16xf32> to vector<16xf32>
        %swap3A_564 = arith.index_cast %scan3A_119 : i32 to index
        %swap3A_565 = arith.constant 784 : index
        %swap3A_566 = tpu.vector_load %arg6[%swap3A_564, %swap3A_565] {strides = array<i32>} : memref<32x1024xf32, #tpu.memory_space<vmem>>, vector<1x16xf32>,
        %swap3A_567 = vector.shape_cast %swap3A_566 : vector<1x16xf32> to vector<16xf32>
        %swap3A_568 = vector.shape_cast %get3A_563 : vector<16xf32> to vector<1x16xf32>
        tpu.vector_store %arg6[%swap3A_564, %swap3A_565], %swap3A_568 {add = true, strides = array<i32>} : memref<32x1024xf32, #tpu.memory_space<vmem>>, vector<1x16xf32>,
        %get3A_569 = arith.index_cast %scan3A_119 : i32 to index
        %get3A_570 = arith.constant 800 : index
        %get3A_571 = tpu.vector_load %arg5[%get3A_569, %get3A_570] {strides = array<i32>} : memref<32x1024xf32, #tpu.memory_space<vmem>>, vector<1x16xf32>,
        %get3A_572 = vector.shape_cast %get3A_571 : vector<1x16xf32> to vector<16xf32>
        %swap3A_573 = arith.index_cast %scan3A_119 : i32 to index
        %swap3A_574 = arith.constant 800 : index
        %swap3A_575 = tpu.vector_load %arg6[%swap3A_573, %swap3A_574] {strides = array<i32>} : memref<32x1024xf32, #tpu.memory_space<vmem>>, vector<1x16xf32>,
        %swap3A_576 = vector.shape_cast %swap3A_575 : vector<1x16xf32> to vector<16xf32>
        %swap3A_577 = vector.shape_cast %get3A_572 : vector<16xf32> to vector<1x16xf32>
        tpu.vector_store %arg6[%swap3A_573, %swap3A_574], %swap3A_577 {add = true, strides = array<i32>} : memref<32x1024xf32, #tpu.memory_space<vmem>>, vector<1x16xf32>,
        %get3A_578 = arith.index_cast %scan3A_119 : i32 to index
        %get3A_579 = arith.constant 816 : index
        %get3A_580 = tpu.vector_load %arg5[%get3A_578, %get3A_579] {strides = array<i32>} : memref<32x1024xf32, #tpu.memory_space<vmem>>, vector<1x16xf32>,
        %get3A_581 = vector.shape_cast %get3A_580 : vector<1x16xf32> to vector<16xf32>
        %swap3A_582 = arith.index_cast %scan3A_119 : i32 to index
        %swap3A_583 = arith.constant 816 : index
        %swap3A_584 = tpu.vector_load %arg6[%swap3A_582, %swap3A_583] {strides = array<i32>} : memref<32x1024xf32, #tpu.memory_space<vmem>>, vector<1x16xf32>,
        %swap3A_585 = vector.shape_cast %swap3A_584 : vector<1x16xf32> to vector<16xf32>
        %swap3A_586 = vector.shape_cast %get3A_581 : vector<16xf32> to vector<1x16xf32>
        tpu.vector_store %arg6[%swap3A_582, %swap3A_583], %swap3A_586 {add = true, strides = array<i32>} : memref<32x1024xf32, #tpu.memory_space<vmem>>, vector<1x16xf32>,
        %get3A_587 = arith.index_cast %scan3A_119 : i32 to index
        %get3A_588 = arith.constant 832 : index
        %get3A_589 = tpu.vector_load %arg5[%get3A_587, %get3A_588] {strides = array<i32>} : memref<32x1024xf32, #tpu.memory_space<vmem>>, vector<1x16xf32>,
        %get3A_590 = vector.shape_cast %get3A_589 : vector<1x16xf32> to vector<16xf32>
        %swap3A_591 = arith.index_cast %scan3A_119 : i32 to index
        %swap3A_592 = arith.constant 832 : index
        %swap3A_593 = tpu.vector_load %arg6[%swap3A_591, %swap3A_592] {strides = array<i32>} : memref<32x1024xf32, #tpu.memory_space<vmem>>, vector<1x16xf32>,
        %swap3A_594 = vector.shape_cast %swap3A_593 : vector<1x16xf32> to vector<16xf32>
        %swap3A_595 = vector.shape_cast %get3A_590 : vector<16xf32> to vector<1x16xf32>
        tpu.vector_store %arg6[%swap3A_591, %swap3A_592], %swap3A_595 {add = true, strides = array<i32>} : memref<32x1024xf32, #tpu.memory_space<vmem>>, vector<1x16xf32>,
        %get3A_596 = arith.index_cast %scan3A_119 : i32 to index
        %get3A_597 = arith.constant 848 : index
        %get3A_598 = tpu.vector_load %arg5[%get3A_596, %get3A_597] {strides = array<i32>} : memref<32x1024xf32, #tpu.memory_space<vmem>>, vector<1x16xf32>,
        %get3A_599 = vector.shape_cast %get3A_598 : vector<1x16xf32> to vector<16xf32>
        %swap3A_600 = arith.index_cast %scan3A_119 : i32 to index
        %swap3A_601 = arith.constant 848 : index
        %swap3A_602 = tpu.vector_load %arg6[%swap3A_600, %swap3A_601] {strides = array<i32>} : memref<32x1024xf32, #tpu.memory_space<vmem>>, vector<1x16xf32>,
        %swap3A_603 = vector.shape_cast %swap3A_602 : vector<1x16xf32> to vector<16xf32>
        %swap3A_604 = vector.shape_cast %get3A_599 : vector<16xf32> to vector<1x16xf32>
        tpu.vector_store %arg6[%swap3A_600, %swap3A_601], %swap3A_604 {add = true, strides = array<i32>} : memref<32x1024xf32, #tpu.memory_space<vmem>>, vector<1x16xf32>,
        %get3A_605 = arith.index_cast %scan3A_119 : i32 to index
        %get3A_606 = arith.constant 864 : index
        %get3A_607 = tpu.vector_load %arg5[%get3A_605, %get3A_606] {strides = array<i32>} : memref<32x1024xf32, #tpu.memory_space<vmem>>, vector<1x16xf32>,
        %get3A_608 = vector.shape_cast %get3A_607 : vector<1x16xf32> to vector<16xf32>
        %swap3A_609 = arith.index_cast %scan3A_119 : i32 to index
        %swap3A_610 = arith.constant 864 : index
        %swap3A_611 = tpu.vector_load %arg6[%swap3A_609, %swap3A_610] {strides = array<i32>} : memref<32x1024xf32, #tpu.memory_space<vmem>>, vector<1x16xf32>,
        %swap3A_612 = vector.shape_cast %swap3A_611 : vector<1x16xf32> to vector<16xf32>
        %swap3A_613 = vector.shape_cast %get3A_608 : vector<16xf32> to vector<1x16xf32>
        tpu.vector_store %arg6[%swap3A_609, %swap3A_610], %swap3A_613 {add = true, strides = array<i32>} : memref<32x1024xf32, #tpu.memory_space<vmem>>, vector<1x16xf32>,
        %get3A_614 = arith.index_cast %scan3A_119 : i32 to index
        %get3A_615 = arith.constant 880 : index
        %get3A_616 = tpu.vector_load %arg5[%get3A_614, %get3A_615] {strides = array<i32>} : memref<32x1024xf32, #tpu.memory_space<vmem>>, vector<1x16xf32>,
        %get3A_617 = vector.shape_cast %get3A_616 : vector<1x16xf32> to vector<16xf32>
        %swap3A_618 = arith.index_cast %scan3A_119 : i32 to index
        %swap3A_619 = arith.constant 880 : index
        %swap3A_620 = tpu.vector_load %arg6[%swap3A_618, %swap3A_619] {strides = array<i32>} : memref<32x1024xf32, #tpu.memory_space<vmem>>, vector<1x16xf32>,
        %swap3A_621 = vector.shape_cast %swap3A_620 : vector<1x16xf32> to vector<16xf32>
        %swap3A_622 = vector.shape_cast %get3A_617 : vector<16xf32> to vector<1x16xf32>
        tpu.vector_store %arg6[%swap3A_618, %swap3A_619], %swap3A_622 {add = true, strides = array<i32>} : memref<32x1024xf32, #tpu.memory_space<vmem>>, vector<1x16xf32>,
        %get3A_623 = arith.index_cast %scan3A_119 : i32 to index
        %get3A_624 = arith.constant 896 : index
        %get3A_625 = tpu.vector_load %arg5[%get3A_623, %get3A_624] {strides = array<i32>} : memref<32x1024xf32, #tpu.memory_space<vmem>>, vector<1x16xf32>,
        %get3A_626 = vector.shape_cast %get3A_625 : vector<1x16xf32> to vector<16xf32>
        %swap3A_627 = arith.index_cast %scan3A_119 : i32 to index
        %swap3A_628 = arith.constant 896 : index
        %swap3A_629 = tpu.vector_load %arg6[%swap3A_627, %swap3A_628] {strides = array<i32>} : memref<32x1024xf32, #tpu.memory_space<vmem>>, vector<1x16xf32>,
        %swap3A_630 = vector.shape_cast %swap3A_629 : vector<1x16xf32> to vector<16xf32>
        %swap3A_631 = vector.shape_cast %get3A_626 : vector<16xf32> to vector<1x16xf32>
        tpu.vector_store %arg6[%swap3A_627, %swap3A_628], %swap3A_631 {add = true, strides = array<i32>} : memref<32x1024xf32, #tpu.memory_space<vmem>>, vector<1x16xf32>,
        %get3A_632 = arith.index_cast %scan3A_119 : i32 to index
        %get3A_633 = arith.constant 912 : index
        %get3A_634 = tpu.vector_load %arg5[%get3A_632, %get3A_633] {strides = array<i32>} : memref<32x1024xf32, #tpu.memory_space<vmem>>, vector<1x16xf32>,
        %get3A_635 = vector.shape_cast %get3A_634 : vector<1x16xf32> to vector<16xf32>
        %swap3A_636 = arith.index_cast %scan3A_119 : i32 to index
        %swap3A_637 = arith.constant 912 : index
        %swap3A_638 = tpu.vector_load %arg6[%swap3A_636, %swap3A_637] {strides = array<i32>} : memref<32x1024xf32, #tpu.memory_space<vmem>>, vector<1x16xf32>,
        %swap3A_639 = vector.shape_cast %swap3A_638 : vector<1x16xf32> to vector<16xf32>
        %swap3A_640 = vector.shape_cast %get3A_635 : vector<16xf32> to vector<1x16xf32>
        tpu.vector_store %arg6[%swap3A_636, %swap3A_637], %swap3A_640 {add = true, strides = array<i32>} : memref<32x1024xf32, #tpu.memory_space<vmem>>, vector<1x16xf32>,
        %get3A_641 = arith.index_cast %scan3A_119 : i32 to index
        %get3A_642 = arith.constant 928 : index
        %get3A_643 = tpu.vector_load %arg5[%get3A_641, %get3A_642] {strides = array<i32>} : memref<32x1024xf32, #tpu.memory_space<vmem>>, vector<1x16xf32>,
        %get3A_644 = vector.shape_cast %get3A_643 : vector<1x16xf32> to vector<16xf32>
        %swap3A_645 = arith.index_cast %scan3A_119 : i32 to index
        %swap3A_646 = arith.constant 928 : index
        %swap3A_647 = tpu.vector_load %arg6[%swap3A_645, %swap3A_646] {strides = array<i32>} : memref<32x1024xf32, #tpu.memory_space<vmem>>, vector<1x16xf32>,
        %swap3A_648 = vector.shape_cast %swap3A_647 : vector<1x16xf32> to vector<16xf32>
        %swap3A_649 = vector.shape_cast %get3A_644 : vector<16xf32> to vector<1x16xf32>
        tpu.vector_store %arg6[%swap3A_645, %swap3A_646], %swap3A_649 {add = true, strides = array<i32>} : memref<32x1024xf32, #tpu.memory_space<vmem>>, vector<1x16xf32>,
        %get3A_650 = arith.index_cast %scan3A_119 : i32 to index
        %get3A_651 = arith.constant 944 : index
        %get3A_652 = tpu.vector_load %arg5[%get3A_650, %get3A_651] {strides = array<i32>} : memref<32x1024xf32, #tpu.memory_space<vmem>>, vector<1x16xf32>,
        %get3A_653 = vector.shape_cast %get3A_652 : vector<1x16xf32> to vector<16xf32>
        %swap3A_654 = arith.index_cast %scan3A_119 : i32 to index
        %swap3A_655 = arith.constant 944 : index
        %swap3A_656 = tpu.vector_load %arg6[%swap3A_654, %swap3A_655] {strides = array<i32>} : memref<32x1024xf32, #tpu.memory_space<vmem>>, vector<1x16xf32>,
        %swap3A_657 = vector.shape_cast %swap3A_656 : vector<1x16xf32> to vector<16xf32>
        %swap3A_658 = vector.shape_cast %get3A_653 : vector<16xf32> to vector<1x16xf32>
        tpu.vector_store %arg6[%swap3A_654, %swap3A_655], %swap3A_658 {add = true, strides = array<i32>} : memref<32x1024xf32, #tpu.memory_space<vmem>>, vector<1x16xf32>,
        %get3A_659 = arith.index_cast %scan3A_119 : i32 to index
        %get3A_660 = arith.constant 960 : index
        %get3A_661 = tpu.vector_load %arg5[%get3A_659, %get3A_660] {strides = array<i32>} : memref<32x1024xf32, #tpu.memory_space<vmem>>, vector<1x16xf32>,
        %get3A_662 = vector.shape_cast %get3A_661 : vector<1x16xf32> to vector<16xf32>
        %swap3A_663 = arith.index_cast %scan3A_119 : i32 to index
        %swap3A_664 = arith.constant 960 : index
        %swap3A_665 = tpu.vector_load %arg6[%swap3A_663, %swap3A_664] {strides = array<i32>} : memref<32x1024xf32, #tpu.memory_space<vmem>>, vector<1x16xf32>,
        %swap3A_666 = vector.shape_cast %swap3A_665 : vector<1x16xf32> to vector<16xf32>
        %swap3A_667 = vector.shape_cast %get3A_662 : vector<16xf32> to vector<1x16xf32>
        tpu.vector_store %arg6[%swap3A_663, %swap3A_664], %swap3A_667 {add = true, strides = array<i32>} : memref<32x1024xf32, #tpu.memory_space<vmem>>, vector<1x16xf32>,
        %get3A_668 = arith.index_cast %scan3A_119 : i32 to index
        %get3A_669 = arith.constant 976 : index
        %get3A_670 = tpu.vector_load %arg5[%get3A_668, %get3A_669] {strides = array<i32>} : memref<32x1024xf32, #tpu.memory_space<vmem>>, vector<1x16xf32>,
        %get3A_671 = vector.shape_cast %get3A_670 : vector<1x16xf32> to vector<16xf32>
        %swap3A_672 = arith.index_cast %scan3A_119 : i32 to index
        %swap3A_673 = arith.constant 976 : index
        %swap3A_674 = tpu.vector_load %arg6[%swap3A_672, %swap3A_673] {strides = array<i32>} : memref<32x1024xf32, #tpu.memory_space<vmem>>, vector<1x16xf32>,
        %swap3A_675 = vector.shape_cast %swap3A_674 : vector<1x16xf32> to vector<16xf32>
        %swap3A_676 = vector.shape_cast %get3A_671 : vector<16xf32> to vector<1x16xf32>
        tpu.vector_store %arg6[%swap3A_672, %swap3A_673], %swap3A_676 {add = true, strides = array<i32>} : memref<32x1024xf32, #tpu.memory_space<vmem>>, vector<1x16xf32>,
        %get3A_677 = arith.index_cast %scan3A_119 : i32 to index
        %get3A_678 = arith.constant 992 : index
        %get3A_679 = tpu.vector_load %arg5[%get3A_677, %get3A_678] {strides = array<i32>} : memref<32x1024xf32, #tpu.memory_space<vmem>>, vector<1x16xf32>,
        %get3A_680 = vector.shape_cast %get3A_679 : vector<1x16xf32> to vector<16xf32>
        %swap3A_681 = arith.index_cast %scan3A_119 : i32 to index
        %swap3A_682 = arith.constant 992 : index
        %swap3A_683 = tpu.vector_load %arg6[%swap3A_681, %swap3A_682] {strides = array<i32>} : memref<32x1024xf32, #tpu.memory_space<vmem>>, vector<1x16xf32>,
        %swap3A_684 = vector.shape_cast %swap3A_683 : vector<1x16xf32> to vector<16xf32>
        %swap3A_685 = vector.shape_cast %get3A_680 : vector<16xf32> to vector<1x16xf32>
        tpu.vector_store %arg6[%swap3A_681, %swap3A_682], %swap3A_685 {add = true, strides = array<i32>} : memref<32x1024xf32, #tpu.memory_space<vmem>>, vector<1x16xf32>,
        %get3A_686 = arith.index_cast %scan3A_119 : i32 to index
        %get3A_687 = arith.constant 1008 : index
        %get3A_688 = tpu.vector_load %arg5[%get3A_686, %get3A_687] {strides = array<i32>} : memref<32x1024xf32, #tpu.memory_space<vmem>>, vector<1x16xf32>,
        %get3A_689 = vector.shape_cast %get3A_688 : vector<1x16xf32> to vector<16xf32>
        %swap3A_690 = arith.index_cast %scan3A_119 : i32 to index
        %swap3A_691 = arith.constant 1008 : index
        %swap3A_692 = tpu.vector_load %arg6[%swap3A_690, %swap3A_691] {strides = array<i32>} : memref<32x1024xf32, #tpu.memory_space<vmem>>, vector<1x16xf32>,
        %swap3A_693 = vector.shape_cast %swap3A_692 : vector<1x16xf32> to vector<16xf32>
        %swap3A_694 = vector.shape_cast %get3A_689 : vector<16xf32> to vector<1x16xf32>
        tpu.vector_store %arg6[%swap3A_690, %swap3A_691], %swap3A_694 {add = true, strides = array<i32>} : memref<32x1024xf32, #tpu.memory_space<vmem>>, vector<1x16xf32>,
        %scan3A_695 = arith.constant 0 : i32
        scf.yield %scan3A_695 : i32
      }
      %scan3A_32 = arith.constant 32 : i32
      %add3A_33 = arith.constant 0 : i32
      %add3A_34 = arith.addi %add3A_33, %add3A_13 : i32
      %dma_start3A_35 = arith.constant 0 : i32
      %dma_start3A_36 = tpu.memref_slice %arg4[%add3A_34, %dma_start3A_35] : memref<32768x1024xf32, #tpu.memory_space<hbm>> -> memref<32x1024xf32, #tpu.memory_space<hbm>>
      %dma_start3A_37 = arith.constant 0 : i32
      %dma_start3A_38 = tpu.memref_slice %arg4[%add3A_34, %dma_start3A_37] : memref<32768x1024xf32, #tpu.memory_space<hbm>> -> memref<32x1024xf32, #tpu.memory_space<hbm>>
      tpu.enqueue_dma source(%arg6 : memref<32x1024xf32, #tpu.memory_space<vmem>>) target(%dma_start3A_38 : memref<32x1024xf32, #tpu.memory_space<hbm>>) target_semaphore(%arg10 : memref<!tpu.dma_semaphore, #tpu.memory_space<semaphore_mem>>)
      %dma_wait3A_39 = arith.constant 0 : i32
      %dma_wait3A_40 = tpu.memref_slice %arg4[%add3A_34, %dma_wait3A_39] : memref<32768x1024xf32, #tpu.memory_space<hbm>> -> memref<32x1024xf32, #tpu.memory_space<hbm>>
      %dma_wait3A_41 = arith.constant 0 : i32
      %dma_wait3A_42 = tpu.memref_slice %arg4[%add3A_34, %dma_wait3A_41] : memref<32768x1024xf32, #tpu.memory_space<hbm>> -> memref<32x1024xf32, #tpu.memory_space<hbm>>
      tpu.wait_dma2 semaphore(%arg10 : memref<!tpu.dma_semaphore, #tpu.memory_space<semaphore_mem>>) src(%arg6 : memref<32x1024xf32, #tpu.memory_space<vmem>>) dst(%dma_wait3A_42 : memref<32x1024xf32, #tpu.memory_space<hbm>>)
      %add3A_43 = arith.constant 16384 : i32
      %add3A_44 = arith.addi %add3A_43, %add3A_13 : i32
      %dma_start3A_45 = arith.constant 0 : i32
      %dma_start3A_46 = tpu.memref_slice %arg2[%add3A_44, %dma_start3A_45] : memref<32768x1024xf32, #tpu.memory_space<hbm>> -> memref<32x1024xf32, #tpu.memory_space<hbm>>
      %dma_start3A_47 = arith.constant 0 : i32
      %dma_start3A_48 = tpu.memref_slice %arg2[%add3A_44, %dma_start3A_47] : memref<32768x1024xf32, #tpu.memory_space<hbm>> -> memref<32x1024xf32, #tpu.memory_space<hbm>>
      tpu.enqueue_dma source(%dma_start3A_48 : memref<32x1024xf32, #tpu.memory_space<hbm>>) target(%arg6 : memref<32x1024xf32, #tpu.memory_space<vmem>>) target_semaphore(%arg8 : memref<!tpu.dma_semaphore, #tpu.memory_space<semaphore_mem>>)
      %dma_wait3A_49 = arith.constant 0 : i32
      %dma_wait3A_50 = tpu.memref_slice %arg2[%add3A_18, %dma_wait3A_49] : memref<32768x1024xf32, #tpu.memory_space<hbm>> -> memref<32x1024xf32, #tpu.memory_space<hbm>>
      %dma_wait3A_51 = arith.constant 0 : i32
      %dma_wait3A_52 = tpu.memref_slice %arg2[%add3A_18, %dma_wait3A_51] : memref<32768x1024xf32, #tpu.memory_space<hbm>> -> memref<32x1024xf32, #tpu.memory_space<hbm>>
      tpu.wait_dma2 semaphore(%arg9 : memref<!tpu.dma_semaphore, #tpu.memory_space<semaphore_mem>>) src(%dma_wait3A_52 : memref<32x1024xf32, #tpu.memory_space<hbm>>) dst(%arg7 : memref<32x1024xf32, #tpu.memory_space<vmem>>)
      %scan3A_53 = arith.constant 0 : i32
      %scan3A_54 = arith.constant 0 : i32
      %scan3A_55 = arith.constant 32 : i32
      %scan3A_56 = arith.addi %scan3A_54, %scan3A_55 : i32
      %scan3A_57 = arith.constant 1 : i32
      %scan3A_58 = scf.for %scan3A_119 = %scan3A_54 to %scan3A_56 step %scan3A_57 iter_args(%scan3A_120 = %scan3A_53) -> (i32)  : i32 {
        %get3A = arith.index_cast %scan3A_119 : i32 to index
        %get3A_121 = arith.constant 0 : index
        %get3A_122 = tpu.vector_load %arg5[%get3A, %get3A_121] {strides = array<i32>} : memref<32x1024xf32, #tpu.memory_space<vmem>>, vector<1x16xf32>,
        %get3A_123 = vector.shape_cast %get3A_122 : vector<1x16xf32> to vector<16xf32>
        %swap3A = arith.index_cast %scan3A_119 : i32 to index
        %swap3A_124 = arith.constant 0 : index
        %swap3A_125 = tpu.vector_load %arg7[%swap3A, %swap3A_124] {strides = array<i32>} : memref<32x1024xf32, #tpu.memory_space<vmem>>, vector<1x16xf32>,
        %swap3A_126 = vector.shape_cast %swap3A_125 : vector<1x16xf32> to vector<16xf32>
        %swap3A_127 = vector.shape_cast %get3A_123 : vector<16xf32> to vector<1x16xf32>
        tpu.vector_store %arg7[%swap3A, %swap3A_124], %swap3A_127 {add = true, strides = array<i32>} : memref<32x1024xf32, #tpu.memory_space<vmem>>, vector<1x16xf32>,
        %get3A_128 = arith.index_cast %scan3A_119 : i32 to index
        %get3A_129 = arith.constant 16 : index
        %get3A_130 = tpu.vector_load %arg5[%get3A_128, %get3A_129] {strides = array<i32>} : memref<32x1024xf32, #tpu.memory_space<vmem>>, vector<1x16xf32>,
        %get3A_131 = vector.shape_cast %get3A_130 : vector<1x16xf32> to vector<16xf32>
        %swap3A_132 = arith.index_cast %scan3A_119 : i32 to index
        %swap3A_133 = arith.constant 16 : index
        %swap3A_134 = tpu.vector_load %arg7[%swap3A_132, %swap3A_133] {strides = array<i32>} : memref<32x1024xf32, #tpu.memory_space<vmem>>, vector<1x16xf32>,
        %swap3A_135 = vector.shape_cast %swap3A_134 : vector<1x16xf32> to vector<16xf32>
        %swap3A_136 = vector.shape_cast %get3A_131 : vector<16xf32> to vector<1x16xf32>
        tpu.vector_store %arg7[%swap3A_132, %swap3A_133], %swap3A_136 {add = true, strides = array<i32>} : memref<32x1024xf32, #tpu.memory_space<vmem>>, vector<1x16xf32>,
        %get3A_137 = arith.index_cast %scan3A_119 : i32 to index
        %get3A_138 = arith.constant 32 : index
        %get3A_139 = tpu.vector_load %arg5[%get3A_137, %get3A_138] {strides = array<i32>} : memref<32x1024xf32, #tpu.memory_space<vmem>>, vector<1x16xf32>,
        %get3A_140 = vector.shape_cast %get3A_139 : vector<1x16xf32> to vector<16xf32>
        %swap3A_141 = arith.index_cast %scan3A_119 : i32 to index
        %swap3A_142 = arith.constant 32 : index
        %swap3A_143 = tpu.vector_load %arg7[%swap3A_141, %swap3A_142] {strides = array<i32>} : memref<32x1024xf32, #tpu.memory_space<vmem>>, vector<1x16xf32>,
        %swap3A_144 = vector.shape_cast %swap3A_143 : vector<1x16xf32> to vector<16xf32>
        %swap3A_145 = vector.shape_cast %get3A_140 : vector<16xf32> to vector<1x16xf32>
        tpu.vector_store %arg7[%swap3A_141, %swap3A_142], %swap3A_145 {add = true, strides = array<i32>} : memref<32x1024xf32, #tpu.memory_space<vmem>>, vector<1x16xf32>,
        %get3A_146 = arith.index_cast %scan3A_119 : i32 to index
        %get3A_147 = arith.constant 48 : index
        %get3A_148 = tpu.vector_load %arg5[%get3A_146, %get3A_147] {strides = array<i32>} : memref<32x1024xf32, #tpu.memory_space<vmem>>, vector<1x16xf32>,
        %get3A_149 = vector.shape_cast %get3A_148 : vector<1x16xf32> to vector<16xf32>
        %swap3A_150 = arith.index_cast %scan3A_119 : i32 to index
        %swap3A_151 = arith.constant 48 : index
        %swap3A_152 = tpu.vector_load %arg7[%swap3A_150, %swap3A_151] {strides = array<i32>} : memref<32x1024xf32, #tpu.memory_space<vmem>>, vector<1x16xf32>,
        %swap3A_153 = vector.shape_cast %swap3A_152 : vector<1x16xf32> to vector<16xf32>
        %swap3A_154 = vector.shape_cast %get3A_149 : vector<16xf32> to vector<1x16xf32>
        tpu.vector_store %arg7[%swap3A_150, %swap3A_151], %swap3A_154 {add = true, strides = array<i32>} : memref<32x1024xf32, #tpu.memory_space<vmem>>, vector<1x16xf32>,
        %get3A_155 = arith.index_cast %scan3A_119 : i32 to index
        %get3A_156 = arith.constant 64 : index
        %get3A_157 = tpu.vector_load %arg5[%get3A_155, %get3A_156] {strides = array<i32>} : memref<32x1024xf32, #tpu.memory_space<vmem>>, vector<1x16xf32>,
        %get3A_158 = vector.shape_cast %get3A_157 : vector<1x16xf32> to vector<16xf32>
        %swap3A_159 = arith.index_cast %scan3A_119 : i32 to index
        %swap3A_160 = arith.constant 64 : index
        %swap3A_161 = tpu.vector_load %arg7[%swap3A_159, %swap3A_160] {strides = array<i32>} : memref<32x1024xf32, #tpu.memory_space<vmem>>, vector<1x16xf32>,
        %swap3A_162 = vector.shape_cast %swap3A_161 : vector<1x16xf32> to vector<16xf32>
        %swap3A_163 = vector.shape_cast %get3A_158 : vector<16xf32> to vector<1x16xf32>
        tpu.vector_store %arg7[%swap3A_159, %swap3A_160], %swap3A_163 {add = true, strides = array<i32>} : memref<32x1024xf32, #tpu.memory_space<vmem>>, vector<1x16xf32>,
        %get3A_164 = arith.index_cast %scan3A_119 : i32 to index
        %get3A_165 = arith.constant 80 : index
        %get3A_166 = tpu.vector_load %arg5[%get3A_164, %get3A_165] {strides = array<i32>} : memref<32x1024xf32, #tpu.memory_space<vmem>>, vector<1x16xf32>,
        %get3A_167 = vector.shape_cast %get3A_166 : vector<1x16xf32> to vector<16xf32>
        %swap3A_168 = arith.index_cast %scan3A_119 : i32 to index
        %swap3A_169 = arith.constant 80 : index
        %swap3A_170 = tpu.vector_load %arg7[%swap3A_168, %swap3A_169] {strides = array<i32>} : memref<32x1024xf32, #tpu.memory_space<vmem>>, vector<1x16xf32>,
        %swap3A_171 = vector.shape_cast %swap3A_170 : vector<1x16xf32> to vector<16xf32>
        %swap3A_172 = vector.shape_cast %get3A_167 : vector<16xf32> to vector<1x16xf32>
        tpu.vector_store %arg7[%swap3A_168, %swap3A_169], %swap3A_172 {add = true, strides = array<i32>} : memref<32x1024xf32, #tpu.memory_space<vmem>>, vector<1x16xf32>,
        %get3A_173 = arith.index_cast %scan3A_119 : i32 to index
        %get3A_174 = arith.constant 96 : index
        %get3A_175 = tpu.vector_load %arg5[%get3A_173, %get3A_174] {strides = array<i32>} : memref<32x1024xf32, #tpu.memory_space<vmem>>, vector<1x16xf32>,
        %get3A_176 = vector.shape_cast %get3A_175 : vector<1x16xf32> to vector<16xf32>
        %swap3A_177 = arith.index_cast %scan3A_119 : i32 to index
        %swap3A_178 = arith.constant 96 : index
        %swap3A_179 = tpu.vector_load %arg7[%swap3A_177, %swap3A_178] {strides = array<i32>} : memref<32x1024xf32, #tpu.memory_space<vmem>>, vector<1x16xf32>,
        %swap3A_180 = vector.shape_cast %swap3A_179 : vector<1x16xf32> to vector<16xf32>
        %swap3A_181 = vector.shape_cast %get3A_176 : vector<16xf32> to vector<1x16xf32>
        tpu.vector_store %arg7[%swap3A_177, %swap3A_178], %swap3A_181 {add = true, strides = array<i32>} : memref<32x1024xf32, #tpu.memory_space<vmem>>, vector<1x16xf32>,
        %get3A_182 = arith.index_cast %scan3A_119 : i32 to index
        %get3A_183 = arith.constant 112 : index
        %get3A_184 = tpu.vector_load %arg5[%get3A_182, %get3A_183] {strides = array<i32>} : memref<32x1024xf32, #tpu.memory_space<vmem>>, vector<1x16xf32>,
        %get3A_185 = vector.shape_cast %get3A_184 : vector<1x16xf32> to vector<16xf32>
        %swap3A_186 = arith.index_cast %scan3A_119 : i32 to index
        %swap3A_187 = arith.constant 112 : index
        %swap3A_188 = tpu.vector_load %arg7[%swap3A_186, %swap3A_187] {strides = array<i32>} : memref<32x1024xf32, #tpu.memory_space<vmem>>, vector<1x16xf32>,
        %swap3A_189 = vector.shape_cast %swap3A_188 : vector<1x16xf32> to vector<16xf32>
        %swap3A_190 = vector.shape_cast %get3A_185 : vector<16xf32> to vector<1x16xf32>
        tpu.vector_store %arg7[%swap3A_186, %swap3A_187], %swap3A_190 {add = true, strides = array<i32>} : memref<32x1024xf32, #tpu.memory_space<vmem>>, vector<1x16xf32>,
        %get3A_191 = arith.index_cast %scan3A_119 : i32 to index
        %get3A_192 = arith.constant 128 : index
        %get3A_193 = tpu.vector_load %arg5[%get3A_191, %get3A_192] {strides = array<i32>} : memref<32x1024xf32, #tpu.memory_space<vmem>>, vector<1x16xf32>,
        %get3A_194 = vector.shape_cast %get3A_193 : vector<1x16xf32> to vector<16xf32>
        %swap3A_195 = arith.index_cast %scan3A_119 : i32 to index
        %swap3A_196 = arith.constant 128 : index
        %swap3A_197 = tpu.vector_load %arg7[%swap3A_195, %swap3A_196] {strides = array<i32>} : memref<32x1024xf32, #tpu.memory_space<vmem>>, vector<1x16xf32>,
        %swap3A_198 = vector.shape_cast %swap3A_197 : vector<1x16xf32> to vector<16xf32>
        %swap3A_199 = vector.shape_cast %get3A_194 : vector<16xf32> to vector<1x16xf32>
        tpu.vector_store %arg7[%swap3A_195, %swap3A_196], %swap3A_199 {add = true, strides = array<i32>} : memref<32x1024xf32, #tpu.memory_space<vmem>>, vector<1x16xf32>,
        %get3A_200 = arith.index_cast %scan3A_119 : i32 to index
        %get3A_201 = arith.constant 144 : index
        %get3A_202 = tpu.vector_load %arg5[%get3A_200, %get3A_201] {strides = array<i32>} : memref<32x1024xf32, #tpu.memory_space<vmem>>, vector<1x16xf32>,
        %get3A_203 = vector.shape_cast %get3A_202 : vector<1x16xf32> to vector<16xf32>
        %swap3A_204 = arith.index_cast %scan3A_119 : i32 to index
        %swap3A_205 = arith.constant 144 : index
        %swap3A_206 = tpu.vector_load %arg7[%swap3A_204, %swap3A_205] {strides = array<i32>} : memref<32x1024xf32, #tpu.memory_space<vmem>>, vector<1x16xf32>,
        %swap3A_207 = vector.shape_cast %swap3A_206 : vector<1x16xf32> to vector<16xf32>
        %swap3A_208 = vector.shape_cast %get3A_203 : vector<16xf32> to vector<1x16xf32>
        tpu.vector_store %arg7[%swap3A_204, %swap3A_205], %swap3A_208 {add = true, strides = array<i32>} : memref<32x1024xf32, #tpu.memory_space<vmem>>, vector<1x16xf32>,
        %get3A_209 = arith.index_cast %scan3A_119 : i32 to index
        %get3A_210 = arith.constant 160 : index
        %get3A_211 = tpu.vector_load %arg5[%get3A_209, %get3A_210] {strides = array<i32>} : memref<32x1024xf32, #tpu.memory_space<vmem>>, vector<1x16xf32>,
        %get3A_212 = vector.shape_cast %get3A_211 : vector<1x16xf32> to vector<16xf32>
        %swap3A_213 = arith.index_cast %scan3A_119 : i32 to index
        %swap3A_214 = arith.constant 160 : index
        %swap3A_215 = tpu.vector_load %arg7[%swap3A_213, %swap3A_214] {strides = array<i32>} : memref<32x1024xf32, #tpu.memory_space<vmem>>, vector<1x16xf32>,
        %swap3A_216 = vector.shape_cast %swap3A_215 : vector<1x16xf32> to vector<16xf32>
        %swap3A_217 = vector.shape_cast %get3A_212 : vector<16xf32> to vector<1x16xf32>
        tpu.vector_store %arg7[%swap3A_213, %swap3A_214], %swap3A_217 {add = true, strides = array<i32>} : memref<32x1024xf32, #tpu.memory_space<vmem>>, vector<1x16xf32>,
        %get3A_218 = arith.index_cast %scan3A_119 : i32 to index
        %get3A_219 = arith.constant 176 : index
        %get3A_220 = tpu.vector_load %arg5[%get3A_218, %get3A_219] {strides = array<i32>} : memref<32x1024xf32, #tpu.memory_space<vmem>>, vector<1x16xf32>,
        %get3A_221 = vector.shape_cast %get3A_220 : vector<1x16xf32> to vector<16xf32>
        %swap3A_222 = arith.index_cast %scan3A_119 : i32 to index
        %swap3A_223 = arith.constant 176 : index
        %swap3A_224 = tpu.vector_load %arg7[%swap3A_222, %swap3A_223] {strides = array<i32>} : memref<32x1024xf32, #tpu.memory_space<vmem>>, vector<1x16xf32>,
        %swap3A_225 = vector.shape_cast %swap3A_224 : vector<1x16xf32> to vector<16xf32>
        %swap3A_226 = vector.shape_cast %get3A_221 : vector<16xf32> to vector<1x16xf32>
        tpu.vector_store %arg7[%swap3A_222, %swap3A_223], %swap3A_226 {add = true, strides = array<i32>} : memref<32x1024xf32, #tpu.memory_space<vmem>>, vector<1x16xf32>,
        %get3A_227 = arith.index_cast %scan3A_119 : i32 to index
        %get3A_228 = arith.constant 192 : index
        %get3A_229 = tpu.vector_load %arg5[%get3A_227, %get3A_228] {strides = array<i32>} : memref<32x1024xf32, #tpu.memory_space<vmem>>, vector<1x16xf32>,
        %get3A_230 = vector.shape_cast %get3A_229 : vector<1x16xf32> to vector<16xf32>
        %swap3A_231 = arith.index_cast %scan3A_119 : i32 to index
        %swap3A_232 = arith.constant 192 : index
        %swap3A_233 = tpu.vector_load %arg7[%swap3A_231, %swap3A_232] {strides = array<i32>} : memref<32x1024xf32, #tpu.memory_space<vmem>>, vector<1x16xf32>,
        %swap3A_234 = vector.shape_cast %swap3A_233 : vector<1x16xf32> to vector<16xf32>
        %swap3A_235 = vector.shape_cast %get3A_230 : vector<16xf32> to vector<1x16xf32>
        tpu.vector_store %arg7[%swap3A_231, %swap3A_232], %swap3A_235 {add = true, strides = array<i32>} : memref<32x1024xf32, #tpu.memory_space<vmem>>, vector<1x16xf32>,
        %get3A_236 = arith.index_cast %scan3A_119 : i32 to index
        %get3A_237 = arith.constant 208 : index
        %get3A_238 = tpu.vector_load %arg5[%get3A_236, %get3A_237] {strides = array<i32>} : memref<32x1024xf32, #tpu.memory_space<vmem>>, vector<1x16xf32>,
        %get3A_239 = vector.shape_cast %get3A_238 : vector<1x16xf32> to vector<16xf32>
        %swap3A_240 = arith.index_cast %scan3A_119 : i32 to index
        %swap3A_241 = arith.constant 208 : index
        %swap3A_242 = tpu.vector_load %arg7[%swap3A_240, %swap3A_241] {strides = array<i32>} : memref<32x1024xf32, #tpu.memory_space<vmem>>, vector<1x16xf32>,
        %swap3A_243 = vector.shape_cast %swap3A_242 : vector<1x16xf32> to vector<16xf32>
        %swap3A_244 = vector.shape_cast %get3A_239 : vector<16xf32> to vector<1x16xf32>
        tpu.vector_store %arg7[%swap3A_240, %swap3A_241], %swap3A_244 {add = true, strides = array<i32>} : memref<32x1024xf32, #tpu.memory_space<vmem>>, vector<1x16xf32>,
        %get3A_245 = arith.index_cast %scan3A_119 : i32 to index
        %get3A_246 = arith.constant 224 : index
        %get3A_247 = tpu.vector_load %arg5[%get3A_245, %get3A_246] {strides = array<i32>} : memref<32x1024xf32, #tpu.memory_space<vmem>>, vector<1x16xf32>,
        %get3A_248 = vector.shape_cast %get3A_247 : vector<1x16xf32> to vector<16xf32>
        %swap3A_249 = arith.index_cast %scan3A_119 : i32 to index
        %swap3A_250 = arith.constant 224 : index
        %swap3A_251 = tpu.vector_load %arg7[%swap3A_249, %swap3A_250] {strides = array<i32>} : memref<32x1024xf32, #tpu.memory_space<vmem>>, vector<1x16xf32>,
        %swap3A_252 = vector.shape_cast %swap3A_251 : vector<1x16xf32> to vector<16xf32>
        %swap3A_253 = vector.shape_cast %get3A_248 : vector<16xf32> to vector<1x16xf32>
        tpu.vector_store %arg7[%swap3A_249, %swap3A_250], %swap3A_253 {add = true, strides = array<i32>} : memref<32x1024xf32, #tpu.memory_space<vmem>>, vector<1x16xf32>,
        %get3A_254 = arith.index_cast %scan3A_119 : i32 to index
        %get3A_255 = arith.constant 240 : index
        %get3A_256 = tpu.vector_load %arg5[%get3A_254, %get3A_255] {strides = array<i32>} : memref<32x1024xf32, #tpu.memory_space<vmem>>, vector<1x16xf32>,
        %get3A_257 = vector.shape_cast %get3A_256 : vector<1x16xf32> to vector<16xf32>
        %swap3A_258 = arith.index_cast %scan3A_119 : i32 to index
        %swap3A_259 = arith.constant 240 : index
        %swap3A_260 = tpu.vector_load %arg7[%swap3A_258, %swap3A_259] {strides = array<i32>} : memref<32x1024xf32, #tpu.memory_space<vmem>>, vector<1x16xf32>,
        %swap3A_261 = vector.shape_cast %swap3A_260 : vector<1x16xf32> to vector<16xf32>
        %swap3A_262 = vector.shape_cast %get3A_257 : vector<16xf32> to vector<1x16xf32>
        tpu.vector_store %arg7[%swap3A_258, %swap3A_259], %swap3A_262 {add = true, strides = array<i32>} : memref<32x1024xf32, #tpu.memory_space<vmem>>, vector<1x16xf32>,
        %get3A_263 = arith.index_cast %scan3A_119 : i32 to index
        %get3A_264 = arith.constant 256 : index
        %get3A_265 = tpu.vector_load %arg5[%get3A_263, %get3A_264] {strides = array<i32>} : memref<32x1024xf32, #tpu.memory_space<vmem>>, vector<1x16xf32>,
        %get3A_266 = vector.shape_cast %get3A_265 : vector<1x16xf32> to vector<16xf32>
        %swap3A_267 = arith.index_cast %scan3A_119 : i32 to index
        %swap3A_268 = arith.constant 256 : index
        %swap3A_269 = tpu.vector_load %arg7[%swap3A_267, %swap3A_268] {strides = array<i32>} : memref<32x1024xf32, #tpu.memory_space<vmem>>, vector<1x16xf32>,
        %swap3A_270 = vector.shape_cast %swap3A_269 : vector<1x16xf32> to vector<16xf32>
        %swap3A_271 = vector.shape_cast %get3A_266 : vector<16xf32> to vector<1x16xf32>
        tpu.vector_store %arg7[%swap3A_267, %swap3A_268], %swap3A_271 {add = true, strides = array<i32>} : memref<32x1024xf32, #tpu.memory_space<vmem>>, vector<1x16xf32>,
        %get3A_272 = arith.index_cast %scan3A_119 : i32 to index
        %get3A_273 = arith.constant 272 : index
        %get3A_274 = tpu.vector_load %arg5[%get3A_272, %get3A_273] {strides = array<i32>} : memref<32x1024xf32, #tpu.memory_space<vmem>>, vector<1x16xf32>,
        %get3A_275 = vector.shape_cast %get3A_274 : vector<1x16xf32> to vector<16xf32>
        %swap3A_276 = arith.index_cast %scan3A_119 : i32 to index
        %swap3A_277 = arith.constant 272 : index
        %swap3A_278 = tpu.vector_load %arg7[%swap3A_276, %swap3A_277] {strides = array<i32>} : memref<32x1024xf32, #tpu.memory_space<vmem>>, vector<1x16xf32>,
        %swap3A_279 = vector.shape_cast %swap3A_278 : vector<1x16xf32> to vector<16xf32>
        %swap3A_280 = vector.shape_cast %get3A_275 : vector<16xf32> to vector<1x16xf32>
        tpu.vector_store %arg7[%swap3A_276, %swap3A_277], %swap3A_280 {add = true, strides = array<i32>} : memref<32x1024xf32, #tpu.memory_space<vmem>>, vector<1x16xf32>,
        %get3A_281 = arith.index_cast %scan3A_119 : i32 to index
        %get3A_282 = arith.constant 288 : index
        %get3A_283 = tpu.vector_load %arg5[%get3A_281, %get3A_282] {strides = array<i32>} : memref<32x1024xf32, #tpu.memory_space<vmem>>, vector<1x16xf32>,
        %get3A_284 = vector.shape_cast %get3A_283 : vector<1x16xf32> to vector<16xf32>
        %swap3A_285 = arith.index_cast %scan3A_119 : i32 to index
        %swap3A_286 = arith.constant 288 : index
        %swap3A_287 = tpu.vector_load %arg7[%swap3A_285, %swap3A_286] {strides = array<i32>} : memref<32x1024xf32, #tpu.memory_space<vmem>>, vector<1x16xf32>,
        %swap3A_288 = vector.shape_cast %swap3A_287 : vector<1x16xf32> to vector<16xf32>
        %swap3A_289 = vector.shape_cast %get3A_284 : vector<16xf32> to vector<1x16xf32>
        tpu.vector_store %arg7[%swap3A_285, %swap3A_286], %swap3A_289 {add = true, strides = array<i32>} : memref<32x1024xf32, #tpu.memory_space<vmem>>, vector<1x16xf32>,
        %get3A_290 = arith.index_cast %scan3A_119 : i32 to index
        %get3A_291 = arith.constant 304 : index
        %get3A_292 = tpu.vector_load %arg5[%get3A_290, %get3A_291] {strides = array<i32>} : memref<32x1024xf32, #tpu.memory_space<vmem>>, vector<1x16xf32>,
        %get3A_293 = vector.shape_cast %get3A_292 : vector<1x16xf32> to vector<16xf32>
        %swap3A_294 = arith.index_cast %scan3A_119 : i32 to index
        %swap3A_295 = arith.constant 304 : index
        %swap3A_296 = tpu.vector_load %arg7[%swap3A_294, %swap3A_295] {strides = array<i32>} : memref<32x1024xf32, #tpu.memory_space<vmem>>, vector<1x16xf32>,
        %swap3A_297 = vector.shape_cast %swap3A_296 : vector<1x16xf32> to vector<16xf32>
        %swap3A_298 = vector.shape_cast %get3A_293 : vector<16xf32> to vector<1x16xf32>
        tpu.vector_store %arg7[%swap3A_294, %swap3A_295], %swap3A_298 {add = true, strides = array<i32>} : memref<32x1024xf32, #tpu.memory_space<vmem>>, vector<1x16xf32>,
        %get3A_299 = arith.index_cast %scan3A_119 : i32 to index
        %get3A_300 = arith.constant 320 : index
        %get3A_301 = tpu.vector_load %arg5[%get3A_299, %get3A_300] {strides = array<i32>} : memref<32x1024xf32, #tpu.memory_space<vmem>>, vector<1x16xf32>,
        %get3A_302 = vector.shape_cast %get3A_301 : vector<1x16xf32> to vector<16xf32>
        %swap3A_303 = arith.index_cast %scan3A_119 : i32 to index
        %swap3A_304 = arith.constant 320 : index
        %swap3A_305 = tpu.vector_load %arg7[%swap3A_303, %swap3A_304] {strides = array<i32>} : memref<32x1024xf32, #tpu.memory_space<vmem>>, vector<1x16xf32>,
        %swap3A_306 = vector.shape_cast %swap3A_305 : vector<1x16xf32> to vector<16xf32>
        %swap3A_307 = vector.shape_cast %get3A_302 : vector<16xf32> to vector<1x16xf32>
        tpu.vector_store %arg7[%swap3A_303, %swap3A_304], %swap3A_307 {add = true, strides = array<i32>} : memref<32x1024xf32, #tpu.memory_space<vmem>>, vector<1x16xf32>,
        %get3A_308 = arith.index_cast %scan3A_119 : i32 to index
        %get3A_309 = arith.constant 336 : index
        %get3A_310 = tpu.vector_load %arg5[%get3A_308, %get3A_309] {strides = array<i32>} : memref<32x1024xf32, #tpu.memory_space<vmem>>, vector<1x16xf32>,
        %get3A_311 = vector.shape_cast %get3A_310 : vector<1x16xf32> to vector<16xf32>
        %swap3A_312 = arith.index_cast %scan3A_119 : i32 to index
        %swap3A_313 = arith.constant 336 : index
        %swap3A_314 = tpu.vector_load %arg7[%swap3A_312, %swap3A_313] {strides = array<i32>} : memref<32x1024xf32, #tpu.memory_space<vmem>>, vector<1x16xf32>,
        %swap3A_315 = vector.shape_cast %swap3A_314 : vector<1x16xf32> to vector<16xf32>
        %swap3A_316 = vector.shape_cast %get3A_311 : vector<16xf32> to vector<1x16xf32>
        tpu.vector_store %arg7[%swap3A_312, %swap3A_313], %swap3A_316 {add = true, strides = array<i32>} : memref<32x1024xf32, #tpu.memory_space<vmem>>, vector<1x16xf32>,
        %get3A_317 = arith.index_cast %scan3A_119 : i32 to index
        %get3A_318 = arith.constant 352 : index
        %get3A_319 = tpu.vector_load %arg5[%get3A_317, %get3A_318] {strides = array<i32>} : memref<32x1024xf32, #tpu.memory_space<vmem>>, vector<1x16xf32>,
        %get3A_320 = vector.shape_cast %get3A_319 : vector<1x16xf32> to vector<16xf32>
        %swap3A_321 = arith.index_cast %scan3A_119 : i32 to index
        %swap3A_322 = arith.constant 352 : index
        %swap3A_323 = tpu.vector_load %arg7[%swap3A_321, %swap3A_322] {strides = array<i32>} : memref<32x1024xf32, #tpu.memory_space<vmem>>, vector<1x16xf32>,
        %swap3A_324 = vector.shape_cast %swap3A_323 : vector<1x16xf32> to vector<16xf32>
        %swap3A_325 = vector.shape_cast %get3A_320 : vector<16xf32> to vector<1x16xf32>
        tpu.vector_store %arg7[%swap3A_321, %swap3A_322], %swap3A_325 {add = true, strides = array<i32>} : memref<32x1024xf32, #tpu.memory_space<vmem>>, vector<1x16xf32>,
        %get3A_326 = arith.index_cast %scan3A_119 : i32 to index
        %get3A_327 = arith.constant 368 : index
        %get3A_328 = tpu.vector_load %arg5[%get3A_326, %get3A_327] {strides = array<i32>} : memref<32x1024xf32, #tpu.memory_space<vmem>>, vector<1x16xf32>,
        %get3A_329 = vector.shape_cast %get3A_328 : vector<1x16xf32> to vector<16xf32>
        %swap3A_330 = arith.index_cast %scan3A_119 : i32 to index
        %swap3A_331 = arith.constant 368 : index
        %swap3A_332 = tpu.vector_load %arg7[%swap3A_330, %swap3A_331] {strides = array<i32>} : memref<32x1024xf32, #tpu.memory_space<vmem>>, vector<1x16xf32>,
        %swap3A_333 = vector.shape_cast %swap3A_332 : vector<1x16xf32> to vector<16xf32>
        %swap3A_334 = vector.shape_cast %get3A_329 : vector<16xf32> to vector<1x16xf32>
        tpu.vector_store %arg7[%swap3A_330, %swap3A_331], %swap3A_334 {add = true, strides = array<i32>} : memref<32x1024xf32, #tpu.memory_space<vmem>>, vector<1x16xf32>,
        %get3A_335 = arith.index_cast %scan3A_119 : i32 to index
        %get3A_336 = arith.constant 384 : index
        %get3A_337 = tpu.vector_load %arg5[%get3A_335, %get3A_336] {strides = array<i32>} : memref<32x1024xf32, #tpu.memory_space<vmem>>, vector<1x16xf32>,
        %get3A_338 = vector.shape_cast %get3A_337 : vector<1x16xf32> to vector<16xf32>
        %swap3A_339 = arith.index_cast %scan3A_119 : i32 to index
        %swap3A_340 = arith.constant 384 : index
        %swap3A_341 = tpu.vector_load %arg7[%swap3A_339, %swap3A_340] {strides = array<i32>} : memref<32x1024xf32, #tpu.memory_space<vmem>>, vector<1x16xf32>,
        %swap3A_342 = vector.shape_cast %swap3A_341 : vector<1x16xf32> to vector<16xf32>
        %swap3A_343 = vector.shape_cast %get3A_338 : vector<16xf32> to vector<1x16xf32>
        tpu.vector_store %arg7[%swap3A_339, %swap3A_340], %swap3A_343 {add = true, strides = array<i32>} : memref<32x1024xf32, #tpu.memory_space<vmem>>, vector<1x16xf32>,
        %get3A_344 = arith.index_cast %scan3A_119 : i32 to index
        %get3A_345 = arith.constant 400 : index
        %get3A_346 = tpu.vector_load %arg5[%get3A_344, %get3A_345] {strides = array<i32>} : memref<32x1024xf32, #tpu.memory_space<vmem>>, vector<1x16xf32>,
        %get3A_347 = vector.shape_cast %get3A_346 : vector<1x16xf32> to vector<16xf32>
        %swap3A_348 = arith.index_cast %scan3A_119 : i32 to index
        %swap3A_349 = arith.constant 400 : index
        %swap3A_350 = tpu.vector_load %arg7[%swap3A_348, %swap3A_349] {strides = array<i32>} : memref<32x1024xf32, #tpu.memory_space<vmem>>, vector<1x16xf32>,
        %swap3A_351 = vector.shape_cast %swap3A_350 : vector<1x16xf32> to vector<16xf32>
        %swap3A_352 = vector.shape_cast %get3A_347 : vector<16xf32> to vector<1x16xf32>
        tpu.vector_store %arg7[%swap3A_348, %swap3A_349], %swap3A_352 {add = true, strides = array<i32>} : memref<32x1024xf32, #tpu.memory_space<vmem>>, vector<1x16xf32>,
        %get3A_353 = arith.index_cast %scan3A_119 : i32 to index
        %get3A_354 = arith.constant 416 : index
        %get3A_355 = tpu.vector_load %arg5[%get3A_353, %get3A_354] {strides = array<i32>} : memref<32x1024xf32, #tpu.memory_space<vmem>>, vector<1x16xf32>,
        %get3A_356 = vector.shape_cast %get3A_355 : vector<1x16xf32> to vector<16xf32>
        %swap3A_357 = arith.index_cast %scan3A_119 : i32 to index
        %swap3A_358 = arith.constant 416 : index
        %swap3A_359 = tpu.vector_load %arg7[%swap3A_357, %swap3A_358] {strides = array<i32>} : memref<32x1024xf32, #tpu.memory_space<vmem>>, vector<1x16xf32>,
        %swap3A_360 = vector.shape_cast %swap3A_359 : vector<1x16xf32> to vector<16xf32>
        %swap3A_361 = vector.shape_cast %get3A_356 : vector<16xf32> to vector<1x16xf32>
        tpu.vector_store %arg7[%swap3A_357, %swap3A_358], %swap3A_361 {add = true, strides = array<i32>} : memref<32x1024xf32, #tpu.memory_space<vmem>>, vector<1x16xf32>,
        %get3A_362 = arith.index_cast %scan3A_119 : i32 to index
        %get3A_363 = arith.constant 432 : index
        %get3A_364 = tpu.vector_load %arg5[%get3A_362, %get3A_363] {strides = array<i32>} : memref<32x1024xf32, #tpu.memory_space<vmem>>, vector<1x16xf32>,
        %get3A_365 = vector.shape_cast %get3A_364 : vector<1x16xf32> to vector<16xf32>
        %swap3A_366 = arith.index_cast %scan3A_119 : i32 to index
        %swap3A_367 = arith.constant 432 : index
        %swap3A_368 = tpu.vector_load %arg7[%swap3A_366, %swap3A_367] {strides = array<i32>} : memref<32x1024xf32, #tpu.memory_space<vmem>>, vector<1x16xf32>,
        %swap3A_369 = vector.shape_cast %swap3A_368 : vector<1x16xf32> to vector<16xf32>
        %swap3A_370 = vector.shape_cast %get3A_365 : vector<16xf32> to vector<1x16xf32>
        tpu.vector_store %arg7[%swap3A_366, %swap3A_367], %swap3A_370 {add = true, strides = array<i32>} : memref<32x1024xf32, #tpu.memory_space<vmem>>, vector<1x16xf32>,
        %get3A_371 = arith.index_cast %scan3A_119 : i32 to index
        %get3A_372 = arith.constant 448 : index
        %get3A_373 = tpu.vector_load %arg5[%get3A_371, %get3A_372] {strides = array<i32>} : memref<32x1024xf32, #tpu.memory_space<vmem>>, vector<1x16xf32>,
        %get3A_374 = vector.shape_cast %get3A_373 : vector<1x16xf32> to vector<16xf32>
        %swap3A_375 = arith.index_cast %scan3A_119 : i32 to index
        %swap3A_376 = arith.constant 448 : index
        %swap3A_377 = tpu.vector_load %arg7[%swap3A_375, %swap3A_376] {strides = array<i32>} : memref<32x1024xf32, #tpu.memory_space<vmem>>, vector<1x16xf32>,
        %swap3A_378 = vector.shape_cast %swap3A_377 : vector<1x16xf32> to vector<16xf32>
        %swap3A_379 = vector.shape_cast %get3A_374 : vector<16xf32> to vector<1x16xf32>
        tpu.vector_store %arg7[%swap3A_375, %swap3A_376], %swap3A_379 {add = true, strides = array<i32>} : memref<32x1024xf32, #tpu.memory_space<vmem>>, vector<1x16xf32>,
        %get3A_380 = arith.index_cast %scan3A_119 : i32 to index
        %get3A_381 = arith.constant 464 : index
        %get3A_382 = tpu.vector_load %arg5[%get3A_380, %get3A_381] {strides = array<i32>} : memref<32x1024xf32, #tpu.memory_space<vmem>>, vector<1x16xf32>,
        %get3A_383 = vector.shape_cast %get3A_382 : vector<1x16xf32> to vector<16xf32>
        %swap3A_384 = arith.index_cast %scan3A_119 : i32 to index
        %swap3A_385 = arith.constant 464 : index
        %swap3A_386 = tpu.vector_load %arg7[%swap3A_384, %swap3A_385] {strides = array<i32>} : memref<32x1024xf32, #tpu.memory_space<vmem>>, vector<1x16xf32>,
        %swap3A_387 = vector.shape_cast %swap3A_386 : vector<1x16xf32> to vector<16xf32>
        %swap3A_388 = vector.shape_cast %get3A_383 : vector<16xf32> to vector<1x16xf32>
        tpu.vector_store %arg7[%swap3A_384, %swap3A_385], %swap3A_388 {add = true, strides = array<i32>} : memref<32x1024xf32, #tpu.memory_space<vmem>>, vector<1x16xf32>,
        %get3A_389 = arith.index_cast %scan3A_119 : i32 to index
        %get3A_390 = arith.constant 480 : index
        %get3A_391 = tpu.vector_load %arg5[%get3A_389, %get3A_390] {strides = array<i32>} : memref<32x1024xf32, #tpu.memory_space<vmem>>, vector<1x16xf32>,
        %get3A_392 = vector.shape_cast %get3A_391 : vector<1x16xf32> to vector<16xf32>
        %swap3A_393 = arith.index_cast %scan3A_119 : i32 to index
        %swap3A_394 = arith.constant 480 : index
        %swap3A_395 = tpu.vector_load %arg7[%swap3A_393, %swap3A_394] {strides = array<i32>} : memref<32x1024xf32, #tpu.memory_space<vmem>>, vector<1x16xf32>,
        %swap3A_396 = vector.shape_cast %swap3A_395 : vector<1x16xf32> to vector<16xf32>
        %swap3A_397 = vector.shape_cast %get3A_392 : vector<16xf32> to vector<1x16xf32>
        tpu.vector_store %arg7[%swap3A_393, %swap3A_394], %swap3A_397 {add = true, strides = array<i32>} : memref<32x1024xf32, #tpu.memory_space<vmem>>, vector<1x16xf32>,
        %get3A_398 = arith.index_cast %scan3A_119 : i32 to index
        %get3A_399 = arith.constant 496 : index
        %get3A_400 = tpu.vector_load %arg5[%get3A_398, %get3A_399] {strides = array<i32>} : memref<32x1024xf32, #tpu.memory_space<vmem>>, vector<1x16xf32>,
        %get3A_401 = vector.shape_cast %get3A_400 : vector<1x16xf32> to vector<16xf32>
        %swap3A_402 = arith.index_cast %scan3A_119 : i32 to index
        %swap3A_403 = arith.constant 496 : index
        %swap3A_404 = tpu.vector_load %arg7[%swap3A_402, %swap3A_403] {strides = array<i32>} : memref<32x1024xf32, #tpu.memory_space<vmem>>, vector<1x16xf32>,
        %swap3A_405 = vector.shape_cast %swap3A_404 : vector<1x16xf32> to vector<16xf32>
        %swap3A_406 = vector.shape_cast %get3A_401 : vector<16xf32> to vector<1x16xf32>
        tpu.vector_store %arg7[%swap3A_402, %swap3A_403], %swap3A_406 {add = true, strides = array<i32>} : memref<32x1024xf32, #tpu.memory_space<vmem>>, vector<1x16xf32>,
        %get3A_407 = arith.index_cast %scan3A_119 : i32 to index
        %get3A_408 = arith.constant 512 : index
        %get3A_409 = tpu.vector_load %arg5[%get3A_407, %get3A_408] {strides = array<i32>} : memref<32x1024xf32, #tpu.memory_space<vmem>>, vector<1x16xf32>,
        %get3A_410 = vector.shape_cast %get3A_409 : vector<1x16xf32> to vector<16xf32>
        %swap3A_411 = arith.index_cast %scan3A_119 : i32 to index
        %swap3A_412 = arith.constant 512 : index
        %swap3A_413 = tpu.vector_load %arg7[%swap3A_411, %swap3A_412] {strides = array<i32>} : memref<32x1024xf32, #tpu.memory_space<vmem>>, vector<1x16xf32>,
        %swap3A_414 = vector.shape_cast %swap3A_413 : vector<1x16xf32> to vector<16xf32>
        %swap3A_415 = vector.shape_cast %get3A_410 : vector<16xf32> to vector<1x16xf32>
        tpu.vector_store %arg7[%swap3A_411, %swap3A_412], %swap3A_415 {add = true, strides = array<i32>} : memref<32x1024xf32, #tpu.memory_space<vmem>>, vector<1x16xf32>,
        %get3A_416 = arith.index_cast %scan3A_119 : i32 to index
        %get3A_417 = arith.constant 528 : index
        %get3A_418 = tpu.vector_load %arg5[%get3A_416, %get3A_417] {strides = array<i32>} : memref<32x1024xf32, #tpu.memory_space<vmem>>, vector<1x16xf32>,
        %get3A_419 = vector.shape_cast %get3A_418 : vector<1x16xf32> to vector<16xf32>
        %swap3A_420 = arith.index_cast %scan3A_119 : i32 to index
        %swap3A_421 = arith.constant 528 : index
        %swap3A_422 = tpu.vector_load %arg7[%swap3A_420, %swap3A_421] {strides = array<i32>} : memref<32x1024xf32, #tpu.memory_space<vmem>>, vector<1x16xf32>,
        %swap3A_423 = vector.shape_cast %swap3A_422 : vector<1x16xf32> to vector<16xf32>
        %swap3A_424 = vector.shape_cast %get3A_419 : vector<16xf32> to vector<1x16xf32>
        tpu.vector_store %arg7[%swap3A_420, %swap3A_421], %swap3A_424 {add = true, strides = array<i32>} : memref<32x1024xf32, #tpu.memory_space<vmem>>, vector<1x16xf32>,
        %get3A_425 = arith.index_cast %scan3A_119 : i32 to index
        %get3A_426 = arith.constant 544 : index
        %get3A_427 = tpu.vector_load %arg5[%get3A_425, %get3A_426] {strides = array<i32>} : memref<32x1024xf32, #tpu.memory_space<vmem>>, vector<1x16xf32>,
        %get3A_428 = vector.shape_cast %get3A_427 : vector<1x16xf32> to vector<16xf32>
        %swap3A_429 = arith.index_cast %scan3A_119 : i32 to index
        %swap3A_430 = arith.constant 544 : index
        %swap3A_431 = tpu.vector_load %arg7[%swap3A_429, %swap3A_430] {strides = array<i32>} : memref<32x1024xf32, #tpu.memory_space<vmem>>, vector<1x16xf32>,
        %swap3A_432 = vector.shape_cast %swap3A_431 : vector<1x16xf32> to vector<16xf32>
        %swap3A_433 = vector.shape_cast %get3A_428 : vector<16xf32> to vector<1x16xf32>
        tpu.vector_store %arg7[%swap3A_429, %swap3A_430], %swap3A_433 {add = true, strides = array<i32>} : memref<32x1024xf32, #tpu.memory_space<vmem>>, vector<1x16xf32>,
        %get3A_434 = arith.index_cast %scan3A_119 : i32 to index
        %get3A_435 = arith.constant 560 : index
        %get3A_436 = tpu.vector_load %arg5[%get3A_434, %get3A_435] {strides = array<i32>} : memref<32x1024xf32, #tpu.memory_space<vmem>>, vector<1x16xf32>,
        %get3A_437 = vector.shape_cast %get3A_436 : vector<1x16xf32> to vector<16xf32>
        %swap3A_438 = arith.index_cast %scan3A_119 : i32 to index
        %swap3A_439 = arith.constant 560 : index
        %swap3A_440 = tpu.vector_load %arg7[%swap3A_438, %swap3A_439] {strides = array<i32>} : memref<32x1024xf32, #tpu.memory_space<vmem>>, vector<1x16xf32>,
        %swap3A_441 = vector.shape_cast %swap3A_440 : vector<1x16xf32> to vector<16xf32>
        %swap3A_442 = vector.shape_cast %get3A_437 : vector<16xf32> to vector<1x16xf32>
        tpu.vector_store %arg7[%swap3A_438, %swap3A_439], %swap3A_442 {add = true, strides = array<i32>} : memref<32x1024xf32, #tpu.memory_space<vmem>>, vector<1x16xf32>,
        %get3A_443 = arith.index_cast %scan3A_119 : i32 to index
        %get3A_444 = arith.constant 576 : index
        %get3A_445 = tpu.vector_load %arg5[%get3A_443, %get3A_444] {strides = array<i32>} : memref<32x1024xf32, #tpu.memory_space<vmem>>, vector<1x16xf32>,
        %get3A_446 = vector.shape_cast %get3A_445 : vector<1x16xf32> to vector<16xf32>
        %swap3A_447 = arith.index_cast %scan3A_119 : i32 to index
        %swap3A_448 = arith.constant 576 : index
        %swap3A_449 = tpu.vector_load %arg7[%swap3A_447, %swap3A_448] {strides = array<i32>} : memref<32x1024xf32, #tpu.memory_space<vmem>>, vector<1x16xf32>,
        %swap3A_450 = vector.shape_cast %swap3A_449 : vector<1x16xf32> to vector<16xf32>
        %swap3A_451 = vector.shape_cast %get3A_446 : vector<16xf32> to vector<1x16xf32>
        tpu.vector_store %arg7[%swap3A_447, %swap3A_448], %swap3A_451 {add = true, strides = array<i32>} : memref<32x1024xf32, #tpu.memory_space<vmem>>, vector<1x16xf32>,
        %get3A_452 = arith.index_cast %scan3A_119 : i32 to index
        %get3A_453 = arith.constant 592 : index
        %get3A_454 = tpu.vector_load %arg5[%get3A_452, %get3A_453] {strides = array<i32>} : memref<32x1024xf32, #tpu.memory_space<vmem>>, vector<1x16xf32>,
        %get3A_455 = vector.shape_cast %get3A_454 : vector<1x16xf32> to vector<16xf32>
        %swap3A_456 = arith.index_cast %scan3A_119 : i32 to index
        %swap3A_457 = arith.constant 592 : index
        %swap3A_458 = tpu.vector_load %arg7[%swap3A_456, %swap3A_457] {strides = array<i32>} : memref<32x1024xf32, #tpu.memory_space<vmem>>, vector<1x16xf32>,
        %swap3A_459 = vector.shape_cast %swap3A_458 : vector<1x16xf32> to vector<16xf32>
        %swap3A_460 = vector.shape_cast %get3A_455 : vector<16xf32> to vector<1x16xf32>
        tpu.vector_store %arg7[%swap3A_456, %swap3A_457], %swap3A_460 {add = true, strides = array<i32>} : memref<32x1024xf32, #tpu.memory_space<vmem>>, vector<1x16xf32>,
        %get3A_461 = arith.index_cast %scan3A_119 : i32 to index
        %get3A_462 = arith.constant 608 : index
        %get3A_463 = tpu.vector_load %arg5[%get3A_461, %get3A_462] {strides = array<i32>} : memref<32x1024xf32, #tpu.memory_space<vmem>>, vector<1x16xf32>,
        %get3A_464 = vector.shape_cast %get3A_463 : vector<1x16xf32> to vector<16xf32>
        %swap3A_465 = arith.index_cast %scan3A_119 : i32 to index
        %swap3A_466 = arith.constant 608 : index
        %swap3A_467 = tpu.vector_load %arg7[%swap3A_465, %swap3A_466] {strides = array<i32>} : memref<32x1024xf32, #tpu.memory_space<vmem>>, vector<1x16xf32>,
        %swap3A_468 = vector.shape_cast %swap3A_467 : vector<1x16xf32> to vector<16xf32>
        %swap3A_469 = vector.shape_cast %get3A_464 : vector<16xf32> to vector<1x16xf32>
        tpu.vector_store %arg7[%swap3A_465, %swap3A_466], %swap3A_469 {add = true, strides = array<i32>} : memref<32x1024xf32, #tpu.memory_space<vmem>>, vector<1x16xf32>,
        %get3A_470 = arith.index_cast %scan3A_119 : i32 to index
        %get3A_471 = arith.constant 624 : index
        %get3A_472 = tpu.vector_load %arg5[%get3A_470, %get3A_471] {strides = array<i32>} : memref<32x1024xf32, #tpu.memory_space<vmem>>, vector<1x16xf32>,
        %get3A_473 = vector.shape_cast %get3A_472 : vector<1x16xf32> to vector<16xf32>
        %swap3A_474 = arith.index_cast %scan3A_119 : i32 to index
        %swap3A_475 = arith.constant 624 : index
        %swap3A_476 = tpu.vector_load %arg7[%swap3A_474, %swap3A_475] {strides = array<i32>} : memref<32x1024xf32, #tpu.memory_space<vmem>>, vector<1x16xf32>,
        %swap3A_477 = vector.shape_cast %swap3A_476 : vector<1x16xf32> to vector<16xf32>
        %swap3A_478 = vector.shape_cast %get3A_473 : vector<16xf32> to vector<1x16xf32>
        tpu.vector_store %arg7[%swap3A_474, %swap3A_475], %swap3A_478 {add = true, strides = array<i32>} : memref<32x1024xf32, #tpu.memory_space<vmem>>, vector<1x16xf32>,
        %get3A_479 = arith.index_cast %scan3A_119 : i32 to index
        %get3A_480 = arith.constant 640 : index
        %get3A_481 = tpu.vector_load %arg5[%get3A_479, %get3A_480] {strides = array<i32>} : memref<32x1024xf32, #tpu.memory_space<vmem>>, vector<1x16xf32>,
        %get3A_482 = vector.shape_cast %get3A_481 : vector<1x16xf32> to vector<16xf32>
        %swap3A_483 = arith.index_cast %scan3A_119 : i32 to index
        %swap3A_484 = arith.constant 640 : index
        %swap3A_485 = tpu.vector_load %arg7[%swap3A_483, %swap3A_484] {strides = array<i32>} : memref<32x1024xf32, #tpu.memory_space<vmem>>, vector<1x16xf32>,
        %swap3A_486 = vector.shape_cast %swap3A_485 : vector<1x16xf32> to vector<16xf32>
        %swap3A_487 = vector.shape_cast %get3A_482 : vector<16xf32> to vector<1x16xf32>
        tpu.vector_store %arg7[%swap3A_483, %swap3A_484], %swap3A_487 {add = true, strides = array<i32>} : memref<32x1024xf32, #tpu.memory_space<vmem>>, vector<1x16xf32>,
        %get3A_488 = arith.index_cast %scan3A_119 : i32 to index
        %get3A_489 = arith.constant 656 : index
        %get3A_490 = tpu.vector_load %arg5[%get3A_488, %get3A_489] {strides = array<i32>} : memref<32x1024xf32, #tpu.memory_space<vmem>>, vector<1x16xf32>,
        %get3A_491 = vector.shape_cast %get3A_490 : vector<1x16xf32> to vector<16xf32>
        %swap3A_492 = arith.index_cast %scan3A_119 : i32 to index
        %swap3A_493 = arith.constant 656 : index
        %swap3A_494 = tpu.vector_load %arg7[%swap3A_492, %swap3A_493] {strides = array<i32>} : memref<32x1024xf32, #tpu.memory_space<vmem>>, vector<1x16xf32>,
        %swap3A_495 = vector.shape_cast %swap3A_494 : vector<1x16xf32> to vector<16xf32>
        %swap3A_496 = vector.shape_cast %get3A_491 : vector<16xf32> to vector<1x16xf32>
        tpu.vector_store %arg7[%swap3A_492, %swap3A_493], %swap3A_496 {add = true, strides = array<i32>} : memref<32x1024xf32, #tpu.memory_space<vmem>>, vector<1x16xf32>,
        %get3A_497 = arith.index_cast %scan3A_119 : i32 to index
        %get3A_498 = arith.constant 672 : index
        %get3A_499 = tpu.vector_load %arg5[%get3A_497, %get3A_498] {strides = array<i32>} : memref<32x1024xf32, #tpu.memory_space<vmem>>, vector<1x16xf32>,
        %get3A_500 = vector.shape_cast %get3A_499 : vector<1x16xf32> to vector<16xf32>
        %swap3A_501 = arith.index_cast %scan3A_119 : i32 to index
        %swap3A_502 = arith.constant 672 : index
        %swap3A_503 = tpu.vector_load %arg7[%swap3A_501, %swap3A_502] {strides = array<i32>} : memref<32x1024xf32, #tpu.memory_space<vmem>>, vector<1x16xf32>,
        %swap3A_504 = vector.shape_cast %swap3A_503 : vector<1x16xf32> to vector<16xf32>
        %swap3A_505 = vector.shape_cast %get3A_500 : vector<16xf32> to vector<1x16xf32>
        tpu.vector_store %arg7[%swap3A_501, %swap3A_502], %swap3A_505 {add = true, strides = array<i32>} : memref<32x1024xf32, #tpu.memory_space<vmem>>, vector<1x16xf32>,
        %get3A_506 = arith.index_cast %scan3A_119 : i32 to index
        %get3A_507 = arith.constant 688 : index
        %get3A_508 = tpu.vector_load %arg5[%get3A_506, %get3A_507] {strides = array<i32>} : memref<32x1024xf32, #tpu.memory_space<vmem>>, vector<1x16xf32>,
        %get3A_509 = vector.shape_cast %get3A_508 : vector<1x16xf32> to vector<16xf32>
        %swap3A_510 = arith.index_cast %scan3A_119 : i32 to index
        %swap3A_511 = arith.constant 688 : index
        %swap3A_512 = tpu.vector_load %arg7[%swap3A_510, %swap3A_511] {strides = array<i32>} : memref<32x1024xf32, #tpu.memory_space<vmem>>, vector<1x16xf32>,
        %swap3A_513 = vector.shape_cast %swap3A_512 : vector<1x16xf32> to vector<16xf32>
        %swap3A_514 = vector.shape_cast %get3A_509 : vector<16xf32> to vector<1x16xf32>
        tpu.vector_store %arg7[%swap3A_510, %swap3A_511], %swap3A_514 {add = true, strides = array<i32>} : memref<32x1024xf32, #tpu.memory_space<vmem>>, vector<1x16xf32>,
        %get3A_515 = arith.index_cast %scan3A_119 : i32 to index
        %get3A_516 = arith.constant 704 : index
        %get3A_517 = tpu.vector_load %arg5[%get3A_515, %get3A_516] {strides = array<i32>} : memref<32x1024xf32, #tpu.memory_space<vmem>>, vector<1x16xf32>,
        %get3A_518 = vector.shape_cast %get3A_517 : vector<1x16xf32> to vector<16xf32>
        %swap3A_519 = arith.index_cast %scan3A_119 : i32 to index
        %swap3A_520 = arith.constant 704 : index
        %swap3A_521 = tpu.vector_load %arg7[%swap3A_519, %swap3A_520] {strides = array<i32>} : memref<32x1024xf32, #tpu.memory_space<vmem>>, vector<1x16xf32>,
        %swap3A_522 = vector.shape_cast %swap3A_521 : vector<1x16xf32> to vector<16xf32>
        %swap3A_523 = vector.shape_cast %get3A_518 : vector<16xf32> to vector<1x16xf32>
        tpu.vector_store %arg7[%swap3A_519, %swap3A_520], %swap3A_523 {add = true, strides = array<i32>} : memref<32x1024xf32, #tpu.memory_space<vmem>>, vector<1x16xf32>,
        %get3A_524 = arith.index_cast %scan3A_119 : i32 to index
        %get3A_525 = arith.constant 720 : index
        %get3A_526 = tpu.vector_load %arg5[%get3A_524, %get3A_525] {strides = array<i32>} : memref<32x1024xf32, #tpu.memory_space<vmem>>, vector<1x16xf32>,
        %get3A_527 = vector.shape_cast %get3A_526 : vector<1x16xf32> to vector<16xf32>
        %swap3A_528 = arith.index_cast %scan3A_119 : i32 to index
        %swap3A_529 = arith.constant 720 : index
        %swap3A_530 = tpu.vector_load %arg7[%swap3A_528, %swap3A_529] {strides = array<i32>} : memref<32x1024xf32, #tpu.memory_space<vmem>>, vector<1x16xf32>,
        %swap3A_531 = vector.shape_cast %swap3A_530 : vector<1x16xf32> to vector<16xf32>
        %swap3A_532 = vector.shape_cast %get3A_527 : vector<16xf32> to vector<1x16xf32>
        tpu.vector_store %arg7[%swap3A_528, %swap3A_529], %swap3A_532 {add = true, strides = array<i32>} : memref<32x1024xf32, #tpu.memory_space<vmem>>, vector<1x16xf32>,
        %get3A_533 = arith.index_cast %scan3A_119 : i32 to index
        %get3A_534 = arith.constant 736 : index
        %get3A_535 = tpu.vector_load %arg5[%get3A_533, %get3A_534] {strides = array<i32>} : memref<32x1024xf32, #tpu.memory_space<vmem>>, vector<1x16xf32>,
        %get3A_536 = vector.shape_cast %get3A_535 : vector<1x16xf32> to vector<16xf32>
        %swap3A_537 = arith.index_cast %scan3A_119 : i32 to index
        %swap3A_538 = arith.constant 736 : index
        %swap3A_539 = tpu.vector_load %arg7[%swap3A_537, %swap3A_538] {strides = array<i32>} : memref<32x1024xf32, #tpu.memory_space<vmem>>, vector<1x16xf32>,
        %swap3A_540 = vector.shape_cast %swap3A_539 : vector<1x16xf32> to vector<16xf32>
        %swap3A_541 = vector.shape_cast %get3A_536 : vector<16xf32> to vector<1x16xf32>
        tpu.vector_store %arg7[%swap3A_537, %swap3A_538], %swap3A_541 {add = true, strides = array<i32>} : memref<32x1024xf32, #tpu.memory_space<vmem>>, vector<1x16xf32>,
        %get3A_542 = arith.index_cast %scan3A_119 : i32 to index
        %get3A_543 = arith.constant 752 : index
        %get3A_544 = tpu.vector_load %arg5[%get3A_542, %get3A_543] {strides = array<i32>} : memref<32x1024xf32, #tpu.memory_space<vmem>>, vector<1x16xf32>,
        %get3A_545 = vector.shape_cast %get3A_544 : vector<1x16xf32> to vector<16xf32>
        %swap3A_546 = arith.index_cast %scan3A_119 : i32 to index
        %swap3A_547 = arith.constant 752 : index
        %swap3A_548 = tpu.vector_load %arg7[%swap3A_546, %swap3A_547] {strides = array<i32>} : memref<32x1024xf32, #tpu.memory_space<vmem>>, vector<1x16xf32>,
        %swap3A_549 = vector.shape_cast %swap3A_548 : vector<1x16xf32> to vector<16xf32>
        %swap3A_550 = vector.shape_cast %get3A_545 : vector<16xf32> to vector<1x16xf32>
        tpu.vector_store %arg7[%swap3A_546, %swap3A_547], %swap3A_550 {add = true, strides = array<i32>} : memref<32x1024xf32, #tpu.memory_space<vmem>>, vector<1x16xf32>,
        %get3A_551 = arith.index_cast %scan3A_119 : i32 to index
        %get3A_552 = arith.constant 768 : index
        %get3A_553 = tpu.vector_load %arg5[%get3A_551, %get3A_552] {strides = array<i32>} : memref<32x1024xf32, #tpu.memory_space<vmem>>, vector<1x16xf32>,
        %get3A_554 = vector.shape_cast %get3A_553 : vector<1x16xf32> to vector<16xf32>
        %swap3A_555 = arith.index_cast %scan3A_119 : i32 to index
        %swap3A_556 = arith.constant 768 : index
        %swap3A_557 = tpu.vector_load %arg7[%swap3A_555, %swap3A_556] {strides = array<i32>} : memref<32x1024xf32, #tpu.memory_space<vmem>>, vector<1x16xf32>,
        %swap3A_558 = vector.shape_cast %swap3A_557 : vector<1x16xf32> to vector<16xf32>
        %swap3A_559 = vector.shape_cast %get3A_554 : vector<16xf32> to vector<1x16xf32>
        tpu.vector_store %arg7[%swap3A_555, %swap3A_556], %swap3A_559 {add = true, strides = array<i32>} : memref<32x1024xf32, #tpu.memory_space<vmem>>, vector<1x16xf32>,
        %get3A_560 = arith.index_cast %scan3A_119 : i32 to index
        %get3A_561 = arith.constant 784 : index
        %get3A_562 = tpu.vector_load %arg5[%get3A_560, %get3A_561] {strides = array<i32>} : memref<32x1024xf32, #tpu.memory_space<vmem>>, vector<1x16xf32>,
        %get3A_563 = vector.shape_cast %get3A_562 : vector<1x16xf32> to vector<16xf32>
        %swap3A_564 = arith.index_cast %scan3A_119 : i32 to index
        %swap3A_565 = arith.constant 784 : index
        %swap3A_566 = tpu.vector_load %arg7[%swap3A_564, %swap3A_565] {strides = array<i32>} : memref<32x1024xf32, #tpu.memory_space<vmem>>, vector<1x16xf32>,
        %swap3A_567 = vector.shape_cast %swap3A_566 : vector<1x16xf32> to vector<16xf32>
        %swap3A_568 = vector.shape_cast %get3A_563 : vector<16xf32> to vector<1x16xf32>
        tpu.vector_store %arg7[%swap3A_564, %swap3A_565], %swap3A_568 {add = true, strides = array<i32>} : memref<32x1024xf32, #tpu.memory_space<vmem>>, vector<1x16xf32>,
        %get3A_569 = arith.index_cast %scan3A_119 : i32 to index
        %get3A_570 = arith.constant 800 : index
        %get3A_571 = tpu.vector_load %arg5[%get3A_569, %get3A_570] {strides = array<i32>} : memref<32x1024xf32, #tpu.memory_space<vmem>>, vector<1x16xf32>,
        %get3A_572 = vector.shape_cast %get3A_571 : vector<1x16xf32> to vector<16xf32>
        %swap3A_573 = arith.index_cast %scan3A_119 : i32 to index
        %swap3A_574 = arith.constant 800 : index
        %swap3A_575 = tpu.vector_load %arg7[%swap3A_573, %swap3A_574] {strides = array<i32>} : memref<32x1024xf32, #tpu.memory_space<vmem>>, vector<1x16xf32>,
        %swap3A_576 = vector.shape_cast %swap3A_575 : vector<1x16xf32> to vector<16xf32>
        %swap3A_577 = vector.shape_cast %get3A_572 : vector<16xf32> to vector<1x16xf32>
        tpu.vector_store %arg7[%swap3A_573, %swap3A_574], %swap3A_577 {add = true, strides = array<i32>} : memref<32x1024xf32, #tpu.memory_space<vmem>>, vector<1x16xf32>,
        %get3A_578 = arith.index_cast %scan3A_119 : i32 to index
        %get3A_579 = arith.constant 816 : index
        %get3A_580 = tpu.vector_load %arg5[%get3A_578, %get3A_579] {strides = array<i32>} : memref<32x1024xf32, #tpu.memory_space<vmem>>, vector<1x16xf32>,
        %get3A_581 = vector.shape_cast %get3A_580 : vector<1x16xf32> to vector<16xf32>
        %swap3A_582 = arith.index_cast %scan3A_119 : i32 to index
        %swap3A_583 = arith.constant 816 : index
        %swap3A_584 = tpu.vector_load %arg7[%swap3A_582, %swap3A_583] {strides = array<i32>} : memref<32x1024xf32, #tpu.memory_space<vmem>>, vector<1x16xf32>,
        %swap3A_585 = vector.shape_cast %swap3A_584 : vector<1x16xf32> to vector<16xf32>
        %swap3A_586 = vector.shape_cast %get3A_581 : vector<16xf32> to vector<1x16xf32>
        tpu.vector_store %arg7[%swap3A_582, %swap3A_583], %swap3A_586 {add = true, strides = array<i32>} : memref<32x1024xf32, #tpu.memory_space<vmem>>, vector<1x16xf32>,
        %get3A_587 = arith.index_cast %scan3A_119 : i32 to index
        %get3A_588 = arith.constant 832 : index
        %get3A_589 = tpu.vector_load %arg5[%get3A_587, %get3A_588] {strides = array<i32>} : memref<32x1024xf32, #tpu.memory_space<vmem>>, vector<1x16xf32>,
        %get3A_590 = vector.shape_cast %get3A_589 : vector<1x16xf32> to vector<16xf32>
        %swap3A_591 = arith.index_cast %scan3A_119 : i32 to index
        %swap3A_592 = arith.constant 832 : index
        %swap3A_593 = tpu.vector_load %arg7[%swap3A_591, %swap3A_592] {strides = array<i32>} : memref<32x1024xf32, #tpu.memory_space<vmem>>, vector<1x16xf32>,
        %swap3A_594 = vector.shape_cast %swap3A_593 : vector<1x16xf32> to vector<16xf32>
        %swap3A_595 = vector.shape_cast %get3A_590 : vector<16xf32> to vector<1x16xf32>
        tpu.vector_store %arg7[%swap3A_591, %swap3A_592], %swap3A_595 {add = true, strides = array<i32>} : memref<32x1024xf32, #tpu.memory_space<vmem>>, vector<1x16xf32>,
        %get3A_596 = arith.index_cast %scan3A_119 : i32 to index
        %get3A_597 = arith.constant 848 : index
        %get3A_598 = tpu.vector_load %arg5[%get3A_596, %get3A_597] {strides = array<i32>} : memref<32x1024xf32, #tpu.memory_space<vmem>>, vector<1x16xf32>,
        %get3A_599 = vector.shape_cast %get3A_598 : vector<1x16xf32> to vector<16xf32>
        %swap3A_600 = arith.index_cast %scan3A_119 : i32 to index
        %swap3A_601 = arith.constant 848 : index
        %swap3A_602 = tpu.vector_load %arg7[%swap3A_600, %swap3A_601] {strides = array<i32>} : memref<32x1024xf32, #tpu.memory_space<vmem>>, vector<1x16xf32>,
        %swap3A_603 = vector.shape_cast %swap3A_602 : vector<1x16xf32> to vector<16xf32>
        %swap3A_604 = vector.shape_cast %get3A_599 : vector<16xf32> to vector<1x16xf32>
        tpu.vector_store %arg7[%swap3A_600, %swap3A_601], %swap3A_604 {add = true, strides = array<i32>} : memref<32x1024xf32, #tpu.memory_space<vmem>>, vector<1x16xf32>,
        %get3A_605 = arith.index_cast %scan3A_119 : i32 to index
        %get3A_606 = arith.constant 864 : index
        %get3A_607 = tpu.vector_load %arg5[%get3A_605, %get3A_606] {strides = array<i32>} : memref<32x1024xf32, #tpu.memory_space<vmem>>, vector<1x16xf32>,
        %get3A_608 = vector.shape_cast %get3A_607 : vector<1x16xf32> to vector<16xf32>
        %swap3A_609 = arith.index_cast %scan3A_119 : i32 to index
        %swap3A_610 = arith.constant 864 : index
        %swap3A_611 = tpu.vector_load %arg7[%swap3A_609, %swap3A_610] {strides = array<i32>} : memref<32x1024xf32, #tpu.memory_space<vmem>>, vector<1x16xf32>,
        %swap3A_612 = vector.shape_cast %swap3A_611 : vector<1x16xf32> to vector<16xf32>
        %swap3A_613 = vector.shape_cast %get3A_608 : vector<16xf32> to vector<1x16xf32>
        tpu.vector_store %arg7[%swap3A_609, %swap3A_610], %swap3A_613 {add = true, strides = array<i32>} : memref<32x1024xf32, #tpu.memory_space<vmem>>, vector<1x16xf32>,
        %get3A_614 = arith.index_cast %scan3A_119 : i32 to index
        %get3A_615 = arith.constant 880 : index
        %get3A_616 = tpu.vector_load %arg5[%get3A_614, %get3A_615] {strides = array<i32>} : memref<32x1024xf32, #tpu.memory_space<vmem>>, vector<1x16xf32>,
        %get3A_617 = vector.shape_cast %get3A_616 : vector<1x16xf32> to vector<16xf32>
        %swap3A_618 = arith.index_cast %scan3A_119 : i32 to index
        %swap3A_619 = arith.constant 880 : index
        %swap3A_620 = tpu.vector_load %arg7[%swap3A_618, %swap3A_619] {strides = array<i32>} : memref<32x1024xf32, #tpu.memory_space<vmem>>, vector<1x16xf32>,
        %swap3A_621 = vector.shape_cast %swap3A_620 : vector<1x16xf32> to vector<16xf32>
        %swap3A_622 = vector.shape_cast %get3A_617 : vector<16xf32> to vector<1x16xf32>
        tpu.vector_store %arg7[%swap3A_618, %swap3A_619], %swap3A_622 {add = true, strides = array<i32>} : memref<32x1024xf32, #tpu.memory_space<vmem>>, vector<1x16xf32>,
        %get3A_623 = arith.index_cast %scan3A_119 : i32 to index
        %get3A_624 = arith.constant 896 : index
        %get3A_625 = tpu.vector_load %arg5[%get3A_623, %get3A_624] {strides = array<i32>} : memref<32x1024xf32, #tpu.memory_space<vmem>>, vector<1x16xf32>,
        %get3A_626 = vector.shape_cast %get3A_625 : vector<1x16xf32> to vector<16xf32>
        %swap3A_627 = arith.index_cast %scan3A_119 : i32 to index
        %swap3A_628 = arith.constant 896 : index
        %swap3A_629 = tpu.vector_load %arg7[%swap3A_627, %swap3A_628] {strides = array<i32>} : memref<32x1024xf32, #tpu.memory_space<vmem>>, vector<1x16xf32>,
        %swap3A_630 = vector.shape_cast %swap3A_629 : vector<1x16xf32> to vector<16xf32>
        %swap3A_631 = vector.shape_cast %get3A_626 : vector<16xf32> to vector<1x16xf32>
        tpu.vector_store %arg7[%swap3A_627, %swap3A_628], %swap3A_631 {add = true, strides = array<i32>} : memref<32x1024xf32, #tpu.memory_space<vmem>>, vector<1x16xf32>,
        %get3A_632 = arith.index_cast %scan3A_119 : i32 to index
        %get3A_633 = arith.constant 912 : index
        %get3A_634 = tpu.vector_load %arg5[%get3A_632, %get3A_633] {strides = array<i32>} : memref<32x1024xf32, #tpu.memory_space<vmem>>, vector<1x16xf32>,
        %get3A_635 = vector.shape_cast %get3A_634 : vector<1x16xf32> to vector<16xf32>
        %swap3A_636 = arith.index_cast %scan3A_119 : i32 to index
        %swap3A_637 = arith.constant 912 : index
        %swap3A_638 = tpu.vector_load %arg7[%swap3A_636, %swap3A_637] {strides = array<i32>} : memref<32x1024xf32, #tpu.memory_space<vmem>>, vector<1x16xf32>,
        %swap3A_639 = vector.shape_cast %swap3A_638 : vector<1x16xf32> to vector<16xf32>
        %swap3A_640 = vector.shape_cast %get3A_635 : vector<16xf32> to vector<1x16xf32>
        tpu.vector_store %arg7[%swap3A_636, %swap3A_637], %swap3A_640 {add = true, strides = array<i32>} : memref<32x1024xf32, #tpu.memory_space<vmem>>, vector<1x16xf32>,
        %get3A_641 = arith.index_cast %scan3A_119 : i32 to index
        %get3A_642 = arith.constant 928 : index
        %get3A_643 = tpu.vector_load %arg5[%get3A_641, %get3A_642] {strides = array<i32>} : memref<32x1024xf32, #tpu.memory_space<vmem>>, vector<1x16xf32>,
        %get3A_644 = vector.shape_cast %get3A_643 : vector<1x16xf32> to vector<16xf32>
        %swap3A_645 = arith.index_cast %scan3A_119 : i32 to index
        %swap3A_646 = arith.constant 928 : index
        %swap3A_647 = tpu.vector_load %arg7[%swap3A_645, %swap3A_646] {strides = array<i32>} : memref<32x1024xf32, #tpu.memory_space<vmem>>, vector<1x16xf32>,
        %swap3A_648 = vector.shape_cast %swap3A_647 : vector<1x16xf32> to vector<16xf32>
        %swap3A_649 = vector.shape_cast %get3A_644 : vector<16xf32> to vector<1x16xf32>
        tpu.vector_store %arg7[%swap3A_645, %swap3A_646], %swap3A_649 {add = true, strides = array<i32>} : memref<32x1024xf32, #tpu.memory_space<vmem>>, vector<1x16xf32>,
        %get3A_650 = arith.index_cast %scan3A_119 : i32 to index
        %get3A_651 = arith.constant 944 : index
        %get3A_652 = tpu.vector_load %arg5[%get3A_650, %get3A_651] {strides = array<i32>} : memref<32x1024xf32, #tpu.memory_space<vmem>>, vector<1x16xf32>,
        %get3A_653 = vector.shape_cast %get3A_652 : vector<1x16xf32> to vector<16xf32>
        %swap3A_654 = arith.index_cast %scan3A_119 : i32 to index
        %swap3A_655 = arith.constant 944 : index
        %swap3A_656 = tpu.vector_load %arg7[%swap3A_654, %swap3A_655] {strides = array<i32>} : memref<32x1024xf32, #tpu.memory_space<vmem>>, vector<1x16xf32>,
        %swap3A_657 = vector.shape_cast %swap3A_656 : vector<1x16xf32> to vector<16xf32>
        %swap3A_658 = vector.shape_cast %get3A_653 : vector<16xf32> to vector<1x16xf32>
        tpu.vector_store %arg7[%swap3A_654, %swap3A_655], %swap3A_658 {add = true, strides = array<i32>} : memref<32x1024xf32, #tpu.memory_space<vmem>>, vector<1x16xf32>,
        %get3A_659 = arith.index_cast %scan3A_119 : i32 to index
        %get3A_660 = arith.constant 960 : index
        %get3A_661 = tpu.vector_load %arg5[%get3A_659, %get3A_660] {strides = array<i32>} : memref<32x1024xf32, #tpu.memory_space<vmem>>, vector<1x16xf32>,
        %get3A_662 = vector.shape_cast %get3A_661 : vector<1x16xf32> to vector<16xf32>
        %swap3A_663 = arith.index_cast %scan3A_119 : i32 to index
        %swap3A_664 = arith.constant 960 : index
        %swap3A_665 = tpu.vector_load %arg7[%swap3A_663, %swap3A_664] {strides = array<i32>} : memref<32x1024xf32, #tpu.memory_space<vmem>>, vector<1x16xf32>,
        %swap3A_666 = vector.shape_cast %swap3A_665 : vector<1x16xf32> to vector<16xf32>
        %swap3A_667 = vector.shape_cast %get3A_662 : vector<16xf32> to vector<1x16xf32>
        tpu.vector_store %arg7[%swap3A_663, %swap3A_664], %swap3A_667 {add = true, strides = array<i32>} : memref<32x1024xf32, #tpu.memory_space<vmem>>, vector<1x16xf32>,
        %get3A_668 = arith.index_cast %scan3A_119 : i32 to index
        %get3A_669 = arith.constant 976 : index
        %get3A_670 = tpu.vector_load %arg5[%get3A_668, %get3A_669] {strides = array<i32>} : memref<32x1024xf32, #tpu.memory_space<vmem>>, vector<1x16xf32>,
        %get3A_671 = vector.shape_cast %get3A_670 : vector<1x16xf32> to vector<16xf32>
        %swap3A_672 = arith.index_cast %scan3A_119 : i32 to index
        %swap3A_673 = arith.constant 976 : index
        %swap3A_674 = tpu.vector_load %arg7[%swap3A_672, %swap3A_673] {strides = array<i32>} : memref<32x1024xf32, #tpu.memory_space<vmem>>, vector<1x16xf32>,
        %swap3A_675 = vector.shape_cast %swap3A_674 : vector<1x16xf32> to vector<16xf32>
        %swap3A_676 = vector.shape_cast %get3A_671 : vector<16xf32> to vector<1x16xf32>
        tpu.vector_store %arg7[%swap3A_672, %swap3A_673], %swap3A_676 {add = true, strides = array<i32>} : memref<32x1024xf32, #tpu.memory_space<vmem>>, vector<1x16xf32>,
        %get3A_677 = arith.index_cast %scan3A_119 : i32 to index
        %get3A_678 = arith.constant 992 : index
        %get3A_679 = tpu.vector_load %arg5[%get3A_677, %get3A_678] {strides = array<i32>} : memref<32x1024xf32, #tpu.memory_space<vmem>>, vector<1x16xf32>,
        %get3A_680 = vector.shape_cast %get3A_679 : vector<1x16xf32> to vector<16xf32>
        %swap3A_681 = arith.index_cast %scan3A_119 : i32 to index
        %swap3A_682 = arith.constant 992 : index
        %swap3A_683 = tpu.vector_load %arg7[%swap3A_681, %swap3A_682] {strides = array<i32>} : memref<32x1024xf32, #tpu.memory_space<vmem>>, vector<1x16xf32>,
        %swap3A_684 = vector.shape_cast %swap3A_683 : vector<1x16xf32> to vector<16xf32>
        %swap3A_685 = vector.shape_cast %get3A_680 : vector<16xf32> to vector<1x16xf32>
        tpu.vector_store %arg7[%swap3A_681, %swap3A_682], %swap3A_685 {add = true, strides = array<i32>} : memref<32x1024xf32, #tpu.memory_space<vmem>>, vector<1x16xf32>,
        %get3A_686 = arith.index_cast %scan3A_119 : i32 to index
        %get3A_687 = arith.constant 1008 : index
        %get3A_688 = tpu.vector_load %arg5[%get3A_686, %get3A_687] {strides = array<i32>} : memref<32x1024xf32, #tpu.memory_space<vmem>>, vector<1x16xf32>,
        %get3A_689 = vector.shape_cast %get3A_688 : vector<1x16xf32> to vector<16xf32>
        %swap3A_690 = arith.index_cast %scan3A_119 : i32 to index
        %swap3A_691 = arith.constant 1008 : index
        %swap3A_692 = tpu.vector_load %arg7[%swap3A_690, %swap3A_691] {strides = array<i32>} : memref<32x1024xf32, #tpu.memory_space<vmem>>, vector<1x16xf32>,
        %swap3A_693 = vector.shape_cast %swap3A_692 : vector<1x16xf32> to vector<16xf32>
        %swap3A_694 = vector.shape_cast %get3A_689 : vector<16xf32> to vector<1x16xf32>
        tpu.vector_store %arg7[%swap3A_690, %swap3A_691], %swap3A_694 {add = true, strides = array<i32>} : memref<32x1024xf32, #tpu.memory_space<vmem>>, vector<1x16xf32>,
        %scan3A_695 = arith.constant 0 : i32
        scf.yield %scan3A_695 : i32
      }
      %scan3A_59 = arith.constant 32 : i32
      %add3A_60 = arith.constant 8192 : i32
      %add3A_61 = arith.addi %add3A_60, %add3A_13 : i32
      %dma_start3A_62 = arith.constant 0 : i32
      %dma_start3A_63 = tpu.memref_slice %arg4[%add3A_61, %dma_start3A_62] : memref<32768x1024xf32, #tpu.memory_space<hbm>> -> memref<32x1024xf32, #tpu.memory_space<hbm>>
      %dma_start3A_64 = arith.constant 0 : i32
      %dma_start3A_65 = tpu.memref_slice %arg4[%add3A_61, %dma_start3A_64] : memref<32768x1024xf32, #tpu.memory_space<hbm>> -> memref<32x1024xf32, #tpu.memory_space<hbm>>
      tpu.enqueue_dma source(%arg7 : memref<32x1024xf32, #tpu.memory_space<vmem>>) target(%dma_start3A_65 : memref<32x1024xf32, #tpu.memory_space<hbm>>) target_semaphore(%arg11 : memref<!tpu.dma_semaphore, #tpu.memory_space<semaphore_mem>>)
      %dma_wait3A_66 = arith.constant 0 : i32
      %dma_wait3A_67 = tpu.memref_slice %arg4[%add3A_61, %dma_wait3A_66] : memref<32768x1024xf32, #tpu.memory_space<hbm>> -> memref<32x1024xf32, #tpu.memory_space<hbm>>
      %dma_wait3A_68 = arith.constant 0 : i32
      %dma_wait3A_69 = tpu.memref_slice %arg4[%add3A_61, %dma_wait3A_68] : memref<32768x1024xf32, #tpu.memory_space<hbm>> -> memref<32x1024xf32, #tpu.memory_space<hbm>>
      tpu.wait_dma2 semaphore(%arg11 : memref<!tpu.dma_semaphore, #tpu.memory_space<semaphore_mem>>) src(%arg7 : memref<32x1024xf32, #tpu.memory_space<vmem>>) dst(%dma_wait3A_69 : memref<32x1024xf32, #tpu.memory_space<hbm>>)
      %add3A_70 = arith.constant 24576 : i32
      %add3A_71 = arith.addi %add3A_70, %add3A_13 : i32
      %dma_start3A_72 = arith.constant 0 : i32
      %dma_start3A_73 = tpu.memref_slice %arg2[%add3A_71, %dma_start3A_72] : memref<32768x1024xf32, #tpu.memory_space<hbm>> -> memref<32x1024xf32, #tpu.memory_space<hbm>>
      %dma_start3A_74 = arith.constant 0 : i32
      %dma_start3A_75 = tpu.memref_slice %arg2[%add3A_71, %dma_start3A_74] : memref<32768x1024xf32, #tpu.memory_space<hbm>> -> memref<32x1024xf32, #tpu.memory_space<hbm>>
      tpu.enqueue_dma source(%dma_start3A_75 : memref<32x1024xf32, #tpu.memory_space<hbm>>) target(%arg7 : memref<32x1024xf32, #tpu.memory_space<vmem>>) target_semaphore(%arg9 : memref<!tpu.dma_semaphore, #tpu.memory_space<semaphore_mem>>)
      %dma_wait3A_76 = arith.constant 0 : i32
      %dma_wait3A_77 = tpu.memref_slice %arg2[%add3A_44, %dma_wait3A_76] : memref<32768x1024xf32, #tpu.memory_space<hbm>> -> memref<32x1024xf32, #tpu.memory_space<hbm>>
      %dma_wait3A_78 = arith.constant 0 : i32
      %dma_wait3A_79 = tpu.memref_slice %arg2[%add3A_44, %dma_wait3A_78] : memref<32768x1024xf32, #tpu.memory_space<hbm>> -> memref<32x1024xf32, #tpu.memory_space<hbm>>
      tpu.wait_dma2 semaphore(%arg8 : memref<!tpu.dma_semaphore, #tpu.memory_space<semaphore_mem>>) src(%dma_wait3A_79 : memref<32x1024xf32, #tpu.memory_space<hbm>>) dst(%arg6 : memref<32x1024xf32, #tpu.memory_space<vmem>>)
      %scan3A_80 = arith.constant 0 : i32
      %scan3A_81 = arith.constant 0 : i32
      %scan3A_82 = arith.constant 32 : i32
      %scan3A_83 = arith.addi %scan3A_81, %scan3A_82 : i32
      %scan3A_84 = arith.constant 1 : i32
      %scan3A_85 = scf.for %scan3A_119 = %scan3A_81 to %scan3A_83 step %scan3A_84 iter_args(%scan3A_120 = %scan3A_80) -> (i32)  : i32 {
        %get3A = arith.index_cast %scan3A_119 : i32 to index
        %get3A_121 = arith.constant 0 : index
        %get3A_122 = tpu.vector_load %arg5[%get3A, %get3A_121] {strides = array<i32>} : memref<32x1024xf32, #tpu.memory_space<vmem>>, vector<1x16xf32>,
        %get3A_123 = vector.shape_cast %get3A_122 : vector<1x16xf32> to vector<16xf32>
        %swap3A = arith.index_cast %scan3A_119 : i32 to index
        %swap3A_124 = arith.constant 0 : index
        %swap3A_125 = tpu.vector_load %arg6[%swap3A, %swap3A_124] {strides = array<i32>} : memref<32x1024xf32, #tpu.memory_space<vmem>>, vector<1x16xf32>,
        %swap3A_126 = vector.shape_cast %swap3A_125 : vector<1x16xf32> to vector<16xf32>
        %swap3A_127 = vector.shape_cast %get3A_123 : vector<16xf32> to vector<1x16xf32>
        tpu.vector_store %arg6[%swap3A, %swap3A_124], %swap3A_127 {add = true, strides = array<i32>} : memref<32x1024xf32, #tpu.memory_space<vmem>>, vector<1x16xf32>,
        %get3A_128 = arith.index_cast %scan3A_119 : i32 to index
        %get3A_129 = arith.constant 16 : index
        %get3A_130 = tpu.vector_load %arg5[%get3A_128, %get3A_129] {strides = array<i32>} : memref<32x1024xf32, #tpu.memory_space<vmem>>, vector<1x16xf32>,
        %get3A_131 = vector.shape_cast %get3A_130 : vector<1x16xf32> to vector<16xf32>
        %swap3A_132 = arith.index_cast %scan3A_119 : i32 to index
        %swap3A_133 = arith.constant 16 : index
        %swap3A_134 = tpu.vector_load %arg6[%swap3A_132, %swap3A_133] {strides = array<i32>} : memref<32x1024xf32, #tpu.memory_space<vmem>>, vector<1x16xf32>,
        %swap3A_135 = vector.shape_cast %swap3A_134 : vector<1x16xf32> to vector<16xf32>
        %swap3A_136 = vector.shape_cast %get3A_131 : vector<16xf32> to vector<1x16xf32>
        tpu.vector_store %arg6[%swap3A_132, %swap3A_133], %swap3A_136 {add = true, strides = array<i32>} : memref<32x1024xf32, #tpu.memory_space<vmem>>, vector<1x16xf32>,
        %get3A_137 = arith.index_cast %scan3A_119 : i32 to index
        %get3A_138 = arith.constant 32 : index
        %get3A_139 = tpu.vector_load %arg5[%get3A_137, %get3A_138] {strides = array<i32>} : memref<32x1024xf32, #tpu.memory_space<vmem>>, vector<1x16xf32>,
        %get3A_140 = vector.shape_cast %get3A_139 : vector<1x16xf32> to vector<16xf32>
        %swap3A_141 = arith.index_cast %scan3A_119 : i32 to index
        %swap3A_142 = arith.constant 32 : index
        %swap3A_143 = tpu.vector_load %arg6[%swap3A_141, %swap3A_142] {strides = array<i32>} : memref<32x1024xf32, #tpu.memory_space<vmem>>, vector<1x16xf32>,
        %swap3A_144 = vector.shape_cast %swap3A_143 : vector<1x16xf32> to vector<16xf32>
        %swap3A_145 = vector.shape_cast %get3A_140 : vector<16xf32> to vector<1x16xf32>
        tpu.vector_store %arg6[%swap3A_141, %swap3A_142], %swap3A_145 {add = true, strides = array<i32>} : memref<32x1024xf32, #tpu.memory_space<vmem>>, vector<1x16xf32>,
        %get3A_146 = arith.index_cast %scan3A_119 : i32 to index
        %get3A_147 = arith.constant 48 : index
        %get3A_148 = tpu.vector_load %arg5[%get3A_146, %get3A_147] {strides = array<i32>} : memref<32x1024xf32, #tpu.memory_space<vmem>>, vector<1x16xf32>,
        %get3A_149 = vector.shape_cast %get3A_148 : vector<1x16xf32> to vector<16xf32>
        %swap3A_150 = arith.index_cast %scan3A_119 : i32 to index
        %swap3A_151 = arith.constant 48 : index
        %swap3A_152 = tpu.vector_load %arg6[%swap3A_150, %swap3A_151] {strides = array<i32>} : memref<32x1024xf32, #tpu.memory_space<vmem>>, vector<1x16xf32>,
        %swap3A_153 = vector.shape_cast %swap3A_152 : vector<1x16xf32> to vector<16xf32>
        %swap3A_154 = vector.shape_cast %get3A_149 : vector<16xf32> to vector<1x16xf32>
        tpu.vector_store %arg6[%swap3A_150, %swap3A_151], %swap3A_154 {add = true, strides = array<i32>} : memref<32x1024xf32, #tpu.memory_space<vmem>>, vector<1x16xf32>,
        %get3A_155 = arith.index_cast %scan3A_119 : i32 to index
        %get3A_156 = arith.constant 64 : index
        %get3A_157 = tpu.vector_load %arg5[%get3A_155, %get3A_156] {strides = array<i32>} : memref<32x1024xf32, #tpu.memory_space<vmem>>, vector<1x16xf32>,
        %get3A_158 = vector.shape_cast %get3A_157 : vector<1x16xf32> to vector<16xf32>
        %swap3A_159 = arith.index_cast %scan3A_119 : i32 to index
        %swap3A_160 = arith.constant 64 : index
        %swap3A_161 = tpu.vector_load %arg6[%swap3A_159, %swap3A_160] {strides = array<i32>} : memref<32x1024xf32, #tpu.memory_space<vmem>>, vector<1x16xf32>,
        %swap3A_162 = vector.shape_cast %swap3A_161 : vector<1x16xf32> to vector<16xf32>
        %swap3A_163 = vector.shape_cast %get3A_158 : vector<16xf32> to vector<1x16xf32>
        tpu.vector_store %arg6[%swap3A_159, %swap3A_160], %swap3A_163 {add = true, strides = array<i32>} : memref<32x1024xf32, #tpu.memory_space<vmem>>, vector<1x16xf32>,
        %get3A_164 = arith.index_cast %scan3A_119 : i32 to index
        %get3A_165 = arith.constant 80 : index
        %get3A_166 = tpu.vector_load %arg5[%get3A_164, %get3A_165] {strides = array<i32>} : memref<32x1024xf32, #tpu.memory_space<vmem>>, vector<1x16xf32>,
        %get3A_167 = vector.shape_cast %get3A_166 : vector<1x16xf32> to vector<16xf32>
        %swap3A_168 = arith.index_cast %scan3A_119 : i32 to index
        %swap3A_169 = arith.constant 80 : index
        %swap3A_170 = tpu.vector_load %arg6[%swap3A_168, %swap3A_169] {strides = array<i32>} : memref<32x1024xf32, #tpu.memory_space<vmem>>, vector<1x16xf32>,
        %swap3A_171 = vector.shape_cast %swap3A_170 : vector<1x16xf32> to vector<16xf32>
        %swap3A_172 = vector.shape_cast %get3A_167 : vector<16xf32> to vector<1x16xf32>
        tpu.vector_store %arg6[%swap3A_168, %swap3A_169], %swap3A_172 {add = true, strides = array<i32>} : memref<32x1024xf32, #tpu.memory_space<vmem>>, vector<1x16xf32>,
        %get3A_173 = arith.index_cast %scan3A_119 : i32 to index
        %get3A_174 = arith.constant 96 : index
        %get3A_175 = tpu.vector_load %arg5[%get3A_173, %get3A_174] {strides = array<i32>} : memref<32x1024xf32, #tpu.memory_space<vmem>>, vector<1x16xf32>,
        %get3A_176 = vector.shape_cast %get3A_175 : vector<1x16xf32> to vector<16xf32>
        %swap3A_177 = arith.index_cast %scan3A_119 : i32 to index
        %swap3A_178 = arith.constant 96 : index
        %swap3A_179 = tpu.vector_load %arg6[%swap3A_177, %swap3A_178] {strides = array<i32>} : memref<32x1024xf32, #tpu.memory_space<vmem>>, vector<1x16xf32>,
        %swap3A_180 = vector.shape_cast %swap3A_179 : vector<1x16xf32> to vector<16xf32>
        %swap3A_181 = vector.shape_cast %get3A_176 : vector<16xf32> to vector<1x16xf32>
        tpu.vector_store %arg6[%swap3A_177, %swap3A_178], %swap3A_181 {add = true, strides = array<i32>} : memref<32x1024xf32, #tpu.memory_space<vmem>>, vector<1x16xf32>,
        %get3A_182 = arith.index_cast %scan3A_119 : i32 to index
        %get3A_183 = arith.constant 112 : index
        %get3A_184 = tpu.vector_load %arg5[%get3A_182, %get3A_183] {strides = array<i32>} : memref<32x1024xf32, #tpu.memory_space<vmem>>, vector<1x16xf32>,
        %get3A_185 = vector.shape_cast %get3A_184 : vector<1x16xf32> to vector<16xf32>
        %swap3A_186 = arith.index_cast %scan3A_119 : i32 to index
        %swap3A_187 = arith.constant 112 : index
        %swap3A_188 = tpu.vector_load %arg6[%swap3A_186, %swap3A_187] {strides = array<i32>} : memref<32x1024xf32, #tpu.memory_space<vmem>>, vector<1x16xf32>,
        %swap3A_189 = vector.shape_cast %swap3A_188 : vector<1x16xf32> to vector<16xf32>
        %swap3A_190 = vector.shape_cast %get3A_185 : vector<16xf32> to vector<1x16xf32>
        tpu.vector_store %arg6[%swap3A_186, %swap3A_187], %swap3A_190 {add = true, strides = array<i32>} : memref<32x1024xf32, #tpu.memory_space<vmem>>, vector<1x16xf32>,
        %get3A_191 = arith.index_cast %scan3A_119 : i32 to index
        %get3A_192 = arith.constant 128 : index
        %get3A_193 = tpu.vector_load %arg5[%get3A_191, %get3A_192] {strides = array<i32>} : memref<32x1024xf32, #tpu.memory_space<vmem>>, vector<1x16xf32>,
        %get3A_194 = vector.shape_cast %get3A_193 : vector<1x16xf32> to vector<16xf32>
        %swap3A_195 = arith.index_cast %scan3A_119 : i32 to index
        %swap3A_196 = arith.constant 128 : index
        %swap3A_197 = tpu.vector_load %arg6[%swap3A_195, %swap3A_196] {strides = array<i32>} : memref<32x1024xf32, #tpu.memory_space<vmem>>, vector<1x16xf32>,
        %swap3A_198 = vector.shape_cast %swap3A_197 : vector<1x16xf32> to vector<16xf32>
        %swap3A_199 = vector.shape_cast %get3A_194 : vector<16xf32> to vector<1x16xf32>
        tpu.vector_store %arg6[%swap3A_195, %swap3A_196], %swap3A_199 {add = true, strides = array<i32>} : memref<32x1024xf32, #tpu.memory_space<vmem>>, vector<1x16xf32>,
        %get3A_200 = arith.index_cast %scan3A_119 : i32 to index
        %get3A_201 = arith.constant 144 : index
        %get3A_202 = tpu.vector_load %arg5[%get3A_200, %get3A_201] {strides = array<i32>} : memref<32x1024xf32, #tpu.memory_space<vmem>>, vector<1x16xf32>,
        %get3A_203 = vector.shape_cast %get3A_202 : vector<1x16xf32> to vector<16xf32>
        %swap3A_204 = arith.index_cast %scan3A_119 : i32 to index
        %swap3A_205 = arith.constant 144 : index
        %swap3A_206 = tpu.vector_load %arg6[%swap3A_204, %swap3A_205] {strides = array<i32>} : memref<32x1024xf32, #tpu.memory_space<vmem>>, vector<1x16xf32>,
        %swap3A_207 = vector.shape_cast %swap3A_206 : vector<1x16xf32> to vector<16xf32>
        %swap3A_208 = vector.shape_cast %get3A_203 : vector<16xf32> to vector<1x16xf32>
        tpu.vector_store %arg6[%swap3A_204, %swap3A_205], %swap3A_208 {add = true, strides = array<i32>} : memref<32x1024xf32, #tpu.memory_space<vmem>>, vector<1x16xf32>,
        %get3A_209 = arith.index_cast %scan3A_119 : i32 to index
        %get3A_210 = arith.constant 160 : index
        %get3A_211 = tpu.vector_load %arg5[%get3A_209, %get3A_210] {strides = array<i32>} : memref<32x1024xf32, #tpu.memory_space<vmem>>, vector<1x16xf32>,
        %get3A_212 = vector.shape_cast %get3A_211 : vector<1x16xf32> to vector<16xf32>
        %swap3A_213 = arith.index_cast %scan3A_119 : i32 to index
        %swap3A_214 = arith.constant 160 : index
        %swap3A_215 = tpu.vector_load %arg6[%swap3A_213, %swap3A_214] {strides = array<i32>} : memref<32x1024xf32, #tpu.memory_space<vmem>>, vector<1x16xf32>,
        %swap3A_216 = vector.shape_cast %swap3A_215 : vector<1x16xf32> to vector<16xf32>
        %swap3A_217 = vector.shape_cast %get3A_212 : vector<16xf32> to vector<1x16xf32>
        tpu.vector_store %arg6[%swap3A_213, %swap3A_214], %swap3A_217 {add = true, strides = array<i32>} : memref<32x1024xf32, #tpu.memory_space<vmem>>, vector<1x16xf32>,
        %get3A_218 = arith.index_cast %scan3A_119 : i32 to index
        %get3A_219 = arith.constant 176 : index
        %get3A_220 = tpu.vector_load %arg5[%get3A_218, %get3A_219] {strides = array<i32>} : memref<32x1024xf32, #tpu.memory_space<vmem>>, vector<1x16xf32>,
        %get3A_221 = vector.shape_cast %get3A_220 : vector<1x16xf32> to vector<16xf32>
        %swap3A_222 = arith.index_cast %scan3A_119 : i32 to index
        %swap3A_223 = arith.constant 176 : index
        %swap3A_224 = tpu.vector_load %arg6[%swap3A_222, %swap3A_223] {strides = array<i32>} : memref<32x1024xf32, #tpu.memory_space<vmem>>, vector<1x16xf32>,
        %swap3A_225 = vector.shape_cast %swap3A_224 : vector<1x16xf32> to vector<16xf32>
        %swap3A_226 = vector.shape_cast %get3A_221 : vector<16xf32> to vector<1x16xf32>
        tpu.vector_store %arg6[%swap3A_222, %swap3A_223], %swap3A_226 {add = true, strides = array<i32>} : memref<32x1024xf32, #tpu.memory_space<vmem>>, vector<1x16xf32>,
        %get3A_227 = arith.index_cast %scan3A_119 : i32 to index
        %get3A_228 = arith.constant 192 : index
        %get3A_229 = tpu.vector_load %arg5[%get3A_227, %get3A_228] {strides = array<i32>} : memref<32x1024xf32, #tpu.memory_space<vmem>>, vector<1x16xf32>,
        %get3A_230 = vector.shape_cast %get3A_229 : vector<1x16xf32> to vector<16xf32>
        %swap3A_231 = arith.index_cast %scan3A_119 : i32 to index
        %swap3A_232 = arith.constant 192 : index
        %swap3A_233 = tpu.vector_load %arg6[%swap3A_231, %swap3A_232] {strides = array<i32>} : memref<32x1024xf32, #tpu.memory_space<vmem>>, vector<1x16xf32>,
        %swap3A_234 = vector.shape_cast %swap3A_233 : vector<1x16xf32> to vector<16xf32>
        %swap3A_235 = vector.shape_cast %get3A_230 : vector<16xf32> to vector<1x16xf32>
        tpu.vector_store %arg6[%swap3A_231, %swap3A_232], %swap3A_235 {add = true, strides = array<i32>} : memref<32x1024xf32, #tpu.memory_space<vmem>>, vector<1x16xf32>,
        %get3A_236 = arith.index_cast %scan3A_119 : i32 to index
        %get3A_237 = arith.constant 208 : index
        %get3A_238 = tpu.vector_load %arg5[%get3A_236, %get3A_237] {strides = array<i32>} : memref<32x1024xf32, #tpu.memory_space<vmem>>, vector<1x16xf32>,
        %get3A_239 = vector.shape_cast %get3A_238 : vector<1x16xf32> to vector<16xf32>
        %swap3A_240 = arith.index_cast %scan3A_119 : i32 to index
        %swap3A_241 = arith.constant 208 : index
        %swap3A_242 = tpu.vector_load %arg6[%swap3A_240, %swap3A_241] {strides = array<i32>} : memref<32x1024xf32, #tpu.memory_space<vmem>>, vector<1x16xf32>,
        %swap3A_243 = vector.shape_cast %swap3A_242 : vector<1x16xf32> to vector<16xf32>
        %swap3A_244 = vector.shape_cast %get3A_239 : vector<16xf32> to vector<1x16xf32>
        tpu.vector_store %arg6[%swap3A_240, %swap3A_241], %swap3A_244 {add = true, strides = array<i32>} : memref<32x1024xf32, #tpu.memory_space<vmem>>, vector<1x16xf32>,
        %get3A_245 = arith.index_cast %scan3A_119 : i32 to index
        %get3A_246 = arith.constant 224 : index
        %get3A_247 = tpu.vector_load %arg5[%get3A_245, %get3A_246] {strides = array<i32>} : memref<32x1024xf32, #tpu.memory_space<vmem>>, vector<1x16xf32>,
        %get3A_248 = vector.shape_cast %get3A_247 : vector<1x16xf32> to vector<16xf32>
        %swap3A_249 = arith.index_cast %scan3A_119 : i32 to index
        %swap3A_250 = arith.constant 224 : index
        %swap3A_251 = tpu.vector_load %arg6[%swap3A_249, %swap3A_250] {strides = array<i32>} : memref<32x1024xf32, #tpu.memory_space<vmem>>, vector<1x16xf32>,
        %swap3A_252 = vector.shape_cast %swap3A_251 : vector<1x16xf32> to vector<16xf32>
        %swap3A_253 = vector.shape_cast %get3A_248 : vector<16xf32> to vector<1x16xf32>
        tpu.vector_store %arg6[%swap3A_249, %swap3A_250], %swap3A_253 {add = true, strides = array<i32>} : memref<32x1024xf32, #tpu.memory_space<vmem>>, vector<1x16xf32>,
        %get3A_254 = arith.index_cast %scan3A_119 : i32 to index
        %get3A_255 = arith.constant 240 : index
        %get3A_256 = tpu.vector_load %arg5[%get3A_254, %get3A_255] {strides = array<i32>} : memref<32x1024xf32, #tpu.memory_space<vmem>>, vector<1x16xf32>,
        %get3A_257 = vector.shape_cast %get3A_256 : vector<1x16xf32> to vector<16xf32>
        %swap3A_258 = arith.index_cast %scan3A_119 : i32 to index
        %swap3A_259 = arith.constant 240 : index
        %swap3A_260 = tpu.vector_load %arg6[%swap3A_258, %swap3A_259] {strides = array<i32>} : memref<32x1024xf32, #tpu.memory_space<vmem>>, vector<1x16xf32>,
        %swap3A_261 = vector.shape_cast %swap3A_260 : vector<1x16xf32> to vector<16xf32>
        %swap3A_262 = vector.shape_cast %get3A_257 : vector<16xf32> to vector<1x16xf32>
        tpu.vector_store %arg6[%swap3A_258, %swap3A_259], %swap3A_262 {add = true, strides = array<i32>} : memref<32x1024xf32, #tpu.memory_space<vmem>>, vector<1x16xf32>,
        %get3A_263 = arith.index_cast %scan3A_119 : i32 to index
        %get3A_264 = arith.constant 256 : index
        %get3A_265 = tpu.vector_load %arg5[%get3A_263, %get3A_264] {strides = array<i32>} : memref<32x1024xf32, #tpu.memory_space<vmem>>, vector<1x16xf32>,
        %get3A_266 = vector.shape_cast %get3A_265 : vector<1x16xf32> to vector<16xf32>
        %swap3A_267 = arith.index_cast %scan3A_119 : i32 to index
        %swap3A_268 = arith.constant 256 : index
        %swap3A_269 = tpu.vector_load %arg6[%swap3A_267, %swap3A_268] {strides = array<i32>} : memref<32x1024xf32, #tpu.memory_space<vmem>>, vector<1x16xf32>,
        %swap3A_270 = vector.shape_cast %swap3A_269 : vector<1x16xf32> to vector<16xf32>
        %swap3A_271 = vector.shape_cast %get3A_266 : vector<16xf32> to vector<1x16xf32>
        tpu.vector_store %arg6[%swap3A_267, %swap3A_268], %swap3A_271 {add = true, strides = array<i32>} : memref<32x1024xf32, #tpu.memory_space<vmem>>, vector<1x16xf32>,
        %get3A_272 = arith.index_cast %scan3A_119 : i32 to index
        %get3A_273 = arith.constant 272 : index
        %get3A_274 = tpu.vector_load %arg5[%get3A_272, %get3A_273] {strides = array<i32>} : memref<32x1024xf32, #tpu.memory_space<vmem>>, vector<1x16xf32>,
        %get3A_275 = vector.shape_cast %get3A_274 : vector<1x16xf32> to vector<16xf32>
        %swap3A_276 = arith.index_cast %scan3A_119 : i32 to index
        %swap3A_277 = arith.constant 272 : index
        %swap3A_278 = tpu.vector_load %arg6[%swap3A_276, %swap3A_277] {strides = array<i32>} : memref<32x1024xf32, #tpu.memory_space<vmem>>, vector<1x16xf32>,
        %swap3A_279 = vector.shape_cast %swap3A_278 : vector<1x16xf32> to vector<16xf32>
        %swap3A_280 = vector.shape_cast %get3A_275 : vector<16xf32> to vector<1x16xf32>
        tpu.vector_store %arg6[%swap3A_276, %swap3A_277], %swap3A_280 {add = true, strides = array<i32>} : memref<32x1024xf32, #tpu.memory_space<vmem>>, vector<1x16xf32>,
        %get3A_281 = arith.index_cast %scan3A_119 : i32 to index
        %get3A_282 = arith.constant 288 : index
        %get3A_283 = tpu.vector_load %arg5[%get3A_281, %get3A_282] {strides = array<i32>} : memref<32x1024xf32, #tpu.memory_space<vmem>>, vector<1x16xf32>,
        %get3A_284 = vector.shape_cast %get3A_283 : vector<1x16xf32> to vector<16xf32>
        %swap3A_285 = arith.index_cast %scan3A_119 : i32 to index
        %swap3A_286 = arith.constant 288 : index
        %swap3A_287 = tpu.vector_load %arg6[%swap3A_285, %swap3A_286] {strides = array<i32>} : memref<32x1024xf32, #tpu.memory_space<vmem>>, vector<1x16xf32>,
        %swap3A_288 = vector.shape_cast %swap3A_287 : vector<1x16xf32> to vector<16xf32>
        %swap3A_289 = vector.shape_cast %get3A_284 : vector<16xf32> to vector<1x16xf32>
        tpu.vector_store %arg6[%swap3A_285, %swap3A_286], %swap3A_289 {add = true, strides = array<i32>} : memref<32x1024xf32, #tpu.memory_space<vmem>>, vector<1x16xf32>,
        %get3A_290 = arith.index_cast %scan3A_119 : i32 to index
        %get3A_291 = arith.constant 304 : index
        %get3A_292 = tpu.vector_load %arg5[%get3A_290, %get3A_291] {strides = array<i32>} : memref<32x1024xf32, #tpu.memory_space<vmem>>, vector<1x16xf32>,
        %get3A_293 = vector.shape_cast %get3A_292 : vector<1x16xf32> to vector<16xf32>
        %swap3A_294 = arith.index_cast %scan3A_119 : i32 to index
        %swap3A_295 = arith.constant 304 : index
        %swap3A_296 = tpu.vector_load %arg6[%swap3A_294, %swap3A_295] {strides = array<i32>} : memref<32x1024xf32, #tpu.memory_space<vmem>>, vector<1x16xf32>,
        %swap3A_297 = vector.shape_cast %swap3A_296 : vector<1x16xf32> to vector<16xf32>
        %swap3A_298 = vector.shape_cast %get3A_293 : vector<16xf32> to vector<1x16xf32>
        tpu.vector_store %arg6[%swap3A_294, %swap3A_295], %swap3A_298 {add = true, strides = array<i32>} : memref<32x1024xf32, #tpu.memory_space<vmem>>, vector<1x16xf32>,
        %get3A_299 = arith.index_cast %scan3A_119 : i32 to index
        %get3A_300 = arith.constant 320 : index
        %get3A_301 = tpu.vector_load %arg5[%get3A_299, %get3A_300] {strides = array<i32>} : memref<32x1024xf32, #tpu.memory_space<vmem>>, vector<1x16xf32>,
        %get3A_302 = vector.shape_cast %get3A_301 : vector<1x16xf32> to vector<16xf32>
        %swap3A_303 = arith.index_cast %scan3A_119 : i32 to index
        %swap3A_304 = arith.constant 320 : index
        %swap3A_305 = tpu.vector_load %arg6[%swap3A_303, %swap3A_304] {strides = array<i32>} : memref<32x1024xf32, #tpu.memory_space<vmem>>, vector<1x16xf32>,
        %swap3A_306 = vector.shape_cast %swap3A_305 : vector<1x16xf32> to vector<16xf32>
        %swap3A_307 = vector.shape_cast %get3A_302 : vector<16xf32> to vector<1x16xf32>
        tpu.vector_store %arg6[%swap3A_303, %swap3A_304], %swap3A_307 {add = true, strides = array<i32>} : memref<32x1024xf32, #tpu.memory_space<vmem>>, vector<1x16xf32>,
        %get3A_308 = arith.index_cast %scan3A_119 : i32 to index
        %get3A_309 = arith.constant 336 : index
        %get3A_310 = tpu.vector_load %arg5[%get3A_308, %get3A_309] {strides = array<i32>} : memref<32x1024xf32, #tpu.memory_space<vmem>>, vector<1x16xf32>,
        %get3A_311 = vector.shape_cast %get3A_310 : vector<1x16xf32> to vector<16xf32>
        %swap3A_312 = arith.index_cast %scan3A_119 : i32 to index
        %swap3A_313 = arith.constant 336 : index
        %swap3A_314 = tpu.vector_load %arg6[%swap3A_312, %swap3A_313] {strides = array<i32>} : memref<32x1024xf32, #tpu.memory_space<vmem>>, vector<1x16xf32>,
        %swap3A_315 = vector.shape_cast %swap3A_314 : vector<1x16xf32> to vector<16xf32>
        %swap3A_316 = vector.shape_cast %get3A_311 : vector<16xf32> to vector<1x16xf32>
        tpu.vector_store %arg6[%swap3A_312, %swap3A_313], %swap3A_316 {add = true, strides = array<i32>} : memref<32x1024xf32, #tpu.memory_space<vmem>>, vector<1x16xf32>,
        %get3A_317 = arith.index_cast %scan3A_119 : i32 to index
        %get3A_318 = arith.constant 352 : index
        %get3A_319 = tpu.vector_load %arg5[%get3A_317, %get3A_318] {strides = array<i32>} : memref<32x1024xf32, #tpu.memory_space<vmem>>, vector<1x16xf32>,
        %get3A_320 = vector.shape_cast %get3A_319 : vector<1x16xf32> to vector<16xf32>
        %swap3A_321 = arith.index_cast %scan3A_119 : i32 to index
        %swap3A_322 = arith.constant 352 : index
        %swap3A_323 = tpu.vector_load %arg6[%swap3A_321, %swap3A_322] {strides = array<i32>} : memref<32x1024xf32, #tpu.memory_space<vmem>>, vector<1x16xf32>,
        %swap3A_324 = vector.shape_cast %swap3A_323 : vector<1x16xf32> to vector<16xf32>
        %swap3A_325 = vector.shape_cast %get3A_320 : vector<16xf32> to vector<1x16xf32>
        tpu.vector_store %arg6[%swap3A_321, %swap3A_322], %swap3A_325 {add = true, strides = array<i32>} : memref<32x1024xf32, #tpu.memory_space<vmem>>, vector<1x16xf32>,
        %get3A_326 = arith.index_cast %scan3A_119 : i32 to index
        %get3A_327 = arith.constant 368 : index
        %get3A_328 = tpu.vector_load %arg5[%get3A_326, %get3A_327] {strides = array<i32>} : memref<32x1024xf32, #tpu.memory_space<vmem>>, vector<1x16xf32>,
        %get3A_329 = vector.shape_cast %get3A_328 : vector<1x16xf32> to vector<16xf32>
        %swap3A_330 = arith.index_cast %scan3A_119 : i32 to index
        %swap3A_331 = arith.constant 368 : index
        %swap3A_332 = tpu.vector_load %arg6[%swap3A_330, %swap3A_331] {strides = array<i32>} : memref<32x1024xf32, #tpu.memory_space<vmem>>, vector<1x16xf32>,
        %swap3A_333 = vector.shape_cast %swap3A_332 : vector<1x16xf32> to vector<16xf32>
        %swap3A_334 = vector.shape_cast %get3A_329 : vector<16xf32> to vector<1x16xf32>
        tpu.vector_store %arg6[%swap3A_330, %swap3A_331], %swap3A_334 {add = true, strides = array<i32>} : memref<32x1024xf32, #tpu.memory_space<vmem>>, vector<1x16xf32>,
        %get3A_335 = arith.index_cast %scan3A_119 : i32 to index
        %get3A_336 = arith.constant 384 : index
        %get3A_337 = tpu.vector_load %arg5[%get3A_335, %get3A_336] {strides = array<i32>} : memref<32x1024xf32, #tpu.memory_space<vmem>>, vector<1x16xf32>,
        %get3A_338 = vector.shape_cast %get3A_337 : vector<1x16xf32> to vector<16xf32>
        %swap3A_339 = arith.index_cast %scan3A_119 : i32 to index
        %swap3A_340 = arith.constant 384 : index
        %swap3A_341 = tpu.vector_load %arg6[%swap3A_339, %swap3A_340] {strides = array<i32>} : memref<32x1024xf32, #tpu.memory_space<vmem>>, vector<1x16xf32>,
        %swap3A_342 = vector.shape_cast %swap3A_341 : vector<1x16xf32> to vector<16xf32>
        %swap3A_343 = vector.shape_cast %get3A_338 : vector<16xf32> to vector<1x16xf32>
        tpu.vector_store %arg6[%swap3A_339, %swap3A_340], %swap3A_343 {add = true, strides = array<i32>} : memref<32x1024xf32, #tpu.memory_space<vmem>>, vector<1x16xf32>,
        %get3A_344 = arith.index_cast %scan3A_119 : i32 to index
        %get3A_345 = arith.constant 400 : index
        %get3A_346 = tpu.vector_load %arg5[%get3A_344, %get3A_345] {strides = array<i32>} : memref<32x1024xf32, #tpu.memory_space<vmem>>, vector<1x16xf32>,
        %get3A_347 = vector.shape_cast %get3A_346 : vector<1x16xf32> to vector<16xf32>
        %swap3A_348 = arith.index_cast %scan3A_119 : i32 to index
        %swap3A_349 = arith.constant 400 : index
        %swap3A_350 = tpu.vector_load %arg6[%swap3A_348, %swap3A_349] {strides = array<i32>} : memref<32x1024xf32, #tpu.memory_space<vmem>>, vector<1x16xf32>,
        %swap3A_351 = vector.shape_cast %swap3A_350 : vector<1x16xf32> to vector<16xf32>
        %swap3A_352 = vector.shape_cast %get3A_347 : vector<16xf32> to vector<1x16xf32>
        tpu.vector_store %arg6[%swap3A_348, %swap3A_349], %swap3A_352 {add = true, strides = array<i32>} : memref<32x1024xf32, #tpu.memory_space<vmem>>, vector<1x16xf32>,
        %get3A_353 = arith.index_cast %scan3A_119 : i32 to index
        %get3A_354 = arith.constant 416 : index
        %get3A_355 = tpu.vector_load %arg5[%get3A_353, %get3A_354] {strides = array<i32>} : memref<32x1024xf32, #tpu.memory_space<vmem>>, vector<1x16xf32>,
        %get3A_356 = vector.shape_cast %get3A_355 : vector<1x16xf32> to vector<16xf32>
        %swap3A_357 = arith.index_cast %scan3A_119 : i32 to index
        %swap3A_358 = arith.constant 416 : index
        %swap3A_359 = tpu.vector_load %arg6[%swap3A_357, %swap3A_358] {strides = array<i32>} : memref<32x1024xf32, #tpu.memory_space<vmem>>, vector<1x16xf32>,
        %swap3A_360 = vector.shape_cast %swap3A_359 : vector<1x16xf32> to vector<16xf32>
        %swap3A_361 = vector.shape_cast %get3A_356 : vector<16xf32> to vector<1x16xf32>
        tpu.vector_store %arg6[%swap3A_357, %swap3A_358], %swap3A_361 {add = true, strides = array<i32>} : memref<32x1024xf32, #tpu.memory_space<vmem>>, vector<1x16xf32>,
        %get3A_362 = arith.index_cast %scan3A_119 : i32 to index
        %get3A_363 = arith.constant 432 : index
        %get3A_364 = tpu.vector_load %arg5[%get3A_362, %get3A_363] {strides = array<i32>} : memref<32x1024xf32, #tpu.memory_space<vmem>>, vector<1x16xf32>,
        %get3A_365 = vector.shape_cast %get3A_364 : vector<1x16xf32> to vector<16xf32>
        %swap3A_366 = arith.index_cast %scan3A_119 : i32 to index
        %swap3A_367 = arith.constant 432 : index
        %swap3A_368 = tpu.vector_load %arg6[%swap3A_366, %swap3A_367] {strides = array<i32>} : memref<32x1024xf32, #tpu.memory_space<vmem>>, vector<1x16xf32>,
        %swap3A_369 = vector.shape_cast %swap3A_368 : vector<1x16xf32> to vector<16xf32>
        %swap3A_370 = vector.shape_cast %get3A_365 : vector<16xf32> to vector<1x16xf32>
        tpu.vector_store %arg6[%swap3A_366, %swap3A_367], %swap3A_370 {add = true, strides = array<i32>} : memref<32x1024xf32, #tpu.memory_space<vmem>>, vector<1x16xf32>,
        %get3A_371 = arith.index_cast %scan3A_119 : i32 to index
        %get3A_372 = arith.constant 448 : index
        %get3A_373 = tpu.vector_load %arg5[%get3A_371, %get3A_372] {strides = array<i32>} : memref<32x1024xf32, #tpu.memory_space<vmem>>, vector<1x16xf32>,
        %get3A_374 = vector.shape_cast %get3A_373 : vector<1x16xf32> to vector<16xf32>
        %swap3A_375 = arith.index_cast %scan3A_119 : i32 to index
        %swap3A_376 = arith.constant 448 : index
        %swap3A_377 = tpu.vector_load %arg6[%swap3A_375, %swap3A_376] {strides = array<i32>} : memref<32x1024xf32, #tpu.memory_space<vmem>>, vector<1x16xf32>,
        %swap3A_378 = vector.shape_cast %swap3A_377 : vector<1x16xf32> to vector<16xf32>
        %swap3A_379 = vector.shape_cast %get3A_374 : vector<16xf32> to vector<1x16xf32>
        tpu.vector_store %arg6[%swap3A_375, %swap3A_376], %swap3A_379 {add = true, strides = array<i32>} : memref<32x1024xf32, #tpu.memory_space<vmem>>, vector<1x16xf32>,
        %get3A_380 = arith.index_cast %scan3A_119 : i32 to index
        %get3A_381 = arith.constant 464 : index
        %get3A_382 = tpu.vector_load %arg5[%get3A_380, %get3A_381] {strides = array<i32>} : memref<32x1024xf32, #tpu.memory_space<vmem>>, vector<1x16xf32>,
        %get3A_383 = vector.shape_cast %get3A_382 : vector<1x16xf32> to vector<16xf32>
        %swap3A_384 = arith.index_cast %scan3A_119 : i32 to index
        %swap3A_385 = arith.constant 464 : index
        %swap3A_386 = tpu.vector_load %arg6[%swap3A_384, %swap3A_385] {strides = array<i32>} : memref<32x1024xf32, #tpu.memory_space<vmem>>, vector<1x16xf32>,
        %swap3A_387 = vector.shape_cast %swap3A_386 : vector<1x16xf32> to vector<16xf32>
        %swap3A_388 = vector.shape_cast %get3A_383 : vector<16xf32> to vector<1x16xf32>
        tpu.vector_store %arg6[%swap3A_384, %swap3A_385], %swap3A_388 {add = true, strides = array<i32>} : memref<32x1024xf32, #tpu.memory_space<vmem>>, vector<1x16xf32>,
        %get3A_389 = arith.index_cast %scan3A_119 : i32 to index
        %get3A_390 = arith.constant 480 : index
        %get3A_391 = tpu.vector_load %arg5[%get3A_389, %get3A_390] {strides = array<i32>} : memref<32x1024xf32, #tpu.memory_space<vmem>>, vector<1x16xf32>,
        %get3A_392 = vector.shape_cast %get3A_391 : vector<1x16xf32> to vector<16xf32>
        %swap3A_393 = arith.index_cast %scan3A_119 : i32 to index
        %swap3A_394 = arith.constant 480 : index
        %swap3A_395 = tpu.vector_load %arg6[%swap3A_393, %swap3A_394] {strides = array<i32>} : memref<32x1024xf32, #tpu.memory_space<vmem>>, vector<1x16xf32>,
        %swap3A_396 = vector.shape_cast %swap3A_395 : vector<1x16xf32> to vector<16xf32>
        %swap3A_397 = vector.shape_cast %get3A_392 : vector<16xf32> to vector<1x16xf32>
        tpu.vector_store %arg6[%swap3A_393, %swap3A_394], %swap3A_397 {add = true, strides = array<i32>} : memref<32x1024xf32, #tpu.memory_space<vmem>>, vector<1x16xf32>,
        %get3A_398 = arith.index_cast %scan3A_119 : i32 to index
        %get3A_399 = arith.constant 496 : index
        %get3A_400 = tpu.vector_load %arg5[%get3A_398, %get3A_399] {strides = array<i32>} : memref<32x1024xf32, #tpu.memory_space<vmem>>, vector<1x16xf32>,
        %get3A_401 = vector.shape_cast %get3A_400 : vector<1x16xf32> to vector<16xf32>
        %swap3A_402 = arith.index_cast %scan3A_119 : i32 to index
        %swap3A_403 = arith.constant 496 : index
        %swap3A_404 = tpu.vector_load %arg6[%swap3A_402, %swap3A_403] {strides = array<i32>} : memref<32x1024xf32, #tpu.memory_space<vmem>>, vector<1x16xf32>,
        %swap3A_405 = vector.shape_cast %swap3A_404 : vector<1x16xf32> to vector<16xf32>
        %swap3A_406 = vector.shape_cast %get3A_401 : vector<16xf32> to vector<1x16xf32>
        tpu.vector_store %arg6[%swap3A_402, %swap3A_403], %swap3A_406 {add = true, strides = array<i32>} : memref<32x1024xf32, #tpu.memory_space<vmem>>, vector<1x16xf32>,
        %get3A_407 = arith.index_cast %scan3A_119 : i32 to index
        %get3A_408 = arith.constant 512 : index
        %get3A_409 = tpu.vector_load %arg5[%get3A_407, %get3A_408] {strides = array<i32>} : memref<32x1024xf32, #tpu.memory_space<vmem>>, vector<1x16xf32>,
        %get3A_410 = vector.shape_cast %get3A_409 : vector<1x16xf32> to vector<16xf32>
        %swap3A_411 = arith.index_cast %scan3A_119 : i32 to index
        %swap3A_412 = arith.constant 512 : index
        %swap3A_413 = tpu.vector_load %arg6[%swap3A_411, %swap3A_412] {strides = array<i32>} : memref<32x1024xf32, #tpu.memory_space<vmem>>, vector<1x16xf32>,
        %swap3A_414 = vector.shape_cast %swap3A_413 : vector<1x16xf32> to vector<16xf32>
        %swap3A_415 = vector.shape_cast %get3A_410 : vector<16xf32> to vector<1x16xf32>
        tpu.vector_store %arg6[%swap3A_411, %swap3A_412], %swap3A_415 {add = true, strides = array<i32>} : memref<32x1024xf32, #tpu.memory_space<vmem>>, vector<1x16xf32>,
        %get3A_416 = arith.index_cast %scan3A_119 : i32 to index
        %get3A_417 = arith.constant 528 : index
        %get3A_418 = tpu.vector_load %arg5[%get3A_416, %get3A_417] {strides = array<i32>} : memref<32x1024xf32, #tpu.memory_space<vmem>>, vector<1x16xf32>,
        %get3A_419 = vector.shape_cast %get3A_418 : vector<1x16xf32> to vector<16xf32>
        %swap3A_420 = arith.index_cast %scan3A_119 : i32 to index
        %swap3A_421 = arith.constant 528 : index
        %swap3A_422 = tpu.vector_load %arg6[%swap3A_420, %swap3A_421] {strides = array<i32>} : memref<32x1024xf32, #tpu.memory_space<vmem>>, vector<1x16xf32>,
        %swap3A_423 = vector.shape_cast %swap3A_422 : vector<1x16xf32> to vector<16xf32>
        %swap3A_424 = vector.shape_cast %get3A_419 : vector<16xf32> to vector<1x16xf32>
        tpu.vector_store %arg6[%swap3A_420, %swap3A_421], %swap3A_424 {add = true, strides = array<i32>} : memref<32x1024xf32, #tpu.memory_space<vmem>>, vector<1x16xf32>,
        %get3A_425 = arith.index_cast %scan3A_119 : i32 to index
        %get3A_426 = arith.constant 544 : index
        %get3A_427 = tpu.vector_load %arg5[%get3A_425, %get3A_426] {strides = array<i32>} : memref<32x1024xf32, #tpu.memory_space<vmem>>, vector<1x16xf32>,
        %get3A_428 = vector.shape_cast %get3A_427 : vector<1x16xf32> to vector<16xf32>
        %swap3A_429 = arith.index_cast %scan3A_119 : i32 to index
        %swap3A_430 = arith.constant 544 : index
        %swap3A_431 = tpu.vector_load %arg6[%swap3A_429, %swap3A_430] {strides = array<i32>} : memref<32x1024xf32, #tpu.memory_space<vmem>>, vector<1x16xf32>,
        %swap3A_432 = vector.shape_cast %swap3A_431 : vector<1x16xf32> to vector<16xf32>
        %swap3A_433 = vector.shape_cast %get3A_428 : vector<16xf32> to vector<1x16xf32>
        tpu.vector_store %arg6[%swap3A_429, %swap3A_430], %swap3A_433 {add = true, strides = array<i32>} : memref<32x1024xf32, #tpu.memory_space<vmem>>, vector<1x16xf32>,
        %get3A_434 = arith.index_cast %scan3A_119 : i32 to index
        %get3A_435 = arith.constant 560 : index
        %get3A_436 = tpu.vector_load %arg5[%get3A_434, %get3A_435] {strides = array<i32>} : memref<32x1024xf32, #tpu.memory_space<vmem>>, vector<1x16xf32>,
        %get3A_437 = vector.shape_cast %get3A_436 : vector<1x16xf32> to vector<16xf32>
        %swap3A_438 = arith.index_cast %scan3A_119 : i32 to index
        %swap3A_439 = arith.constant 560 : index
        %swap3A_440 = tpu.vector_load %arg6[%swap3A_438, %swap3A_439] {strides = array<i32>} : memref<32x1024xf32, #tpu.memory_space<vmem>>, vector<1x16xf32>,
        %swap3A_441 = vector.shape_cast %swap3A_440 : vector<1x16xf32> to vector<16xf32>
        %swap3A_442 = vector.shape_cast %get3A_437 : vector<16xf32> to vector<1x16xf32>
        tpu.vector_store %arg6[%swap3A_438, %swap3A_439], %swap3A_442 {add = true, strides = array<i32>} : memref<32x1024xf32, #tpu.memory_space<vmem>>, vector<1x16xf32>,
        %get3A_443 = arith.index_cast %scan3A_119 : i32 to index
        %get3A_444 = arith.constant 576 : index
        %get3A_445 = tpu.vector_load %arg5[%get3A_443, %get3A_444] {strides = array<i32>} : memref<32x1024xf32, #tpu.memory_space<vmem>>, vector<1x16xf32>,
        %get3A_446 = vector.shape_cast %get3A_445 : vector<1x16xf32> to vector<16xf32>
        %swap3A_447 = arith.index_cast %scan3A_119 : i32 to index
        %swap3A_448 = arith.constant 576 : index
        %swap3A_449 = tpu.vector_load %arg6[%swap3A_447, %swap3A_448] {strides = array<i32>} : memref<32x1024xf32, #tpu.memory_space<vmem>>, vector<1x16xf32>,
        %swap3A_450 = vector.shape_cast %swap3A_449 : vector<1x16xf32> to vector<16xf32>
        %swap3A_451 = vector.shape_cast %get3A_446 : vector<16xf32> to vector<1x16xf32>
        tpu.vector_store %arg6[%swap3A_447, %swap3A_448], %swap3A_451 {add = true, strides = array<i32>} : memref<32x1024xf32, #tpu.memory_space<vmem>>, vector<1x16xf32>,
        %get3A_452 = arith.index_cast %scan3A_119 : i32 to index
        %get3A_453 = arith.constant 592 : index
        %get3A_454 = tpu.vector_load %arg5[%get3A_452, %get3A_453] {strides = array<i32>} : memref<32x1024xf32, #tpu.memory_space<vmem>>, vector<1x16xf32>,
        %get3A_455 = vector.shape_cast %get3A_454 : vector<1x16xf32> to vector<16xf32>
        %swap3A_456 = arith.index_cast %scan3A_119 : i32 to index
        %swap3A_457 = arith.constant 592 : index
        %swap3A_458 = tpu.vector_load %arg6[%swap3A_456, %swap3A_457] {strides = array<i32>} : memref<32x1024xf32, #tpu.memory_space<vmem>>, vector<1x16xf32>,
        %swap3A_459 = vector.shape_cast %swap3A_458 : vector<1x16xf32> to vector<16xf32>
        %swap3A_460 = vector.shape_cast %get3A_455 : vector<16xf32> to vector<1x16xf32>
        tpu.vector_store %arg6[%swap3A_456, %swap3A_457], %swap3A_460 {add = true, strides = array<i32>} : memref<32x1024xf32, #tpu.memory_space<vmem>>, vector<1x16xf32>,
        %get3A_461 = arith.index_cast %scan3A_119 : i32 to index
        %get3A_462 = arith.constant 608 : index
        %get3A_463 = tpu.vector_load %arg5[%get3A_461, %get3A_462] {strides = array<i32>} : memref<32x1024xf32, #tpu.memory_space<vmem>>, vector<1x16xf32>,
        %get3A_464 = vector.shape_cast %get3A_463 : vector<1x16xf32> to vector<16xf32>
        %swap3A_465 = arith.index_cast %scan3A_119 : i32 to index
        %swap3A_466 = arith.constant 608 : index
        %swap3A_467 = tpu.vector_load %arg6[%swap3A_465, %swap3A_466] {strides = array<i32>} : memref<32x1024xf32, #tpu.memory_space<vmem>>, vector<1x16xf32>,
        %swap3A_468 = vector.shape_cast %swap3A_467 : vector<1x16xf32> to vector<16xf32>
        %swap3A_469 = vector.shape_cast %get3A_464 : vector<16xf32> to vector<1x16xf32>
        tpu.vector_store %arg6[%swap3A_465, %swap3A_466], %swap3A_469 {add = true, strides = array<i32>} : memref<32x1024xf32, #tpu.memory_space<vmem>>, vector<1x16xf32>,
        %get3A_470 = arith.index_cast %scan3A_119 : i32 to index
        %get3A_471 = arith.constant 624 : index
        %get3A_472 = tpu.vector_load %arg5[%get3A_470, %get3A_471] {strides = array<i32>} : memref<32x1024xf32, #tpu.memory_space<vmem>>, vector<1x16xf32>,
        %get3A_473 = vector.shape_cast %get3A_472 : vector<1x16xf32> to vector<16xf32>
        %swap3A_474 = arith.index_cast %scan3A_119 : i32 to index
        %swap3A_475 = arith.constant 624 : index
        %swap3A_476 = tpu.vector_load %arg6[%swap3A_474, %swap3A_475] {strides = array<i32>} : memref<32x1024xf32, #tpu.memory_space<vmem>>, vector<1x16xf32>,
        %swap3A_477 = vector.shape_cast %swap3A_476 : vector<1x16xf32> to vector<16xf32>
        %swap3A_478 = vector.shape_cast %get3A_473 : vector<16xf32> to vector<1x16xf32>
        tpu.vector_store %arg6[%swap3A_474, %swap3A_475], %swap3A_478 {add = true, strides = array<i32>} : memref<32x1024xf32, #tpu.memory_space<vmem>>, vector<1x16xf32>,
        %get3A_479 = arith.index_cast %scan3A_119 : i32 to index
        %get3A_480 = arith.constant 640 : index
        %get3A_481 = tpu.vector_load %arg5[%get3A_479, %get3A_480] {strides = array<i32>} : memref<32x1024xf32, #tpu.memory_space<vmem>>, vector<1x16xf32>,
        %get3A_482 = vector.shape_cast %get3A_481 : vector<1x16xf32> to vector<16xf32>
        %swap3A_483 = arith.index_cast %scan3A_119 : i32 to index
        %swap3A_484 = arith.constant 640 : index
        %swap3A_485 = tpu.vector_load %arg6[%swap3A_483, %swap3A_484] {strides = array<i32>} : memref<32x1024xf32, #tpu.memory_space<vmem>>, vector<1x16xf32>,
        %swap3A_486 = vector.shape_cast %swap3A_485 : vector<1x16xf32> to vector<16xf32>
        %swap3A_487 = vector.shape_cast %get3A_482 : vector<16xf32> to vector<1x16xf32>
        tpu.vector_store %arg6[%swap3A_483, %swap3A_484], %swap3A_487 {add = true, strides = array<i32>} : memref<32x1024xf32, #tpu.memory_space<vmem>>, vector<1x16xf32>,
        %get3A_488 = arith.index_cast %scan3A_119 : i32 to index
        %get3A_489 = arith.constant 656 : index
        %get3A_490 = tpu.vector_load %arg5[%get3A_488, %get3A_489] {strides = array<i32>} : memref<32x1024xf32, #tpu.memory_space<vmem>>, vector<1x16xf32>,
        %get3A_491 = vector.shape_cast %get3A_490 : vector<1x16xf32> to vector<16xf32>
        %swap3A_492 = arith.index_cast %scan3A_119 : i32 to index
        %swap3A_493 = arith.constant 656 : index
        %swap3A_494 = tpu.vector_load %arg6[%swap3A_492, %swap3A_493] {strides = array<i32>} : memref<32x1024xf32, #tpu.memory_space<vmem>>, vector<1x16xf32>,
        %swap3A_495 = vector.shape_cast %swap3A_494 : vector<1x16xf32> to vector<16xf32>
        %swap3A_496 = vector.shape_cast %get3A_491 : vector<16xf32> to vector<1x16xf32>
        tpu.vector_store %arg6[%swap3A_492, %swap3A_493], %swap3A_496 {add = true, strides = array<i32>} : memref<32x1024xf32, #tpu.memory_space<vmem>>, vector<1x16xf32>,
        %get3A_497 = arith.index_cast %scan3A_119 : i32 to index
        %get3A_498 = arith.constant 672 : index
        %get3A_499 = tpu.vector_load %arg5[%get3A_497, %get3A_498] {strides = array<i32>} : memref<32x1024xf32, #tpu.memory_space<vmem>>, vector<1x16xf32>,
        %get3A_500 = vector.shape_cast %get3A_499 : vector<1x16xf32> to vector<16xf32>
        %swap3A_501 = arith.index_cast %scan3A_119 : i32 to index
        %swap3A_502 = arith.constant 672 : index
        %swap3A_503 = tpu.vector_load %arg6[%swap3A_501, %swap3A_502] {strides = array<i32>} : memref<32x1024xf32, #tpu.memory_space<vmem>>, vector<1x16xf32>,
        %swap3A_504 = vector.shape_cast %swap3A_503 : vector<1x16xf32> to vector<16xf32>
        %swap3A_505 = vector.shape_cast %get3A_500 : vector<16xf32> to vector<1x16xf32>
        tpu.vector_store %arg6[%swap3A_501, %swap3A_502], %swap3A_505 {add = true, strides = array<i32>} : memref<32x1024xf32, #tpu.memory_space<vmem>>, vector<1x16xf32>,
        %get3A_506 = arith.index_cast %scan3A_119 : i32 to index
        %get3A_507 = arith.constant 688 : index
        %get3A_508 = tpu.vector_load %arg5[%get3A_506, %get3A_507] {strides = array<i32>} : memref<32x1024xf32, #tpu.memory_space<vmem>>, vector<1x16xf32>,
        %get3A_509 = vector.shape_cast %get3A_508 : vector<1x16xf32> to vector<16xf32>
        %swap3A_510 = arith.index_cast %scan3A_119 : i32 to index
        %swap3A_511 = arith.constant 688 : index
        %swap3A_512 = tpu.vector_load %arg6[%swap3A_510, %swap3A_511] {strides = array<i32>} : memref<32x1024xf32, #tpu.memory_space<vmem>>, vector<1x16xf32>,
        %swap3A_513 = vector.shape_cast %swap3A_512 : vector<1x16xf32> to vector<16xf32>
        %swap3A_514 = vector.shape_cast %get3A_509 : vector<16xf32> to vector<1x16xf32>
        tpu.vector_store %arg6[%swap3A_510, %swap3A_511], %swap3A_514 {add = true, strides = array<i32>} : memref<32x1024xf32, #tpu.memory_space<vmem>>, vector<1x16xf32>,
        %get3A_515 = arith.index_cast %scan3A_119 : i32 to index
        %get3A_516 = arith.constant 704 : index
        %get3A_517 = tpu.vector_load %arg5[%get3A_515, %get3A_516] {strides = array<i32>} : memref<32x1024xf32, #tpu.memory_space<vmem>>, vector<1x16xf32>,
        %get3A_518 = vector.shape_cast %get3A_517 : vector<1x16xf32> to vector<16xf32>
        %swap3A_519 = arith.index_cast %scan3A_119 : i32 to index
        %swap3A_520 = arith.constant 704 : index
        %swap3A_521 = tpu.vector_load %arg6[%swap3A_519, %swap3A_520] {strides = array<i32>} : memref<32x1024xf32, #tpu.memory_space<vmem>>, vector<1x16xf32>,
        %swap3A_522 = vector.shape_cast %swap3A_521 : vector<1x16xf32> to vector<16xf32>
        %swap3A_523 = vector.shape_cast %get3A_518 : vector<16xf32> to vector<1x16xf32>
        tpu.vector_store %arg6[%swap3A_519, %swap3A_520], %swap3A_523 {add = true, strides = array<i32>} : memref<32x1024xf32, #tpu.memory_space<vmem>>, vector<1x16xf32>,
        %get3A_524 = arith.index_cast %scan3A_119 : i32 to index
        %get3A_525 = arith.constant 720 : index
        %get3A_526 = tpu.vector_load %arg5[%get3A_524, %get3A_525] {strides = array<i32>} : memref<32x1024xf32, #tpu.memory_space<vmem>>, vector<1x16xf32>,
        %get3A_527 = vector.shape_cast %get3A_526 : vector<1x16xf32> to vector<16xf32>
        %swap3A_528 = arith.index_cast %scan3A_119 : i32 to index
        %swap3A_529 = arith.constant 720 : index
        %swap3A_530 = tpu.vector_load %arg6[%swap3A_528, %swap3A_529] {strides = array<i32>} : memref<32x1024xf32, #tpu.memory_space<vmem>>, vector<1x16xf32>,
        %swap3A_531 = vector.shape_cast %swap3A_530 : vector<1x16xf32> to vector<16xf32>
        %swap3A_532 = vector.shape_cast %get3A_527 : vector<16xf32> to vector<1x16xf32>
        tpu.vector_store %arg6[%swap3A_528, %swap3A_529], %swap3A_532 {add = true, strides = array<i32>} : memref<32x1024xf32, #tpu.memory_space<vmem>>, vector<1x16xf32>,
        %get3A_533 = arith.index_cast %scan3A_119 : i32 to index
        %get3A_534 = arith.constant 736 : index
        %get3A_535 = tpu.vector_load %arg5[%get3A_533, %get3A_534] {strides = array<i32>} : memref<32x1024xf32, #tpu.memory_space<vmem>>, vector<1x16xf32>,
        %get3A_536 = vector.shape_cast %get3A_535 : vector<1x16xf32> to vector<16xf32>
        %swap3A_537 = arith.index_cast %scan3A_119 : i32 to index
        %swap3A_538 = arith.constant 736 : index
        %swap3A_539 = tpu.vector_load %arg6[%swap3A_537, %swap3A_538] {strides = array<i32>} : memref<32x1024xf32, #tpu.memory_space<vmem>>, vector<1x16xf32>,
        %swap3A_540 = vector.shape_cast %swap3A_539 : vector<1x16xf32> to vector<16xf32>
        %swap3A_541 = vector.shape_cast %get3A_536 : vector<16xf32> to vector<1x16xf32>
        tpu.vector_store %arg6[%swap3A_537, %swap3A_538], %swap3A_541 {add = true, strides = array<i32>} : memref<32x1024xf32, #tpu.memory_space<vmem>>, vector<1x16xf32>,
        %get3A_542 = arith.index_cast %scan3A_119 : i32 to index
        %get3A_543 = arith.constant 752 : index
        %get3A_544 = tpu.vector_load %arg5[%get3A_542, %get3A_543] {strides = array<i32>} : memref<32x1024xf32, #tpu.memory_space<vmem>>, vector<1x16xf32>,
        %get3A_545 = vector.shape_cast %get3A_544 : vector<1x16xf32> to vector<16xf32>
        %swap3A_546 = arith.index_cast %scan3A_119 : i32 to index
        %swap3A_547 = arith.constant 752 : index
        %swap3A_548 = tpu.vector_load %arg6[%swap3A_546, %swap3A_547] {strides = array<i32>} : memref<32x1024xf32, #tpu.memory_space<vmem>>, vector<1x16xf32>,
        %swap3A_549 = vector.shape_cast %swap3A_548 : vector<1x16xf32> to vector<16xf32>
        %swap3A_550 = vector.shape_cast %get3A_545 : vector<16xf32> to vector<1x16xf32>
        tpu.vector_store %arg6[%swap3A_546, %swap3A_547], %swap3A_550 {add = true, strides = array<i32>} : memref<32x1024xf32, #tpu.memory_space<vmem>>, vector<1x16xf32>,
        %get3A_551 = arith.index_cast %scan3A_119 : i32 to index
        %get3A_552 = arith.constant 768 : index
        %get3A_553 = tpu.vector_load %arg5[%get3A_551, %get3A_552] {strides = array<i32>} : memref<32x1024xf32, #tpu.memory_space<vmem>>, vector<1x16xf32>,
        %get3A_554 = vector.shape_cast %get3A_553 : vector<1x16xf32> to vector<16xf32>
        %swap3A_555 = arith.index_cast %scan3A_119 : i32 to index
        %swap3A_556 = arith.constant 768 : index
        %swap3A_557 = tpu.vector_load %arg6[%swap3A_555, %swap3A_556] {strides = array<i32>} : memref<32x1024xf32, #tpu.memory_space<vmem>>, vector<1x16xf32>,
        %swap3A_558 = vector.shape_cast %swap3A_557 : vector<1x16xf32> to vector<16xf32>
        %swap3A_559 = vector.shape_cast %get3A_554 : vector<16xf32> to vector<1x16xf32>
        tpu.vector_store %arg6[%swap3A_555, %swap3A_556], %swap3A_559 {add = true, strides = array<i32>} : memref<32x1024xf32, #tpu.memory_space<vmem>>, vector<1x16xf32>,
        %get3A_560 = arith.index_cast %scan3A_119 : i32 to index
        %get3A_561 = arith.constant 784 : index
        %get3A_562 = tpu.vector_load %arg5[%get3A_560, %get3A_561] {strides = array<i32>} : memref<32x1024xf32, #tpu.memory_space<vmem>>, vector<1x16xf32>,
        %get3A_563 = vector.shape_cast %get3A_562 : vector<1x16xf32> to vector<16xf32>
        %swap3A_564 = arith.index_cast %scan3A_119 : i32 to index
        %swap3A_565 = arith.constant 784 : index
        %swap3A_566 = tpu.vector_load %arg6[%swap3A_564, %swap3A_565] {strides = array<i32>} : memref<32x1024xf32, #tpu.memory_space<vmem>>, vector<1x16xf32>,
        %swap3A_567 = vector.shape_cast %swap3A_566 : vector<1x16xf32> to vector<16xf32>
        %swap3A_568 = vector.shape_cast %get3A_563 : vector<16xf32> to vector<1x16xf32>
        tpu.vector_store %arg6[%swap3A_564, %swap3A_565], %swap3A_568 {add = true, strides = array<i32>} : memref<32x1024xf32, #tpu.memory_space<vmem>>, vector<1x16xf32>,
        %get3A_569 = arith.index_cast %scan3A_119 : i32 to index
        %get3A_570 = arith.constant 800 : index
        %get3A_571 = tpu.vector_load %arg5[%get3A_569, %get3A_570] {strides = array<i32>} : memref<32x1024xf32, #tpu.memory_space<vmem>>, vector<1x16xf32>,
        %get3A_572 = vector.shape_cast %get3A_571 : vector<1x16xf32> to vector<16xf32>
        %swap3A_573 = arith.index_cast %scan3A_119 : i32 to index
        %swap3A_574 = arith.constant 800 : index
        %swap3A_575 = tpu.vector_load %arg6[%swap3A_573, %swap3A_574] {strides = array<i32>} : memref<32x1024xf32, #tpu.memory_space<vmem>>, vector<1x16xf32>,
        %swap3A_576 = vector.shape_cast %swap3A_575 : vector<1x16xf32> to vector<16xf32>
        %swap3A_577 = vector.shape_cast %get3A_572 : vector<16xf32> to vector<1x16xf32>
        tpu.vector_store %arg6[%swap3A_573, %swap3A_574], %swap3A_577 {add = true, strides = array<i32>} : memref<32x1024xf32, #tpu.memory_space<vmem>>, vector<1x16xf32>,
        %get3A_578 = arith.index_cast %scan3A_119 : i32 to index
        %get3A_579 = arith.constant 816 : index
        %get3A_580 = tpu.vector_load %arg5[%get3A_578, %get3A_579] {strides = array<i32>} : memref<32x1024xf32, #tpu.memory_space<vmem>>, vector<1x16xf32>,
        %get3A_581 = vector.shape_cast %get3A_580 : vector<1x16xf32> to vector<16xf32>
        %swap3A_582 = arith.index_cast %scan3A_119 : i32 to index
        %swap3A_583 = arith.constant 816 : index
        %swap3A_584 = tpu.vector_load %arg6[%swap3A_582, %swap3A_583] {strides = array<i32>} : memref<32x1024xf32, #tpu.memory_space<vmem>>, vector<1x16xf32>,
        %swap3A_585 = vector.shape_cast %swap3A_584 : vector<1x16xf32> to vector<16xf32>
        %swap3A_586 = vector.shape_cast %get3A_581 : vector<16xf32> to vector<1x16xf32>
        tpu.vector_store %arg6[%swap3A_582, %swap3A_583], %swap3A_586 {add = true, strides = array<i32>} : memref<32x1024xf32, #tpu.memory_space<vmem>>, vector<1x16xf32>,
        %get3A_587 = arith.index_cast %scan3A_119 : i32 to index
        %get3A_588 = arith.constant 832 : index
        %get3A_589 = tpu.vector_load %arg5[%get3A_587, %get3A_588] {strides = array<i32>} : memref<32x1024xf32, #tpu.memory_space<vmem>>, vector<1x16xf32>,
        %get3A_590 = vector.shape_cast %get3A_589 : vector<1x16xf32> to vector<16xf32>
        %swap3A_591 = arith.index_cast %scan3A_119 : i32 to index
        %swap3A_592 = arith.constant 832 : index
        %swap3A_593 = tpu.vector_load %arg6[%swap3A_591, %swap3A_592] {strides = array<i32>} : memref<32x1024xf32, #tpu.memory_space<vmem>>, vector<1x16xf32>,
        %swap3A_594 = vector.shape_cast %swap3A_593 : vector<1x16xf32> to vector<16xf32>
        %swap3A_595 = vector.shape_cast %get3A_590 : vector<16xf32> to vector<1x16xf32>
        tpu.vector_store %arg6[%swap3A_591, %swap3A_592], %swap3A_595 {add = true, strides = array<i32>} : memref<32x1024xf32, #tpu.memory_space<vmem>>, vector<1x16xf32>,
        %get3A_596 = arith.index_cast %scan3A_119 : i32 to index
        %get3A_597 = arith.constant 848 : index
        %get3A_598 = tpu.vector_load %arg5[%get3A_596, %get3A_597] {strides = array<i32>} : memref<32x1024xf32, #tpu.memory_space<vmem>>, vector<1x16xf32>,
        %get3A_599 = vector.shape_cast %get3A_598 : vector<1x16xf32> to vector<16xf32>
        %swap3A_600 = arith.index_cast %scan3A_119 : i32 to index
        %swap3A_601 = arith.constant 848 : index
        %swap3A_602 = tpu.vector_load %arg6[%swap3A_600, %swap3A_601] {strides = array<i32>} : memref<32x1024xf32, #tpu.memory_space<vmem>>, vector<1x16xf32>,
        %swap3A_603 = vector.shape_cast %swap3A_602 : vector<1x16xf32> to vector<16xf32>
        %swap3A_604 = vector.shape_cast %get3A_599 : vector<16xf32> to vector<1x16xf32>
        tpu.vector_store %arg6[%swap3A_600, %swap3A_601], %swap3A_604 {add = true, strides = array<i32>} : memref<32x1024xf32, #tpu.memory_space<vmem>>, vector<1x16xf32>,
        %get3A_605 = arith.index_cast %scan3A_119 : i32 to index
        %get3A_606 = arith.constant 864 : index
        %get3A_607 = tpu.vector_load %arg5[%get3A_605, %get3A_606] {strides = array<i32>} : memref<32x1024xf32, #tpu.memory_space<vmem>>, vector<1x16xf32>,
        %get3A_608 = vector.shape_cast %get3A_607 : vector<1x16xf32> to vector<16xf32>
        %swap3A_609 = arith.index_cast %scan3A_119 : i32 to index
        %swap3A_610 = arith.constant 864 : index
        %swap3A_611 = tpu.vector_load %arg6[%swap3A_609, %swap3A_610] {strides = array<i32>} : memref<32x1024xf32, #tpu.memory_space<vmem>>, vector<1x16xf32>,
        %swap3A_612 = vector.shape_cast %swap3A_611 : vector<1x16xf32> to vector<16xf32>
        %swap3A_613 = vector.shape_cast %get3A_608 : vector<16xf32> to vector<1x16xf32>
        tpu.vector_store %arg6[%swap3A_609, %swap3A_610], %swap3A_613 {add = true, strides = array<i32>} : memref<32x1024xf32, #tpu.memory_space<vmem>>, vector<1x16xf32>,
        %get3A_614 = arith.index_cast %scan3A_119 : i32 to index
        %get3A_615 = arith.constant 880 : index
        %get3A_616 = tpu.vector_load %arg5[%get3A_614, %get3A_615] {strides = array<i32>} : memref<32x1024xf32, #tpu.memory_space<vmem>>, vector<1x16xf32>,
        %get3A_617 = vector.shape_cast %get3A_616 : vector<1x16xf32> to vector<16xf32>
        %swap3A_618 = arith.index_cast %scan3A_119 : i32 to index
        %swap3A_619 = arith.constant 880 : index
        %swap3A_620 = tpu.vector_load %arg6[%swap3A_618, %swap3A_619] {strides = array<i32>} : memref<32x1024xf32, #tpu.memory_space<vmem>>, vector<1x16xf32>,
        %swap3A_621 = vector.shape_cast %swap3A_620 : vector<1x16xf32> to vector<16xf32>
        %swap3A_622 = vector.shape_cast %get3A_617 : vector<16xf32> to vector<1x16xf32>
        tpu.vector_store %arg6[%swap3A_618, %swap3A_619], %swap3A_622 {add = true, strides = array<i32>} : memref<32x1024xf32, #tpu.memory_space<vmem>>, vector<1x16xf32>,
        %get3A_623 = arith.index_cast %scan3A_119 : i32 to index
        %get3A_624 = arith.constant 896 : index
        %get3A_625 = tpu.vector_load %arg5[%get3A_623, %get3A_624] {strides = array<i32>} : memref<32x1024xf32, #tpu.memory_space<vmem>>, vector<1x16xf32>,
        %get3A_626 = vector.shape_cast %get3A_625 : vector<1x16xf32> to vector<16xf32>
        %swap3A_627 = arith.index_cast %scan3A_119 : i32 to index
        %swap3A_628 = arith.constant 896 : index
        %swap3A_629 = tpu.vector_load %arg6[%swap3A_627, %swap3A_628] {strides = array<i32>} : memref<32x1024xf32, #tpu.memory_space<vmem>>, vector<1x16xf32>,
        %swap3A_630 = vector.shape_cast %swap3A_629 : vector<1x16xf32> to vector<16xf32>
        %swap3A_631 = vector.shape_cast %get3A_626 : vector<16xf32> to vector<1x16xf32>
        tpu.vector_store %arg6[%swap3A_627, %swap3A_628], %swap3A_631 {add = true, strides = array<i32>} : memref<32x1024xf32, #tpu.memory_space<vmem>>, vector<1x16xf32>,
        %get3A_632 = arith.index_cast %scan3A_119 : i32 to index
        %get3A_633 = arith.constant 912 : index
        %get3A_634 = tpu.vector_load %arg5[%get3A_632, %get3A_633] {strides = array<i32>} : memref<32x1024xf32, #tpu.memory_space<vmem>>, vector<1x16xf32>,
        %get3A_635 = vector.shape_cast %get3A_634 : vector<1x16xf32> to vector<16xf32>
        %swap3A_636 = arith.index_cast %scan3A_119 : i32 to index
        %swap3A_637 = arith.constant 912 : index
        %swap3A_638 = tpu.vector_load %arg6[%swap3A_636, %swap3A_637] {strides = array<i32>} : memref<32x1024xf32, #tpu.memory_space<vmem>>, vector<1x16xf32>,
        %swap3A_639 = vector.shape_cast %swap3A_638 : vector<1x16xf32> to vector<16xf32>
        %swap3A_640 = vector.shape_cast %get3A_635 : vector<16xf32> to vector<1x16xf32>
        tpu.vector_store %arg6[%swap3A_636, %swap3A_637], %swap3A_640 {add = true, strides = array<i32>} : memref<32x1024xf32, #tpu.memory_space<vmem>>, vector<1x16xf32>,
        %get3A_641 = arith.index_cast %scan3A_119 : i32 to index
        %get3A_642 = arith.constant 928 : index
        %get3A_643 = tpu.vector_load %arg5[%get3A_641, %get3A_642] {strides = array<i32>} : memref<32x1024xf32, #tpu.memory_space<vmem>>, vector<1x16xf32>,
        %get3A_644 = vector.shape_cast %get3A_643 : vector<1x16xf32> to vector<16xf32>
        %swap3A_645 = arith.index_cast %scan3A_119 : i32 to index
        %swap3A_646 = arith.constant 928 : index
        %swap3A_647 = tpu.vector_load %arg6[%swap3A_645, %swap3A_646] {strides = array<i32>} : memref<32x1024xf32, #tpu.memory_space<vmem>>, vector<1x16xf32>,
        %swap3A_648 = vector.shape_cast %swap3A_647 : vector<1x16xf32> to vector<16xf32>
        %swap3A_649 = vector.shape_cast %get3A_644 : vector<16xf32> to vector<1x16xf32>
        tpu.vector_store %arg6[%swap3A_645, %swap3A_646], %swap3A_649 {add = true, strides = array<i32>} : memref<32x1024xf32, #tpu.memory_space<vmem>>, vector<1x16xf32>,
        %get3A_650 = arith.index_cast %scan3A_119 : i32 to index
        %get3A_651 = arith.constant 944 : index
        %get3A_652 = tpu.vector_load %arg5[%get3A_650, %get3A_651] {strides = array<i32>} : memref<32x1024xf32, #tpu.memory_space<vmem>>, vector<1x16xf32>,
        %get3A_653 = vector.shape_cast %get3A_652 : vector<1x16xf32> to vector<16xf32>
        %swap3A_654 = arith.index_cast %scan3A_119 : i32 to index
        %swap3A_655 = arith.constant 944 : index
        %swap3A_656 = tpu.vector_load %arg6[%swap3A_654, %swap3A_655] {strides = array<i32>} : memref<32x1024xf32, #tpu.memory_space<vmem>>, vector<1x16xf32>,
        %swap3A_657 = vector.shape_cast %swap3A_656 : vector<1x16xf32> to vector<16xf32>
        %swap3A_658 = vector.shape_cast %get3A_653 : vector<16xf32> to vector<1x16xf32>
        tpu.vector_store %arg6[%swap3A_654, %swap3A_655], %swap3A_658 {add = true, strides = array<i32>} : memref<32x1024xf32, #tpu.memory_space<vmem>>, vector<1x16xf32>,
        %get3A_659 = arith.index_cast %scan3A_119 : i32 to index
        %get3A_660 = arith.constant 960 : index
        %get3A_661 = tpu.vector_load %arg5[%get3A_659, %get3A_660] {strides = array<i32>} : memref<32x1024xf32, #tpu.memory_space<vmem>>, vector<1x16xf32>,
        %get3A_662 = vector.shape_cast %get3A_661 : vector<1x16xf32> to vector<16xf32>
        %swap3A_663 = arith.index_cast %scan3A_119 : i32 to index
        %swap3A_664 = arith.constant 960 : index
        %swap3A_665 = tpu.vector_load %arg6[%swap3A_663, %swap3A_664] {strides = array<i32>} : memref<32x1024xf32, #tpu.memory_space<vmem>>, vector<1x16xf32>,
        %swap3A_666 = vector.shape_cast %swap3A_665 : vector<1x16xf32> to vector<16xf32>
        %swap3A_667 = vector.shape_cast %get3A_662 : vector<16xf32> to vector<1x16xf32>
        tpu.vector_store %arg6[%swap3A_663, %swap3A_664], %swap3A_667 {add = true, strides = array<i32>} : memref<32x1024xf32, #tpu.memory_space<vmem>>, vector<1x16xf32>,
        %get3A_668 = arith.index_cast %scan3A_119 : i32 to index
        %get3A_669 = arith.constant 976 : index
        %get3A_670 = tpu.vector_load %arg5[%get3A_668, %get3A_669] {strides = array<i32>} : memref<32x1024xf32, #tpu.memory_space<vmem>>, vector<1x16xf32>,
        %get3A_671 = vector.shape_cast %get3A_670 : vector<1x16xf32> to vector<16xf32>
        %swap3A_672 = arith.index_cast %scan3A_119 : i32 to index
        %swap3A_673 = arith.constant 976 : index
        %swap3A_674 = tpu.vector_load %arg6[%swap3A_672, %swap3A_673] {strides = array<i32>} : memref<32x1024xf32, #tpu.memory_space<vmem>>, vector<1x16xf32>,
        %swap3A_675 = vector.shape_cast %swap3A_674 : vector<1x16xf32> to vector<16xf32>
        %swap3A_676 = vector.shape_cast %get3A_671 : vector<16xf32> to vector<1x16xf32>
        tpu.vector_store %arg6[%swap3A_672, %swap3A_673], %swap3A_676 {add = true, strides = array<i32>} : memref<32x1024xf32, #tpu.memory_space<vmem>>, vector<1x16xf32>,
        %get3A_677 = arith.index_cast %scan3A_119 : i32 to index
        %get3A_678 = arith.constant 992 : index
        %get3A_679 = tpu.vector_load %arg5[%get3A_677, %get3A_678] {strides = array<i32>} : memref<32x1024xf32, #tpu.memory_space<vmem>>, vector<1x16xf32>,
        %get3A_680 = vector.shape_cast %get3A_679 : vector<1x16xf32> to vector<16xf32>
        %swap3A_681 = arith.index_cast %scan3A_119 : i32 to index
        %swap3A_682 = arith.constant 992 : index
        %swap3A_683 = tpu.vector_load %arg6[%swap3A_681, %swap3A_682] {strides = array<i32>} : memref<32x1024xf32, #tpu.memory_space<vmem>>, vector<1x16xf32>,
        %swap3A_684 = vector.shape_cast %swap3A_683 : vector<1x16xf32> to vector<16xf32>
        %swap3A_685 = vector.shape_cast %get3A_680 : vector<16xf32> to vector<1x16xf32>
        tpu.vector_store %arg6[%swap3A_681, %swap3A_682], %swap3A_685 {add = true, strides = array<i32>} : memref<32x1024xf32, #tpu.memory_space<vmem>>, vector<1x16xf32>,
        %get3A_686 = arith.index_cast %scan3A_119 : i32 to index
        %get3A_687 = arith.constant 1008 : index
        %get3A_688 = tpu.vector_load %arg5[%get3A_686, %get3A_687] {strides = array<i32>} : memref<32x1024xf32, #tpu.memory_space<vmem>>, vector<1x16xf32>,
        %get3A_689 = vector.shape_cast %get3A_688 : vector<1x16xf32> to vector<16xf32>
        %swap3A_690 = arith.index_cast %scan3A_119 : i32 to index
        %swap3A_691 = arith.constant 1008 : index
        %swap3A_692 = tpu.vector_load %arg6[%swap3A_690, %swap3A_691] {strides = array<i32>} : memref<32x1024xf32, #tpu.memory_space<vmem>>, vector<1x16xf32>,
        %swap3A_693 = vector.shape_cast %swap3A_692 : vector<1x16xf32> to vector<16xf32>
        %swap3A_694 = vector.shape_cast %get3A_689 : vector<16xf32> to vector<1x16xf32>
        tpu.vector_store %arg6[%swap3A_690, %swap3A_691], %swap3A_694 {add = true, strides = array<i32>} : memref<32x1024xf32, #tpu.memory_space<vmem>>, vector<1x16xf32>,
        %scan3A_695 = arith.constant 0 : i32
        scf.yield %scan3A_695 : i32
      }
      %scan3A_86 = arith.constant 32 : i32
      %add3A_87 = arith.constant 16384 : i32
      %add3A_88 = arith.addi %add3A_87, %add3A_13 : i32
      %dma_start3A_89 = arith.constant 0 : i32
      %dma_start3A_90 = tpu.memref_slice %arg4[%add3A_88, %dma_start3A_89] : memref<32768x1024xf32, #tpu.memory_space<hbm>> -> memref<32x1024xf32, #tpu.memory_space<hbm>>
      %dma_start3A_91 = arith.constant 0 : i32
      %dma_start3A_92 = tpu.memref_slice %arg4[%add3A_88, %dma_start3A_91] : memref<32768x1024xf32, #tpu.memory_space<hbm>> -> memref<32x1024xf32, #tpu.memory_space<hbm>>
      tpu.enqueue_dma source(%arg6 : memref<32x1024xf32, #tpu.memory_space<vmem>>) target(%dma_start3A_92 : memref<32x1024xf32, #tpu.memory_space<hbm>>) target_semaphore(%arg10 : memref<!tpu.dma_semaphore, #tpu.memory_space<semaphore_mem>>)
      %dma_wait3A_93 = arith.constant 0 : i32
      %dma_wait3A_94 = tpu.memref_slice %arg4[%add3A_88, %dma_wait3A_93] : memref<32768x1024xf32, #tpu.memory_space<hbm>> -> memref<32x1024xf32, #tpu.memory_space<hbm>>
      %dma_wait3A_95 = arith.constant 0 : i32
      %dma_wait3A_96 = tpu.memref_slice %arg4[%add3A_88, %dma_wait3A_95] : memref<32768x1024xf32, #tpu.memory_space<hbm>> -> memref<32x1024xf32, #tpu.memory_space<hbm>>
      tpu.wait_dma2 semaphore(%arg10 : memref<!tpu.dma_semaphore, #tpu.memory_space<semaphore_mem>>) src(%arg6 : memref<32x1024xf32, #tpu.memory_space<vmem>>) dst(%dma_wait3A_96 : memref<32x1024xf32, #tpu.memory_space<hbm>>)
      %dma_wait3A_97 = arith.constant 0 : i32
      %dma_wait3A_98 = tpu.memref_slice %arg2[%add3A_71, %dma_wait3A_97] : memref<32768x1024xf32, #tpu.memory_space<hbm>> -> memref<32x1024xf32, #tpu.memory_space<hbm>>
      %dma_wait3A_99 = arith.constant 0 : i32
      %dma_wait3A_100 = tpu.memref_slice %arg2[%add3A_71, %dma_wait3A_99] : memref<32768x1024xf32, #tpu.memory_space<hbm>> -> memref<32x1024xf32, #tpu.memory_space<hbm>>
      tpu.wait_dma2 semaphore(%arg9 : memref<!tpu.dma_semaphore, #tpu.memory_space<semaphore_mem>>) src(%dma_wait3A_100 : memref<32x1024xf32, #tpu.memory_space<hbm>>) dst(%arg7 : memref<32x1024xf32, #tpu.memory_space<vmem>>)
      %scan3A_101 = arith.constant 0 : i32
      %scan3A_102 = arith.constant 0 : i32
      %scan3A_103 = arith.constant 32 : i32
      %scan3A_104 = arith.addi %scan3A_102, %scan3A_103 : i32
      %scan3A_105 = arith.constant 1 : i32
      %scan3A_106 = scf.for %scan3A_119 = %scan3A_102 to %scan3A_104 step %scan3A_105 iter_args(%scan3A_120 = %scan3A_101) -> (i32)  : i32 {
        %get3A = arith.index_cast %scan3A_119 : i32 to index
        %get3A_121 = arith.constant 0 : index
        %get3A_122 = tpu.vector_load %arg5[%get3A, %get3A_121] {strides = array<i32>} : memref<32x1024xf32, #tpu.memory_space<vmem>>, vector<1x16xf32>,
        %get3A_123 = vector.shape_cast %get3A_122 : vector<1x16xf32> to vector<16xf32>
        %swap3A = arith.index_cast %scan3A_119 : i32 to index
        %swap3A_124 = arith.constant 0 : index
        %swap3A_125 = tpu.vector_load %arg7[%swap3A, %swap3A_124] {strides = array<i32>} : memref<32x1024xf32, #tpu.memory_space<vmem>>, vector<1x16xf32>,
        %swap3A_126 = vector.shape_cast %swap3A_125 : vector<1x16xf32> to vector<16xf32>
        %swap3A_127 = vector.shape_cast %get3A_123 : vector<16xf32> to vector<1x16xf32>
        tpu.vector_store %arg7[%swap3A, %swap3A_124], %swap3A_127 {add = true, strides = array<i32>} : memref<32x1024xf32, #tpu.memory_space<vmem>>, vector<1x16xf32>,
        %get3A_128 = arith.index_cast %scan3A_119 : i32 to index
        %get3A_129 = arith.constant 16 : index
        %get3A_130 = tpu.vector_load %arg5[%get3A_128, %get3A_129] {strides = array<i32>} : memref<32x1024xf32, #tpu.memory_space<vmem>>, vector<1x16xf32>,
        %get3A_131 = vector.shape_cast %get3A_130 : vector<1x16xf32> to vector<16xf32>
        %swap3A_132 = arith.index_cast %scan3A_119 : i32 to index
        %swap3A_133 = arith.constant 16 : index
        %swap3A_134 = tpu.vector_load %arg7[%swap3A_132, %swap3A_133] {strides = array<i32>} : memref<32x1024xf32, #tpu.memory_space<vmem>>, vector<1x16xf32>,
        %swap3A_135 = vector.shape_cast %swap3A_134 : vector<1x16xf32> to vector<16xf32>
        %swap3A_136 = vector.shape_cast %get3A_131 : vector<16xf32> to vector<1x16xf32>
        tpu.vector_store %arg7[%swap3A_132, %swap3A_133], %swap3A_136 {add = true, strides = array<i32>} : memref<32x1024xf32, #tpu.memory_space<vmem>>, vector<1x16xf32>,
        %get3A_137 = arith.index_cast %scan3A_119 : i32 to index
        %get3A_138 = arith.constant 32 : index
        %get3A_139 = tpu.vector_load %arg5[%get3A_137, %get3A_138] {strides = array<i32>} : memref<32x1024xf32, #tpu.memory_space<vmem>>, vector<1x16xf32>,
        %get3A_140 = vector.shape_cast %get3A_139 : vector<1x16xf32> to vector<16xf32>
        %swap3A_141 = arith.index_cast %scan3A_119 : i32 to index
        %swap3A_142 = arith.constant 32 : index
        %swap3A_143 = tpu.vector_load %arg7[%swap3A_141, %swap3A_142] {strides = array<i32>} : memref<32x1024xf32, #tpu.memory_space<vmem>>, vector<1x16xf32>,
        %swap3A_144 = vector.shape_cast %swap3A_143 : vector<1x16xf32> to vector<16xf32>
        %swap3A_145 = vector.shape_cast %get3A_140 : vector<16xf32> to vector<1x16xf32>
        tpu.vector_store %arg7[%swap3A_141, %swap3A_142], %swap3A_145 {add = true, strides = array<i32>} : memref<32x1024xf32, #tpu.memory_space<vmem>>, vector<1x16xf32>,
        %get3A_146 = arith.index_cast %scan3A_119 : i32 to index
        %get3A_147 = arith.constant 48 : index
        %get3A_148 = tpu.vector_load %arg5[%get3A_146, %get3A_147] {strides = array<i32>} : memref<32x1024xf32, #tpu.memory_space<vmem>>, vector<1x16xf32>,
        %get3A_149 = vector.shape_cast %get3A_148 : vector<1x16xf32> to vector<16xf32>
        %swap3A_150 = arith.index_cast %scan3A_119 : i32 to index
        %swap3A_151 = arith.constant 48 : index
        %swap3A_152 = tpu.vector_load %arg7[%swap3A_150, %swap3A_151] {strides = array<i32>} : memref<32x1024xf32, #tpu.memory_space<vmem>>, vector<1x16xf32>,
        %swap3A_153 = vector.shape_cast %swap3A_152 : vector<1x16xf32> to vector<16xf32>
        %swap3A_154 = vector.shape_cast %get3A_149 : vector<16xf32> to vector<1x16xf32>
        tpu.vector_store %arg7[%swap3A_150, %swap3A_151], %swap3A_154 {add = true, strides = array<i32>} : memref<32x1024xf32, #tpu.memory_space<vmem>>, vector<1x16xf32>,
        %get3A_155 = arith.index_cast %scan3A_119 : i32 to index
        %get3A_156 = arith.constant 64 : index
        %get3A_157 = tpu.vector_load %arg5[%get3A_155, %get3A_156] {strides = array<i32>} : memref<32x1024xf32, #tpu.memory_space<vmem>>, vector<1x16xf32>,
        %get3A_158 = vector.shape_cast %get3A_157 : vector<1x16xf32> to vector<16xf32>
        %swap3A_159 = arith.index_cast %scan3A_119 : i32 to index
        %swap3A_160 = arith.constant 64 : index
        %swap3A_161 = tpu.vector_load %arg7[%swap3A_159, %swap3A_160] {strides = array<i32>} : memref<32x1024xf32, #tpu.memory_space<vmem>>, vector<1x16xf32>,
        %swap3A_162 = vector.shape_cast %swap3A_161 : vector<1x16xf32> to vector<16xf32>
        %swap3A_163 = vector.shape_cast %get3A_158 : vector<16xf32> to vector<1x16xf32>
        tpu.vector_store %arg7[%swap3A_159, %swap3A_160], %swap3A_163 {add = true, strides = array<i32>} : memref<32x1024xf32, #tpu.memory_space<vmem>>, vector<1x16xf32>,
        %get3A_164 = arith.index_cast %scan3A_119 : i32 to index
        %get3A_165 = arith.constant 80 : index
        %get3A_166 = tpu.vector_load %arg5[%get3A_164, %get3A_165] {strides = array<i32>} : memref<32x1024xf32, #tpu.memory_space<vmem>>, vector<1x16xf32>,
        %get3A_167 = vector.shape_cast %get3A_166 : vector<1x16xf32> to vector<16xf32>
        %swap3A_168 = arith.index_cast %scan3A_119 : i32 to index
        %swap3A_169 = arith.constant 80 : index
        %swap3A_170 = tpu.vector_load %arg7[%swap3A_168, %swap3A_169] {strides = array<i32>} : memref<32x1024xf32, #tpu.memory_space<vmem>>, vector<1x16xf32>,
        %swap3A_171 = vector.shape_cast %swap3A_170 : vector<1x16xf32> to vector<16xf32>
        %swap3A_172 = vector.shape_cast %get3A_167 : vector<16xf32> to vector<1x16xf32>
        tpu.vector_store %arg7[%swap3A_168, %swap3A_169], %swap3A_172 {add = true, strides = array<i32>} : memref<32x1024xf32, #tpu.memory_space<vmem>>, vector<1x16xf32>,
        %get3A_173 = arith.index_cast %scan3A_119 : i32 to index
        %get3A_174 = arith.constant 96 : index
        %get3A_175 = tpu.vector_load %arg5[%get3A_173, %get3A_174] {strides = array<i32>} : memref<32x1024xf32, #tpu.memory_space<vmem>>, vector<1x16xf32>,
        %get3A_176 = vector.shape_cast %get3A_175 : vector<1x16xf32> to vector<16xf32>
        %swap3A_177 = arith.index_cast %scan3A_119 : i32 to index
        %swap3A_178 = arith.constant 96 : index
        %swap3A_179 = tpu.vector_load %arg7[%swap3A_177, %swap3A_178] {strides = array<i32>} : memref<32x1024xf32, #tpu.memory_space<vmem>>, vector<1x16xf32>,
        %swap3A_180 = vector.shape_cast %swap3A_179 : vector<1x16xf32> to vector<16xf32>
        %swap3A_181 = vector.shape_cast %get3A_176 : vector<16xf32> to vector<1x16xf32>
        tpu.vector_store %arg7[%swap3A_177, %swap3A_178], %swap3A_181 {add = true, strides = array<i32>} : memref<32x1024xf32, #tpu.memory_space<vmem>>, vector<1x16xf32>,
        %get3A_182 = arith.index_cast %scan3A_119 : i32 to index
        %get3A_183 = arith.constant 112 : index
        %get3A_184 = tpu.vector_load %arg5[%get3A_182, %get3A_183] {strides = array<i32>} : memref<32x1024xf32, #tpu.memory_space<vmem>>, vector<1x16xf32>,
        %get3A_185 = vector.shape_cast %get3A_184 : vector<1x16xf32> to vector<16xf32>
        %swap3A_186 = arith.index_cast %scan3A_119 : i32 to index
        %swap3A_187 = arith.constant 112 : index
        %swap3A_188 = tpu.vector_load %arg7[%swap3A_186, %swap3A_187] {strides = array<i32>} : memref<32x1024xf32, #tpu.memory_space<vmem>>, vector<1x16xf32>,
        %swap3A_189 = vector.shape_cast %swap3A_188 : vector<1x16xf32> to vector<16xf32>
        %swap3A_190 = vector.shape_cast %get3A_185 : vector<16xf32> to vector<1x16xf32>
        tpu.vector_store %arg7[%swap3A_186, %swap3A_187], %swap3A_190 {add = true, strides = array<i32>} : memref<32x1024xf32, #tpu.memory_space<vmem>>, vector<1x16xf32>,
        %get3A_191 = arith.index_cast %scan3A_119 : i32 to index
        %get3A_192 = arith.constant 128 : index
        %get3A_193 = tpu.vector_load %arg5[%get3A_191, %get3A_192] {strides = array<i32>} : memref<32x1024xf32, #tpu.memory_space<vmem>>, vector<1x16xf32>,
        %get3A_194 = vector.shape_cast %get3A_193 : vector<1x16xf32> to vector<16xf32>
        %swap3A_195 = arith.index_cast %scan3A_119 : i32 to index
        %swap3A_196 = arith.constant 128 : index
        %swap3A_197 = tpu.vector_load %arg7[%swap3A_195, %swap3A_196] {strides = array<i32>} : memref<32x1024xf32, #tpu.memory_space<vmem>>, vector<1x16xf32>,
        %swap3A_198 = vector.shape_cast %swap3A_197 : vector<1x16xf32> to vector<16xf32>
        %swap3A_199 = vector.shape_cast %get3A_194 : vector<16xf32> to vector<1x16xf32>
        tpu.vector_store %arg7[%swap3A_195, %swap3A_196], %swap3A_199 {add = true, strides = array<i32>} : memref<32x1024xf32, #tpu.memory_space<vmem>>, vector<1x16xf32>,
        %get3A_200 = arith.index_cast %scan3A_119 : i32 to index
        %get3A_201 = arith.constant 144 : index
        %get3A_202 = tpu.vector_load %arg5[%get3A_200, %get3A_201] {strides = array<i32>} : memref<32x1024xf32, #tpu.memory_space<vmem>>, vector<1x16xf32>,
        %get3A_203 = vector.shape_cast %get3A_202 : vector<1x16xf32> to vector<16xf32>
        %swap3A_204 = arith.index_cast %scan3A_119 : i32 to index
        %swap3A_205 = arith.constant 144 : index
        %swap3A_206 = tpu.vector_load %arg7[%swap3A_204, %swap3A_205] {strides = array<i32>} : memref<32x1024xf32, #tpu.memory_space<vmem>>, vector<1x16xf32>,
        %swap3A_207 = vector.shape_cast %swap3A_206 : vector<1x16xf32> to vector<16xf32>
        %swap3A_208 = vector.shape_cast %get3A_203 : vector<16xf32> to vector<1x16xf32>
        tpu.vector_store %arg7[%swap3A_204, %swap3A_205], %swap3A_208 {add = true, strides = array<i32>} : memref<32x1024xf32, #tpu.memory_space<vmem>>, vector<1x16xf32>,
        %get3A_209 = arith.index_cast %scan3A_119 : i32 to index
        %get3A_210 = arith.constant 160 : index
        %get3A_211 = tpu.vector_load %arg5[%get3A_209, %get3A_210] {strides = array<i32>} : memref<32x1024xf32, #tpu.memory_space<vmem>>, vector<1x16xf32>,
        %get3A_212 = vector.shape_cast %get3A_211 : vector<1x16xf32> to vector<16xf32>
        %swap3A_213 = arith.index_cast %scan3A_119 : i32 to index
        %swap3A_214 = arith.constant 160 : index
        %swap3A_215 = tpu.vector_load %arg7[%swap3A_213, %swap3A_214] {strides = array<i32>} : memref<32x1024xf32, #tpu.memory_space<vmem>>, vector<1x16xf32>,
        %swap3A_216 = vector.shape_cast %swap3A_215 : vector<1x16xf32> to vector<16xf32>
        %swap3A_217 = vector.shape_cast %get3A_212 : vector<16xf32> to vector<1x16xf32>
        tpu.vector_store %arg7[%swap3A_213, %swap3A_214], %swap3A_217 {add = true, strides = array<i32>} : memref<32x1024xf32, #tpu.memory_space<vmem>>, vector<1x16xf32>,
        %get3A_218 = arith.index_cast %scan3A_119 : i32 to index
        %get3A_219 = arith.constant 176 : index
        %get3A_220 = tpu.vector_load %arg5[%get3A_218, %get3A_219] {strides = array<i32>} : memref<32x1024xf32, #tpu.memory_space<vmem>>, vector<1x16xf32>,
        %get3A_221 = vector.shape_cast %get3A_220 : vector<1x16xf32> to vector<16xf32>
        %swap3A_222 = arith.index_cast %scan3A_119 : i32 to index
        %swap3A_223 = arith.constant 176 : index
        %swap3A_224 = tpu.vector_load %arg7[%swap3A_222, %swap3A_223] {strides = array<i32>} : memref<32x1024xf32, #tpu.memory_space<vmem>>, vector<1x16xf32>,
        %swap3A_225 = vector.shape_cast %swap3A_224 : vector<1x16xf32> to vector<16xf32>
        %swap3A_226 = vector.shape_cast %get3A_221 : vector<16xf32> to vector<1x16xf32>
        tpu.vector_store %arg7[%swap3A_222, %swap3A_223], %swap3A_226 {add = true, strides = array<i32>} : memref<32x1024xf32, #tpu.memory_space<vmem>>, vector<1x16xf32>,
        %get3A_227 = arith.index_cast %scan3A_119 : i32 to index
        %get3A_228 = arith.constant 192 : index
        %get3A_229 = tpu.vector_load %arg5[%get3A_227, %get3A_228] {strides = array<i32>} : memref<32x1024xf32, #tpu.memory_space<vmem>>, vector<1x16xf32>,
        %get3A_230 = vector.shape_cast %get3A_229 : vector<1x16xf32> to vector<16xf32>
        %swap3A_231 = arith.index_cast %scan3A_119 : i32 to index
        %swap3A_232 = arith.constant 192 : index
        %swap3A_233 = tpu.vector_load %arg7[%swap3A_231, %swap3A_232] {strides = array<i32>} : memref<32x1024xf32, #tpu.memory_space<vmem>>, vector<1x16xf32>,
        %swap3A_234 = vector.shape_cast %swap3A_233 : vector<1x16xf32> to vector<16xf32>
        %swap3A_235 = vector.shape_cast %get3A_230 : vector<16xf32> to vector<1x16xf32>
        tpu.vector_store %arg7[%swap3A_231, %swap3A_232], %swap3A_235 {add = true, strides = array<i32>} : memref<32x1024xf32, #tpu.memory_space<vmem>>, vector<1x16xf32>,
        %get3A_236 = arith.index_cast %scan3A_119 : i32 to index
        %get3A_237 = arith.constant 208 : index
        %get3A_238 = tpu.vector_load %arg5[%get3A_236, %get3A_237] {strides = array<i32>} : memref<32x1024xf32, #tpu.memory_space<vmem>>, vector<1x16xf32>,
        %get3A_239 = vector.shape_cast %get3A_238 : vector<1x16xf32> to vector<16xf32>
        %swap3A_240 = arith.index_cast %scan3A_119 : i32 to index
        %swap3A_241 = arith.constant 208 : index
        %swap3A_242 = tpu.vector_load %arg7[%swap3A_240, %swap3A_241] {strides = array<i32>} : memref<32x1024xf32, #tpu.memory_space<vmem>>, vector<1x16xf32>,
        %swap3A_243 = vector.shape_cast %swap3A_242 : vector<1x16xf32> to vector<16xf32>
        %swap3A_244 = vector.shape_cast %get3A_239 : vector<16xf32> to vector<1x16xf32>
        tpu.vector_store %arg7[%swap3A_240, %swap3A_241], %swap3A_244 {add = true, strides = array<i32>} : memref<32x1024xf32, #tpu.memory_space<vmem>>, vector<1x16xf32>,
        %get3A_245 = arith.index_cast %scan3A_119 : i32 to index
        %get3A_246 = arith.constant 224 : index
        %get3A_247 = tpu.vector_load %arg5[%get3A_245, %get3A_246] {strides = array<i32>} : memref<32x1024xf32, #tpu.memory_space<vmem>>, vector<1x16xf32>,
        %get3A_248 = vector.shape_cast %get3A_247 : vector<1x16xf32> to vector<16xf32>
        %swap3A_249 = arith.index_cast %scan3A_119 : i32 to index
        %swap3A_250 = arith.constant 224 : index
        %swap3A_251 = tpu.vector_load %arg7[%swap3A_249, %swap3A_250] {strides = array<i32>} : memref<32x1024xf32, #tpu.memory_space<vmem>>, vector<1x16xf32>,
        %swap3A_252 = vector.shape_cast %swap3A_251 : vector<1x16xf32> to vector<16xf32>
        %swap3A_253 = vector.shape_cast %get3A_248 : vector<16xf32> to vector<1x16xf32>
        tpu.vector_store %arg7[%swap3A_249, %swap3A_250], %swap3A_253 {add = true, strides = array<i32>} : memref<32x1024xf32, #tpu.memory_space<vmem>>, vector<1x16xf32>,
        %get3A_254 = arith.index_cast %scan3A_119 : i32 to index
        %get3A_255 = arith.constant 240 : index
        %get3A_256 = tpu.vector_load %arg5[%get3A_254, %get3A_255] {strides = array<i32>} : memref<32x1024xf32, #tpu.memory_space<vmem>>, vector<1x16xf32>,
        %get3A_257 = vector.shape_cast %get3A_256 : vector<1x16xf32> to vector<16xf32>
        %swap3A_258 = arith.index_cast %scan3A_119 : i32 to index
        %swap3A_259 = arith.constant 240 : index
        %swap3A_260 = tpu.vector_load %arg7[%swap3A_258, %swap3A_259] {strides = array<i32>} : memref<32x1024xf32, #tpu.memory_space<vmem>>, vector<1x16xf32>,
        %swap3A_261 = vector.shape_cast %swap3A_260 : vector<1x16xf32> to vector<16xf32>
        %swap3A_262 = vector.shape_cast %get3A_257 : vector<16xf32> to vector<1x16xf32>
        tpu.vector_store %arg7[%swap3A_258, %swap3A_259], %swap3A_262 {add = true, strides = array<i32>} : memref<32x1024xf32, #tpu.memory_space<vmem>>, vector<1x16xf32>,
        %get3A_263 = arith.index_cast %scan3A_119 : i32 to index
        %get3A_264 = arith.constant 256 : index
        %get3A_265 = tpu.vector_load %arg5[%get3A_263, %get3A_264] {strides = array<i32>} : memref<32x1024xf32, #tpu.memory_space<vmem>>, vector<1x16xf32>,
        %get3A_266 = vector.shape_cast %get3A_265 : vector<1x16xf32> to vector<16xf32>
        %swap3A_267 = arith.index_cast %scan3A_119 : i32 to index
        %swap3A_268 = arith.constant 256 : index
        %swap3A_269 = tpu.vector_load %arg7[%swap3A_267, %swap3A_268] {strides = array<i32>} : memref<32x1024xf32, #tpu.memory_space<vmem>>, vector<1x16xf32>,
        %swap3A_270 = vector.shape_cast %swap3A_269 : vector<1x16xf32> to vector<16xf32>
        %swap3A_271 = vector.shape_cast %get3A_266 : vector<16xf32> to vector<1x16xf32>
        tpu.vector_store %arg7[%swap3A_267, %swap3A_268], %swap3A_271 {add = true, strides = array<i32>} : memref<32x1024xf32, #tpu.memory_space<vmem>>, vector<1x16xf32>,
        %get3A_272 = arith.index_cast %scan3A_119 : i32 to index
        %get3A_273 = arith.constant 272 : index
        %get3A_274 = tpu.vector_load %arg5[%get3A_272, %get3A_273] {strides = array<i32>} : memref<32x1024xf32, #tpu.memory_space<vmem>>, vector<1x16xf32>,
        %get3A_275 = vector.shape_cast %get3A_274 : vector<1x16xf32> to vector<16xf32>
        %swap3A_276 = arith.index_cast %scan3A_119 : i32 to index
        %swap3A_277 = arith.constant 272 : index
        %swap3A_278 = tpu.vector_load %arg7[%swap3A_276, %swap3A_277] {strides = array<i32>} : memref<32x1024xf32, #tpu.memory_space<vmem>>, vector<1x16xf32>,
        %swap3A_279 = vector.shape_cast %swap3A_278 : vector<1x16xf32> to vector<16xf32>
        %swap3A_280 = vector.shape_cast %get3A_275 : vector<16xf32> to vector<1x16xf32>
        tpu.vector_store %arg7[%swap3A_276, %swap3A_277], %swap3A_280 {add = true, strides = array<i32>} : memref<32x1024xf32, #tpu.memory_space<vmem>>, vector<1x16xf32>,
        %get3A_281 = arith.index_cast %scan3A_119 : i32 to index
        %get3A_282 = arith.constant 288 : index
        %get3A_283 = tpu.vector_load %arg5[%get3A_281, %get3A_282] {strides = array<i32>} : memref<32x1024xf32, #tpu.memory_space<vmem>>, vector<1x16xf32>,
        %get3A_284 = vector.shape_cast %get3A_283 : vector<1x16xf32> to vector<16xf32>
        %swap3A_285 = arith.index_cast %scan3A_119 : i32 to index
        %swap3A_286 = arith.constant 288 : index
        %swap3A_287 = tpu.vector_load %arg7[%swap3A_285, %swap3A_286] {strides = array<i32>} : memref<32x1024xf32, #tpu.memory_space<vmem>>, vector<1x16xf32>,
        %swap3A_288 = vector.shape_cast %swap3A_287 : vector<1x16xf32> to vector<16xf32>
        %swap3A_289 = vector.shape_cast %get3A_284 : vector<16xf32> to vector<1x16xf32>
        tpu.vector_store %arg7[%swap3A_285, %swap3A_286], %swap3A_289 {add = true, strides = array<i32>} : memref<32x1024xf32, #tpu.memory_space<vmem>>, vector<1x16xf32>,
        %get3A_290 = arith.index_cast %scan3A_119 : i32 to index
        %get3A_291 = arith.constant 304 : index
        %get3A_292 = tpu.vector_load %arg5[%get3A_290, %get3A_291] {strides = array<i32>} : memref<32x1024xf32, #tpu.memory_space<vmem>>, vector<1x16xf32>,
        %get3A_293 = vector.shape_cast %get3A_292 : vector<1x16xf32> to vector<16xf32>
        %swap3A_294 = arith.index_cast %scan3A_119 : i32 to index
        %swap3A_295 = arith.constant 304 : index
        %swap3A_296 = tpu.vector_load %arg7[%swap3A_294, %swap3A_295] {strides = array<i32>} : memref<32x1024xf32, #tpu.memory_space<vmem>>, vector<1x16xf32>,
        %swap3A_297 = vector.shape_cast %swap3A_296 : vector<1x16xf32> to vector<16xf32>
        %swap3A_298 = vector.shape_cast %get3A_293 : vector<16xf32> to vector<1x16xf32>
        tpu.vector_store %arg7[%swap3A_294, %swap3A_295], %swap3A_298 {add = true, strides = array<i32>} : memref<32x1024xf32, #tpu.memory_space<vmem>>, vector<1x16xf32>,
        %get3A_299 = arith.index_cast %scan3A_119 : i32 to index
        %get3A_300 = arith.constant 320 : index
        %get3A_301 = tpu.vector_load %arg5[%get3A_299, %get3A_300] {strides = array<i32>} : memref<32x1024xf32, #tpu.memory_space<vmem>>, vector<1x16xf32>,
        %get3A_302 = vector.shape_cast %get3A_301 : vector<1x16xf32> to vector<16xf32>
        %swap3A_303 = arith.index_cast %scan3A_119 : i32 to index
        %swap3A_304 = arith.constant 320 : index
        %swap3A_305 = tpu.vector_load %arg7[%swap3A_303, %swap3A_304] {strides = array<i32>} : memref<32x1024xf32, #tpu.memory_space<vmem>>, vector<1x16xf32>,
        %swap3A_306 = vector.shape_cast %swap3A_305 : vector<1x16xf32> to vector<16xf32>
        %swap3A_307 = vector.shape_cast %get3A_302 : vector<16xf32> to vector<1x16xf32>
        tpu.vector_store %arg7[%swap3A_303, %swap3A_304], %swap3A_307 {add = true, strides = array<i32>} : memref<32x1024xf32, #tpu.memory_space<vmem>>, vector<1x16xf32>,
        %get3A_308 = arith.index_cast %scan3A_119 : i32 to index
        %get3A_309 = arith.constant 336 : index
        %get3A_310 = tpu.vector_load %arg5[%get3A_308, %get3A_309] {strides = array<i32>} : memref<32x1024xf32, #tpu.memory_space<vmem>>, vector<1x16xf32>,
        %get3A_311 = vector.shape_cast %get3A_310 : vector<1x16xf32> to vector<16xf32>
        %swap3A_312 = arith.index_cast %scan3A_119 : i32 to index
        %swap3A_313 = arith.constant 336 : index
        %swap3A_314 = tpu.vector_load %arg7[%swap3A_312, %swap3A_313] {strides = array<i32>} : memref<32x1024xf32, #tpu.memory_space<vmem>>, vector<1x16xf32>,
        %swap3A_315 = vector.shape_cast %swap3A_314 : vector<1x16xf32> to vector<16xf32>
        %swap3A_316 = vector.shape_cast %get3A_311 : vector<16xf32> to vector<1x16xf32>
        tpu.vector_store %arg7[%swap3A_312, %swap3A_313], %swap3A_316 {add = true, strides = array<i32>} : memref<32x1024xf32, #tpu.memory_space<vmem>>, vector<1x16xf32>,
        %get3A_317 = arith.index_cast %scan3A_119 : i32 to index
        %get3A_318 = arith.constant 352 : index
        %get3A_319 = tpu.vector_load %arg5[%get3A_317, %get3A_318] {strides = array<i32>} : memref<32x1024xf32, #tpu.memory_space<vmem>>, vector<1x16xf32>,
        %get3A_320 = vector.shape_cast %get3A_319 : vector<1x16xf32> to vector<16xf32>
        %swap3A_321 = arith.index_cast %scan3A_119 : i32 to index
        %swap3A_322 = arith.constant 352 : index
        %swap3A_323 = tpu.vector_load %arg7[%swap3A_321, %swap3A_322] {strides = array<i32>} : memref<32x1024xf32, #tpu.memory_space<vmem>>, vector<1x16xf32>,
        %swap3A_324 = vector.shape_cast %swap3A_323 : vector<1x16xf32> to vector<16xf32>
        %swap3A_325 = vector.shape_cast %get3A_320 : vector<16xf32> to vector<1x16xf32>
        tpu.vector_store %arg7[%swap3A_321, %swap3A_322], %swap3A_325 {add = true, strides = array<i32>} : memref<32x1024xf32, #tpu.memory_space<vmem>>, vector<1x16xf32>,
        %get3A_326 = arith.index_cast %scan3A_119 : i32 to index
        %get3A_327 = arith.constant 368 : index
        %get3A_328 = tpu.vector_load %arg5[%get3A_326, %get3A_327] {strides = array<i32>} : memref<32x1024xf32, #tpu.memory_space<vmem>>, vector<1x16xf32>,
        %get3A_329 = vector.shape_cast %get3A_328 : vector<1x16xf32> to vector<16xf32>
        %swap3A_330 = arith.index_cast %scan3A_119 : i32 to index
        %swap3A_331 = arith.constant 368 : index
        %swap3A_332 = tpu.vector_load %arg7[%swap3A_330, %swap3A_331] {strides = array<i32>} : memref<32x1024xf32, #tpu.memory_space<vmem>>, vector<1x16xf32>,
        %swap3A_333 = vector.shape_cast %swap3A_332 : vector<1x16xf32> to vector<16xf32>
        %swap3A_334 = vector.shape_cast %get3A_329 : vector<16xf32> to vector<1x16xf32>
        tpu.vector_store %arg7[%swap3A_330, %swap3A_331], %swap3A_334 {add = true, strides = array<i32>} : memref<32x1024xf32, #tpu.memory_space<vmem>>, vector<1x16xf32>,
        %get3A_335 = arith.index_cast %scan3A_119 : i32 to index
        %get3A_336 = arith.constant 384 : index
        %get3A_337 = tpu.vector_load %arg5[%get3A_335, %get3A_336] {strides = array<i32>} : memref<32x1024xf32, #tpu.memory_space<vmem>>, vector<1x16xf32>,
        %get3A_338 = vector.shape_cast %get3A_337 : vector<1x16xf32> to vector<16xf32>
        %swap3A_339 = arith.index_cast %scan3A_119 : i32 to index
        %swap3A_340 = arith.constant 384 : index
        %swap3A_341 = tpu.vector_load %arg7[%swap3A_339, %swap3A_340] {strides = array<i32>} : memref<32x1024xf32, #tpu.memory_space<vmem>>, vector<1x16xf32>,
        %swap3A_342 = vector.shape_cast %swap3A_341 : vector<1x16xf32> to vector<16xf32>
        %swap3A_343 = vector.shape_cast %get3A_338 : vector<16xf32> to vector<1x16xf32>
        tpu.vector_store %arg7[%swap3A_339, %swap3A_340], %swap3A_343 {add = true, strides = array<i32>} : memref<32x1024xf32, #tpu.memory_space<vmem>>, vector<1x16xf32>,
        %get3A_344 = arith.index_cast %scan3A_119 : i32 to index
        %get3A_345 = arith.constant 400 : index
        %get3A_346 = tpu.vector_load %arg5[%get3A_344, %get3A_345] {strides = array<i32>} : memref<32x1024xf32, #tpu.memory_space<vmem>>, vector<1x16xf32>,
        %get3A_347 = vector.shape_cast %get3A_346 : vector<1x16xf32> to vector<16xf32>
        %swap3A_348 = arith.index_cast %scan3A_119 : i32 to index
        %swap3A_349 = arith.constant 400 : index
        %swap3A_350 = tpu.vector_load %arg7[%swap3A_348, %swap3A_349] {strides = array<i32>} : memref<32x1024xf32, #tpu.memory_space<vmem>>, vector<1x16xf32>,
        %swap3A_351 = vector.shape_cast %swap3A_350 : vector<1x16xf32> to vector<16xf32>
        %swap3A_352 = vector.shape_cast %get3A_347 : vector<16xf32> to vector<1x16xf32>
        tpu.vector_store %arg7[%swap3A_348, %swap3A_349], %swap3A_352 {add = true, strides = array<i32>} : memref<32x1024xf32, #tpu.memory_space<vmem>>, vector<1x16xf32>,
        %get3A_353 = arith.index_cast %scan3A_119 : i32 to index
        %get3A_354 = arith.constant 416 : index
        %get3A_355 = tpu.vector_load %arg5[%get3A_353, %get3A_354] {strides = array<i32>} : memref<32x1024xf32, #tpu.memory_space<vmem>>, vector<1x16xf32>,
        %get3A_356 = vector.shape_cast %get3A_355 : vector<1x16xf32> to vector<16xf32>
        %swap3A_357 = arith.index_cast %scan3A_119 : i32 to index
        %swap3A_358 = arith.constant 416 : index
        %swap3A_359 = tpu.vector_load %arg7[%swap3A_357, %swap3A_358] {strides = array<i32>} : memref<32x1024xf32, #tpu.memory_space<vmem>>, vector<1x16xf32>,
        %swap3A_360 = vector.shape_cast %swap3A_359 : vector<1x16xf32> to vector<16xf32>
        %swap3A_361 = vector.shape_cast %get3A_356 : vector<16xf32> to vector<1x16xf32>
        tpu.vector_store %arg7[%swap3A_357, %swap3A_358], %swap3A_361 {add = true, strides = array<i32>} : memref<32x1024xf32, #tpu.memory_space<vmem>>, vector<1x16xf32>,
        %get3A_362 = arith.index_cast %scan3A_119 : i32 to index
        %get3A_363 = arith.constant 432 : index
        %get3A_364 = tpu.vector_load %arg5[%get3A_362, %get3A_363] {strides = array<i32>} : memref<32x1024xf32, #tpu.memory_space<vmem>>, vector<1x16xf32>,
        %get3A_365 = vector.shape_cast %get3A_364 : vector<1x16xf32> to vector<16xf32>
        %swap3A_366 = arith.index_cast %scan3A_119 : i32 to index
        %swap3A_367 = arith.constant 432 : index
        %swap3A_368 = tpu.vector_load %arg7[%swap3A_366, %swap3A_367] {strides = array<i32>} : memref<32x1024xf32, #tpu.memory_space<vmem>>, vector<1x16xf32>,
        %swap3A_369 = vector.shape_cast %swap3A_368 : vector<1x16xf32> to vector<16xf32>
        %swap3A_370 = vector.shape_cast %get3A_365 : vector<16xf32> to vector<1x16xf32>
        tpu.vector_store %arg7[%swap3A_366, %swap3A_367], %swap3A_370 {add = true, strides = array<i32>} : memref<32x1024xf32, #tpu.memory_space<vmem>>, vector<1x16xf32>,
        %get3A_371 = arith.index_cast %scan3A_119 : i32 to index
        %get3A_372 = arith.constant 448 : index
        %get3A_373 = tpu.vector_load %arg5[%get3A_371, %get3A_372] {strides = array<i32>} : memref<32x1024xf32, #tpu.memory_space<vmem>>, vector<1x16xf32>,
        %get3A_374 = vector.shape_cast %get3A_373 : vector<1x16xf32> to vector<16xf32>
        %swap3A_375 = arith.index_cast %scan3A_119 : i32 to index
        %swap3A_376 = arith.constant 448 : index
        %swap3A_377 = tpu.vector_load %arg7[%swap3A_375, %swap3A_376] {strides = array<i32>} : memref<32x1024xf32, #tpu.memory_space<vmem>>, vector<1x16xf32>,
        %swap3A_378 = vector.shape_cast %swap3A_377 : vector<1x16xf32> to vector<16xf32>
        %swap3A_379 = vector.shape_cast %get3A_374 : vector<16xf32> to vector<1x16xf32>
        tpu.vector_store %arg7[%swap3A_375, %swap3A_376], %swap3A_379 {add = true, strides = array<i32>} : memref<32x1024xf32, #tpu.memory_space<vmem>>, vector<1x16xf32>,
        %get3A_380 = arith.index_cast %scan3A_119 : i32 to index
        %get3A_381 = arith.constant 464 : index
        %get3A_382 = tpu.vector_load %arg5[%get3A_380, %get3A_381] {strides = array<i32>} : memref<32x1024xf32, #tpu.memory_space<vmem>>, vector<1x16xf32>,
        %get3A_383 = vector.shape_cast %get3A_382 : vector<1x16xf32> to vector<16xf32>
        %swap3A_384 = arith.index_cast %scan3A_119 : i32 to index
        %swap3A_385 = arith.constant 464 : index
        %swap3A_386 = tpu.vector_load %arg7[%swap3A_384, %swap3A_385] {strides = array<i32>} : memref<32x1024xf32, #tpu.memory_space<vmem>>, vector<1x16xf32>,
        %swap3A_387 = vector.shape_cast %swap3A_386 : vector<1x16xf32> to vector<16xf32>
        %swap3A_388 = vector.shape_cast %get3A_383 : vector<16xf32> to vector<1x16xf32>
        tpu.vector_store %arg7[%swap3A_384, %swap3A_385], %swap3A_388 {add = true, strides = array<i32>} : memref<32x1024xf32, #tpu.memory_space<vmem>>, vector<1x16xf32>,
        %get3A_389 = arith.index_cast %scan3A_119 : i32 to index
        %get3A_390 = arith.constant 480 : index
        %get3A_391 = tpu.vector_load %arg5[%get3A_389, %get3A_390] {strides = array<i32>} : memref<32x1024xf32, #tpu.memory_space<vmem>>, vector<1x16xf32>,
        %get3A_392 = vector.shape_cast %get3A_391 : vector<1x16xf32> to vector<16xf32>
        %swap3A_393 = arith.index_cast %scan3A_119 : i32 to index
        %swap3A_394 = arith.constant 480 : index
        %swap3A_395 = tpu.vector_load %arg7[%swap3A_393, %swap3A_394] {strides = array<i32>} : memref<32x1024xf32, #tpu.memory_space<vmem>>, vector<1x16xf32>,
        %swap3A_396 = vector.shape_cast %swap3A_395 : vector<1x16xf32> to vector<16xf32>
        %swap3A_397 = vector.shape_cast %get3A_392 : vector<16xf32> to vector<1x16xf32>
        tpu.vector_store %arg7[%swap3A_393, %swap3A_394], %swap3A_397 {add = true, strides = array<i32>} : memref<32x1024xf32, #tpu.memory_space<vmem>>, vector<1x16xf32>,
        %get3A_398 = arith.index_cast %scan3A_119 : i32 to index
        %get3A_399 = arith.constant 496 : index
        %get3A_400 = tpu.vector_load %arg5[%get3A_398, %get3A_399] {strides = array<i32>} : memref<32x1024xf32, #tpu.memory_space<vmem>>, vector<1x16xf32>,
        %get3A_401 = vector.shape_cast %get3A_400 : vector<1x16xf32> to vector<16xf32>
        %swap3A_402 = arith.index_cast %scan3A_119 : i32 to index
        %swap3A_403 = arith.constant 496 : index
        %swap3A_404 = tpu.vector_load %arg7[%swap3A_402, %swap3A_403] {strides = array<i32>} : memref<32x1024xf32, #tpu.memory_space<vmem>>, vector<1x16xf32>,
        %swap3A_405 = vector.shape_cast %swap3A_404 : vector<1x16xf32> to vector<16xf32>
        %swap3A_406 = vector.shape_cast %get3A_401 : vector<16xf32> to vector<1x16xf32>
        tpu.vector_store %arg7[%swap3A_402, %swap3A_403], %swap3A_406 {add = true, strides = array<i32>} : memref<32x1024xf32, #tpu.memory_space<vmem>>, vector<1x16xf32>,
        %get3A_407 = arith.index_cast %scan3A_119 : i32 to index
        %get3A_408 = arith.constant 512 : index
        %get3A_409 = tpu.vector_load %arg5[%get3A_407, %get3A_408] {strides = array<i32>} : memref<32x1024xf32, #tpu.memory_space<vmem>>, vector<1x16xf32>,
        %get3A_410 = vector.shape_cast %get3A_409 : vector<1x16xf32> to vector<16xf32>
        %swap3A_411 = arith.index_cast %scan3A_119 : i32 to index
        %swap3A_412 = arith.constant 512 : index
        %swap3A_413 = tpu.vector_load %arg7[%swap3A_411, %swap3A_412] {strides = array<i32>} : memref<32x1024xf32, #tpu.memory_space<vmem>>, vector<1x16xf32>,
        %swap3A_414 = vector.shape_cast %swap3A_413 : vector<1x16xf32> to vector<16xf32>
        %swap3A_415 = vector.shape_cast %get3A_410 : vector<16xf32> to vector<1x16xf32>
        tpu.vector_store %arg7[%swap3A_411, %swap3A_412], %swap3A_415 {add = true, strides = array<i32>} : memref<32x1024xf32, #tpu.memory_space<vmem>>, vector<1x16xf32>,
        %get3A_416 = arith.index_cast %scan3A_119 : i32 to index
        %get3A_417 = arith.constant 528 : index
        %get3A_418 = tpu.vector_load %arg5[%get3A_416, %get3A_417] {strides = array<i32>} : memref<32x1024xf32, #tpu.memory_space<vmem>>, vector<1x16xf32>,
        %get3A_419 = vector.shape_cast %get3A_418 : vector<1x16xf32> to vector<16xf32>
        %swap3A_420 = arith.index_cast %scan3A_119 : i32 to index
        %swap3A_421 = arith.constant 528 : index
        %swap3A_422 = tpu.vector_load %arg7[%swap3A_420, %swap3A_421] {strides = array<i32>} : memref<32x1024xf32, #tpu.memory_space<vmem>>, vector<1x16xf32>,
        %swap3A_423 = vector.shape_cast %swap3A_422 : vector<1x16xf32> to vector<16xf32>
        %swap3A_424 = vector.shape_cast %get3A_419 : vector<16xf32> to vector<1x16xf32>
        tpu.vector_store %arg7[%swap3A_420, %swap3A_421], %swap3A_424 {add = true, strides = array<i32>} : memref<32x1024xf32, #tpu.memory_space<vmem>>, vector<1x16xf32>,
        %get3A_425 = arith.index_cast %scan3A_119 : i32 to index
        %get3A_426 = arith.constant 544 : index
        %get3A_427 = tpu.vector_load %arg5[%get3A_425, %get3A_426] {strides = array<i32>} : memref<32x1024xf32, #tpu.memory_space<vmem>>, vector<1x16xf32>,
        %get3A_428 = vector.shape_cast %get3A_427 : vector<1x16xf32> to vector<16xf32>
        %swap3A_429 = arith.index_cast %scan3A_119 : i32 to index
        %swap3A_430 = arith.constant 544 : index
        %swap3A_431 = tpu.vector_load %arg7[%swap3A_429, %swap3A_430] {strides = array<i32>} : memref<32x1024xf32, #tpu.memory_space<vmem>>, vector<1x16xf32>,
        %swap3A_432 = vector.shape_cast %swap3A_431 : vector<1x16xf32> to vector<16xf32>
        %swap3A_433 = vector.shape_cast %get3A_428 : vector<16xf32> to vector<1x16xf32>
        tpu.vector_store %arg7[%swap3A_429, %swap3A_430], %swap3A_433 {add = true, strides = array<i32>} : memref<32x1024xf32, #tpu.memory_space<vmem>>, vector<1x16xf32>,
        %get3A_434 = arith.index_cast %scan3A_119 : i32 to index
        %get3A_435 = arith.constant 560 : index
        %get3A_436 = tpu.vector_load %arg5[%get3A_434, %get3A_435] {strides = array<i32>} : memref<32x1024xf32, #tpu.memory_space<vmem>>, vector<1x16xf32>,
        %get3A_437 = vector.shape_cast %get3A_436 : vector<1x16xf32> to vector<16xf32>
        %swap3A_438 = arith.index_cast %scan3A_119 : i32 to index
        %swap3A_439 = arith.constant 560 : index
        %swap3A_440 = tpu.vector_load %arg7[%swap3A_438, %swap3A_439] {strides = array<i32>} : memref<32x1024xf32, #tpu.memory_space<vmem>>, vector<1x16xf32>,
        %swap3A_441 = vector.shape_cast %swap3A_440 : vector<1x16xf32> to vector<16xf32>
        %swap3A_442 = vector.shape_cast %get3A_437 : vector<16xf32> to vector<1x16xf32>
        tpu.vector_store %arg7[%swap3A_438, %swap3A_439], %swap3A_442 {add = true, strides = array<i32>} : memref<32x1024xf32, #tpu.memory_space<vmem>>, vector<1x16xf32>,
        %get3A_443 = arith.index_cast %scan3A_119 : i32 to index
        %get3A_444 = arith.constant 576 : index
        %get3A_445 = tpu.vector_load %arg5[%get3A_443, %get3A_444] {strides = array<i32>} : memref<32x1024xf32, #tpu.memory_space<vmem>>, vector<1x16xf32>,
        %get3A_446 = vector.shape_cast %get3A_445 : vector<1x16xf32> to vector<16xf32>
        %swap3A_447 = arith.index_cast %scan3A_119 : i32 to index
        %swap3A_448 = arith.constant 576 : index
        %swap3A_449 = tpu.vector_load %arg7[%swap3A_447, %swap3A_448] {strides = array<i32>} : memref<32x1024xf32, #tpu.memory_space<vmem>>, vector<1x16xf32>,
        %swap3A_450 = vector.shape_cast %swap3A_449 : vector<1x16xf32> to vector<16xf32>
        %swap3A_451 = vector.shape_cast %get3A_446 : vector<16xf32> to vector<1x16xf32>
        tpu.vector_store %arg7[%swap3A_447, %swap3A_448], %swap3A_451 {add = true, strides = array<i32>} : memref<32x1024xf32, #tpu.memory_space<vmem>>, vector<1x16xf32>,
        %get3A_452 = arith.index_cast %scan3A_119 : i32 to index
        %get3A_453 = arith.constant 592 : index
        %get3A_454 = tpu.vector_load %arg5[%get3A_452, %get3A_453] {strides = array<i32>} : memref<32x1024xf32, #tpu.memory_space<vmem>>, vector<1x16xf32>,
        %get3A_455 = vector.shape_cast %get3A_454 : vector<1x16xf32> to vector<16xf32>
        %swap3A_456 = arith.index_cast %scan3A_119 : i32 to index
        %swap3A_457 = arith.constant 592 : index
        %swap3A_458 = tpu.vector_load %arg7[%swap3A_456, %swap3A_457] {strides = array<i32>} : memref<32x1024xf32, #tpu.memory_space<vmem>>, vector<1x16xf32>,
        %swap3A_459 = vector.shape_cast %swap3A_458 : vector<1x16xf32> to vector<16xf32>
        %swap3A_460 = vector.shape_cast %get3A_455 : vector<16xf32> to vector<1x16xf32>
        tpu.vector_store %arg7[%swap3A_456, %swap3A_457], %swap3A_460 {add = true, strides = array<i32>} : memref<32x1024xf32, #tpu.memory_space<vmem>>, vector<1x16xf32>,
        %get3A_461 = arith.index_cast %scan3A_119 : i32 to index
        %get3A_462 = arith.constant 608 : index
        %get3A_463 = tpu.vector_load %arg5[%get3A_461, %get3A_462] {strides = array<i32>} : memref<32x1024xf32, #tpu.memory_space<vmem>>, vector<1x16xf32>,
        %get3A_464 = vector.shape_cast %get3A_463 : vector<1x16xf32> to vector<16xf32>
        %swap3A_465 = arith.index_cast %scan3A_119 : i32 to index
        %swap3A_466 = arith.constant 608 : index
        %swap3A_467 = tpu.vector_load %arg7[%swap3A_465, %swap3A_466] {strides = array<i32>} : memref<32x1024xf32, #tpu.memory_space<vmem>>, vector<1x16xf32>,
        %swap3A_468 = vector.shape_cast %swap3A_467 : vector<1x16xf32> to vector<16xf32>
        %swap3A_469 = vector.shape_cast %get3A_464 : vector<16xf32> to vector<1x16xf32>
        tpu.vector_store %arg7[%swap3A_465, %swap3A_466], %swap3A_469 {add = true, strides = array<i32>} : memref<32x1024xf32, #tpu.memory_space<vmem>>, vector<1x16xf32>,
        %get3A_470 = arith.index_cast %scan3A_119 : i32 to index
        %get3A_471 = arith.constant 624 : index
        %get3A_472 = tpu.vector_load %arg5[%get3A_470, %get3A_471] {strides = array<i32>} : memref<32x1024xf32, #tpu.memory_space<vmem>>, vector<1x16xf32>,
        %get3A_473 = vector.shape_cast %get3A_472 : vector<1x16xf32> to vector<16xf32>
        %swap3A_474 = arith.index_cast %scan3A_119 : i32 to index
        %swap3A_475 = arith.constant 624 : index
        %swap3A_476 = tpu.vector_load %arg7[%swap3A_474, %swap3A_475] {strides = array<i32>} : memref<32x1024xf32, #tpu.memory_space<vmem>>, vector<1x16xf32>,
        %swap3A_477 = vector.shape_cast %swap3A_476 : vector<1x16xf32> to vector<16xf32>
        %swap3A_478 = vector.shape_cast %get3A_473 : vector<16xf32> to vector<1x16xf32>
        tpu.vector_store %arg7[%swap3A_474, %swap3A_475], %swap3A_478 {add = true, strides = array<i32>} : memref<32x1024xf32, #tpu.memory_space<vmem>>, vector<1x16xf32>,
        %get3A_479 = arith.index_cast %scan3A_119 : i32 to index
        %get3A_480 = arith.constant 640 : index
        %get3A_481 = tpu.vector_load %arg5[%get3A_479, %get3A_480] {strides = array<i32>} : memref<32x1024xf32, #tpu.memory_space<vmem>>, vector<1x16xf32>,
        %get3A_482 = vector.shape_cast %get3A_481 : vector<1x16xf32> to vector<16xf32>
        %swap3A_483 = arith.index_cast %scan3A_119 : i32 to index
        %swap3A_484 = arith.constant 640 : index
        %swap3A_485 = tpu.vector_load %arg7[%swap3A_483, %swap3A_484] {strides = array<i32>} : memref<32x1024xf32, #tpu.memory_space<vmem>>, vector<1x16xf32>,
        %swap3A_486 = vector.shape_cast %swap3A_485 : vector<1x16xf32> to vector<16xf32>
        %swap3A_487 = vector.shape_cast %get3A_482 : vector<16xf32> to vector<1x16xf32>
        tpu.vector_store %arg7[%swap3A_483, %swap3A_484], %swap3A_487 {add = true, strides = array<i32>} : memref<32x1024xf32, #tpu.memory_space<vmem>>, vector<1x16xf32>,
        %get3A_488 = arith.index_cast %scan3A_119 : i32 to index
        %get3A_489 = arith.constant 656 : index
        %get3A_490 = tpu.vector_load %arg5[%get3A_488, %get3A_489] {strides = array<i32>} : memref<32x1024xf32, #tpu.memory_space<vmem>>, vector<1x16xf32>,
        %get3A_491 = vector.shape_cast %get3A_490 : vector<1x16xf32> to vector<16xf32>
        %swap3A_492 = arith.index_cast %scan3A_119 : i32 to index
        %swap3A_493 = arith.constant 656 : index
        %swap3A_494 = tpu.vector_load %arg7[%swap3A_492, %swap3A_493] {strides = array<i32>} : memref<32x1024xf32, #tpu.memory_space<vmem>>, vector<1x16xf32>,
        %swap3A_495 = vector.shape_cast %swap3A_494 : vector<1x16xf32> to vector<16xf32>
        %swap3A_496 = vector.shape_cast %get3A_491 : vector<16xf32> to vector<1x16xf32>
        tpu.vector_store %arg7[%swap3A_492, %swap3A_493], %swap3A_496 {add = true, strides = array<i32>} : memref<32x1024xf32, #tpu.memory_space<vmem>>, vector<1x16xf32>,
        %get3A_497 = arith.index_cast %scan3A_119 : i32 to index
        %get3A_498 = arith.constant 672 : index
        %get3A_499 = tpu.vector_load %arg5[%get3A_497, %get3A_498] {strides = array<i32>} : memref<32x1024xf32, #tpu.memory_space<vmem>>, vector<1x16xf32>,
        %get3A_500 = vector.shape_cast %get3A_499 : vector<1x16xf32> to vector<16xf32>
        %swap3A_501 = arith.index_cast %scan3A_119 : i32 to index
        %swap3A_502 = arith.constant 672 : index
        %swap3A_503 = tpu.vector_load %arg7[%swap3A_501, %swap3A_502] {strides = array<i32>} : memref<32x1024xf32, #tpu.memory_space<vmem>>, vector<1x16xf32>,
        %swap3A_504 = vector.shape_cast %swap3A_503 : vector<1x16xf32> to vector<16xf32>
        %swap3A_505 = vector.shape_cast %get3A_500 : vector<16xf32> to vector<1x16xf32>
        tpu.vector_store %arg7[%swap3A_501, %swap3A_502], %swap3A_505 {add = true, strides = array<i32>} : memref<32x1024xf32, #tpu.memory_space<vmem>>, vector<1x16xf32>,
        %get3A_506 = arith.index_cast %scan3A_119 : i32 to index
        %get3A_507 = arith.constant 688 : index
        %get3A_508 = tpu.vector_load %arg5[%get3A_506, %get3A_507] {strides = array<i32>} : memref<32x1024xf32, #tpu.memory_space<vmem>>, vector<1x16xf32>,
        %get3A_509 = vector.shape_cast %get3A_508 : vector<1x16xf32> to vector<16xf32>
        %swap3A_510 = arith.index_cast %scan3A_119 : i32 to index
        %swap3A_511 = arith.constant 688 : index
        %swap3A_512 = tpu.vector_load %arg7[%swap3A_510, %swap3A_511] {strides = array<i32>} : memref<32x1024xf32, #tpu.memory_space<vmem>>, vector<1x16xf32>,
        %swap3A_513 = vector.shape_cast %swap3A_512 : vector<1x16xf32> to vector<16xf32>
        %swap3A_514 = vector.shape_cast %get3A_509 : vector<16xf32> to vector<1x16xf32>
        tpu.vector_store %arg7[%swap3A_510, %swap3A_511], %swap3A_514 {add = true, strides = array<i32>} : memref<32x1024xf32, #tpu.memory_space<vmem>>, vector<1x16xf32>,
        %get3A_515 = arith.index_cast %scan3A_119 : i32 to index
        %get3A_516 = arith.constant 704 : index
        %get3A_517 = tpu.vector_load %arg5[%get3A_515, %get3A_516] {strides = array<i32>} : memref<32x1024xf32, #tpu.memory_space<vmem>>, vector<1x16xf32>,
        %get3A_518 = vector.shape_cast %get3A_517 : vector<1x16xf32> to vector<16xf32>
        %swap3A_519 = arith.index_cast %scan3A_119 : i32 to index
        %swap3A_520 = arith.constant 704 : index
        %swap3A_521 = tpu.vector_load %arg7[%swap3A_519, %swap3A_520] {strides = array<i32>} : memref<32x1024xf32, #tpu.memory_space<vmem>>, vector<1x16xf32>,
        %swap3A_522 = vector.shape_cast %swap3A_521 : vector<1x16xf32> to vector<16xf32>
        %swap3A_523 = vector.shape_cast %get3A_518 : vector<16xf32> to vector<1x16xf32>
        tpu.vector_store %arg7[%swap3A_519, %swap3A_520], %swap3A_523 {add = true, strides = array<i32>} : memref<32x1024xf32, #tpu.memory_space<vmem>>, vector<1x16xf32>,
        %get3A_524 = arith.index_cast %scan3A_119 : i32 to index
        %get3A_525 = arith.constant 720 : index
        %get3A_526 = tpu.vector_load %arg5[%get3A_524, %get3A_525] {strides = array<i32>} : memref<32x1024xf32, #tpu.memory_space<vmem>>, vector<1x16xf32>,
        %get3A_527 = vector.shape_cast %get3A_526 : vector<1x16xf32> to vector<16xf32>
        %swap3A_528 = arith.index_cast %scan3A_119 : i32 to index
        %swap3A_529 = arith.constant 720 : index
        %swap3A_530 = tpu.vector_load %arg7[%swap3A_528, %swap3A_529] {strides = array<i32>} : memref<32x1024xf32, #tpu.memory_space<vmem>>, vector<1x16xf32>,
        %swap3A_531 = vector.shape_cast %swap3A_530 : vector<1x16xf32> to vector<16xf32>
        %swap3A_532 = vector.shape_cast %get3A_527 : vector<16xf32> to vector<1x16xf32>
        tpu.vector_store %arg7[%swap3A_528, %swap3A_529], %swap3A_532 {add = true, strides = array<i32>} : memref<32x1024xf32, #tpu.memory_space<vmem>>, vector<1x16xf32>,
        %get3A_533 = arith.index_cast %scan3A_119 : i32 to index
        %get3A_534 = arith.constant 736 : index
        %get3A_535 = tpu.vector_load %arg5[%get3A_533, %get3A_534] {strides = array<i32>} : memref<32x1024xf32, #tpu.memory_space<vmem>>, vector<1x16xf32>,
        %get3A_536 = vector.shape_cast %get3A_535 : vector<1x16xf32> to vector<16xf32>
        %swap3A_537 = arith.index_cast %scan3A_119 : i32 to index
        %swap3A_538 = arith.constant 736 : index
        %swap3A_539 = tpu.vector_load %arg7[%swap3A_537, %swap3A_538] {strides = array<i32>} : memref<32x1024xf32, #tpu.memory_space<vmem>>, vector<1x16xf32>,
        %swap3A_540 = vector.shape_cast %swap3A_539 : vector<1x16xf32> to vector<16xf32>
        %swap3A_541 = vector.shape_cast %get3A_536 : vector<16xf32> to vector<1x16xf32>
        tpu.vector_store %arg7[%swap3A_537, %swap3A_538], %swap3A_541 {add = true, strides = array<i32>} : memref<32x1024xf32, #tpu.memory_space<vmem>>, vector<1x16xf32>,
        %get3A_542 = arith.index_cast %scan3A_119 : i32 to index
        %get3A_543 = arith.constant 752 : index
        %get3A_544 = tpu.vector_load %arg5[%get3A_542, %get3A_543] {strides = array<i32>} : memref<32x1024xf32, #tpu.memory_space<vmem>>, vector<1x16xf32>,
        %get3A_545 = vector.shape_cast %get3A_544 : vector<1x16xf32> to vector<16xf32>
        %swap3A_546 = arith.index_cast %scan3A_119 : i32 to index
        %swap3A_547 = arith.constant 752 : index
        %swap3A_548 = tpu.vector_load %arg7[%swap3A_546, %swap3A_547] {strides = array<i32>} : memref<32x1024xf32, #tpu.memory_space<vmem>>, vector<1x16xf32>,
        %swap3A_549 = vector.shape_cast %swap3A_548 : vector<1x16xf32> to vector<16xf32>
        %swap3A_550 = vector.shape_cast %get3A_545 : vector<16xf32> to vector<1x16xf32>
        tpu.vector_store %arg7[%swap3A_546, %swap3A_547], %swap3A_550 {add = true, strides = array<i32>} : memref<32x1024xf32, #tpu.memory_space<vmem>>, vector<1x16xf32>,
        %get3A_551 = arith.index_cast %scan3A_119 : i32 to index
        %get3A_552 = arith.constant 768 : index
        %get3A_553 = tpu.vector_load %arg5[%get3A_551, %get3A_552] {strides = array<i32>} : memref<32x1024xf32, #tpu.memory_space<vmem>>, vector<1x16xf32>,
        %get3A_554 = vector.shape_cast %get3A_553 : vector<1x16xf32> to vector<16xf32>
        %swap3A_555 = arith.index_cast %scan3A_119 : i32 to index
        %swap3A_556 = arith.constant 768 : index
        %swap3A_557 = tpu.vector_load %arg7[%swap3A_555, %swap3A_556] {strides = array<i32>} : memref<32x1024xf32, #tpu.memory_space<vmem>>, vector<1x16xf32>,
        %swap3A_558 = vector.shape_cast %swap3A_557 : vector<1x16xf32> to vector<16xf32>
        %swap3A_559 = vector.shape_cast %get3A_554 : vector<16xf32> to vector<1x16xf32>
        tpu.vector_store %arg7[%swap3A_555, %swap3A_556], %swap3A_559 {add = true, strides = array<i32>} : memref<32x1024xf32, #tpu.memory_space<vmem>>, vector<1x16xf32>,
        %get3A_560 = arith.index_cast %scan3A_119 : i32 to index
        %get3A_561 = arith.constant 784 : index
        %get3A_562 = tpu.vector_load %arg5[%get3A_560, %get3A_561] {strides = array<i32>} : memref<32x1024xf32, #tpu.memory_space<vmem>>, vector<1x16xf32>,
        %get3A_563 = vector.shape_cast %get3A_562 : vector<1x16xf32> to vector<16xf32>
        %swap3A_564 = arith.index_cast %scan3A_119 : i32 to index
        %swap3A_565 = arith.constant 784 : index
        %swap3A_566 = tpu.vector_load %arg7[%swap3A_564, %swap3A_565] {strides = array<i32>} : memref<32x1024xf32, #tpu.memory_space<vmem>>, vector<1x16xf32>,
        %swap3A_567 = vector.shape_cast %swap3A_566 : vector<1x16xf32> to vector<16xf32>
        %swap3A_568 = vector.shape_cast %get3A_563 : vector<16xf32> to vector<1x16xf32>
        tpu.vector_store %arg7[%swap3A_564, %swap3A_565], %swap3A_568 {add = true, strides = array<i32>} : memref<32x1024xf32, #tpu.memory_space<vmem>>, vector<1x16xf32>,
        %get3A_569 = arith.index_cast %scan3A_119 : i32 to index
        %get3A_570 = arith.constant 800 : index
        %get3A_571 = tpu.vector_load %arg5[%get3A_569, %get3A_570] {strides = array<i32>} : memref<32x1024xf32, #tpu.memory_space<vmem>>, vector<1x16xf32>,
        %get3A_572 = vector.shape_cast %get3A_571 : vector<1x16xf32> to vector<16xf32>
        %swap3A_573 = arith.index_cast %scan3A_119 : i32 to index
        %swap3A_574 = arith.constant 800 : index
        %swap3A_575 = tpu.vector_load %arg7[%swap3A_573, %swap3A_574] {strides = array<i32>} : memref<32x1024xf32, #tpu.memory_space<vmem>>, vector<1x16xf32>,
        %swap3A_576 = vector.shape_cast %swap3A_575 : vector<1x16xf32> to vector<16xf32>
        %swap3A_577 = vector.shape_cast %get3A_572 : vector<16xf32> to vector<1x16xf32>
        tpu.vector_store %arg7[%swap3A_573, %swap3A_574], %swap3A_577 {add = true, strides = array<i32>} : memref<32x1024xf32, #tpu.memory_space<vmem>>, vector<1x16xf32>,
        %get3A_578 = arith.index_cast %scan3A_119 : i32 to index
        %get3A_579 = arith.constant 816 : index
        %get3A_580 = tpu.vector_load %arg5[%get3A_578, %get3A_579] {strides = array<i32>} : memref<32x1024xf32, #tpu.memory_space<vmem>>, vector<1x16xf32>,
        %get3A_581 = vector.shape_cast %get3A_580 : vector<1x16xf32> to vector<16xf32>
        %swap3A_582 = arith.index_cast %scan3A_119 : i32 to index
        %swap3A_583 = arith.constant 816 : index
        %swap3A_584 = tpu.vector_load %arg7[%swap3A_582, %swap3A_583] {strides = array<i32>} : memref<32x1024xf32, #tpu.memory_space<vmem>>, vector<1x16xf32>,
        %swap3A_585 = vector.shape_cast %swap3A_584 : vector<1x16xf32> to vector<16xf32>
        %swap3A_586 = vector.shape_cast %get3A_581 : vector<16xf32> to vector<1x16xf32>
        tpu.vector_store %arg7[%swap3A_582, %swap3A_583], %swap3A_586 {add = true, strides = array<i32>} : memref<32x1024xf32, #tpu.memory_space<vmem>>, vector<1x16xf32>,
        %get3A_587 = arith.index_cast %scan3A_119 : i32 to index
        %get3A_588 = arith.constant 832 : index
        %get3A_589 = tpu.vector_load %arg5[%get3A_587, %get3A_588] {strides = array<i32>} : memref<32x1024xf32, #tpu.memory_space<vmem>>, vector<1x16xf32>,
        %get3A_590 = vector.shape_cast %get3A_589 : vector<1x16xf32> to vector<16xf32>
        %swap3A_591 = arith.index_cast %scan3A_119 : i32 to index
        %swap3A_592 = arith.constant 832 : index
        %swap3A_593 = tpu.vector_load %arg7[%swap3A_591, %swap3A_592] {strides = array<i32>} : memref<32x1024xf32, #tpu.memory_space<vmem>>, vector<1x16xf32>,
        %swap3A_594 = vector.shape_cast %swap3A_593 : vector<1x16xf32> to vector<16xf32>
        %swap3A_595 = vector.shape_cast %get3A_590 : vector<16xf32> to vector<1x16xf32>
        tpu.vector_store %arg7[%swap3A_591, %swap3A_592], %swap3A_595 {add = true, strides = array<i32>} : memref<32x1024xf32, #tpu.memory_space<vmem>>, vector<1x16xf32>,
        %get3A_596 = arith.index_cast %scan3A_119 : i32 to index
        %get3A_597 = arith.constant 848 : index
        %get3A_598 = tpu.vector_load %arg5[%get3A_596, %get3A_597] {strides = array<i32>} : memref<32x1024xf32, #tpu.memory_space<vmem>>, vector<1x16xf32>,
        %get3A_599 = vector.shape_cast %get3A_598 : vector<1x16xf32> to vector<16xf32>
        %swap3A_600 = arith.index_cast %scan3A_119 : i32 to index
        %swap3A_601 = arith.constant 848 : index
        %swap3A_602 = tpu.vector_load %arg7[%swap3A_600, %swap3A_601] {strides = array<i32>} : memref<32x1024xf32, #tpu.memory_space<vmem>>, vector<1x16xf32>,
        %swap3A_603 = vector.shape_cast %swap3A_602 : vector<1x16xf32> to vector<16xf32>
        %swap3A_604 = vector.shape_cast %get3A_599 : vector<16xf32> to vector<1x16xf32>
        tpu.vector_store %arg7[%swap3A_600, %swap3A_601], %swap3A_604 {add = true, strides = array<i32>} : memref<32x1024xf32, #tpu.memory_space<vmem>>, vector<1x16xf32>,
        %get3A_605 = arith.index_cast %scan3A_119 : i32 to index
        %get3A_606 = arith.constant 864 : index
        %get3A_607 = tpu.vector_load %arg5[%get3A_605, %get3A_606] {strides = array<i32>} : memref<32x1024xf32, #tpu.memory_space<vmem>>, vector<1x16xf32>,
        %get3A_608 = vector.shape_cast %get3A_607 : vector<1x16xf32> to vector<16xf32>
        %swap3A_609 = arith.index_cast %scan3A_119 : i32 to index
        %swap3A_610 = arith.constant 864 : index
        %swap3A_611 = tpu.vector_load %arg7[%swap3A_609, %swap3A_610] {strides = array<i32>} : memref<32x1024xf32, #tpu.memory_space<vmem>>, vector<1x16xf32>,
        %swap3A_612 = vector.shape_cast %swap3A_611 : vector<1x16xf32> to vector<16xf32>
        %swap3A_613 = vector.shape_cast %get3A_608 : vector<16xf32> to vector<1x16xf32>
        tpu.vector_store %arg7[%swap3A_609, %swap3A_610], %swap3A_613 {add = true, strides = array<i32>} : memref<32x1024xf32, #tpu.memory_space<vmem>>, vector<1x16xf32>,
        %get3A_614 = arith.index_cast %scan3A_119 : i32 to index
        %get3A_615 = arith.constant 880 : index
        %get3A_616 = tpu.vector_load %arg5[%get3A_614, %get3A_615] {strides = array<i32>} : memref<32x1024xf32, #tpu.memory_space<vmem>>, vector<1x16xf32>,
        %get3A_617 = vector.shape_cast %get3A_616 : vector<1x16xf32> to vector<16xf32>
        %swap3A_618 = arith.index_cast %scan3A_119 : i32 to index
        %swap3A_619 = arith.constant 880 : index
        %swap3A_620 = tpu.vector_load %arg7[%swap3A_618, %swap3A_619] {strides = array<i32>} : memref<32x1024xf32, #tpu.memory_space<vmem>>, vector<1x16xf32>,
        %swap3A_621 = vector.shape_cast %swap3A_620 : vector<1x16xf32> to vector<16xf32>
        %swap3A_622 = vector.shape_cast %get3A_617 : vector<16xf32> to vector<1x16xf32>
        tpu.vector_store %arg7[%swap3A_618, %swap3A_619], %swap3A_622 {add = true, strides = array<i32>} : memref<32x1024xf32, #tpu.memory_space<vmem>>, vector<1x16xf32>,
        %get3A_623 = arith.index_cast %scan3A_119 : i32 to index
        %get3A_624 = arith.constant 896 : index
        %get3A_625 = tpu.vector_load %arg5[%get3A_623, %get3A_624] {strides = array<i32>} : memref<32x1024xf32, #tpu.memory_space<vmem>>, vector<1x16xf32>,
        %get3A_626 = vector.shape_cast %get3A_625 : vector<1x16xf32> to vector<16xf32>
        %swap3A_627 = arith.index_cast %scan3A_119 : i32 to index
        %swap3A_628 = arith.constant 896 : index
        %swap3A_629 = tpu.vector_load %arg7[%swap3A_627, %swap3A_628] {strides = array<i32>} : memref<32x1024xf32, #tpu.memory_space<vmem>>, vector<1x16xf32>,
        %swap3A_630 = vector.shape_cast %swap3A_629 : vector<1x16xf32> to vector<16xf32>
        %swap3A_631 = vector.shape_cast %get3A_626 : vector<16xf32> to vector<1x16xf32>
        tpu.vector_store %arg7[%swap3A_627, %swap3A_628], %swap3A_631 {add = true, strides = array<i32>} : memref<32x1024xf32, #tpu.memory_space<vmem>>, vector<1x16xf32>,
        %get3A_632 = arith.index_cast %scan3A_119 : i32 to index
        %get3A_633 = arith.constant 912 : index
        %get3A_634 = tpu.vector_load %arg5[%get3A_632, %get3A_633] {strides = array<i32>} : memref<32x1024xf32, #tpu.memory_space<vmem>>, vector<1x16xf32>,
        %get3A_635 = vector.shape_cast %get3A_634 : vector<1x16xf32> to vector<16xf32>
        %swap3A_636 = arith.index_cast %scan3A_119 : i32 to index
        %swap3A_637 = arith.constant 912 : index
        %swap3A_638 = tpu.vector_load %arg7[%swap3A_636, %swap3A_637] {strides = array<i32>} : memref<32x1024xf32, #tpu.memory_space<vmem>>, vector<1x16xf32>,
        %swap3A_639 = vector.shape_cast %swap3A_638 : vector<1x16xf32> to vector<16xf32>
        %swap3A_640 = vector.shape_cast %get3A_635 : vector<16xf32> to vector<1x16xf32>
        tpu.vector_store %arg7[%swap3A_636, %swap3A_637], %swap3A_640 {add = true, strides = array<i32>} : memref<32x1024xf32, #tpu.memory_space<vmem>>, vector<1x16xf32>,
        %get3A_641 = arith.index_cast %scan3A_119 : i32 to index
        %get3A_642 = arith.constant 928 : index
        %get3A_643 = tpu.vector_load %arg5[%get3A_641, %get3A_642] {strides = array<i32>} : memref<32x1024xf32, #tpu.memory_space<vmem>>, vector<1x16xf32>,
        %get3A_644 = vector.shape_cast %get3A_643 : vector<1x16xf32> to vector<16xf32>
        %swap3A_645 = arith.index_cast %scan3A_119 : i32 to index
        %swap3A_646 = arith.constant 928 : index
        %swap3A_647 = tpu.vector_load %arg7[%swap3A_645, %swap3A_646] {strides = array<i32>} : memref<32x1024xf32, #tpu.memory_space<vmem>>, vector<1x16xf32>,
        %swap3A_648 = vector.shape_cast %swap3A_647 : vector<1x16xf32> to vector<16xf32>
        %swap3A_649 = vector.shape_cast %get3A_644 : vector<16xf32> to vector<1x16xf32>
        tpu.vector_store %arg7[%swap3A_645, %swap3A_646], %swap3A_649 {add = true, strides = array<i32>} : memref<32x1024xf32, #tpu.memory_space<vmem>>, vector<1x16xf32>,
        %get3A_650 = arith.index_cast %scan3A_119 : i32 to index
        %get3A_651 = arith.constant 944 : index
        %get3A_652 = tpu.vector_load %arg5[%get3A_650, %get3A_651] {strides = array<i32>} : memref<32x1024xf32, #tpu.memory_space<vmem>>, vector<1x16xf32>,
        %get3A_653 = vector.shape_cast %get3A_652 : vector<1x16xf32> to vector<16xf32>
        %swap3A_654 = arith.index_cast %scan3A_119 : i32 to index
        %swap3A_655 = arith.constant 944 : index
        %swap3A_656 = tpu.vector_load %arg7[%swap3A_654, %swap3A_655] {strides = array<i32>} : memref<32x1024xf32, #tpu.memory_space<vmem>>, vector<1x16xf32>,
        %swap3A_657 = vector.shape_cast %swap3A_656 : vector<1x16xf32> to vector<16xf32>
        %swap3A_658 = vector.shape_cast %get3A_653 : vector<16xf32> to vector<1x16xf32>
        tpu.vector_store %arg7[%swap3A_654, %swap3A_655], %swap3A_658 {add = true, strides = array<i32>} : memref<32x1024xf32, #tpu.memory_space<vmem>>, vector<1x16xf32>,
        %get3A_659 = arith.index_cast %scan3A_119 : i32 to index
        %get3A_660 = arith.constant 960 : index
        %get3A_661 = tpu.vector_load %arg5[%get3A_659, %get3A_660] {strides = array<i32>} : memref<32x1024xf32, #tpu.memory_space<vmem>>, vector<1x16xf32>,
        %get3A_662 = vector.shape_cast %get3A_661 : vector<1x16xf32> to vector<16xf32>
        %swap3A_663 = arith.index_cast %scan3A_119 : i32 to index
        %swap3A_664 = arith.constant 960 : index
        %swap3A_665 = tpu.vector_load %arg7[%swap3A_663, %swap3A_664] {strides = array<i32>} : memref<32x1024xf32, #tpu.memory_space<vmem>>, vector<1x16xf32>,
        %swap3A_666 = vector.shape_cast %swap3A_665 : vector<1x16xf32> to vector<16xf32>
        %swap3A_667 = vector.shape_cast %get3A_662 : vector<16xf32> to vector<1x16xf32>
        tpu.vector_store %arg7[%swap3A_663, %swap3A_664], %swap3A_667 {add = true, strides = array<i32>} : memref<32x1024xf32, #tpu.memory_space<vmem>>, vector<1x16xf32>,
        %get3A_668 = arith.index_cast %scan3A_119 : i32 to index
        %get3A_669 = arith.constant 976 : index
        %get3A_670 = tpu.vector_load %arg5[%get3A_668, %get3A_669] {strides = array<i32>} : memref<32x1024xf32, #tpu.memory_space<vmem>>, vector<1x16xf32>,
        %get3A_671 = vector.shape_cast %get3A_670 : vector<1x16xf32> to vector<16xf32>
        %swap3A_672 = arith.index_cast %scan3A_119 : i32 to index
        %swap3A_673 = arith.constant 976 : index
        %swap3A_674 = tpu.vector_load %arg7[%swap3A_672, %swap3A_673] {strides = array<i32>} : memref<32x1024xf32, #tpu.memory_space<vmem>>, vector<1x16xf32>,
        %swap3A_675 = vector.shape_cast %swap3A_674 : vector<1x16xf32> to vector<16xf32>
        %swap3A_676 = vector.shape_cast %get3A_671 : vector<16xf32> to vector<1x16xf32>
        tpu.vector_store %arg7[%swap3A_672, %swap3A_673], %swap3A_676 {add = true, strides = array<i32>} : memref<32x1024xf32, #tpu.memory_space<vmem>>, vector<1x16xf32>,
        %get3A_677 = arith.index_cast %scan3A_119 : i32 to index
        %get3A_678 = arith.constant 992 : index
        %get3A_679 = tpu.vector_load %arg5[%get3A_677, %get3A_678] {strides = array<i32>} : memref<32x1024xf32, #tpu.memory_space<vmem>>, vector<1x16xf32>,
        %get3A_680 = vector.shape_cast %get3A_679 : vector<1x16xf32> to vector<16xf32>
        %swap3A_681 = arith.index_cast %scan3A_119 : i32 to index
        %swap3A_682 = arith.constant 992 : index
        %swap3A_683 = tpu.vector_load %arg7[%swap3A_681, %swap3A_682] {strides = array<i32>} : memref<32x1024xf32, #tpu.memory_space<vmem>>, vector<1x16xf32>,
        %swap3A_684 = vector.shape_cast %swap3A_683 : vector<1x16xf32> to vector<16xf32>
        %swap3A_685 = vector.shape_cast %get3A_680 : vector<16xf32> to vector<1x16xf32>
        tpu.vector_store %arg7[%swap3A_681, %swap3A_682], %swap3A_685 {add = true, strides = array<i32>} : memref<32x1024xf32, #tpu.memory_space<vmem>>, vector<1x16xf32>,
        %get3A_686 = arith.index_cast %scan3A_119 : i32 to index
        %get3A_687 = arith.constant 1008 : index
        %get3A_688 = tpu.vector_load %arg5[%get3A_686, %get3A_687] {strides = array<i32>} : memref<32x1024xf32, #tpu.memory_space<vmem>>, vector<1x16xf32>,
        %get3A_689 = vector.shape_cast %get3A_688 : vector<1x16xf32> to vector<16xf32>
        %swap3A_690 = arith.index_cast %scan3A_119 : i32 to index
        %swap3A_691 = arith.constant 1008 : index
        %swap3A_692 = tpu.vector_load %arg7[%swap3A_690, %swap3A_691] {strides = array<i32>} : memref<32x1024xf32, #tpu.memory_space<vmem>>, vector<1x16xf32>,
        %swap3A_693 = vector.shape_cast %swap3A_692 : vector<1x16xf32> to vector<16xf32>
        %swap3A_694 = vector.shape_cast %get3A_689 : vector<16xf32> to vector<1x16xf32>
        tpu.vector_store %arg7[%swap3A_690, %swap3A_691], %swap3A_694 {add = true, strides = array<i32>} : memref<32x1024xf32, #tpu.memory_space<vmem>>, vector<1x16xf32>,
        %scan3A_695 = arith.constant 0 : i32
        scf.yield %scan3A_695 : i32
      }
      %scan3A_107 = arith.constant 32 : i32
      %add3A_108 = arith.constant 24576 : i32
      %add3A_109 = arith.addi %add3A_108, %add3A_13 : i32
      %dma_start3A_110 = arith.constant 0 : i32
      %dma_start3A_111 = tpu.memref_slice %arg4[%add3A_109, %dma_start3A_110] : memref<32768x1024xf32, #tpu.memory_space<hbm>> -> memref<32x1024xf32, #tpu.memory_space<hbm>>
      %dma_start3A_112 = arith.constant 0 : i32
      %dma_start3A_113 = tpu.memref_slice %arg4[%add3A_109, %dma_start3A_112] : memref<32768x1024xf32, #tpu.memory_space<hbm>> -> memref<32x1024xf32, #tpu.memory_space<hbm>>
      tpu.enqueue_dma source(%arg7 : memref<32x1024xf32, #tpu.memory_space<vmem>>) target(%dma_start3A_113 : memref<32x1024xf32, #tpu.memory_space<hbm>>) target_semaphore(%arg11 : memref<!tpu.dma_semaphore, #tpu.memory_space<semaphore_mem>>)
      %dma_wait3A_114 = arith.constant 0 : i32
      %dma_wait3A_115 = tpu.memref_slice %arg4[%add3A_109, %dma_wait3A_114] : memref<32768x1024xf32, #tpu.memory_space<hbm>> -> memref<32x1024xf32, #tpu.memory_space<hbm>>
      %dma_wait3A_116 = arith.constant 0 : i32
      %dma_wait3A_117 = tpu.memref_slice %arg4[%add3A_109, %dma_wait3A_116] : memref<32768x1024xf32, #tpu.memory_space<hbm>> -> memref<32x1024xf32, #tpu.memory_space<hbm>>
      tpu.wait_dma2 semaphore(%arg11 : memref<!tpu.dma_semaphore, #tpu.memory_space<semaphore_mem>>) src(%arg7 : memref<32x1024xf32, #tpu.memory_space<vmem>>) dst(%dma_wait3A_117 : memref<32x1024xf32, #tpu.memory_space<hbm>>)
      %scan3A_118 = arith.constant 0 : i32
      scf.yield %scan3A_118 : i32
    }
    %scan3A_8 = arith.constant 8 : i32
    return
  }
}

</mosaic_0001>

<sc_bundles>
// kernel: kernel.3.cloned.1.call-start
scs
__scs_entry_jumppad:
0x0: {  	(pc) =	sbr.rel $0x88, $3  }
0x1: {  	(tag) =	ssettag $0x0;
	lr =	simm.s32 $0x1  }
0x2: {  	[smem:$0x3F9F] =	sst lr;
	_ =	strace $0xD0000000  }
0x3: {  	_ = 	snop  }
0x4: {  	_ = 	snop  }
0x5: {  	_ = 	snop  }
0x6: {  	_ = 	snop  }
0x7: {  	_ = 	snop  }
__scs_overlays_trampoline_lowered:
0x8: {  	[smem:$0x3FAE] =	sst s0  }
0x9: {  	[smem:$0x3FAF] =	sst s1  }
0xa: {  	[smem:$0x3FB0] =	sst s2  }
0xb: {  	[smem:$0x3FB1] =	sst s3  }
0xc: {  	[smem:$0x3FB2] =	sst s4  }
0xd: {  	[smem:$0x3FB3] =	sst s5  }
0xe: {  	[smem:$0x3FB4] =	sst s6  }
0xf: {  	[smem:$0x3FB5] =	sst s7  }
0x10: {  	[smem:$0x3FB6] =	sst s8  }
0x11: {  	[smem:$0x3FB7] =	sst s9;
	s0 =	simm.s32 @!p0 $0x0  }
0x12: {  	s1 =	sld [smem:$0x3F9D];
	s0 =	simm.s32 @p0 $0x1  }
0x13: {  	[smem:$0x3FB8] =	sst s0;
	s0 =	simm.s32 @!p1 $0x0  }
0x14: {  	s2 =	sld [smem:$0x3F9C];
	s0 =	simm.s32 @p1 $0x1  }
0x15: {  	[smem:$0x3FB9] =	sst s0;
	s0 =	simm.s32 @!p2 $0x0  }
0x16: {  	s3 =	sld [smem:$0x3FDB];
	s0 =	simm.s32 @p2 $0x1  }
0x17: {  	s4 =	simm.s32 $0x1BF5;
	[smem:$0x3FBB] =	sst s0  }
0x18: {  	s0 =	sld [smem:$0x3F9E];
	_ =	swait.ge [sflag:s4], $0x0  }
0x19: {  	s7 =	sld [smem:$0x3F9F]  }
0x1a: {  	s8 =	sadd.s32 $0xFFFFE003, lr  }
0x1b: {  	s9 =	sadd.s32 $0xFFFFFEF7, lr;
	s5 =	simm.s32 $0xFFFFFFFF;
	p2 =	slt.u32 s8, $0xFFFFF086  }
0x1c: {  	p1 =	slt.u32 s9, $0xF7A;
	s5 =	simm.s32 @!p2 $0x0  }
0x1d: {  	s5 =	simm.s32 @p1 $0x1;
	p0 =	seq.s32 s7, s2  }
0x1e: {  	s7 =	smul.u32 @!p0 $0xF7A, s2;
	p2 =	seq.s32 @!p0 s5, $0x0  }
0x1f: {  	s9 =	smul.u32 $0xF7A, s1;
	s8 =	simm.s32 @!p0 $0x1BF5;
	p2 =	por !p2, p0  }
0x20: {  	[sflag:s8] =	ssyncset.s32 @!p0 $0xFFFFF086;
	s6 =	sadd.s32 @!p0 s3, s7;
	s7 =	simm.s32 @!p0 $0x108  }
0x21: {  	s3 =	sadd.s32 s3, s9;
	s6 =	sadd.s32 @!p0 $0x88, s6;
	s7 =	simm.s32 @p2 $0x1082  }
0x22: {  	[simem:s7], [sflag:s8] =	dma.local @!p0 [hbm:s6], $0xF7A  }
0x23: {  	s9 =	sor.u32 $0xD0000000, s2;
	s6 =	simm.s32 $0x108;
	_ =	swait.ge @!p0 [sflag:s8], $0x0  }
0x24: {  	s3 =	sadd.s32 $0x88, s3;
	s6 =	simm.s32 @!p1 $0x1082;
	[sflag:s4] =	ssyncset.s32 $0xFFFFF086  }
0x25: {  	[simem:s6], [sflag:s4] =	dma.local [hbm:s3], $0xF7A  }
0x26: {  	[smem:$0x3F9F] =	sst s1;
	(tag) =	ssettag s2;
	_ =	strace s9  }
0x27: {  	s1 =	sld [smem:$0x3FAF]  }
0x28: {  	s2 =	sld [smem:$0x3FB0]  }
0x29: {  	s4 =	sld [smem:$0x3FB2]  }
0x2a: {  	p0 =	seq.s32 s5, $0x0;
	s5 =	sld [smem:$0x3FB3]  }
0x2b: {  	s6 =	sld [smem:$0x3FB4]  }
0x2c: {  	s7 =	sld [smem:$0x3FB5]  }
0x2d: {  	s3 =	simm.s32 $0x108;
	s8 =	sld [smem:$0x3FB6]  }
0x2e: {  	s3 =	simm.s32 @!p0 $0x1082;
	s9 =	sld [smem:$0x3FB7]  }
0x2f: {  	lr =	sadd.s32 s0, s3;
	s0 =	sld [smem:$0x3FAE]  }
0x30: {  	s3 =	sld [smem:$0x3FB1]  }
0x31: {  	[smem:$0x3FBA] =	sst s10  }
0x32: {  	s10 =	sld [smem:$0x3FB8];
	_ =	sdelay $0x3  }
0x33: {  	p0 =	seq.s32 s10, $0x1;
	s10 =	sld [smem:$0x3FBA];
	_ =	sdelay $0x3  }
0x34: {  	[smem:$0x3FBA] =	sst s10  }
0x35: {  	s10 =	sld [smem:$0x3FB9];
	_ =	sdelay $0x3  }
0x36: {  	p1 =	seq.s32 s10, $0x1;
	s10 =	sld [smem:$0x3FBA];
	_ =	sdelay $0x3  }
0x37: {  	[smem:$0x3FBA] =	sst s10  }
0x38: {  	s10 =	sld [smem:$0x3FBB]  }
0x39: {  	_ = 	snop;
	(pc) =	sbr.ind lr, $3  }
0x3a: {  	_ = 	snop  }
0x3b: {  	_ = 	snop  }
0x3c: {  	p2 =	seq.s32 s10, $0x1;
	s10 =	sld [smem:$0x3FBA]  }
0x3d: {  	_ =	shalt  }
0x3e: {  	_ =	shalt  }
0x3f: {  	_ =	shalt  }
0x40: {  	_ =	shalt  }
0x41: {  	_ =	shalt  }
0x42: {  	_ =	shalt  }
0x43: {  	_ =	shalt  }
0x44: {  	_ =	shalt  }
0x45: {  	_ =	shalt  }
0x46: {  	_ =	shalt  }
0x47: {  	_ =	shalt  }
0x48: {  	_ =	shalt  }
0x49: {  	_ =	shalt  }
0x4a: {  	_ =	shalt  }
0x4b: {  	_ =	shalt  }
0x4c: {  	_ =	shalt  }
0x4d: {  	_ =	shalt  }
0x4e: {  	_ =	shalt  }
0x4f: {  	_ =	shalt  }
0x50: {  	_ =	shalt  }
0x51: {  	_ =	shalt  }
0x52: {  	_ =	shalt  }
0x53: {  	_ =	shalt  }
0x54: {  	_ =	shalt  }
0x55: {  	_ =	shalt  }
0x56: {  	_ =	shalt  }
0x57: {  	_ =	shalt  }
0x58: {  	_ =	shalt  }
0x59: {  	_ =	shalt  }
0x5a: {  	_ =	shalt  }
0x5b: {  	_ =	shalt  }
0x5c: {  	_ =	shalt  }
0x5d: {  	_ =	shalt  }
0x5e: {  	_ =	shalt  }
0x5f: {  	_ =	shalt  }
0x60: {  	_ =	shalt  }
0x61: {  	_ =	shalt  }
0x62: {  	_ =	shalt  }
0x63: {  	_ =	shalt  }
0x64: {  	_ =	shalt  }
0x65: {  	_ =	shalt  }
0x66: {  	_ =	shalt  }
0x67: {  	_ =	shalt  }
0x68: {  	_ =	shalt  }
0x69: {  	_ =	shalt  }
0x6a: {  	_ =	shalt  }
0x6b: {  	_ =	shalt  }
0x6c: {  	_ =	shalt  }
0x6d: {  	_ =	shalt  }
0x6e: {  	_ =	shalt  }
0x6f: {  	_ =	shalt  }
0x70: {  	_ =	shalt  }
0x71: {  	_ =	shalt  }
0x72: {  	_ =	shalt  }
0x73: {  	_ =	shalt  }
0x74: {  	_ =	shalt  }
0x75: {  	_ =	shalt  }
0x76: {  	_ =	shalt  }
0x77: {  	_ =	shalt  }
0x78: {  	_ =	shalt  }
0x79: {  	_ =	shalt  }
0x7a: {  	_ =	shalt  }
0x7b: {  	_ =	shalt  }
0x7c: {  	_ =	shalt  }
0x7d: {  	_ =	shalt  }
0x7e: {  	_ =	shalt  }
0x7f: {  	_ =	shalt  }
0x80: {  	_ =	shalt  }
0x81: {  	_ =	shalt  }
0x82: {  	_ =	shalt  }
0x83: {  	_ =	shalt  }
0x84: {  	_ =	shalt  }
0x85: {  	_ =	shalt  }
0x86: {  	_ =	shalt  }
0x87: {  	_ =	shalt  }
.Lfunc_end0:
.L_simem_size_0:
called_computation_lowered:
.L_overlay_start_0:
0x88: {  	s2 =	sld [smem:$0x3FD9]  }
0x89: {  	s3 =	sld [smem:$0x3FFE];
	_ =	sdelay $0x1  }
0x8a: {  	s1 =	srdreg.scid  }
0x8b: {  	s0 =	sand.u32 $0x1, s1  }
0x8c: {  	s18 =	sshll.u32 s0, $0xA;
	s2 =	sadd.s32 s3, s2  }
0x8d: {  	s2 =	sadd.s32 s2, s18  }
0x8e: {  	[smem:$0x3FC6] =	sst s2  }
0x8f: {  	_ = 	snop  }
0x90: {  	s2 =	sld [smem:$0x3FC9]  }
0x91: {  	s19 =	sld [smem:$0x3FC8]  }
0x92: {  	s4 =	sld [smem:$0x3FD0];
	(tm) =	ssettm $0x1  }
0x93: {  	s5 =	sld [smem:$0x3FFB];
	_ =	sdelay $0x3  }
0x94: {  	_ =	strace s5  }
0x95: {  	s5 =	sld [smem:$0x3FFC];
	_ =	sdelay $0x3  }
0x96: {  	_ =	strace s5  }
0x97: {  	s5 =	sld [smem:$0x3FFD];
	_ =	sdelay $0x3  }
0x98: {  	_ =	strace s5  }
0x99: {  	_ =	strace $0x8FFFFFFF  }
0x9a: {  	s20 =	sld [smem:$0x3FDB];
	_ =	sdelay $0x1  }
0x9b: {  	s6 =	simm.s32 $_scs_section_size  }
0x9c: {  	s7 =	simm.s32 $_size__tile_overlayer_lowered;
	s8 =	simm.s32 $_tile_overlayer_lowered  }
0x9d: {  	s23 =	simm.s32 $0x1BFF;
	s22 =	sshll.u32 s8, $0x1;
	s5 =	sadd.s32 s6, s20  }
0x9e: {  	s9 =	simm.s32 $0x0;
	s21 =	sshll.u32 s7, $0x1;
	s7 =	sadd.s32 s22, s5  }
0x9f: {  	[timem:s9], [sflag:s23] =	dma.local [hbm:s7], s21  }
0xa0: {  	_ =	swait.ge [sflag:s23], s21  }
0xa1: {  	s6 =	ssub.s32 $0x0, s21;
	[sflag:s23] =	ssyncset.done $0x0  }
0xa2: {  	[sflag:s23] =	ssyncadd.s32 s6;
	_ =	sdelay $0x1  }
0xa3: {  	s24 =	simm.s32 $0x1B8B  }
0xa4: {  	_ =	swait.ge [sflag:s24], $0x1  }
0xa5: {  	[sflag:s24] =	ssyncset.done $0x0  }
0xa6: {  	s25 =	simm.s32 $0x1B8E;
	[sflag:s24] =	ssyncadd.s32 $0xFFFFFFFF  }
0xa7: {  	s26 =	simm.s32 $execute0_lowered;
	[smem:$0x3FD2] =	sst s25  }
0xa8: {  	s6 =	sshll.u32 s26, $0x1;
	_ =	strace $0x80000046;
	[dreg:$0x1] =	wrdreg $0xFFFFFFFF  }
0xa9: {  	s28 =	simm.s32 $_size_execute0_lowered;
	s5 =	sadd.s32 s5, s6;
	[dreg:$0x0] =	wrdreg $0x0  }
0xaa: {  	s6 =	sshll.u32 s28, $0x1;
	[dreg:$0x2] =	wrdreg s5  }
0xab: {  	[dreg:$0x3] =	wrdreg s6  }
0xac: {  	[dreg:$0x4] =	wrdreg $0xC0  }
0xad: {  	_ =	task [dreg:s9], $0x5FFFF  }
0xae: {  	[dreg:$0x1] =	wrdreg $0xFFFFFFFF  }
0xaf: {  	[dreg:$0x0] =	wrdreg $0x60  }
0xb0: {  	[dreg:$0x2] =	wrdreg s2  }
0xb1: {  	[dreg:$0x3] =	wrdreg s19  }
0xb2: {  	[dreg:$0x4] =	wrdreg s4  }
0xb3: {  	[dreg:$0x5] =	wrdreg $0x9  }
0xb4: {  	_ =	task.clear_ibuf [dreg:s9], $0x6FFFF;
	_ =	strace $0x90000046  }
0xb5: {  	s29 =	simm.s32 $0x9;
	_ =	strace $0x80000048  }
0xb6: {  	_ =	swait.ge [sflag:s29], $0x1  }
0xb7: {  	[sflag:s29] =	ssyncadd.s32 $0xFFFFFFFF  }
0xb8: {  	_ =	strace $0x90000048  }
0xb9: {  	_ =	sfence  }
0xba: {  	s30 =	sld [smem:$0x0];
	_ =	sdelay $0x2  }
0xbb: {  	s31 =	sshll.u32 s1, $0xD;
	s1 =	sshrl.u32 s1, $0x2  }
0xbc: {  	s3 =	sand.u32 $0x4000, s31;
	s1 =	sadd.s32 s1, s30  }
0xbd: {  	s0 =	sor.u32 s3, s0;
	s1 =	sshll.u32 s1, $0x11  }
0xbe: {  	s0 =	sor.u32 s1, s0  }
0xbf: {  	s0 =	sadd.s32 $0x8F2B, s0  }
0xc0: {  	[sflag:s0] =	ssyncadd.remote.s32 $0x1  }
0xc1: {  	_ =	sfence.sel $0xFFFF  }
0xc2: {  	[dreg:$0x0] =	wrdreg $0xFFFFFFFF;
	(pc) =	sbr.abs _section_cstart, $3  }
0xc3: {  	[dreg:$0x1] =	wrdreg $0xFFFFFFFF  }
0xc4: {  	_ =	task.clear_ibuf [dreg:s9], $0x2FFFF;
	_ =	strace $0x9FFFFFFF  }
0xc5: {  	(tm) =	ssettm $0x7FFFFFFF  }
tec
execute0_lowered:
.L_overlay_start_1:
0x0: {  	(tag) =	ssettag $0x1  }
0x1: {  	s1 =	rddreg [dreg:$0x0]  }
0x2: {  	s2 =	rddreg [dreg:$0x1]  }
0x3: {  	s3 =	rddreg [dreg:$0x2];
	s4 =	srdreg.scid  }
0x4: {  	s0 =	rddreg [dreg:$0x3];
	s5 =	simm.s32 $0x0;
	s10 =	simm.s32 $0x10000  }
0x5: {  	s11 =	simm.s32 $0x1;
	s12 =	simm.s32 $0x3;
	s13 =	simm.s32 $0x2  }
0x6: {  	s14 =	simm.s32 $0x4;
	s15 =	simm.s32 $0x0;
	s6 =	sand.u32 $0x1, s4  }
0x7: {  	[smem:$0x7FF] =	sst s5;
	s4 =	stileid.u32;
	s7 =	ssub.s32 $0x2, s6  }
0x8: {  	s9 =	sshll.u32 s4, $0x10;
	s6 =	sshll.u32 s6, $0xF;
	s8 =	sshrl.u32 s7, $0x1  }
0x9: {  	_ =	strace $0x80000047;
	s6 =	sor.u32 s6, s9;
	s7 =	ssub.s32 s7, s8  }
0xa: {  	s9 =	simm.s32 $0x5;
	s8 =	simm.s32 $0x8000;
	s7 =	smax.u32 s7, $0x1  }
.LBB2_1:
0xb: {  	s16 =	simm.s32 $0x0  }
.LBB2_2:
0xc: {  	s17 =	sshll.u32 s16, $0xC  }
0xd: {  	s17 =	sadd.s32 s6, s17  }
0xe: {  	s19 =	simm.s32 $0x0;
	s18 =	sadd.s32 s1, s17  }
0xf: {  	[tilespmem:s8], [sflag:$0x1] =	stream.linear.gather [hbm4b:s18+s19], $0x8000, $0x38;
	[tilespmem:$0x18000] =	vst v63  }
0x10: {  	s21 =	sadd.s32 s2, s17  }
0x11: {  	[tilespmem:s19], [sflag:$0x5] =	stream.linear.gather [hbm4b:s21+s19], $0x8000, $0x38;
	[tilespmem:$0x18000] =	vst v63  }
0x12: {  	_ =	swait.ge [sflag:s9], $0x8000  }
0x13: {  	s18 =	sor.u32 $0x100000, s17;
	[sflag:s9] =	ssyncset.done $0x0  }
0x14: {  	s20 =	sadd.s32 s1, s18;
	[sflag:s9] =	ssyncadd.s32 $0xFFFF8000  }
0x15: {  	[tilespmem:s10], [sflag:$0x2] =	stream.linear.gather [hbm4b:s20+s19], $0x8000, $0x38;
	[tilespmem:$0x18000] =	vst v63  }
0x16: {  	s22 =	simm.s32 $0x0;
	_ =	swait.ge [sflag:s11], $0x8000  }
0x17: {  	s21 =	sand.u32 $0x380, s19;
	s20 =	sand.u32 $0x6000, s22;
	[sflag:s11] =	ssyncset.done $0x0  }
0x18: {  	s20 =	sor.u32 s21, s20;
	[sflag:s11] =	ssyncadd.s32 $0xFFFF8000  }
0x19: {  	v0 =	vld [tilespmem:s20+$0x0];
	_ =	sdelay $0x3  }
0x1a: {  	s21 =	sor.u32 $0x8000, s20  }
0x1b: {  	[tilespmem:s21+$0x0] =	vst.add.f32.msk $0xffff, v0  }
0x1c: {  	v0 =	vld [tilespmem:s20+$0x10];
	_ =	sdelay $0x3  }
0x1d: {  	s23 =	sor.u32 $0x8010, s20  }
0x1e: {  	[tilespmem:s23+$0x0] =	vst.add.f32.msk $0xffff, v0  }
0x1f: {  	v0 =	vld [tilespmem:s20+$0x20];
	_ =	sdelay $0x3  }
0x20: {  	s24 =	sor.u32 $0x8020, s20  }
0x21: {  	[tilespmem:s24+$0x0] =	vst.add.f32.msk $0xffff, v0  }
0x22: {  	v0 =	vld [tilespmem:s20+$0x30];
	_ =	sdelay $0x3  }
0x23: {  	s25 =	sor.u32 $0x8030, s20  }
0x24: {  	[tilespmem:s25+$0x0] =	vst.add.f32.msk $0xffff, v0  }
0x25: {  	v0 =	vld [tilespmem:s20+$0x40];
	_ =	sdelay $0x3  }
0x26: {  	s26 =	sor.u32 $0x8040, s20  }
0x27: {  	[tilespmem:s26+$0x0] =	vst.add.f32.msk $0xffff, v0  }
0x28: {  	v0 =	vld [tilespmem:s20+$0x50];
	_ =	sdelay $0x3  }
0x29: {  	s28 =	sor.u32 $0x8050, s20  }
0x2a: {  	[tilespmem:s28+$0x0] =	vst.add.f32.msk $0xffff, v0  }
0x2b: {  	v0 =	vld [tilespmem:s20+$0x60];
	_ =	sdelay $0x3  }
0x2c: {  	s29 =	sor.u32 $0x8060, s20  }
0x2d: {  	[tilespmem:s29+$0x0] =	vst.add.f32.msk $0xffff, v0  }
0x2e: {  	v0 =	vld [tilespmem:s20+$0x70];
	_ =	sdelay $0x3  }
0x2f: {  	s30 =	sor.u32 $0x8070, s20  }
0x30: {  	[tilespmem:s30+$0x0] =	vst.add.f32.msk $0xffff, v0  }
0x31: {  	v0 =	vld [tilespmem:s20+$0x400];
	_ =	sdelay $0x3  }
0x32: {  	s31 =	sor.u32 $0x8400, s20  }
0x33: {  	[tilespmem:s31+$0x0] =	vst.add.f32.msk $0xffff, v0  }
0x34: {  	v0 =	vld [tilespmem:s20+$0x410];
	_ =	sdelay $0x3  }
0x35: {  	s22 =	sor.u32 $0x8410, s20  }
0x36: {  	[tilespmem:s22+$0x0] =	vst.add.f32.msk $0xffff, v0  }
0x37: {  	v0 =	vld [tilespmem:s20+$0x420];
	_ =	sdelay $0x3  }
0x38: {  	s23 =	sor.u32 $0x8420, s20  }
0x39: {  	[tilespmem:s23+$0x0] =	vst.add.f32.msk $0xffff, v0  }
0x3a: {  	v0 =	vld [tilespmem:s20+$0x430];
	_ =	sdelay $0x3  }
0x3b: {  	s24 =	sor.u32 $0x8430, s20  }
0x3c: {  	[tilespmem:s24+$0x0] =	vst.add.f32.msk $0xffff, v0  }
0x3d: {  	v0 =	vld [tilespmem:s20+$0x440];
	_ =	sdelay $0x3  }
0x3e: {  	s25 =	sor.u32 $0x8440, s20  }
0x3f: {  	[tilespmem:s25+$0x0] =	vst.add.f32.msk $0xffff, v0  }
0x40: {  	v0 =	vld [tilespmem:s20+$0x450];
	_ =	sdelay $0x3  }
0x41: {  	s26 =	sor.u32 $0x8450, s20  }
0x42: {  	[tilespmem:s26+$0x0] =	vst.add.f32.msk $0xffff, v0  }
0x43: {  	v0 =	vld [tilespmem:s20+$0x460];
	_ =	sdelay $0x3  }
0x44: {  	s28 =	sor.u32 $0x8460, s20  }
0x45: {  	[tilespmem:s28+$0x0] =	vst.add.f32.msk $0xffff, v0  }
0x46: {  	v0 =	vld [tilespmem:s20+$0x470];
	_ =	sdelay $0x3  }
0x47: {  	s29 =	sor.u32 $0x8470, s20  }
0x48: {  	[tilespmem:s29+$0x0] =	vst.add.f32.msk $0xffff, v0  }
0x49: {  	v0 =	vld [tilespmem:s20+$0x800];
	_ =	sdelay $0x3  }
0x4a: {  	s30 =	sor.u32 $0x8800, s20  }
0x4b: {  	[tilespmem:s30+$0x0] =	vst.add.f32.msk $0xffff, v0  }
0x4c: {  	v0 =	vld [tilespmem:s20+$0x810];
	_ =	sdelay $0x3  }
0x4d: {  	s31 =	sor.u32 $0x8810, s20  }
0x4e: {  	[tilespmem:s31+$0x0] =	vst.add.f32.msk $0xffff, v0  }
0x4f: {  	v0 =	vld [tilespmem:s20+$0x820];
	_ =	sdelay $0x3  }
0x50: {  	s22 =	sor.u32 $0x8820, s20  }
0x51: {  	[tilespmem:s22+$0x0] =	vst.add.f32.msk $0xffff, v0  }
0x52: {  	v0 =	vld [tilespmem:s20+$0x830];
	_ =	sdelay $0x3  }
0x53: {  	s23 =	sor.u32 $0x8830, s20  }
0x54: {  	[tilespmem:s23+$0x0] =	vst.add.f32.msk $0xffff, v0  }
0x55: {  	v0 =	vld [tilespmem:s20+$0x840];
	_ =	sdelay $0x3  }
0x56: {  	s24 =	sor.u32 $0x8840, s20  }
0x57: {  	[tilespmem:s24+$0x0] =	vst.add.f32.msk $0xffff, v0  }
0x58: {  	v0 =	vld [tilespmem:s20+$0x850];
	_ =	sdelay $0x3  }
0x59: {  	s25 =	sor.u32 $0x8850, s20  }
0x5a: {  	[tilespmem:s25+$0x0] =	vst.add.f32.msk $0xffff, v0  }
0x5b: {  	v0 =	vld [tilespmem:s20+$0x860];
	_ =	sdelay $0x3  }
0x5c: {  	s26 =	sor.u32 $0x8860, s20  }
0x5d: {  	[tilespmem:s26+$0x0] =	vst.add.f32.msk $0xffff, v0  }
0x5e: {  	v0 =	vld [tilespmem:s20+$0x870];
	_ =	sdelay $0x3  }
0x5f: {  	s28 =	sor.u32 $0x8870, s20  }
0x60: {  	[tilespmem:s28+$0x0] =	vst.add.f32.msk $0xffff, v0  }
0x61: {  	v0 =	vld [tilespmem:s20+$0xC00];
	_ =	sdelay $0x3  }
0x62: {  	s29 =	sor.u32 $0x8C00, s20  }
0x63: {  	[tilespmem:s29+$0x0] =	vst.add.f32.msk $0xffff, v0  }
0x64: {  	v0 =	vld [tilespmem:s20+$0xC10];
	_ =	sdelay $0x3  }
0x65: {  	s30 =	sor.u32 $0x8C10, s20  }
0x66: {  	[tilespmem:s30+$0x0] =	vst.add.f32.msk $0xffff, v0  }
0x67: {  	v0 =	vld [tilespmem:s20+$0xC20];
	_ =	sdelay $0x3  }
0x68: {  	s31 =	sor.u32 $0x8C20, s20  }
0x69: {  	[tilespmem:s31+$0x0] =	vst.add.f32.msk $0xffff, v0  }
0x6a: {  	v0 =	vld [tilespmem:s20+$0xC30];
	_ =	sdelay $0x3  }
0x6b: {  	s22 =	sor.u32 $0x8C30, s20  }
0x6c: {  	[tilespmem:s22+$0x0] =	vst.add.f32.msk $0xffff, v0  }
0x6d: {  	v0 =	vld [tilespmem:s20+$0xC40];
	_ =	sdelay $0x3  }
0x6e: {  	s23 =	sor.u32 $0x8C40, s20  }
0x6f: {  	[tilespmem:s23+$0x0] =	vst.add.f32.msk $0xffff, v0  }
0x70: {  	v0 =	vld [tilespmem:s20+$0xC50];
	_ =	sdelay $0x3  }
0x71: {  	s24 =	sor.u32 $0x8C50, s20  }
0x72: {  	[tilespmem:s24+$0x0] =	vst.add.f32.msk $0xffff, v0  }
0x73: {  	v0 =	vld [tilespmem:s20+$0xC60];
	_ =	sdelay $0x3  }
0x74: {  	s25 =	sor.u32 $0x8C60, s20  }
0x75: {  	[tilespmem:s25+$0x0] =	vst.add.f32.msk $0xffff, v0  }
0x76: {  	v0 =	vld [tilespmem:s20+$0xC70];
	_ =	sdelay $0x3  }
0x77: {  	s26 =	sor.u32 $0x8C70, s20  }
0x78: {  	[tilespmem:s26+$0x0] =	vst.add.f32.msk $0xffff, v0  }
0x79: {  	v0 =	vld [tilespmem:s20+$0x1000];
	_ =	sdelay $0x3  }
0x7a: {  	s28 =	sor.u32 $0x9000, s20  }
0x7b: {  	[tilespmem:s28+$0x0] =	vst.add.f32.msk $0xffff, v0  }
0x7c: {  	v0 =	vld [tilespmem:s20+$0x1010];
	_ =	sdelay $0x3  }
0x7d: {  	s29 =	sor.u32 $0x9010, s20  }
0x7e: {  	[tilespmem:s29+$0x0] =	vst.add.f32.msk $0xffff, v0  }
0x7f: {  	v0 =	vld [tilespmem:s20+$0x1020];
	_ =	sdelay $0x3  }
0x80: {  	s30 =	sor.u32 $0x9020, s20  }
0x81: {  	[tilespmem:s30+$0x0] =	vst.add.f32.msk $0xffff, v0  }
0x82: {  	v0 =	vld [tilespmem:s20+$0x1030];
	_ =	sdelay $0x3  }
0x83: {  	s31 =	sor.u32 $0x9030, s20  }
0x84: {  	[tilespmem:s31+$0x0] =	vst.add.f32.msk $0xffff, v0  }
0x85: {  	v0 =	vld [tilespmem:s20+$0x1040];
	_ =	sdelay $0x3  }
0x86: {  	s22 =	sor.u32 $0x9040, s20  }
0x87: {  	[tilespmem:s22+$0x0] =	vst.add.f32.msk $0xffff, v0  }
0x88: {  	v0 =	vld [tilespmem:s20+$0x1050];
	_ =	sdelay $0x3  }
0x89: {  	s23 =	sor.u32 $0x9050, s20  }
0x8a: {  	[tilespmem:s23+$0x0] =	vst.add.f32.msk $0xffff, v0  }
0x8b: {  	v0 =	vld [tilespmem:s20+$0x1060];
	_ =	sdelay $0x3  }
0x8c: {  	s24 =	sor.u32 $0x9060, s20  }
0x8d: {  	[tilespmem:s24+$0x0] =	vst.add.f32.msk $0xffff, v0  }
0x8e: {  	v0 =	vld [tilespmem:s20+$0x1070];
	_ =	sdelay $0x3  }
0x8f: {  	s25 =	sor.u32 $0x9070, s20  }
0x90: {  	[tilespmem:s25+$0x0] =	vst.add.f32.msk $0xffff, v0  }
0x91: {  	v0 =	vld [tilespmem:s20+$0x1400];
	_ =	sdelay $0x3  }
0x92: {  	s26 =	sor.u32 $0x9400, s20  }
0x93: {  	[tilespmem:s26+$0x0] =	vst.add.f32.msk $0xffff, v0  }
0x94: {  	v0 =	vld [tilespmem:s20+$0x1410];
	_ =	sdelay $0x3  }
0x95: {  	s28 =	sor.u32 $0x9410, s20  }
0x96: {  	[tilespmem:s28+$0x0] =	vst.add.f32.msk $0xffff, v0  }
0x97: {  	v0 =	vld [tilespmem:s20+$0x1420];
	_ =	sdelay $0x3  }
0x98: {  	s29 =	sor.u32 $0x9420, s20  }
0x99: {  	[tilespmem:s29+$0x0] =	vst.add.f32.msk $0xffff, v0  }
0x9a: {  	v0 =	vld [tilespmem:s20+$0x1430];
	_ =	sdelay $0x3  }
0x9b: {  	s30 =	sor.u32 $0x9430, s20  }
0x9c: {  	[tilespmem:s30+$0x0] =	vst.add.f32.msk $0xffff, v0  }
0x9d: {  	v0 =	vld [tilespmem:s20+$0x1440];
	_ =	sdelay $0x3  }
0x9e: {  	s31 =	sor.u32 $0x9440, s20  }
0x9f: {  	[tilespmem:s31+$0x0] =	vst.add.f32.msk $0xffff, v0  }
0xa0: {  	v0 =	vld [tilespmem:s20+$0x1450];
	_ =	sdelay $0x3  }
0xa1: {  	s22 =	sor.u32 $0x9450, s20  }
0xa2: {  	[tilespmem:s22+$0x0] =	vst.add.f32.msk $0xffff, v0  }
0xa3: {  	v0 =	vld [tilespmem:s20+$0x1460];
	_ =	sdelay $0x3  }
0xa4: {  	s23 =	sor.u32 $0x9460, s20  }
0xa5: {  	[tilespmem:s23+$0x0] =	vst.add.f32.msk $0xffff, v0  }
0xa6: {  	v0 =	vld [tilespmem:s20+$0x1470];
	_ =	sdelay $0x3  }
0xa7: {  	s24 =	sor.u32 $0x9470, s20  }
0xa8: {  	[tilespmem:s24+$0x0] =	vst.add.f32.msk $0xffff, v0  }
0xa9: {  	v0 =	vld [tilespmem:s20+$0x1800];
	_ =	sdelay $0x3  }
0xaa: {  	s25 =	sor.u32 $0x9800, s20  }
0xab: {  	[tilespmem:s25+$0x0] =	vst.add.f32.msk $0xffff, v0  }
0xac: {  	v0 =	vld [tilespmem:s20+$0x1810];
	_ =	sdelay $0x3  }
0xad: {  	s26 =	sor.u32 $0x9810, s20  }
0xae: {  	[tilespmem:s26+$0x0] =	vst.add.f32.msk $0xffff, v0  }
0xaf: {  	v0 =	vld [tilespmem:s20+$0x1820];
	_ =	sdelay $0x3  }
0xb0: {  	s28 =	sor.u32 $0x9820, s20  }
0xb1: {  	[tilespmem:s28+$0x0] =	vst.add.f32.msk $0xffff, v0  }
0xb2: {  	v0 =	vld [tilespmem:s20+$0x1830];
	_ =	sdelay $0x3  }
0xb3: {  	s29 =	sor.u32 $0x9830, s20  }
0xb4: {  	[tilespmem:s29+$0x0] =	vst.add.f32.msk $0xffff, v0  }
0xb5: {  	v0 =	vld [tilespmem:s20+$0x1840];
	_ =	sdelay $0x3  }
0xb6: {  	s30 =	sor.u32 $0x9840, s20  }
0xb7: {  	[tilespmem:s30+$0x0] =	vst.add.f32.msk $0xffff, v0  }
0xb8: {  	v0 =	vld [tilespmem:s20+$0x1850];
	_ =	sdelay $0x3  }
0xb9: {  	s31 =	sor.u32 $0x9850, s20  }
0xba: {  	[tilespmem:s31+$0x0] =	vst.add.f32.msk $0xffff, v0  }
0xbb: {  	v0 =	vld [tilespmem:s20+$0x1860];
	_ =	sdelay $0x3  }
0xbc: {  	s22 =	sor.u32 $0x9860, s20  }
0xbd: {  	[tilespmem:s22+$0x0] =	vst.add.f32.msk $0xffff, v0  }
0xbe: {  	v0 =	vld [tilespmem:s20+$0x1870];
	_ =	sdelay $0x1  }
0xbf: {  	s23 =	sand.u32 $0x7, s19  }
0xc0: {  	s21 =	sshll.u32 s23, $0x7  }
0xc1: {  	s22 =	sadd.s32 $0x0, s21;
	s20 =	sor.u32 $0x9870, s20  }
0xc2: {  	s24 =	sor.u32 $0x1C00, s22;
	[tilespmem:s20+$0x0] =	vst.add.f32.msk $0xffff, v0  }
0xc3: {  	v0 =	vld [tilespmem:s24+$0x0];
	_ =	sdelay $0x4  }
0xc4: {  	s25 =	sor.u32 $0x1C10, s22;
	[tilespmem:s24+$0x8000] =	vst.add.f32.msk $0xffff, v0  }
0xc5: {  	v0 =	vld [tilespmem:s25+$0x0];
	_ =	sdelay $0x4  }
0xc6: {  	s26 =	sor.u32 $0x1C20, s22;
	[tilespmem:s25+$0x8000] =	vst.add.f32.msk $0xffff, v0  }
0xc7: {  	v0 =	vld [tilespmem:s26+$0x0];
	_ =	sdelay $0x4  }
0xc8: {  	s28 =	sor.u32 $0x1C30, s22;
	[tilespmem:s26+$0x8000] =	vst.add.f32.msk $0xffff, v0  }
0xc9: {  	v0 =	vld [tilespmem:s28+$0x0];
	_ =	sdelay $0x4  }
0xca: {  	s29 =	sor.u32 $0x1C40, s22;
	[tilespmem:s28+$0x8000] =	vst.add.f32.msk $0xffff, v0  }
0xcb: {  	v0 =	vld [tilespmem:s29+$0x0];
	_ =	sdelay $0x4  }
0xcc: {  	s30 =	sor.u32 $0x1C50, s22;
	[tilespmem:s29+$0x8000] =	vst.add.f32.msk $0xffff, v0  }
0xcd: {  	v0 =	vld [tilespmem:s30+$0x0];
	_ =	sdelay $0x4  }
0xce: {  	s31 =	sor.u32 $0x1C60, s22;
	[tilespmem:s30+$0x8000] =	vst.add.f32.msk $0xffff, v0  }
0xcf: {  	v0 =	vld [tilespmem:s31+$0x0];
	_ =	sdelay $0x4  }
0xd0: {  	s25 =	sor.u32 $0x1C70, s22;
	[tilespmem:s31+$0x8000] =	vst.add.f32.msk $0xffff, v0  }
0xd1: {  	v0 =	vld [tilespmem:s25+$0x0];
	_ =	sdelay $0x1  }
0xd2: {  	s23 =	simm.s32 $0x100;
	s21 =	simm.s32 $0x80  }
0xd3: {  	s20 =	simm.s32 $0x0;
	s24 =	simm.s32 $0x400;
	s22 =	simm.s32 $0xFFFF8400  }
.LBB2_3:
0xd4: {  	p0 =	sne.s32 s23, $0xF80;
	s24 =	sand.u32 $0x6000, s24;
	s21 =	sand.u32 $0x380, s21  }
0xd5: {  	s24 =	sor.u32 s21, s24;
	[tilespmem:s25+$0x8000] =	vst.add.f32.msk $0xffff, v0;
	s21 =	smov.u32 s23  }
0xd6: {  	v0 =	vld [tilespmem:s24+$0x0];
	_ =	sdelay $0x3  }
0xd7: {  	s25 =	sor.u32 $0x8000, s24  }
0xd8: {  	[tilespmem:s25+$0x0] =	vst.add.f32.msk $0xffff, v0  }
0xd9: {  	v0 =	vld [tilespmem:s24+$0x10];
	_ =	sdelay $0x3  }
0xda: {  	s25 =	sor.u32 $0x8010, s24  }
0xdb: {  	[tilespmem:s25+$0x0] =	vst.add.f32.msk $0xffff, v0  }
0xdc: {  	v0 =	vld [tilespmem:s24+$0x20];
	_ =	sdelay $0x3  }
0xdd: {  	s25 =	sor.u32 $0x8020, s24  }
0xde: {  	[tilespmem:s25+$0x0] =	vst.add.f32.msk $0xffff, v0  }
0xdf: {  	v0 =	vld [tilespmem:s24+$0x30];
	_ =	sdelay $0x3  }
0xe0: {  	s25 =	sor.u32 $0x8030, s24  }
0xe1: {  	[tilespmem:s25+$0x0] =	vst.add.f32.msk $0xffff, v0  }
0xe2: {  	v0 =	vld [tilespmem:s24+$0x40];
	_ =	sdelay $0x3  }
0xe3: {  	s25 =	sor.u32 $0x8040, s24  }
0xe4: {  	[tilespmem:s25+$0x0] =	vst.add.f32.msk $0xffff, v0  }
0xe5: {  	v0 =	vld [tilespmem:s24+$0x50];
	_ =	sdelay $0x3  }
0xe6: {  	s25 =	sor.u32 $0x8050, s24  }
0xe7: {  	[tilespmem:s25+$0x0] =	vst.add.f32.msk $0xffff, v0  }
0xe8: {  	v0 =	vld [tilespmem:s24+$0x60];
	_ =	sdelay $0x3  }
0xe9: {  	s25 =	sor.u32 $0x8060, s24  }
0xea: {  	[tilespmem:s25+$0x0] =	vst.add.f32.msk $0xffff, v0  }
0xeb: {  	v0 =	vld [tilespmem:s24+$0x70];
	_ =	sdelay $0x3  }
0xec: {  	s25 =	sor.u32 $0x8070, s24  }
0xed: {  	[tilespmem:s25+$0x0] =	vst.add.f32.msk $0xffff, v0  }
0xee: {  	v0 =	vld [tilespmem:s24+$0x400];
	_ =	sdelay $0x3  }
0xef: {  	s25 =	sor.u32 $0x8400, s24  }
0xf0: {  	[tilespmem:s25+$0x0] =	vst.add.f32.msk $0xffff, v0  }
0xf1: {  	v0 =	vld [tilespmem:s24+$0x410];
	_ =	sdelay $0x3  }
0xf2: {  	s25 =	sor.u32 $0x8410, s24  }
0xf3: {  	[tilespmem:s25+$0x0] =	vst.add.f32.msk $0xffff, v0  }
0xf4: {  	v0 =	vld [tilespmem:s24+$0x420];
	_ =	sdelay $0x3  }
0xf5: {  	s25 =	sor.u32 $0x8420, s24  }
0xf6: {  	[tilespmem:s25+$0x0] =	vst.add.f32.msk $0xffff, v0  }
0xf7: {  	v0 =	vld [tilespmem:s24+$0x430];
	_ =	sdelay $0x3  }
0xf8: {  	s25 =	sor.u32 $0x8430, s24  }
0xf9: {  	[tilespmem:s25+$0x0] =	vst.add.f32.msk $0xffff, v0  }
0xfa: {  	v0 =	vld [tilespmem:s24+$0x440];
	_ =	sdelay $0x3  }
0xfb: {  	s25 =	sor.u32 $0x8440, s24  }
0xfc: {  	[tilespmem:s25+$0x0] =	vst.add.f32.msk $0xffff, v0  }
0xfd: {  	v0 =	vld [tilespmem:s24+$0x450];
	_ =	sdelay $0x3  }
0xfe: {  	s25 =	sor.u32 $0x8450, s24  }
0xff: {  	[tilespmem:s25+$0x0] =	vst.add.f32.msk $0xffff, v0  }
0x100: {  	v0 =	vld [tilespmem:s24+$0x460];
	_ =	sdelay $0x3  }
0x101: {  	s25 =	sor.u32 $0x8460, s24  }
0x102: {  	[tilespmem:s25+$0x0] =	vst.add.f32.msk $0xffff, v0  }
0x103: {  	v0 =	vld [tilespmem:s24+$0x470];
	_ =	sdelay $0x3  }
0x104: {  	s25 =	sor.u32 $0x8470, s24  }
0x105: {  	[tilespmem:s25+$0x0] =	vst.add.f32.msk $0xffff, v0  }
0x106: {  	v0 =	vld [tilespmem:s24+$0x800];
	_ =	sdelay $0x3  }
0x107: {  	s25 =	sor.u32 $0x8800, s24  }
0x108: {  	[tilespmem:s25+$0x0] =	vst.add.f32.msk $0xffff, v0  }
0x109: {  	v0 =	vld [tilespmem:s24+$0x810];
	_ =	sdelay $0x3  }
0x10a: {  	s25 =	sor.u32 $0x8810, s24  }
0x10b: {  	[tilespmem:s25+$0x0] =	vst.add.f32.msk $0xffff, v0  }
0x10c: {  	v0 =	vld [tilespmem:s24+$0x820];
	_ =	sdelay $0x3  }
0x10d: {  	s25 =	sor.u32 $0x8820, s24  }
0x10e: {  	[tilespmem:s25+$0x0] =	vst.add.f32.msk $0xffff, v0  }
0x10f: {  	v0 =	vld [tilespmem:s24+$0x830];
	_ =	sdelay $0x3  }
0x110: {  	s25 =	sor.u32 $0x8830, s24  }
0x111: {  	[tilespmem:s25+$0x0] =	vst.add.f32.msk $0xffff, v0  }
0x112: {  	v0 =	vld [tilespmem:s24+$0x840];
	_ =	sdelay $0x3  }
0x113: {  	s25 =	sor.u32 $0x8840, s24  }
0x114: {  	[tilespmem:s25+$0x0] =	vst.add.f32.msk $0xffff, v0  }
0x115: {  	v0 =	vld [tilespmem:s24+$0x850];
	_ =	sdelay $0x3  }
0x116: {  	s25 =	sor.u32 $0x8850, s24  }
0x117: {  	[tilespmem:s25+$0x0] =	vst.add.f32.msk $0xffff, v0  }
0x118: {  	v0 =	vld [tilespmem:s24+$0x860];
	_ =	sdelay $0x3  }
0x119: {  	s25 =	sor.u32 $0x8860, s24  }
0x11a: {  	[tilespmem:s25+$0x0] =	vst.add.f32.msk $0xffff, v0  }
0x11b: {  	v0 =	vld [tilespmem:s24+$0x870];
	_ =	sdelay $0x3  }
0x11c: {  	s25 =	sor.u32 $0x8870, s24  }
0x11d: {  	[tilespmem:s25+$0x0] =	vst.add.f32.msk $0xffff, v0  }
0x11e: {  	v0 =	vld [tilespmem:s24+$0xC00];
	_ =	sdelay $0x3  }
0x11f: {  	s25 =	sor.u32 $0x8C00, s24  }
0x120: {  	[tilespmem:s25+$0x0] =	vst.add.f32.msk $0xffff, v0  }
0x121: {  	v0 =	vld [tilespmem:s24+$0xC10];
	_ =	sdelay $0x3  }
0x122: {  	s25 =	sor.u32 $0x8C10, s24  }
0x123: {  	[tilespmem:s25+$0x0] =	vst.add.f32.msk $0xffff, v0  }
0x124: {  	v0 =	vld [tilespmem:s24+$0xC20];
	_ =	sdelay $0x3  }
0x125: {  	s25 =	sor.u32 $0x8C20, s24  }
0x126: {  	[tilespmem:s25+$0x0] =	vst.add.f32.msk $0xffff, v0  }
0x127: {  	v0 =	vld [tilespmem:s24+$0xC30];
	_ =	sdelay $0x3  }
0x128: {  	s25 =	sor.u32 $0x8C30, s24  }
0x129: {  	[tilespmem:s25+$0x0] =	vst.add.f32.msk $0xffff, v0  }
0x12a: {  	v0 =	vld [tilespmem:s24+$0xC40];
	_ =	sdelay $0x3  }
0x12b: {  	s25 =	sor.u32 $0x8C40, s24  }
0x12c: {  	[tilespmem:s25+$0x0] =	vst.add.f32.msk $0xffff, v0  }
0x12d: {  	v0 =	vld [tilespmem:s24+$0xC50];
	_ =	sdelay $0x3  }
0x12e: {  	s25 =	sor.u32 $0x8C50, s24  }
0x12f: {  	[tilespmem:s25+$0x0] =	vst.add.f32.msk $0xffff, v0  }
0x130: {  	v0 =	vld [tilespmem:s24+$0xC60];
	_ =	sdelay $0x3  }
0x131: {  	s25 =	sor.u32 $0x8C60, s24  }
0x132: {  	[tilespmem:s25+$0x0] =	vst.add.f32.msk $0xffff, v0  }
0x133: {  	v0 =	vld [tilespmem:s24+$0xC70];
	_ =	sdelay $0x3  }
0x134: {  	s25 =	sor.u32 $0x8C70, s24  }
0x135: {  	[tilespmem:s25+$0x0] =	vst.add.f32.msk $0xffff, v0  }
0x136: {  	v0 =	vld [tilespmem:s24+$0x1000];
	_ =	sdelay $0x3  }
0x137: {  	s25 =	sor.u32 $0x9000, s24  }
0x138: {  	[tilespmem:s25+$0x0] =	vst.add.f32.msk $0xffff, v0  }
0x139: {  	v0 =	vld [tilespmem:s24+$0x1010];
	_ =	sdelay $0x3  }
0x13a: {  	s25 =	sor.u32 $0x9010, s24  }
0x13b: {  	[tilespmem:s25+$0x0] =	vst.add.f32.msk $0xffff, v0  }
0x13c: {  	v0 =	vld [tilespmem:s24+$0x1020];
	_ =	sdelay $0x3  }
0x13d: {  	s25 =	sor.u32 $0x9020, s24  }
0x13e: {  	[tilespmem:s25+$0x0] =	vst.add.f32.msk $0xffff, v0  }
0x13f: {  	v0 =	vld [tilespmem:s24+$0x1030];
	_ =	sdelay $0x3  }
0x140: {  	s25 =	sor.u32 $0x9030, s24  }
0x141: {  	[tilespmem:s25+$0x0] =	vst.add.f32.msk $0xffff, v0  }
0x142: {  	v0 =	vld [tilespmem:s24+$0x1040];
	_ =	sdelay $0x3  }
0x143: {  	s25 =	sor.u32 $0x9040, s24  }
0x144: {  	[tilespmem:s25+$0x0] =	vst.add.f32.msk $0xffff, v0  }
0x145: {  	v0 =	vld [tilespmem:s24+$0x1050];
	_ =	sdelay $0x3  }
0x146: {  	s25 =	sor.u32 $0x9050, s24  }
0x147: {  	[tilespmem:s25+$0x0] =	vst.add.f32.msk $0xffff, v0  }
0x148: {  	v0 =	vld [tilespmem:s24+$0x1060];
	_ =	sdelay $0x3  }
0x149: {  	s25 =	sor.u32 $0x9060, s24  }
0x14a: {  	[tilespmem:s25+$0x0] =	vst.add.f32.msk $0xffff, v0  }
0x14b: {  	v0 =	vld [tilespmem:s24+$0x1070];
	_ =	sdelay $0x3  }
0x14c: {  	s25 =	sor.u32 $0x9070, s24  }
0x14d: {  	[tilespmem:s25+$0x0] =	vst.add.f32.msk $0xffff, v0  }
0x14e: {  	v0 =	vld [tilespmem:s24+$0x1400];
	_ =	sdelay $0x3  }
0x14f: {  	s25 =	sor.u32 $0x9400, s24  }
0x150: {  	[tilespmem:s25+$0x0] =	vst.add.f32.msk $0xffff, v0  }
0x151: {  	v0 =	vld [tilespmem:s24+$0x1410];
	_ =	sdelay $0x3  }
0x152: {  	s25 =	sor.u32 $0x9410, s24  }
0x153: {  	[tilespmem:s25+$0x0] =	vst.add.f32.msk $0xffff, v0  }
0x154: {  	v0 =	vld [tilespmem:s24+$0x1420];
	_ =	sdelay $0x3  }
0x155: {  	s25 =	sor.u32 $0x9420, s24  }
0x156: {  	[tilespmem:s25+$0x0] =	vst.add.f32.msk $0xffff, v0  }
0x157: {  	v0 =	vld [tilespmem:s24+$0x1430];
	_ =	sdelay $0x3  }
0x158: {  	s25 =	sor.u32 $0x9430, s24  }
0x159: {  	[tilespmem:s25+$0x0] =	vst.add.f32.msk $0xffff, v0  }
0x15a: {  	v0 =	vld [tilespmem:s24+$0x1440];
	_ =	sdelay $0x3  }
0x15b: {  	s25 =	sor.u32 $0x9440, s24  }
0x15c: {  	[tilespmem:s25+$0x0] =	vst.add.f32.msk $0xffff, v0  }
0x15d: {  	v0 =	vld [tilespmem:s24+$0x1450];
	_ =	sdelay $0x3  }
0x15e: {  	s25 =	sor.u32 $0x9450, s24  }
0x15f: {  	[tilespmem:s25+$0x0] =	vst.add.f32.msk $0xffff, v0  }
0x160: {  	v0 =	vld [tilespmem:s24+$0x1460];
	_ =	sdelay $0x3  }
0x161: {  	s25 =	sor.u32 $0x9460, s24  }
0x162: {  	[tilespmem:s25+$0x0] =	vst.add.f32.msk $0xffff, v0  }
0x163: {  	v0 =	vld [tilespmem:s24+$0x1470];
	_ =	sdelay $0x3  }
0x164: {  	s25 =	sor.u32 $0x9470, s24  }
0x165: {  	[tilespmem:s25+$0x0] =	vst.add.f32.msk $0xffff, v0  }
0x166: {  	v0 =	vld [tilespmem:s24+$0x1800];
	_ =	sdelay $0x3  }
0x167: {  	s25 =	sor.u32 $0x9800, s24  }
0x168: {  	[tilespmem:s25+$0x0] =	vst.add.f32.msk $0xffff, v0  }
0x169: {  	v0 =	vld [tilespmem:s24+$0x1810];
	_ =	sdelay $0x3  }
0x16a: {  	s25 =	sor.u32 $0x9810, s24  }
0x16b: {  	[tilespmem:s25+$0x0] =	vst.add.f32.msk $0xffff, v0  }
0x16c: {  	v0 =	vld [tilespmem:s24+$0x1820];
	_ =	sdelay $0x3  }
0x16d: {  	s25 =	sor.u32 $0x9820, s24  }
0x16e: {  	[tilespmem:s25+$0x0] =	vst.add.f32.msk $0xffff, v0  }
0x16f: {  	v0 =	vld [tilespmem:s24+$0x1830];
	_ =	sdelay $0x3  }
0x170: {  	s25 =	sor.u32 $0x9830, s24  }
0x171: {  	[tilespmem:s25+$0x0] =	vst.add.f32.msk $0xffff, v0  }
0x172: {  	v0 =	vld [tilespmem:s24+$0x1840];
	_ =	sdelay $0x3  }
0x173: {  	s25 =	sor.u32 $0x9840, s24  }
0x174: {  	[tilespmem:s25+$0x0] =	vst.add.f32.msk $0xffff, v0  }
0x175: {  	v0 =	vld [tilespmem:s24+$0x1850];
	_ =	sdelay $0x3  }
0x176: {  	s25 =	sor.u32 $0x9850, s24  }
0x177: {  	[tilespmem:s25+$0x0] =	vst.add.f32.msk $0xffff, v0  }
0x178: {  	v0 =	vld [tilespmem:s24+$0x1860];
	_ =	sdelay $0x3  }
0x179: {  	s25 =	sor.u32 $0x9860, s24  }
0x17a: {  	[tilespmem:s25+$0x0] =	vst.add.f32.msk $0xffff, v0  }
0x17b: {  	v0 =	vld [tilespmem:s24+$0x1870]  }
0x17c: {  	s19 =	sadd.s32 $0x1, s19  }
0x17d: {  	s25 =	sand.u32 $0x7, s19  }
0x17e: {  	s20 =	sadd.s32 $0x400, s20;
	s25 =	sshll.u32 s25, $0x7  }
0x17f: {  	s24 =	sor.u32 $0x9870, s24;
	s25 =	sadd.s32 s25, s20  }
0x180: {  	[tilespmem:s24+$0x0] =	vst.add.f32.msk $0xffff, v0;
	s24 =	sor.u32 $0x1C00, s25  }
0x181: {  	v0 =	vld [tilespmem:s24+$0x0];
	_ =	sdelay $0x4  }
0x182: {  	[tilespmem:s24+$0x8000] =	vst.add.f32.msk $0xffff, v0;
	s24 =	sor.u32 $0x1C10, s25  }
0x183: {  	v0 =	vld [tilespmem:s24+$0x0];
	_ =	sdelay $0x4  }
0x184: {  	[tilespmem:s24+$0x8000] =	vst.add.f32.msk $0xffff, v0;
	s24 =	sor.u32 $0x1C20, s25  }
0x185: {  	v0 =	vld [tilespmem:s24+$0x0];
	_ =	sdelay $0x4  }
0x186: {  	[tilespmem:s24+$0x8000] =	vst.add.f32.msk $0xffff, v0;
	s24 =	sor.u32 $0x1C30, s25  }
0x187: {  	v0 =	vld [tilespmem:s24+$0x0];
	_ =	sdelay $0x4  }
0x188: {  	[tilespmem:s24+$0x8000] =	vst.add.f32.msk $0xffff, v0;
	s24 =	sor.u32 $0x1C40, s25  }
0x189: {  	v0 =	vld [tilespmem:s24+$0x0];
	_ =	sdelay $0x4  }
0x18a: {  	[tilespmem:s24+$0x8000] =	vst.add.f32.msk $0xffff, v0;
	s24 =	sor.u32 $0x1C50, s25  }
0x18b: {  	v0 =	vld [tilespmem:s24+$0x0];
	_ =	sdelay $0x4  }
0x18c: {  	[tilespmem:s24+$0x8000] =	vst.add.f32.msk $0xffff, v0;
	s24 =	sor.u32 $0x1C60, s25  }
0x18d: {  	v0 =	vld [tilespmem:s24+$0x0];
	_ =	sdelay $0x4  }
.Ltmp0:
0x18e: {  	s25 =	sor.u32 $0x1C70, s25;
	[tilespmem:s24+$0x8000] =	vst.add.f32.msk $0xffff, v0;
	(pc) =	sbr.rel @p0 .LBB2_3-.Ltmp0, $3  }
0x18f: {  	v0 =	vld [tilespmem:s25+$0x0];
	_ =	sdelay $0x1  }
0x190: {  	s22 =	sadd.s32 $0x400, s22  }
0x191: {  	s23 =	sadd.s32 $0x80, s23;
	s24 =	sadd.s32 $0x8000, s22  }
0x192: {  	s22 =	sand.u32 $0x6000, s24;
	s21 =	sand.u32 $0x380, s21  }
0x193: {  	s21 =	sor.u32 s21, s22;
	[tilespmem:s25+$0x8000] =	vst.add.f32.msk $0xffff, v0  }
0x194: {  	v0 =	vld [tilespmem:s21+$0x0];
	_ =	sdelay $0x3  }
0x195: {  	s22 =	sor.u32 $0x8000, s21  }
0x196: {  	[tilespmem:s22+$0x0] =	vst.add.f32.msk $0xffff, v0  }
0x197: {  	v0 =	vld [tilespmem:s21+$0x10];
	_ =	sdelay $0x3  }
0x198: {  	s25 =	sor.u32 $0x8010, s21  }
0x199: {  	[tilespmem:s25+$0x0] =	vst.add.f32.msk $0xffff, v0  }
0x19a: {  	v0 =	vld [tilespmem:s21+$0x20];
	_ =	sdelay $0x3  }
0x19b: {  	s26 =	sor.u32 $0x8020, s21  }
0x19c: {  	[tilespmem:s26+$0x0] =	vst.add.f32.msk $0xffff, v0  }
0x19d: {  	v0 =	vld [tilespmem:s21+$0x30];
	_ =	sdelay $0x3  }
0x19e: {  	s28 =	sor.u32 $0x8030, s21  }
0x19f: {  	[tilespmem:s28+$0x0] =	vst.add.f32.msk $0xffff, v0  }
0x1a0: {  	v0 =	vld [tilespmem:s21+$0x40];
	_ =	sdelay $0x3  }
0x1a1: {  	s29 =	sor.u32 $0x8040, s21  }
0x1a2: {  	[tilespmem:s29+$0x0] =	vst.add.f32.msk $0xffff, v0  }
0x1a3: {  	v0 =	vld [tilespmem:s21+$0x50];
	_ =	sdelay $0x3  }
0x1a4: {  	s30 =	sor.u32 $0x8050, s21  }
0x1a5: {  	[tilespmem:s30+$0x0] =	vst.add.f32.msk $0xffff, v0  }
0x1a6: {  	v0 =	vld [tilespmem:s21+$0x60];
	_ =	sdelay $0x3  }
0x1a7: {  	s31 =	sor.u32 $0x8060, s21  }
0x1a8: {  	[tilespmem:s31+$0x0] =	vst.add.f32.msk $0xffff, v0  }
0x1a9: {  	v0 =	vld [tilespmem:s21+$0x70];
	_ =	sdelay $0x3  }
0x1aa: {  	s23 =	sor.u32 $0x8070, s21  }
0x1ab: {  	[tilespmem:s23+$0x0] =	vst.add.f32.msk $0xffff, v0  }
0x1ac: {  	v0 =	vld [tilespmem:s21+$0x400];
	_ =	sdelay $0x3  }
0x1ad: {  	s24 =	sor.u32 $0x8400, s21  }
0x1ae: {  	[tilespmem:s24+$0x0] =	vst.add.f32.msk $0xffff, v0  }
0x1af: {  	v0 =	vld [tilespmem:s21+$0x410];
	_ =	sdelay $0x3  }
0x1b0: {  	s25 =	sor.u32 $0x8410, s21  }
0x1b1: {  	[tilespmem:s25+$0x0] =	vst.add.f32.msk $0xffff, v0  }
0x1b2: {  	v0 =	vld [tilespmem:s21+$0x420];
	_ =	sdelay $0x3  }
0x1b3: {  	s26 =	sor.u32 $0x8420, s21  }
0x1b4: {  	[tilespmem:s26+$0x0] =	vst.add.f32.msk $0xffff, v0  }
0x1b5: {  	v0 =	vld [tilespmem:s21+$0x430];
	_ =	sdelay $0x3  }
0x1b6: {  	s28 =	sor.u32 $0x8430, s21  }
0x1b7: {  	[tilespmem:s28+$0x0] =	vst.add.f32.msk $0xffff, v0  }
0x1b8: {  	v0 =	vld [tilespmem:s21+$0x440];
	_ =	sdelay $0x3  }
0x1b9: {  	s29 =	sor.u32 $0x8440, s21  }
0x1ba: {  	[tilespmem:s29+$0x0] =	vst.add.f32.msk $0xffff, v0  }
0x1bb: {  	v0 =	vld [tilespmem:s21+$0x450];
	_ =	sdelay $0x3  }
0x1bc: {  	s30 =	sor.u32 $0x8450, s21  }
0x1bd: {  	[tilespmem:s30+$0x0] =	vst.add.f32.msk $0xffff, v0  }
0x1be: {  	v0 =	vld [tilespmem:s21+$0x460];
	_ =	sdelay $0x3  }
0x1bf: {  	s31 =	sor.u32 $0x8460, s21  }
0x1c0: {  	[tilespmem:s31+$0x0] =	vst.add.f32.msk $0xffff, v0  }
0x1c1: {  	v0 =	vld [tilespmem:s21+$0x470];
	_ =	sdelay $0x3  }
0x1c2: {  	s23 =	sor.u32 $0x8470, s21  }
0x1c3: {  	[tilespmem:s23+$0x0] =	vst.add.f32.msk $0xffff, v0  }
0x1c4: {  	v0 =	vld [tilespmem:s21+$0x800];
	_ =	sdelay $0x3  }
0x1c5: {  	s24 =	sor.u32 $0x8800, s21  }
0x1c6: {  	[tilespmem:s24+$0x0] =	vst.add.f32.msk $0xffff, v0  }
0x1c7: {  	v0 =	vld [tilespmem:s21+$0x810];
	_ =	sdelay $0x3  }
0x1c8: {  	s25 =	sor.u32 $0x8810, s21  }
0x1c9: {  	[tilespmem:s25+$0x0] =	vst.add.f32.msk $0xffff, v0  }
0x1ca: {  	v0 =	vld [tilespmem:s21+$0x820];
	_ =	sdelay $0x3  }
0x1cb: {  	s26 =	sor.u32 $0x8820, s21  }
0x1cc: {  	[tilespmem:s26+$0x0] =	vst.add.f32.msk $0xffff, v0  }
0x1cd: {  	v0 =	vld [tilespmem:s21+$0x830];
	_ =	sdelay $0x3  }
0x1ce: {  	s28 =	sor.u32 $0x8830, s21  }
0x1cf: {  	[tilespmem:s28+$0x0] =	vst.add.f32.msk $0xffff, v0  }
0x1d0: {  	v0 =	vld [tilespmem:s21+$0x840];
	_ =	sdelay $0x3  }
0x1d1: {  	s29 =	sor.u32 $0x8840, s21  }
0x1d2: {  	[tilespmem:s29+$0x0] =	vst.add.f32.msk $0xffff, v0  }
0x1d3: {  	v0 =	vld [tilespmem:s21+$0x850];
	_ =	sdelay $0x3  }
0x1d4: {  	s30 =	sor.u32 $0x8850, s21  }
0x1d5: {  	[tilespmem:s30+$0x0] =	vst.add.f32.msk $0xffff, v0  }
0x1d6: {  	v0 =	vld [tilespmem:s21+$0x860];
	_ =	sdelay $0x3  }
0x1d7: {  	s31 =	sor.u32 $0x8860, s21  }
0x1d8: {  	[tilespmem:s31+$0x0] =	vst.add.f32.msk $0xffff, v0  }
0x1d9: {  	v0 =	vld [tilespmem:s21+$0x870];
	_ =	sdelay $0x3  }
0x1da: {  	s23 =	sor.u32 $0x8870, s21  }
0x1db: {  	[tilespmem:s23+$0x0] =	vst.add.f32.msk $0xffff, v0  }
0x1dc: {  	v0 =	vld [tilespmem:s21+$0xC00];
	_ =	sdelay $0x3  }
0x1dd: {  	s24 =	sor.u32 $0x8C00, s21  }
0x1de: {  	[tilespmem:s24+$0x0] =	vst.add.f32.msk $0xffff, v0  }
0x1df: {  	v0 =	vld [tilespmem:s21+$0xC10];
	_ =	sdelay $0x3  }
0x1e0: {  	s25 =	sor.u32 $0x8C10, s21  }
0x1e1: {  	[tilespmem:s25+$0x0] =	vst.add.f32.msk $0xffff, v0  }
0x1e2: {  	v0 =	vld [tilespmem:s21+$0xC20];
	_ =	sdelay $0x3  }
0x1e3: {  	s26 =	sor.u32 $0x8C20, s21  }
0x1e4: {  	[tilespmem:s26+$0x0] =	vst.add.f32.msk $0xffff, v0  }
0x1e5: {  	v0 =	vld [tilespmem:s21+$0xC30];
	_ =	sdelay $0x3  }
0x1e6: {  	s28 =	sor.u32 $0x8C30, s21  }
0x1e7: {  	[tilespmem:s28+$0x0] =	vst.add.f32.msk $0xffff, v0  }
0x1e8: {  	v0 =	vld [tilespmem:s21+$0xC40];
	_ =	sdelay $0x3  }
0x1e9: {  	s29 =	sor.u32 $0x8C40, s21  }
0x1ea: {  	[tilespmem:s29+$0x0] =	vst.add.f32.msk $0xffff, v0  }
0x1eb: {  	v0 =	vld [tilespmem:s21+$0xC50];
	_ =	sdelay $0x3  }
0x1ec: {  	s30 =	sor.u32 $0x8C50, s21  }
0x1ed: {  	[tilespmem:s30+$0x0] =	vst.add.f32.msk $0xffff, v0  }
0x1ee: {  	v0 =	vld [tilespmem:s21+$0xC60];
	_ =	sdelay $0x3  }
0x1ef: {  	s31 =	sor.u32 $0x8C60, s21  }
0x1f0: {  	[tilespmem:s31+$0x0] =	vst.add.f32.msk $0xffff, v0  }
0x1f1: {  	v0 =	vld [tilespmem:s21+$0xC70];
	_ =	sdelay $0x3  }
0x1f2: {  	s23 =	sor.u32 $0x8C70, s21  }
0x1f3: {  	[tilespmem:s23+$0x0] =	vst.add.f32.msk $0xffff, v0  }
0x1f4: {  	v0 =	vld [tilespmem:s21+$0x1000];
	_ =	sdelay $0x3  }
0x1f5: {  	s24 =	sor.u32 $0x9000, s21  }
0x1f6: {  	[tilespmem:s24+$0x0] =	vst.add.f32.msk $0xffff, v0  }
0x1f7: {  	v0 =	vld [tilespmem:s21+$0x1010];
	_ =	sdelay $0x3  }
0x1f8: {  	s25 =	sor.u32 $0x9010, s21  }
0x1f9: {  	[tilespmem:s25+$0x0] =	vst.add.f32.msk $0xffff, v0  }
0x1fa: {  	v0 =	vld [tilespmem:s21+$0x1020];
	_ =	sdelay $0x3  }
0x1fb: {  	s26 =	sor.u32 $0x9020, s21  }
0x1fc: {  	[tilespmem:s26+$0x0] =	vst.add.f32.msk $0xffff, v0  }
0x1fd: {  	v0 =	vld [tilespmem:s21+$0x1030];
	_ =	sdelay $0x3  }
0x1fe: {  	s28 =	sor.u32 $0x9030, s21  }
0x1ff: {  	[tilespmem:s28+$0x0] =	vst.add.f32.msk $0xffff, v0  }
0x200: {  	v0 =	vld [tilespmem:s21+$0x1040];
	_ =	sdelay $0x3  }
0x201: {  	s29 =	sor.u32 $0x9040, s21  }
0x202: {  	[tilespmem:s29+$0x0] =	vst.add.f32.msk $0xffff, v0  }
0x203: {  	v0 =	vld [tilespmem:s21+$0x1050];
	_ =	sdelay $0x3  }
0x204: {  	s30 =	sor.u32 $0x9050, s21  }
0x205: {  	[tilespmem:s30+$0x0] =	vst.add.f32.msk $0xffff, v0  }
0x206: {  	v0 =	vld [tilespmem:s21+$0x1060];
	_ =	sdelay $0x3  }
0x207: {  	s31 =	sor.u32 $0x9060, s21  }
0x208: {  	[tilespmem:s31+$0x0] =	vst.add.f32.msk $0xffff, v0  }
0x209: {  	v0 =	vld [tilespmem:s21+$0x1070];
	_ =	sdelay $0x3  }
0x20a: {  	s23 =	sor.u32 $0x9070, s21  }
0x20b: {  	[tilespmem:s23+$0x0] =	vst.add.f32.msk $0xffff, v0  }
0x20c: {  	v0 =	vld [tilespmem:s21+$0x1400];
	_ =	sdelay $0x3  }
0x20d: {  	s24 =	sor.u32 $0x9400, s21  }
0x20e: {  	[tilespmem:s24+$0x0] =	vst.add.f32.msk $0xffff, v0  }
0x20f: {  	v0 =	vld [tilespmem:s21+$0x1410];
	_ =	sdelay $0x3  }
0x210: {  	s25 =	sor.u32 $0x9410, s21  }
0x211: {  	[tilespmem:s25+$0x0] =	vst.add.f32.msk $0xffff, v0  }
0x212: {  	v0 =	vld [tilespmem:s21+$0x1420];
	_ =	sdelay $0x3  }
0x213: {  	s26 =	sor.u32 $0x9420, s21  }
0x214: {  	[tilespmem:s26+$0x0] =	vst.add.f32.msk $0xffff, v0  }
0x215: {  	v0 =	vld [tilespmem:s21+$0x1430];
	_ =	sdelay $0x3  }
0x216: {  	s28 =	sor.u32 $0x9430, s21  }
0x217: {  	[tilespmem:s28+$0x0] =	vst.add.f32.msk $0xffff, v0  }
0x218: {  	v0 =	vld [tilespmem:s21+$0x1440];
	_ =	sdelay $0x3  }
0x219: {  	s29 =	sor.u32 $0x9440, s21  }
0x21a: {  	[tilespmem:s29+$0x0] =	vst.add.f32.msk $0xffff, v0  }
0x21b: {  	v0 =	vld [tilespmem:s21+$0x1450];
	_ =	sdelay $0x3  }
0x21c: {  	s30 =	sor.u32 $0x9450, s21  }
0x21d: {  	[tilespmem:s30+$0x0] =	vst.add.f32.msk $0xffff, v0  }
0x21e: {  	v0 =	vld [tilespmem:s21+$0x1460];
	_ =	sdelay $0x3  }
0x21f: {  	s31 =	sor.u32 $0x9460, s21  }
0x220: {  	[tilespmem:s31+$0x0] =	vst.add.f32.msk $0xffff, v0  }
0x221: {  	v0 =	vld [tilespmem:s21+$0x1470];
	_ =	sdelay $0x3  }
0x222: {  	s23 =	sor.u32 $0x9470, s21  }
0x223: {  	[tilespmem:s23+$0x0] =	vst.add.f32.msk $0xffff, v0  }
0x224: {  	v0 =	vld [tilespmem:s21+$0x1800];
	_ =	sdelay $0x3  }
0x225: {  	s24 =	sor.u32 $0x9800, s21  }
0x226: {  	[tilespmem:s24+$0x0] =	vst.add.f32.msk $0xffff, v0  }
0x227: {  	v0 =	vld [tilespmem:s21+$0x1810];
	_ =	sdelay $0x3  }
0x228: {  	s25 =	sor.u32 $0x9810, s21  }
0x229: {  	[tilespmem:s25+$0x0] =	vst.add.f32.msk $0xffff, v0  }
0x22a: {  	v0 =	vld [tilespmem:s21+$0x1820];
	_ =	sdelay $0x3  }
0x22b: {  	s26 =	sor.u32 $0x9820, s21  }
0x22c: {  	[tilespmem:s26+$0x0] =	vst.add.f32.msk $0xffff, v0  }
0x22d: {  	v0 =	vld [tilespmem:s21+$0x1830];
	_ =	sdelay $0x3  }
0x22e: {  	s28 =	sor.u32 $0x9830, s21  }
0x22f: {  	[tilespmem:s28+$0x0] =	vst.add.f32.msk $0xffff, v0  }
0x230: {  	v0 =	vld [tilespmem:s21+$0x1840];
	_ =	sdelay $0x3  }
0x231: {  	s29 =	sor.u32 $0x9840, s21  }
0x232: {  	[tilespmem:s29+$0x0] =	vst.add.f32.msk $0xffff, v0  }
0x233: {  	v0 =	vld [tilespmem:s21+$0x1850];
	_ =	sdelay $0x3  }
0x234: {  	s30 =	sor.u32 $0x9850, s21  }
0x235: {  	[tilespmem:s30+$0x0] =	vst.add.f32.msk $0xffff, v0  }
0x236: {  	v0 =	vld [tilespmem:s21+$0x1860];
	_ =	sdelay $0x3  }
0x237: {  	s31 =	sor.u32 $0x9860, s21  }
0x238: {  	[tilespmem:s31+$0x0] =	vst.add.f32.msk $0xffff, v0  }
0x239: {  	v0 =	vld [tilespmem:s21+$0x1870]  }
0x23a: {  	s19 =	sadd.s32 $0x1, s19  }
0x23b: {  	s19 =	sand.u32 $0x7, s19  }
0x23c: {  	s20 =	sadd.s32 $0x400, s20;
	s19 =	sshll.u32 s19, $0x7  }
0x23d: {  	s19 =	sadd.s32 s19, s20;
	s23 =	sor.u32 $0x9870, s21  }
0x23e: {  	s24 =	sor.u32 $0x1C00, s19;
	[tilespmem:s23+$0x0] =	vst.add.f32.msk $0xffff, v0  }
0x23f: {  	v0 =	vld [tilespmem:s24+$0x0];
	_ =	sdelay $0x4  }
0x240: {  	s25 =	sor.u32 $0x1C10, s19;
	[tilespmem:s24+$0x8000] =	vst.add.f32.msk $0xffff, v0  }
0x241: {  	v0 =	vld [tilespmem:s25+$0x0];
	_ =	sdelay $0x4  }
0x242: {  	s26 =	sor.u32 $0x1C20, s19;
	[tilespmem:s25+$0x8000] =	vst.add.f32.msk $0xffff, v0  }
0x243: {  	v0 =	vld [tilespmem:s26+$0x0];
	_ =	sdelay $0x4  }
0x244: {  	s28 =	sor.u32 $0x1C30, s19;
	[tilespmem:s26+$0x8000] =	vst.add.f32.msk $0xffff, v0  }
0x245: {  	v0 =	vld [tilespmem:s28+$0x0];
	_ =	sdelay $0x4  }
0x246: {  	s29 =	sor.u32 $0x1C40, s19;
	[tilespmem:s28+$0x8000] =	vst.add.f32.msk $0xffff, v0  }
0x247: {  	v0 =	vld [tilespmem:s29+$0x0];
	_ =	sdelay $0x4  }
0x248: {  	s30 =	sor.u32 $0x1C50, s19;
	[tilespmem:s29+$0x8000] =	vst.add.f32.msk $0xffff, v0  }
0x249: {  	v0 =	vld [tilespmem:s30+$0x0];
	_ =	sdelay $0x4  }
0x24a: {  	s31 =	sor.u32 $0x1C60, s19;
	[tilespmem:s30+$0x8000] =	vst.add.f32.msk $0xffff, v0  }
0x24b: {  	v0 =	vld [tilespmem:s31+$0x0];
	_ =	sdelay $0x4  }
0x24c: {  	s19 =	sor.u32 $0x1C70, s19;
	[tilespmem:s31+$0x8000] =	vst.add.f32.msk $0xffff, v0  }
0x24d: {  	v0 =	vld [tilespmem:s19+$0x0];
	_ =	sdelay $0x4  }
0x24e: {  	s20 =	simm.s32 $0x0;
	s21 =	sadd.s32 s3, s17;
	[tilespmem:s19+$0x8000] =	vst.add.f32.msk $0xffff, v0  }
0x24f: {  	[hbm4b:s21+s20] =	stream.linear.scatter [tilespmem:s8], [sflag:$0x3], $0x8000, $0x38;
	[tilespmem:$0x18000] =	vst v63  }
0x250: {  	_ =	swait.ge [sflag:s12], $0x8000  }
0x251: {  	s19 =	sor.u32 $0x200000, s17;
	[sflag:s12] =	ssyncset.done $0x0  }
0x252: {  	s22 =	sadd.s32 s1, s19;
	[sflag:s12] =	ssyncadd.s32 $0xFFFF8000  }
0x253: {  	[tilespmem:s8], [sflag:$0x1] =	stream.linear.gather [hbm4b:s22+s20], $0x8000, $0x38;
	[tilespmem:$0x18000] =	vst v63  }
0x254: {  	s23 =	simm.s32 $0x0;
	_ =	swait.ge [sflag:s13], $0x8000  }
0x255: {  	s24 =	sand.u32 $0x380, s20;
	s21 =	sand.u32 $0x6000, s23;
	[sflag:s13] =	ssyncset.done $0x0  }
0x256: {  	s21 =	sor.u32 s24, s21;
	[sflag:s13] =	ssyncadd.s32 $0xFFFF8000  }
0x257: {  	v0 =	vld [tilespmem:s21+$0x0];
	_ =	sdelay $0x3  }
0x258: {  	s22 =	sor.u32 $0x10000, s21  }
0x259: {  	[tilespmem:s22+$0x0] =	vst.add.f32.msk $0xffff, v0  }
0x25a: {  	v0 =	vld [tilespmem:s21+$0x10];
	_ =	sdelay $0x3  }
0x25b: {  	s25 =	sor.u32 $0x10010, s21  }
0x25c: {  	[tilespmem:s25+$0x0] =	vst.add.f32.msk $0xffff, v0  }
0x25d: {  	v0 =	vld [tilespmem:s21+$0x20];
	_ =	sdelay $0x3  }
0x25e: {  	s26 =	sor.u32 $0x10020, s21  }
0x25f: {  	[tilespmem:s26+$0x0] =	vst.add.f32.msk $0xffff, v0  }
0x260: {  	v0 =	vld [tilespmem:s21+$0x30];
	_ =	sdelay $0x3  }
0x261: {  	s28 =	sor.u32 $0x10030, s21  }
0x262: {  	[tilespmem:s28+$0x0] =	vst.add.f32.msk $0xffff, v0  }
0x263: {  	v0 =	vld [tilespmem:s21+$0x40];
	_ =	sdelay $0x3  }
0x264: {  	s29 =	sor.u32 $0x10040, s21  }
0x265: {  	[tilespmem:s29+$0x0] =	vst.add.f32.msk $0xffff, v0  }
0x266: {  	v0 =	vld [tilespmem:s21+$0x50];
	_ =	sdelay $0x3  }
0x267: {  	s30 =	sor.u32 $0x10050, s21  }
0x268: {  	[tilespmem:s30+$0x0] =	vst.add.f32.msk $0xffff, v0  }
0x269: {  	v0 =	vld [tilespmem:s21+$0x60];
	_ =	sdelay $0x3  }
0x26a: {  	s31 =	sor.u32 $0x10060, s21  }
0x26b: {  	[tilespmem:s31+$0x0] =	vst.add.f32.msk $0xffff, v0  }
0x26c: {  	v0 =	vld [tilespmem:s21+$0x70];
	_ =	sdelay $0x3  }
0x26d: {  	s23 =	sor.u32 $0x10070, s21  }
0x26e: {  	[tilespmem:s23+$0x0] =	vst.add.f32.msk $0xffff, v0  }
0x26f: {  	v0 =	vld [tilespmem:s21+$0x400];
	_ =	sdelay $0x3  }
0x270: {  	s24 =	sor.u32 $0x10400, s21  }
0x271: {  	[tilespmem:s24+$0x0] =	vst.add.f32.msk $0xffff, v0  }
0x272: {  	v0 =	vld [tilespmem:s21+$0x410];
	_ =	sdelay $0x3  }
0x273: {  	s25 =	sor.u32 $0x10410, s21  }
0x274: {  	[tilespmem:s25+$0x0] =	vst.add.f32.msk $0xffff, v0  }
0x275: {  	v0 =	vld [tilespmem:s21+$0x420];
	_ =	sdelay $0x3  }
0x276: {  	s26 =	sor.u32 $0x10420, s21  }
0x277: {  	[tilespmem:s26+$0x0] =	vst.add.f32.msk $0xffff, v0  }
0x278: {  	v0 =	vld [tilespmem:s21+$0x430];
	_ =	sdelay $0x3  }
0x279: {  	s28 =	sor.u32 $0x10430, s21  }
0x27a: {  	[tilespmem:s28+$0x0] =	vst.add.f32.msk $0xffff, v0  }
0x27b: {  	v0 =	vld [tilespmem:s21+$0x440];
	_ =	sdelay $0x3  }
0x27c: {  	s29 =	sor.u32 $0x10440, s21  }
0x27d: {  	[tilespmem:s29+$0x0] =	vst.add.f32.msk $0xffff, v0  }
0x27e: {  	v0 =	vld [tilespmem:s21+$0x450];
	_ =	sdelay $0x3  }
0x27f: {  	s30 =	sor.u32 $0x10450, s21  }
0x280: {  	[tilespmem:s30+$0x0] =	vst.add.f32.msk $0xffff, v0  }
0x281: {  	v0 =	vld [tilespmem:s21+$0x460];
	_ =	sdelay $0x3  }
0x282: {  	s31 =	sor.u32 $0x10460, s21  }
0x283: {  	[tilespmem:s31+$0x0] =	vst.add.f32.msk $0xffff, v0  }
0x284: {  	v0 =	vld [tilespmem:s21+$0x470];
	_ =	sdelay $0x3  }
0x285: {  	s23 =	sor.u32 $0x10470, s21  }
0x286: {  	[tilespmem:s23+$0x0] =	vst.add.f32.msk $0xffff, v0  }
0x287: {  	v0 =	vld [tilespmem:s21+$0x800];
	_ =	sdelay $0x3  }
0x288: {  	s24 =	sor.u32 $0x10800, s21  }
0x289: {  	[tilespmem:s24+$0x0] =	vst.add.f32.msk $0xffff, v0  }
0x28a: {  	v0 =	vld [tilespmem:s21+$0x810];
	_ =	sdelay $0x3  }
0x28b: {  	s25 =	sor.u32 $0x10810, s21  }
0x28c: {  	[tilespmem:s25+$0x0] =	vst.add.f32.msk $0xffff, v0  }
0x28d: {  	v0 =	vld [tilespmem:s21+$0x820];
	_ =	sdelay $0x3  }
0x28e: {  	s26 =	sor.u32 $0x10820, s21  }
0x28f: {  	[tilespmem:s26+$0x0] =	vst.add.f32.msk $0xffff, v0  }
0x290: {  	v0 =	vld [tilespmem:s21+$0x830];
	_ =	sdelay $0x3  }
0x291: {  	s28 =	sor.u32 $0x10830, s21  }
0x292: {  	[tilespmem:s28+$0x0] =	vst.add.f32.msk $0xffff, v0  }
0x293: {  	v0 =	vld [tilespmem:s21+$0x840];
	_ =	sdelay $0x3  }
0x294: {  	s29 =	sor.u32 $0x10840, s21  }
0x295: {  	[tilespmem:s29+$0x0] =	vst.add.f32.msk $0xffff, v0  }
0x296: {  	v0 =	vld [tilespmem:s21+$0x850];
	_ =	sdelay $0x3  }
0x297: {  	s30 =	sor.u32 $0x10850, s21  }
0x298: {  	[tilespmem:s30+$0x0] =	vst.add.f32.msk $0xffff, v0  }
0x299: {  	v0 =	vld [tilespmem:s21+$0x860];
	_ =	sdelay $0x3  }
0x29a: {  	s31 =	sor.u32 $0x10860, s21  }
0x29b: {  	[tilespmem:s31+$0x0] =	vst.add.f32.msk $0xffff, v0  }
0x29c: {  	v0 =	vld [tilespmem:s21+$0x870];
	_ =	sdelay $0x3  }
0x29d: {  	s23 =	sor.u32 $0x10870, s21  }
0x29e: {  	[tilespmem:s23+$0x0] =	vst.add.f32.msk $0xffff, v0  }
0x29f: {  	v0 =	vld [tilespmem:s21+$0xC00];
	_ =	sdelay $0x3  }
0x2a0: {  	s24 =	sor.u32 $0x10C00, s21  }
0x2a1: {  	[tilespmem:s24+$0x0] =	vst.add.f32.msk $0xffff, v0  }
0x2a2: {  	v0 =	vld [tilespmem:s21+$0xC10];
	_ =	sdelay $0x3  }
0x2a3: {  	s25 =	sor.u32 $0x10C10, s21  }
0x2a4: {  	[tilespmem:s25+$0x0] =	vst.add.f32.msk $0xffff, v0  }
0x2a5: {  	v0 =	vld [tilespmem:s21+$0xC20];
	_ =	sdelay $0x3  }
0x2a6: {  	s26 =	sor.u32 $0x10C20, s21  }
0x2a7: {  	[tilespmem:s26+$0x0] =	vst.add.f32.msk $0xffff, v0  }
0x2a8: {  	v0 =	vld [tilespmem:s21+$0xC30];
	_ =	sdelay $0x3  }
0x2a9: {  	s28 =	sor.u32 $0x10C30, s21  }
0x2aa: {  	[tilespmem:s28+$0x0] =	vst.add.f32.msk $0xffff, v0  }
0x2ab: {  	v0 =	vld [tilespmem:s21+$0xC40];
	_ =	sdelay $0x3  }
0x2ac: {  	s29 =	sor.u32 $0x10C40, s21  }
0x2ad: {  	[tilespmem:s29+$0x0] =	vst.add.f32.msk $0xffff, v0  }
0x2ae: {  	v0 =	vld [tilespmem:s21+$0xC50];
	_ =	sdelay $0x3  }
0x2af: {  	s30 =	sor.u32 $0x10C50, s21  }
0x2b0: {  	[tilespmem:s30+$0x0] =	vst.add.f32.msk $0xffff, v0  }
0x2b1: {  	v0 =	vld [tilespmem:s21+$0xC60];
	_ =	sdelay $0x3  }
0x2b2: {  	s31 =	sor.u32 $0x10C60, s21  }
0x2b3: {  	[tilespmem:s31+$0x0] =	vst.add.f32.msk $0xffff, v0  }
0x2b4: {  	v0 =	vld [tilespmem:s21+$0xC70];
	_ =	sdelay $0x3  }
0x2b5: {  	s23 =	sor.u32 $0x10C70, s21  }
0x2b6: {  	[tilespmem:s23+$0x0] =	vst.add.f32.msk $0xffff, v0  }
0x2b7: {  	v0 =	vld [tilespmem:s21+$0x1000];
	_ =	sdelay $0x3  }
0x2b8: {  	s24 =	sor.u32 $0x11000, s21  }
0x2b9: {  	[tilespmem:s24+$0x0] =	vst.add.f32.msk $0xffff, v0  }
0x2ba: {  	v0 =	vld [tilespmem:s21+$0x1010];
	_ =	sdelay $0x3  }
0x2bb: {  	s25 =	sor.u32 $0x11010, s21  }
0x2bc: {  	[tilespmem:s25+$0x0] =	vst.add.f32.msk $0xffff, v0  }
0x2bd: {  	v0 =	vld [tilespmem:s21+$0x1020];
	_ =	sdelay $0x3  }
0x2be: {  	s26 =	sor.u32 $0x11020, s21  }
0x2bf: {  	[tilespmem:s26+$0x0] =	vst.add.f32.msk $0xffff, v0  }
0x2c0: {  	v0 =	vld [tilespmem:s21+$0x1030];
	_ =	sdelay $0x3  }
0x2c1: {  	s28 =	sor.u32 $0x11030, s21  }
0x2c2: {  	[tilespmem:s28+$0x0] =	vst.add.f32.msk $0xffff, v0  }
0x2c3: {  	v0 =	vld [tilespmem:s21+$0x1040];
	_ =	sdelay $0x3  }
0x2c4: {  	s29 =	sor.u32 $0x11040, s21  }
0x2c5: {  	[tilespmem:s29+$0x0] =	vst.add.f32.msk $0xffff, v0  }
0x2c6: {  	v0 =	vld [tilespmem:s21+$0x1050];
	_ =	sdelay $0x3  }
0x2c7: {  	s30 =	sor.u32 $0x11050, s21  }
0x2c8: {  	[tilespmem:s30+$0x0] =	vst.add.f32.msk $0xffff, v0  }
0x2c9: {  	v0 =	vld [tilespmem:s21+$0x1060];
	_ =	sdelay $0x3  }
0x2ca: {  	s31 =	sor.u32 $0x11060, s21  }
0x2cb: {  	[tilespmem:s31+$0x0] =	vst.add.f32.msk $0xffff, v0  }
0x2cc: {  	v0 =	vld [tilespmem:s21+$0x1070];
	_ =	sdelay $0x3  }
0x2cd: {  	s23 =	sor.u32 $0x11070, s21  }
0x2ce: {  	[tilespmem:s23+$0x0] =	vst.add.f32.msk $0xffff, v0  }
0x2cf: {  	v0 =	vld [tilespmem:s21+$0x1400];
	_ =	sdelay $0x3  }
0x2d0: {  	s24 =	sor.u32 $0x11400, s21  }
0x2d1: {  	[tilespmem:s24+$0x0] =	vst.add.f32.msk $0xffff, v0  }
0x2d2: {  	v0 =	vld [tilespmem:s21+$0x1410];
	_ =	sdelay $0x3  }
0x2d3: {  	s25 =	sor.u32 $0x11410, s21  }
0x2d4: {  	[tilespmem:s25+$0x0] =	vst.add.f32.msk $0xffff, v0  }
0x2d5: {  	v0 =	vld [tilespmem:s21+$0x1420];
	_ =	sdelay $0x3  }
0x2d6: {  	s26 =	sor.u32 $0x11420, s21  }
0x2d7: {  	[tilespmem:s26+$0x0] =	vst.add.f32.msk $0xffff, v0  }
0x2d8: {  	v0 =	vld [tilespmem:s21+$0x1430];
	_ =	sdelay $0x3  }
0x2d9: {  	s28 =	sor.u32 $0x11430, s21  }
0x2da: {  	[tilespmem:s28+$0x0] =	vst.add.f32.msk $0xffff, v0  }
0x2db: {  	v0 =	vld [tilespmem:s21+$0x1440];
	_ =	sdelay $0x3  }
0x2dc: {  	s29 =	sor.u32 $0x11440, s21  }
0x2dd: {  	[tilespmem:s29+$0x0] =	vst.add.f32.msk $0xffff, v0  }
0x2de: {  	v0 =	vld [tilespmem:s21+$0x1450];
	_ =	sdelay $0x3  }
0x2df: {  	s30 =	sor.u32 $0x11450, s21  }
0x2e0: {  	[tilespmem:s30+$0x0] =	vst.add.f32.msk $0xffff, v0  }
0x2e1: {  	v0 =	vld [tilespmem:s21+$0x1460];
	_ =	sdelay $0x3  }
0x2e2: {  	s31 =	sor.u32 $0x11460, s21  }
0x2e3: {  	[tilespmem:s31+$0x0] =	vst.add.f32.msk $0xffff, v0  }
0x2e4: {  	v0 =	vld [tilespmem:s21+$0x1470];
	_ =	sdelay $0x3  }
0x2e5: {  	s23 =	sor.u32 $0x11470, s21  }
0x2e6: {  	[tilespmem:s23+$0x0] =	vst.add.f32.msk $0xffff, v0  }
0x2e7: {  	v0 =	vld [tilespmem:s21+$0x1800];
	_ =	sdelay $0x3  }
0x2e8: {  	s24 =	sor.u32 $0x11800, s21  }
0x2e9: {  	[tilespmem:s24+$0x0] =	vst.add.f32.msk $0xffff, v0  }
0x2ea: {  	v0 =	vld [tilespmem:s21+$0x1810];
	_ =	sdelay $0x3  }
0x2eb: {  	s25 =	sor.u32 $0x11810, s21  }
0x2ec: {  	[tilespmem:s25+$0x0] =	vst.add.f32.msk $0xffff, v0  }
0x2ed: {  	v0 =	vld [tilespmem:s21+$0x1820];
	_ =	sdelay $0x3  }
0x2ee: {  	s26 =	sor.u32 $0x11820, s21  }
0x2ef: {  	[tilespmem:s26+$0x0] =	vst.add.f32.msk $0xffff, v0  }
0x2f0: {  	v0 =	vld [tilespmem:s21+$0x1830];
	_ =	sdelay $0x3  }
0x2f1: {  	s28 =	sor.u32 $0x11830, s21  }
0x2f2: {  	[tilespmem:s28+$0x0] =	vst.add.f32.msk $0xffff, v0  }
0x2f3: {  	v0 =	vld [tilespmem:s21+$0x1840];
	_ =	sdelay $0x3  }
0x2f4: {  	s29 =	sor.u32 $0x11840, s21  }
0x2f5: {  	[tilespmem:s29+$0x0] =	vst.add.f32.msk $0xffff, v0  }
0x2f6: {  	v0 =	vld [tilespmem:s21+$0x1850];
	_ =	sdelay $0x3  }
0x2f7: {  	s30 =	sor.u32 $0x11850, s21  }
0x2f8: {  	[tilespmem:s30+$0x0] =	vst.add.f32.msk $0xffff, v0  }
0x2f9: {  	v0 =	vld [tilespmem:s21+$0x1860];
	_ =	sdelay $0x3  }
0x2fa: {  	s31 =	sor.u32 $0x11860, s21  }
0x2fb: {  	[tilespmem:s31+$0x0] =	vst.add.f32.msk $0xffff, v0  }
0x2fc: {  	v0 =	vld [tilespmem:s21+$0x1870];
	_ =	sdelay $0x1  }
0x2fd: {  	s23 =	sand.u32 $0x7, s20  }
0x2fe: {  	s22 =	sshll.u32 s23, $0x7  }
0x2ff: {  	s23 =	sadd.s32 $0x0, s22;
	s21 =	sor.u32 $0x11870, s21  }
0x300: {  	s24 =	sor.u32 $0x1C00, s23;
	[tilespmem:s21+$0x0] =	vst.add.f32.msk $0xffff, v0  }
0x301: {  	v0 =	vld [tilespmem:s24+$0x0];
	_ =	sdelay $0x4  }
0x302: {  	s25 =	sor.u32 $0x1C10, s23;
	[tilespmem:s24+$0x10000] =	vst.add.f32.msk $0xffff, v0  }
0x303: {  	v0 =	vld [tilespmem:s25+$0x0];
	_ =	sdelay $0x4  }
0x304: {  	s26 =	sor.u32 $0x1C20, s23;
	[tilespmem:s25+$0x10000] =	vst.add.f32.msk $0xffff, v0  }
0x305: {  	v0 =	vld [tilespmem:s26+$0x0];
	_ =	sdelay $0x4  }
0x306: {  	s28 =	sor.u32 $0x1C30, s23;
	[tilespmem:s26+$0x10000] =	vst.add.f32.msk $0xffff, v0  }
0x307: {  	v0 =	vld [tilespmem:s28+$0x0];
	_ =	sdelay $0x4  }
0x308: {  	s29 =	sor.u32 $0x1C40, s23;
	[tilespmem:s28+$0x10000] =	vst.add.f32.msk $0xffff, v0  }
0x309: {  	v0 =	vld [tilespmem:s29+$0x0];
	_ =	sdelay $0x4  }
0x30a: {  	s30 =	sor.u32 $0x1C50, s23;
	[tilespmem:s29+$0x10000] =	vst.add.f32.msk $0xffff, v0  }
0x30b: {  	v0 =	vld [tilespmem:s30+$0x0];
	_ =	sdelay $0x4  }
0x30c: {  	s31 =	sor.u32 $0x1C60, s23;
	[tilespmem:s30+$0x10000] =	vst.add.f32.msk $0xffff, v0  }
0x30d: {  	v0 =	vld [tilespmem:s31+$0x0];
	_ =	sdelay $0x4  }
0x30e: {  	s26 =	sor.u32 $0x1C70, s23;
	[tilespmem:s31+$0x10000] =	vst.add.f32.msk $0xffff, v0  }
0x30f: {  	v0 =	vld [tilespmem:s26+$0x0];
	_ =	sdelay $0x1  }
0x310: {  	s22 =	simm.s32 $0x80;
	s21 =	simm.s32 $0x0  }
0x311: {  	s24 =	simm.s32 $0x100;
	s25 =	simm.s32 $0x400;
	s23 =	simm.s32 $0xFFFF8400  }
.LBB2_5:
0x312: {  	p0 =	sne.s32 s24, $0xF80;
	s25 =	sand.u32 $0x6000, s25;
	s22 =	sand.u32 $0x380, s22  }
0x313: {  	s25 =	sor.u32 s22, s25;
	[tilespmem:s26+$0x10000] =	vst.add.f32.msk $0xffff, v0;
	s22 =	smov.u32 s24  }
0x314: {  	v0 =	vld [tilespmem:s25+$0x0];
	_ =	sdelay $0x3  }
0x315: {  	s26 =	sor.u32 $0x10000, s25  }
0x316: {  	[tilespmem:s26+$0x0] =	vst.add.f32.msk $0xffff, v0  }
0x317: {  	v0 =	vld [tilespmem:s25+$0x10];
	_ =	sdelay $0x3  }
0x318: {  	s26 =	sor.u32 $0x10010, s25  }
0x319: {  	[tilespmem:s26+$0x0] =	vst.add.f32.msk $0xffff, v0  }
0x31a: {  	v0 =	vld [tilespmem:s25+$0x20];
	_ =	sdelay $0x3  }
0x31b: {  	s26 =	sor.u32 $0x10020, s25  }
0x31c: {  	[tilespmem:s26+$0x0] =	vst.add.f32.msk $0xffff, v0  }
0x31d: {  	v0 =	vld [tilespmem:s25+$0x30];
	_ =	sdelay $0x3  }
0x31e: {  	s26 =	sor.u32 $0x10030, s25  }
0x31f: {  	[tilespmem:s26+$0x0] =	vst.add.f32.msk $0xffff, v0  }
0x320: {  	v0 =	vld [tilespmem:s25+$0x40];
	_ =	sdelay $0x3  }
0x321: {  	s26 =	sor.u32 $0x10040, s25  }
0x322: {  	[tilespmem:s26+$0x0] =	vst.add.f32.msk $0xffff, v0  }
0x323: {  	v0 =	vld [tilespmem:s25+$0x50];
	_ =	sdelay $0x3  }
0x324: {  	s26 =	sor.u32 $0x10050, s25  }
0x325: {  	[tilespmem:s26+$0x0] =	vst.add.f32.msk $0xffff, v0  }
0x326: {  	v0 =	vld [tilespmem:s25+$0x60];
	_ =	sdelay $0x3  }
0x327: {  	s26 =	sor.u32 $0x10060, s25  }
0x328: {  	[tilespmem:s26+$0x0] =	vst.add.f32.msk $0xffff, v0  }
0x329: {  	v0 =	vld [tilespmem:s25+$0x70];
	_ =	sdelay $0x3  }
0x32a: {  	s26 =	sor.u32 $0x10070, s25  }
0x32b: {  	[tilespmem:s26+$0x0] =	vst.add.f32.msk $0xffff, v0  }
0x32c: {  	v0 =	vld [tilespmem:s25+$0x400];
	_ =	sdelay $0x3  }
0x32d: {  	s26 =	sor.u32 $0x10400, s25  }
0x32e: {  	[tilespmem:s26+$0x0] =	vst.add.f32.msk $0xffff, v0  }
0x32f: {  	v0 =	vld [tilespmem:s25+$0x410];
	_ =	sdelay $0x3  }
0x330: {  	s26 =	sor.u32 $0x10410, s25  }
0x331: {  	[tilespmem:s26+$0x0] =	vst.add.f32.msk $0xffff, v0  }
0x332: {  	v0 =	vld [tilespmem:s25+$0x420];
	_ =	sdelay $0x3  }
0x333: {  	s26 =	sor.u32 $0x10420, s25  }
0x334: {  	[tilespmem:s26+$0x0] =	vst.add.f32.msk $0xffff, v0  }
0x335: {  	v0 =	vld [tilespmem:s25+$0x430];
	_ =	sdelay $0x3  }
0x336: {  	s26 =	sor.u32 $0x10430, s25  }
0x337: {  	[tilespmem:s26+$0x0] =	vst.add.f32.msk $0xffff, v0  }
0x338: {  	v0 =	vld [tilespmem:s25+$0x440];
	_ =	sdelay $0x3  }
0x339: {  	s26 =	sor.u32 $0x10440, s25  }
0x33a: {  	[tilespmem:s26+$0x0] =	vst.add.f32.msk $0xffff, v0  }
0x33b: {  	v0 =	vld [tilespmem:s25+$0x450];
	_ =	sdelay $0x3  }
0x33c: {  	s26 =	sor.u32 $0x10450, s25  }
0x33d: {  	[tilespmem:s26+$0x0] =	vst.add.f32.msk $0xffff, v0  }
0x33e: {  	v0 =	vld [tilespmem:s25+$0x460];
	_ =	sdelay $0x3  }
0x33f: {  	s26 =	sor.u32 $0x10460, s25  }
0x340: {  	[tilespmem:s26+$0x0] =	vst.add.f32.msk $0xffff, v0  }
0x341: {  	v0 =	vld [tilespmem:s25+$0x470];
	_ =	sdelay $0x3  }
0x342: {  	s26 =	sor.u32 $0x10470, s25  }
0x343: {  	[tilespmem:s26+$0x0] =	vst.add.f32.msk $0xffff, v0  }
0x344: {  	v0 =	vld [tilespmem:s25+$0x800];
	_ =	sdelay $0x3  }
0x345: {  	s26 =	sor.u32 $0x10800, s25  }
0x346: {  	[tilespmem:s26+$0x0] =	vst.add.f32.msk $0xffff, v0  }
0x347: {  	v0 =	vld [tilespmem:s25+$0x810];
	_ =	sdelay $0x3  }
0x348: {  	s26 =	sor.u32 $0x10810, s25  }
0x349: {  	[tilespmem:s26+$0x0] =	vst.add.f32.msk $0xffff, v0  }
0x34a: {  	v0 =	vld [tilespmem:s25+$0x820];
	_ =	sdelay $0x3  }
0x34b: {  	s26 =	sor.u32 $0x10820, s25  }
0x34c: {  	[tilespmem:s26+$0x0] =	vst.add.f32.msk $0xffff, v0  }
0x34d: {  	v0 =	vld [tilespmem:s25+$0x830];
	_ =	sdelay $0x3  }
0x34e: {  	s26 =	sor.u32 $0x10830, s25  }
0x34f: {  	[tilespmem:s26+$0x0] =	vst.add.f32.msk $0xffff, v0  }
0x350: {  	v0 =	vld [tilespmem:s25+$0x840];
	_ =	sdelay $0x3  }
0x351: {  	s26 =	sor.u32 $0x10840, s25  }
0x352: {  	[tilespmem:s26+$0x0] =	vst.add.f32.msk $0xffff, v0  }
0x353: {  	v0 =	vld [tilespmem:s25+$0x850];
	_ =	sdelay $0x3  }
0x354: {  	s26 =	sor.u32 $0x10850, s25  }
0x355: {  	[tilespmem:s26+$0x0] =	vst.add.f32.msk $0xffff, v0  }
0x356: {  	v0 =	vld [tilespmem:s25+$0x860];
	_ =	sdelay $0x3  }
0x357: {  	s26 =	sor.u32 $0x10860, s25  }
0x358: {  	[tilespmem:s26+$0x0] =	vst.add.f32.msk $0xffff, v0  }
0x359: {  	v0 =	vld [tilespmem:s25+$0x870];
	_ =	sdelay $0x3  }
0x35a: {  	s26 =	sor.u32 $0x10870, s25  }
0x35b: {  	[tilespmem:s26+$0x0] =	vst.add.f32.msk $0xffff, v0  }
0x35c: {  	v0 =	vld [tilespmem:s25+$0xC00];
	_ =	sdelay $0x3  }
0x35d: {  	s26 =	sor.u32 $0x10C00, s25  }
0x35e: {  	[tilespmem:s26+$0x0] =	vst.add.f32.msk $0xffff, v0  }
0x35f: {  	v0 =	vld [tilespmem:s25+$0xC10];
	_ =	sdelay $0x3  }
0x360: {  	s26 =	sor.u32 $0x10C10, s25  }
0x361: {  	[tilespmem:s26+$0x0] =	vst.add.f32.msk $0xffff, v0  }
0x362: {  	v0 =	vld [tilespmem:s25+$0xC20];
	_ =	sdelay $0x3  }
0x363: {  	s26 =	sor.u32 $0x10C20, s25  }
0x364: {  	[tilespmem:s26+$0x0] =	vst.add.f32.msk $0xffff, v0  }
0x365: {  	v0 =	vld [tilespmem:s25+$0xC30];
	_ =	sdelay $0x3  }
0x366: {  	s26 =	sor.u32 $0x10C30, s25  }
0x367: {  	[tilespmem:s26+$0x0] =	vst.add.f32.msk $0xffff, v0  }
0x368: {  	v0 =	vld [tilespmem:s25+$0xC40];
	_ =	sdelay $0x3  }
0x369: {  	s26 =	sor.u32 $0x10C40, s25  }
0x36a: {  	[tilespmem:s26+$0x0] =	vst.add.f32.msk $0xffff, v0  }
0x36b: {  	v0 =	vld [tilespmem:s25+$0xC50];
	_ =	sdelay $0x3  }
0x36c: {  	s26 =	sor.u32 $0x10C50, s25  }
0x36d: {  	[tilespmem:s26+$0x0] =	vst.add.f32.msk $0xffff, v0  }
0x36e: {  	v0 =	vld [tilespmem:s25+$0xC60];
	_ =	sdelay $0x3  }
0x36f: {  	s26 =	sor.u32 $0x10C60, s25  }
0x370: {  	[tilespmem:s26+$0x0] =	vst.add.f32.msk $0xffff, v0  }
0x371: {  	v0 =	vld [tilespmem:s25+$0xC70];
	_ =	sdelay $0x3  }
0x372: {  	s26 =	sor.u32 $0x10C70, s25  }
0x373: {  	[tilespmem:s26+$0x0] =	vst.add.f32.msk $0xffff, v0  }
0x374: {  	v0 =	vld [tilespmem:s25+$0x1000];
	_ =	sdelay $0x3  }
0x375: {  	s26 =	sor.u32 $0x11000, s25  }
0x376: {  	[tilespmem:s26+$0x0] =	vst.add.f32.msk $0xffff, v0  }
0x377: {  	v0 =	vld [tilespmem:s25+$0x1010];
	_ =	sdelay $0x3  }
0x378: {  	s26 =	sor.u32 $0x11010, s25  }
0x379: {  	[tilespmem:s26+$0x0] =	vst.add.f32.msk $0xffff, v0  }
0x37a: {  	v0 =	vld [tilespmem:s25+$0x1020];
	_ =	sdelay $0x3  }
0x37b: {  	s26 =	sor.u32 $0x11020, s25  }
0x37c: {  	[tilespmem:s26+$0x0] =	vst.add.f32.msk $0xffff, v0  }
0x37d: {  	v0 =	vld [tilespmem:s25+$0x1030];
	_ =	sdelay $0x3  }
0x37e: {  	s26 =	sor.u32 $0x11030, s25  }
0x37f: {  	[tilespmem:s26+$0x0] =	vst.add.f32.msk $0xffff, v0  }
0x380: {  	v0 =	vld [tilespmem:s25+$0x1040];
	_ =	sdelay $0x3  }
0x381: {  	s26 =	sor.u32 $0x11040, s25  }
0x382: {  	[tilespmem:s26+$0x0] =	vst.add.f32.msk $0xffff, v0  }
0x383: {  	v0 =	vld [tilespmem:s25+$0x1050];
	_ =	sdelay $0x3  }
0x384: {  	s26 =	sor.u32 $0x11050, s25  }
0x385: {  	[tilespmem:s26+$0x0] =	vst.add.f32.msk $0xffff, v0  }
0x386: {  	v0 =	vld [tilespmem:s25+$0x1060];
	_ =	sdelay $0x3  }
0x387: {  	s26 =	sor.u32 $0x11060, s25  }
0x388: {  	[tilespmem:s26+$0x0] =	vst.add.f32.msk $0xffff, v0  }
0x389: {  	v0 =	vld [tilespmem:s25+$0x1070];
	_ =	sdelay $0x3  }
0x38a: {  	s26 =	sor.u32 $0x11070, s25  }
0x38b: {  	[tilespmem:s26+$0x0] =	vst.add.f32.msk $0xffff, v0  }
0x38c: {  	v0 =	vld [tilespmem:s25+$0x1400];
	_ =	sdelay $0x3  }
0x38d: {  	s26 =	sor.u32 $0x11400, s25  }
0x38e: {  	[tilespmem:s26+$0x0] =	vst.add.f32.msk $0xffff, v0  }
0x38f: {  	v0 =	vld [tilespmem:s25+$0x1410];
	_ =	sdelay $0x3  }
0x390: {  	s26 =	sor.u32 $0x11410, s25  }
0x391: {  	[tilespmem:s26+$0x0] =	vst.add.f32.msk $0xffff, v0  }
0x392: {  	v0 =	vld [tilespmem:s25+$0x1420];
	_ =	sdelay $0x3  }
0x393: {  	s26 =	sor.u32 $0x11420, s25  }
0x394: {  	[tilespmem:s26+$0x0] =	vst.add.f32.msk $0xffff, v0  }
0x395: {  	v0 =	vld [tilespmem:s25+$0x1430];
	_ =	sdelay $0x3  }
0x396: {  	s26 =	sor.u32 $0x11430, s25  }
0x397: {  	[tilespmem:s26+$0x0] =	vst.add.f32.msk $0xffff, v0  }
0x398: {  	v0 =	vld [tilespmem:s25+$0x1440];
	_ =	sdelay $0x3  }
0x399: {  	s26 =	sor.u32 $0x11440, s25  }
0x39a: {  	[tilespmem:s26+$0x0] =	vst.add.f32.msk $0xffff, v0  }
0x39b: {  	v0 =	vld [tilespmem:s25+$0x1450];
	_ =	sdelay $0x3  }
0x39c: {  	s26 =	sor.u32 $0x11450, s25  }
0x39d: {  	[tilespmem:s26+$0x0] =	vst.add.f32.msk $0xffff, v0  }
0x39e: {  	v0 =	vld [tilespmem:s25+$0x1460];
	_ =	sdelay $0x3  }
0x39f: {  	s26 =	sor.u32 $0x11460, s25  }
0x3a0: {  	[tilespmem:s26+$0x0] =	vst.add.f32.msk $0xffff, v0  }
0x3a1: {  	v0 =	vld [tilespmem:s25+$0x1470];
	_ =	sdelay $0x3  }
0x3a2: {  	s26 =	sor.u32 $0x11470, s25  }
0x3a3: {  	[tilespmem:s26+$0x0] =	vst.add.f32.msk $0xffff, v0  }
0x3a4: {  	v0 =	vld [tilespmem:s25+$0x1800];
	_ =	sdelay $0x3  }
0x3a5: {  	s26 =	sor.u32 $0x11800, s25  }
0x3a6: {  	[tilespmem:s26+$0x0] =	vst.add.f32.msk $0xffff, v0  }
0x3a7: {  	v0 =	vld [tilespmem:s25+$0x1810];
	_ =	sdelay $0x3  }
0x3a8: {  	s26 =	sor.u32 $0x11810, s25  }
0x3a9: {  	[tilespmem:s26+$0x0] =	vst.add.f32.msk $0xffff, v0  }
0x3aa: {  	v0 =	vld [tilespmem:s25+$0x1820];
	_ =	sdelay $0x3  }
0x3ab: {  	s26 =	sor.u32 $0x11820, s25  }
0x3ac: {  	[tilespmem:s26+$0x0] =	vst.add.f32.msk $0xffff, v0  }
0x3ad: {  	v0 =	vld [tilespmem:s25+$0x1830];
	_ =	sdelay $0x3  }
0x3ae: {  	s26 =	sor.u32 $0x11830, s25  }
0x3af: {  	[tilespmem:s26+$0x0] =	vst.add.f32.msk $0xffff, v0  }
0x3b0: {  	v0 =	vld [tilespmem:s25+$0x1840];
	_ =	sdelay $0x3  }
0x3b1: {  	s26 =	sor.u32 $0x11840, s25  }
0x3b2: {  	[tilespmem:s26+$0x0] =	vst.add.f32.msk $0xffff, v0  }
0x3b3: {  	v0 =	vld [tilespmem:s25+$0x1850];
	_ =	sdelay $0x3  }
0x3b4: {  	s26 =	sor.u32 $0x11850, s25  }
0x3b5: {  	[tilespmem:s26+$0x0] =	vst.add.f32.msk $0xffff, v0  }
0x3b6: {  	v0 =	vld [tilespmem:s25+$0x1860];
	_ =	sdelay $0x3  }
0x3b7: {  	s26 =	sor.u32 $0x11860, s25  }
0x3b8: {  	[tilespmem:s26+$0x0] =	vst.add.f32.msk $0xffff, v0  }
0x3b9: {  	v0 =	vld [tilespmem:s25+$0x1870]  }
0x3ba: {  	s20 =	sadd.s32 $0x1, s20  }
0x3bb: {  	s26 =	sand.u32 $0x7, s20  }
0x3bc: {  	s21 =	sadd.s32 $0x400, s21;
	s26 =	sshll.u32 s26, $0x7  }
0x3bd: {  	s25 =	sor.u32 $0x11870, s25;
	s26 =	sadd.s32 s26, s21  }
0x3be: {  	[tilespmem:s25+$0x0] =	vst.add.f32.msk $0xffff, v0;
	s25 =	sor.u32 $0x1C00, s26  }
0x3bf: {  	v0 =	vld [tilespmem:s25+$0x0];
	_ =	sdelay $0x4  }
0x3c0: {  	[tilespmem:s25+$0x10000] =	vst.add.f32.msk $0xffff, v0;
	s25 =	sor.u32 $0x1C10, s26  }
0x3c1: {  	v0 =	vld [tilespmem:s25+$0x0];
	_ =	sdelay $0x4  }
0x3c2: {  	[tilespmem:s25+$0x10000] =	vst.add.f32.msk $0xffff, v0;
	s25 =	sor.u32 $0x1C20, s26  }
0x3c3: {  	v0 =	vld [tilespmem:s25+$0x0];
	_ =	sdelay $0x4  }
0x3c4: {  	[tilespmem:s25+$0x10000] =	vst.add.f32.msk $0xffff, v0;
	s25 =	sor.u32 $0x1C30, s26  }
0x3c5: {  	v0 =	vld [tilespmem:s25+$0x0];
	_ =	sdelay $0x4  }
0x3c6: {  	[tilespmem:s25+$0x10000] =	vst.add.f32.msk $0xffff, v0;
	s25 =	sor.u32 $0x1C40, s26  }
0x3c7: {  	v0 =	vld [tilespmem:s25+$0x0];
	_ =	sdelay $0x4  }
0x3c8: {  	[tilespmem:s25+$0x10000] =	vst.add.f32.msk $0xffff, v0;
	s25 =	sor.u32 $0x1C50, s26  }
0x3c9: {  	v0 =	vld [tilespmem:s25+$0x0];
	_ =	sdelay $0x4  }
0x3ca: {  	[tilespmem:s25+$0x10000] =	vst.add.f32.msk $0xffff, v0;
	s25 =	sor.u32 $0x1C60, s26  }
0x3cb: {  	v0 =	vld [tilespmem:s25+$0x0];
	_ =	sdelay $0x4  }
.Ltmp1:
0x3cc: {  	s26 =	sor.u32 $0x1C70, s26;
	[tilespmem:s25+$0x10000] =	vst.add.f32.msk $0xffff, v0;
	(pc) =	sbr.rel @p0 .LBB2_5-.Ltmp1, $3  }
0x3cd: {  	v0 =	vld [tilespmem:s26+$0x0];
	_ =	sdelay $0x1  }
0x3ce: {  	s23 =	sadd.s32 $0x400, s23  }
0x3cf: {  	s24 =	sadd.s32 $0x80, s24;
	s25 =	sadd.s32 $0x8000, s23  }
0x3d0: {  	s23 =	sand.u32 $0x6000, s25;
	s22 =	sand.u32 $0x380, s22  }
0x3d1: {  	s22 =	sor.u32 s22, s23;
	[tilespmem:s26+$0x10000] =	vst.add.f32.msk $0xffff, v0  }
0x3d2: {  	v0 =	vld [tilespmem:s22+$0x0];
	_ =	sdelay $0x3  }
0x3d3: {  	s23 =	sor.u32 $0x10000, s22  }
0x3d4: {  	[tilespmem:s23+$0x0] =	vst.add.f32.msk $0xffff, v0  }
0x3d5: {  	v0 =	vld [tilespmem:s22+$0x10];
	_ =	sdelay $0x3  }
0x3d6: {  	s31 =	sor.u32 $0x10010, s22  }
0x3d7: {  	[tilespmem:s31+$0x0] =	vst.add.f32.msk $0xffff, v0  }
0x3d8: {  	v0 =	vld [tilespmem:s22+$0x20];
	_ =	sdelay $0x3  }
0x3d9: {  	s24 =	sor.u32 $0x10020, s22  }
0x3da: {  	[tilespmem:s24+$0x0] =	vst.add.f32.msk $0xffff, v0  }
0x3db: {  	v0 =	vld [tilespmem:s22+$0x30];
	_ =	sdelay $0x3  }
0x3dc: {  	s25 =	sor.u32 $0x10030, s22  }
0x3dd: {  	[tilespmem:s25+$0x0] =	vst.add.f32.msk $0xffff, v0  }
0x3de: {  	v0 =	vld [tilespmem:s22+$0x40];
	_ =	sdelay $0x3  }
0x3df: {  	s26 =	sor.u32 $0x10040, s22  }
0x3e0: {  	[tilespmem:s26+$0x0] =	vst.add.f32.msk $0xffff, v0  }
0x3e1: {  	v0 =	vld [tilespmem:s22+$0x50];
	_ =	sdelay $0x3  }
0x3e2: {  	s28 =	sor.u32 $0x10050, s22  }
0x3e3: {  	[tilespmem:s28+$0x0] =	vst.add.f32.msk $0xffff, v0  }
0x3e4: {  	v0 =	vld [tilespmem:s22+$0x60];
	_ =	sdelay $0x3  }
0x3e5: {  	s29 =	sor.u32 $0x10060, s22  }
0x3e6: {  	[tilespmem:s29+$0x0] =	vst.add.f32.msk $0xffff, v0  }
0x3e7: {  	v0 =	vld [tilespmem:s22+$0x70];
	_ =	sdelay $0x3  }
0x3e8: {  	s30 =	sor.u32 $0x10070, s22  }
0x3e9: {  	[tilespmem:s30+$0x0] =	vst.add.f32.msk $0xffff, v0  }
0x3ea: {  	v0 =	vld [tilespmem:s22+$0x400];
	_ =	sdelay $0x3  }
0x3eb: {  	s31 =	sor.u32 $0x10400, s22  }
0x3ec: {  	[tilespmem:s31+$0x0] =	vst.add.f32.msk $0xffff, v0  }
0x3ed: {  	v0 =	vld [tilespmem:s22+$0x410];
	_ =	sdelay $0x3  }
0x3ee: {  	s24 =	sor.u32 $0x10410, s22  }
0x3ef: {  	[tilespmem:s24+$0x0] =	vst.add.f32.msk $0xffff, v0  }
0x3f0: {  	v0 =	vld [tilespmem:s22+$0x420];
	_ =	sdelay $0x3  }
0x3f1: {  	s25 =	sor.u32 $0x10420, s22  }
0x3f2: {  	[tilespmem:s25+$0x0] =	vst.add.f32.msk $0xffff, v0  }
0x3f3: {  	v0 =	vld [tilespmem:s22+$0x430];
	_ =	sdelay $0x3  }
0x3f4: {  	s26 =	sor.u32 $0x10430, s22  }
0x3f5: {  	[tilespmem:s26+$0x0] =	vst.add.f32.msk $0xffff, v0  }
0x3f6: {  	v0 =	vld [tilespmem:s22+$0x440];
	_ =	sdelay $0x3  }
0x3f7: {  	s28 =	sor.u32 $0x10440, s22  }
0x3f8: {  	[tilespmem:s28+$0x0] =	vst.add.f32.msk $0xffff, v0  }
0x3f9: {  	v0 =	vld [tilespmem:s22+$0x450];
	_ =	sdelay $0x3  }
0x3fa: {  	s29 =	sor.u32 $0x10450, s22  }
0x3fb: {  	[tilespmem:s29+$0x0] =	vst.add.f32.msk $0xffff, v0  }
0x3fc: {  	v0 =	vld [tilespmem:s22+$0x460];
	_ =	sdelay $0x3  }
0x3fd: {  	s30 =	sor.u32 $0x10460, s22  }
0x3fe: {  	[tilespmem:s30+$0x0] =	vst.add.f32.msk $0xffff, v0  }
0x3ff: {  	v0 =	vld [tilespmem:s22+$0x470];
	_ =	sdelay $0x3  }
0x400: {  	s31 =	sor.u32 $0x10470, s22  }
0x401: {  	[tilespmem:s31+$0x0] =	vst.add.f32.msk $0xffff, v0  }
0x402: {  	v0 =	vld [tilespmem:s22+$0x800];
	_ =	sdelay $0x3  }
0x403: {  	s24 =	sor.u32 $0x10800, s22  }
0x404: {  	[tilespmem:s24+$0x0] =	vst.add.f32.msk $0xffff, v0  }
0x405: {  	v0 =	vld [tilespmem:s22+$0x810];
	_ =	sdelay $0x3  }
0x406: {  	s25 =	sor.u32 $0x10810, s22  }
0x407: {  	[tilespmem:s25+$0x0] =	vst.add.f32.msk $0xffff, v0  }
0x408: {  	v0 =	vld [tilespmem:s22+$0x820];
	_ =	sdelay $0x3  }
0x409: {  	s26 =	sor.u32 $0x10820, s22  }
0x40a: {  	[tilespmem:s26+$0x0] =	vst.add.f32.msk $0xffff, v0  }
0x40b: {  	v0 =	vld [tilespmem:s22+$0x830];
	_ =	sdelay $0x3  }
0x40c: {  	s28 =	sor.u32 $0x10830, s22  }
0x40d: {  	[tilespmem:s28+$0x0] =	vst.add.f32.msk $0xffff, v0  }
0x40e: {  	v0 =	vld [tilespmem:s22+$0x840];
	_ =	sdelay $0x3  }
0x40f: {  	s29 =	sor.u32 $0x10840, s22  }
0x410: {  	[tilespmem:s29+$0x0] =	vst.add.f32.msk $0xffff, v0  }
0x411: {  	v0 =	vld [tilespmem:s22+$0x850];
	_ =	sdelay $0x3  }
0x412: {  	s30 =	sor.u32 $0x10850, s22  }
0x413: {  	[tilespmem:s30+$0x0] =	vst.add.f32.msk $0xffff, v0  }
0x414: {  	v0 =	vld [tilespmem:s22+$0x860];
	_ =	sdelay $0x3  }
0x415: {  	s31 =	sor.u32 $0x10860, s22  }
0x416: {  	[tilespmem:s31+$0x0] =	vst.add.f32.msk $0xffff, v0  }
0x417: {  	v0 =	vld [tilespmem:s22+$0x870];
	_ =	sdelay $0x3  }
0x418: {  	s24 =	sor.u32 $0x10870, s22  }
0x419: {  	[tilespmem:s24+$0x0] =	vst.add.f32.msk $0xffff, v0  }
0x41a: {  	v0 =	vld [tilespmem:s22+$0xC00];
	_ =	sdelay $0x3  }
0x41b: {  	s25 =	sor.u32 $0x10C00, s22  }
0x41c: {  	[tilespmem:s25+$0x0] =	vst.add.f32.msk $0xffff, v0  }
0x41d: {  	v0 =	vld [tilespmem:s22+$0xC10];
	_ =	sdelay $0x3  }
0x41e: {  	s26 =	sor.u32 $0x10C10, s22  }
0x41f: {  	[tilespmem:s26+$0x0] =	vst.add.f32.msk $0xffff, v0  }
0x420: {  	v0 =	vld [tilespmem:s22+$0xC20];
	_ =	sdelay $0x3  }
0x421: {  	s28 =	sor.u32 $0x10C20, s22  }
0x422: {  	[tilespmem:s28+$0x0] =	vst.add.f32.msk $0xffff, v0  }
0x423: {  	v0 =	vld [tilespmem:s22+$0xC30];
	_ =	sdelay $0x3  }
0x424: {  	s29 =	sor.u32 $0x10C30, s22  }
0x425: {  	[tilespmem:s29+$0x0] =	vst.add.f32.msk $0xffff, v0  }
0x426: {  	v0 =	vld [tilespmem:s22+$0xC40];
	_ =	sdelay $0x3  }
0x427: {  	s30 =	sor.u32 $0x10C40, s22  }
0x428: {  	[tilespmem:s30+$0x0] =	vst.add.f32.msk $0xffff, v0  }
0x429: {  	v0 =	vld [tilespmem:s22+$0xC50];
	_ =	sdelay $0x3  }
0x42a: {  	s31 =	sor.u32 $0x10C50, s22  }
0x42b: {  	[tilespmem:s31+$0x0] =	vst.add.f32.msk $0xffff, v0  }
0x42c: {  	v0 =	vld [tilespmem:s22+$0xC60];
	_ =	sdelay $0x3  }
0x42d: {  	s24 =	sor.u32 $0x10C60, s22  }
0x42e: {  	[tilespmem:s24+$0x0] =	vst.add.f32.msk $0xffff, v0  }
0x42f: {  	v0 =	vld [tilespmem:s22+$0xC70];
	_ =	sdelay $0x3  }
0x430: {  	s25 =	sor.u32 $0x10C70, s22  }
0x431: {  	[tilespmem:s25+$0x0] =	vst.add.f32.msk $0xffff, v0  }
0x432: {  	v0 =	vld [tilespmem:s22+$0x1000];
	_ =	sdelay $0x3  }
0x433: {  	s26 =	sor.u32 $0x11000, s22  }
0x434: {  	[tilespmem:s26+$0x0] =	vst.add.f32.msk $0xffff, v0  }
0x435: {  	v0 =	vld [tilespmem:s22+$0x1010];
	_ =	sdelay $0x3  }
0x436: {  	s28 =	sor.u32 $0x11010, s22  }
0x437: {  	[tilespmem:s28+$0x0] =	vst.add.f32.msk $0xffff, v0  }
0x438: {  	v0 =	vld [tilespmem:s22+$0x1020];
	_ =	sdelay $0x3  }
0x439: {  	s29 =	sor.u32 $0x11020, s22  }
0x43a: {  	[tilespmem:s29+$0x0] =	vst.add.f32.msk $0xffff, v0  }
0x43b: {  	v0 =	vld [tilespmem:s22+$0x1030];
	_ =	sdelay $0x3  }
0x43c: {  	s30 =	sor.u32 $0x11030, s22  }
0x43d: {  	[tilespmem:s30+$0x0] =	vst.add.f32.msk $0xffff, v0  }
0x43e: {  	v0 =	vld [tilespmem:s22+$0x1040];
	_ =	sdelay $0x3  }
0x43f: {  	s31 =	sor.u32 $0x11040, s22  }
0x440: {  	[tilespmem:s31+$0x0] =	vst.add.f32.msk $0xffff, v0  }
0x441: {  	v0 =	vld [tilespmem:s22+$0x1050];
	_ =	sdelay $0x3  }
0x442: {  	s24 =	sor.u32 $0x11050, s22  }
0x443: {  	[tilespmem:s24+$0x0] =	vst.add.f32.msk $0xffff, v0  }
0x444: {  	v0 =	vld [tilespmem:s22+$0x1060];
	_ =	sdelay $0x3  }
0x445: {  	s25 =	sor.u32 $0x11060, s22  }
0x446: {  	[tilespmem:s25+$0x0] =	vst.add.f32.msk $0xffff, v0  }
0x447: {  	v0 =	vld [tilespmem:s22+$0x1070];
	_ =	sdelay $0x3  }
0x448: {  	s26 =	sor.u32 $0x11070, s22  }
0x449: {  	[tilespmem:s26+$0x0] =	vst.add.f32.msk $0xffff, v0  }
0x44a: {  	v0 =	vld [tilespmem:s22+$0x1400];
	_ =	sdelay $0x3  }
0x44b: {  	s28 =	sor.u32 $0x11400, s22  }
0x44c: {  	[tilespmem:s28+$0x0] =	vst.add.f32.msk $0xffff, v0  }
0x44d: {  	v0 =	vld [tilespmem:s22+$0x1410];
	_ =	sdelay $0x3  }
0x44e: {  	s29 =	sor.u32 $0x11410, s22  }
0x44f: {  	[tilespmem:s29+$0x0] =	vst.add.f32.msk $0xffff, v0  }
0x450: {  	v0 =	vld [tilespmem:s22+$0x1420];
	_ =	sdelay $0x3  }
0x451: {  	s30 =	sor.u32 $0x11420, s22  }
0x452: {  	[tilespmem:s30+$0x0] =	vst.add.f32.msk $0xffff, v0  }
0x453: {  	v0 =	vld [tilespmem:s22+$0x1430];
	_ =	sdelay $0x3  }
0x454: {  	s31 =	sor.u32 $0x11430, s22  }
0x455: {  	[tilespmem:s31+$0x0] =	vst.add.f32.msk $0xffff, v0  }
0x456: {  	v0 =	vld [tilespmem:s22+$0x1440];
	_ =	sdelay $0x3  }
0x457: {  	s24 =	sor.u32 $0x11440, s22  }
0x458: {  	[tilespmem:s24+$0x0] =	vst.add.f32.msk $0xffff, v0  }
0x459: {  	v0 =	vld [tilespmem:s22+$0x1450];
	_ =	sdelay $0x3  }
0x45a: {  	s25 =	sor.u32 $0x11450, s22  }
0x45b: {  	[tilespmem:s25+$0x0] =	vst.add.f32.msk $0xffff, v0  }
0x45c: {  	v0 =	vld [tilespmem:s22+$0x1460];
	_ =	sdelay $0x3  }
0x45d: {  	s26 =	sor.u32 $0x11460, s22  }
0x45e: {  	[tilespmem:s26+$0x0] =	vst.add.f32.msk $0xffff, v0  }
0x45f: {  	v0 =	vld [tilespmem:s22+$0x1470];
	_ =	sdelay $0x3  }
0x460: {  	s28 =	sor.u32 $0x11470, s22  }
0x461: {  	[tilespmem:s28+$0x0] =	vst.add.f32.msk $0xffff, v0  }
0x462: {  	v0 =	vld [tilespmem:s22+$0x1800];
	_ =	sdelay $0x3  }
0x463: {  	s29 =	sor.u32 $0x11800, s22  }
0x464: {  	[tilespmem:s29+$0x0] =	vst.add.f32.msk $0xffff, v0  }
0x465: {  	v0 =	vld [tilespmem:s22+$0x1810];
	_ =	sdelay $0x3  }
0x466: {  	s30 =	sor.u32 $0x11810, s22  }
0x467: {  	[tilespmem:s30+$0x0] =	vst.add.f32.msk $0xffff, v0  }
0x468: {  	v0 =	vld [tilespmem:s22+$0x1820];
	_ =	sdelay $0x3  }
0x469: {  	s31 =	sor.u32 $0x11820, s22  }
0x46a: {  	[tilespmem:s31+$0x0] =	vst.add.f32.msk $0xffff, v0  }
0x46b: {  	v0 =	vld [tilespmem:s22+$0x1830];
	_ =	sdelay $0x3  }
0x46c: {  	s24 =	sor.u32 $0x11830, s22  }
0x46d: {  	[tilespmem:s24+$0x0] =	vst.add.f32.msk $0xffff, v0  }
0x46e: {  	v0 =	vld [tilespmem:s22+$0x1840];
	_ =	sdelay $0x3  }
0x46f: {  	s25 =	sor.u32 $0x11840, s22  }
0x470: {  	[tilespmem:s25+$0x0] =	vst.add.f32.msk $0xffff, v0  }
0x471: {  	v0 =	vld [tilespmem:s22+$0x1850];
	_ =	sdelay $0x3  }
0x472: {  	s26 =	sor.u32 $0x11850, s22  }
0x473: {  	[tilespmem:s26+$0x0] =	vst.add.f32.msk $0xffff, v0  }
0x474: {  	v0 =	vld [tilespmem:s22+$0x1860];
	_ =	sdelay $0x3  }
0x475: {  	s28 =	sor.u32 $0x11860, s22  }
0x476: {  	[tilespmem:s28+$0x0] =	vst.add.f32.msk $0xffff, v0  }
0x477: {  	v0 =	vld [tilespmem:s22+$0x1870]  }
0x478: {  	s20 =	sadd.s32 $0x1, s20  }
0x479: {  	s20 =	sand.u32 $0x7, s20  }
0x47a: {  	s21 =	sadd.s32 $0x400, s21;
	s20 =	sshll.u32 s20, $0x7  }
0x47b: {  	s20 =	sadd.s32 s20, s21;
	s29 =	sor.u32 $0x11870, s22  }
0x47c: {  	s30 =	sor.u32 $0x1C00, s20;
	[tilespmem:s29+$0x0] =	vst.add.f32.msk $0xffff, v0  }
0x47d: {  	v0 =	vld [tilespmem:s30+$0x0];
	_ =	sdelay $0x4  }
0x47e: {  	s31 =	sor.u32 $0x1C10, s20;
	[tilespmem:s30+$0x10000] =	vst.add.f32.msk $0xffff, v0  }
0x47f: {  	v0 =	vld [tilespmem:s31+$0x0];
	_ =	sdelay $0x4  }
0x480: {  	s22 =	sor.u32 $0x1C20, s20;
	[tilespmem:s31+$0x10000] =	vst.add.f32.msk $0xffff, v0  }
0x481: {  	v0 =	vld [tilespmem:s22+$0x0];
	_ =	sdelay $0x4  }
0x482: {  	s23 =	sor.u32 $0x1C30, s20;
	[tilespmem:s22+$0x10000] =	vst.add.f32.msk $0xffff, v0  }
0x483: {  	v0 =	vld [tilespmem:s23+$0x0];
	_ =	sdelay $0x4  }
0x484: {  	s24 =	sor.u32 $0x1C40, s20;
	[tilespmem:s23+$0x10000] =	vst.add.f32.msk $0xffff, v0  }
0x485: {  	v0 =	vld [tilespmem:s24+$0x0];
	_ =	sdelay $0x4  }
0x486: {  	s25 =	sor.u32 $0x1C50, s20;
	[tilespmem:s24+$0x10000] =	vst.add.f32.msk $0xffff, v0  }
0x487: {  	v0 =	vld [tilespmem:s25+$0x0];
	_ =	sdelay $0x4  }
0x488: {  	s26 =	sor.u32 $0x1C60, s20;
	[tilespmem:s25+$0x10000] =	vst.add.f32.msk $0xffff, v0  }
0x489: {  	v0 =	vld [tilespmem:s26+$0x0];
	_ =	sdelay $0x4  }
0x48a: {  	s20 =	sor.u32 $0x1C70, s20;
	[tilespmem:s26+$0x10000] =	vst.add.f32.msk $0xffff, v0  }
0x48b: {  	v0 =	vld [tilespmem:s20+$0x0];
	_ =	sdelay $0x4  }
0x48c: {  	s28 =	sadd.s32 s3, s18;
	s18 =	simm.s32 $0x0;
	[tilespmem:s20+$0x10000] =	vst.add.f32.msk $0xffff, v0  }
0x48d: {  	[hbm4b:s28+s18] =	stream.linear.scatter [tilespmem:s10], [sflag:$0x4], $0x8000, $0x38;
	[tilespmem:$0x18000] =	vst v63  }
0x48e: {  	_ =	swait.ge [sflag:s14], $0x8000  }
0x48f: {  	s17 =	sor.u32 $0x300000, s17;
	[sflag:s14] =	ssyncset.done $0x0  }
0x490: {  	s29 =	sadd.s32 s1, s17;
	[sflag:s14] =	ssyncadd.s32 $0xFFFF8000  }
0x491: {  	[tilespmem:s10], [sflag:$0x2] =	stream.linear.gather [hbm4b:s29+s18], $0x8000, $0x38;
	[tilespmem:$0x18000] =	vst v63  }
0x492: {  	s30 =	simm.s32 $0x0;
	_ =	swait.ge [sflag:s11], $0x8000  }
0x493: {  	s31 =	sand.u32 $0x380, s18;
	s20 =	sand.u32 $0x6000, s30;
	[sflag:s11] =	ssyncset.done $0x0  }
0x494: {  	s20 =	sor.u32 s31, s20;
	[sflag:s11] =	ssyncadd.s32 $0xFFFF8000  }
0x495: {  	v0 =	vld [tilespmem:s20+$0x0];
	_ =	sdelay $0x3  }
0x496: {  	s21 =	sor.u32 $0x8000, s20  }
0x497: {  	[tilespmem:s21+$0x0] =	vst.add.f32.msk $0xffff, v0  }
0x498: {  	v0 =	vld [tilespmem:s20+$0x10];
	_ =	sdelay $0x3  }
0x499: {  	s22 =	sor.u32 $0x8010, s20  }
0x49a: {  	[tilespmem:s22+$0x0] =	vst.add.f32.msk $0xffff, v0  }
0x49b: {  	v0 =	vld [tilespmem:s20+$0x20];
	_ =	sdelay $0x3  }
0x49c: {  	s23 =	sor.u32 $0x8020, s20  }
0x49d: {  	[tilespmem:s23+$0x0] =	vst.add.f32.msk $0xffff, v0  }
0x49e: {  	v0 =	vld [tilespmem:s20+$0x30];
	_ =	sdelay $0x3  }
0x49f: {  	s24 =	sor.u32 $0x8030, s20  }
0x4a0: {  	[tilespmem:s24+$0x0] =	vst.add.f32.msk $0xffff, v0  }
0x4a1: {  	v0 =	vld [tilespmem:s20+$0x40];
	_ =	sdelay $0x3  }
0x4a2: {  	s25 =	sor.u32 $0x8040, s20  }
0x4a3: {  	[tilespmem:s25+$0x0] =	vst.add.f32.msk $0xffff, v0  }
0x4a4: {  	v0 =	vld [tilespmem:s20+$0x50];
	_ =	sdelay $0x3  }
0x4a5: {  	s26 =	sor.u32 $0x8050, s20  }
0x4a6: {  	[tilespmem:s26+$0x0] =	vst.add.f32.msk $0xffff, v0  }
0x4a7: {  	v0 =	vld [tilespmem:s20+$0x60];
	_ =	sdelay $0x3  }
0x4a8: {  	s28 =	sor.u32 $0x8060, s20  }
0x4a9: {  	[tilespmem:s28+$0x0] =	vst.add.f32.msk $0xffff, v0  }
0x4aa: {  	v0 =	vld [tilespmem:s20+$0x70];
	_ =	sdelay $0x3  }
0x4ab: {  	s29 =	sor.u32 $0x8070, s20  }
0x4ac: {  	[tilespmem:s29+$0x0] =	vst.add.f32.msk $0xffff, v0  }
0x4ad: {  	v0 =	vld [tilespmem:s20+$0x400];
	_ =	sdelay $0x3  }
0x4ae: {  	s30 =	sor.u32 $0x8400, s20  }
0x4af: {  	[tilespmem:s30+$0x0] =	vst.add.f32.msk $0xffff, v0  }
0x4b0: {  	v0 =	vld [tilespmem:s20+$0x410];
	_ =	sdelay $0x3  }
0x4b1: {  	s31 =	sor.u32 $0x8410, s20  }
0x4b2: {  	[tilespmem:s31+$0x0] =	vst.add.f32.msk $0xffff, v0  }
0x4b3: {  	v0 =	vld [tilespmem:s20+$0x420];
	_ =	sdelay $0x3  }
0x4b4: {  	s22 =	sor.u32 $0x8420, s20  }
0x4b5: {  	[tilespmem:s22+$0x0] =	vst.add.f32.msk $0xffff, v0  }
0x4b6: {  	v0 =	vld [tilespmem:s20+$0x430];
	_ =	sdelay $0x3  }
0x4b7: {  	s23 =	sor.u32 $0x8430, s20  }
0x4b8: {  	[tilespmem:s23+$0x0] =	vst.add.f32.msk $0xffff, v0  }
0x4b9: {  	v0 =	vld [tilespmem:s20+$0x440];
	_ =	sdelay $0x3  }
0x4ba: {  	s24 =	sor.u32 $0x8440, s20  }
0x4bb: {  	[tilespmem:s24+$0x0] =	vst.add.f32.msk $0xffff, v0  }
0x4bc: {  	v0 =	vld [tilespmem:s20+$0x450];
	_ =	sdelay $0x3  }
0x4bd: {  	s25 =	sor.u32 $0x8450, s20  }
0x4be: {  	[tilespmem:s25+$0x0] =	vst.add.f32.msk $0xffff, v0  }
0x4bf: {  	v0 =	vld [tilespmem:s20+$0x460];
	_ =	sdelay $0x3  }
0x4c0: {  	s26 =	sor.u32 $0x8460, s20  }
0x4c1: {  	[tilespmem:s26+$0x0] =	vst.add.f32.msk $0xffff, v0  }
0x4c2: {  	v0 =	vld [tilespmem:s20+$0x470];
	_ =	sdelay $0x3  }
0x4c3: {  	s28 =	sor.u32 $0x8470, s20  }
0x4c4: {  	[tilespmem:s28+$0x0] =	vst.add.f32.msk $0xffff, v0  }
0x4c5: {  	v0 =	vld [tilespmem:s20+$0x800];
	_ =	sdelay $0x3  }
0x4c6: {  	s29 =	sor.u32 $0x8800, s20  }
0x4c7: {  	[tilespmem:s29+$0x0] =	vst.add.f32.msk $0xffff, v0  }
0x4c8: {  	v0 =	vld [tilespmem:s20+$0x810];
	_ =	sdelay $0x3  }
0x4c9: {  	s30 =	sor.u32 $0x8810, s20  }
0x4ca: {  	[tilespmem:s30+$0x0] =	vst.add.f32.msk $0xffff, v0  }
0x4cb: {  	v0 =	vld [tilespmem:s20+$0x820];
	_ =	sdelay $0x3  }
0x4cc: {  	s31 =	sor.u32 $0x8820, s20  }
0x4cd: {  	[tilespmem:s31+$0x0] =	vst.add.f32.msk $0xffff, v0  }
0x4ce: {  	v0 =	vld [tilespmem:s20+$0x830];
	_ =	sdelay $0x3  }
0x4cf: {  	s22 =	sor.u32 $0x8830, s20  }
0x4d0: {  	[tilespmem:s22+$0x0] =	vst.add.f32.msk $0xffff, v0  }
0x4d1: {  	v0 =	vld [tilespmem:s20+$0x840];
	_ =	sdelay $0x3  }
0x4d2: {  	s23 =	sor.u32 $0x8840, s20  }
0x4d3: {  	[tilespmem:s23+$0x0] =	vst.add.f32.msk $0xffff, v0  }
0x4d4: {  	v0 =	vld [tilespmem:s20+$0x850];
	_ =	sdelay $0x3  }
0x4d5: {  	s24 =	sor.u32 $0x8850, s20  }
0x4d6: {  	[tilespmem:s24+$0x0] =	vst.add.f32.msk $0xffff, v0  }
0x4d7: {  	v0 =	vld [tilespmem:s20+$0x860];
	_ =	sdelay $0x3  }
0x4d8: {  	s25 =	sor.u32 $0x8860, s20  }
0x4d9: {  	[tilespmem:s25+$0x0] =	vst.add.f32.msk $0xffff, v0  }
0x4da: {  	v0 =	vld [tilespmem:s20+$0x870];
	_ =	sdelay $0x3  }
0x4db: {  	s26 =	sor.u32 $0x8870, s20  }
0x4dc: {  	[tilespmem:s26+$0x0] =	vst.add.f32.msk $0xffff, v0  }
0x4dd: {  	v0 =	vld [tilespmem:s20+$0xC00];
	_ =	sdelay $0x3  }
0x4de: {  	s28 =	sor.u32 $0x8C00, s20  }
0x4df: {  	[tilespmem:s28+$0x0] =	vst.add.f32.msk $0xffff, v0  }
0x4e0: {  	v0 =	vld [tilespmem:s20+$0xC10];
	_ =	sdelay $0x3  }
0x4e1: {  	s29 =	sor.u32 $0x8C10, s20  }
0x4e2: {  	[tilespmem:s29+$0x0] =	vst.add.f32.msk $0xffff, v0  }
0x4e3: {  	v0 =	vld [tilespmem:s20+$0xC20];
	_ =	sdelay $0x3  }
0x4e4: {  	s30 =	sor.u32 $0x8C20, s20  }
0x4e5: {  	[tilespmem:s30+$0x0] =	vst.add.f32.msk $0xffff, v0  }
0x4e6: {  	v0 =	vld [tilespmem:s20+$0xC30];
	_ =	sdelay $0x3  }
0x4e7: {  	s31 =	sor.u32 $0x8C30, s20  }
0x4e8: {  	[tilespmem:s31+$0x0] =	vst.add.f32.msk $0xffff, v0  }
0x4e9: {  	v0 =	vld [tilespmem:s20+$0xC40];
	_ =	sdelay $0x3  }
0x4ea: {  	s22 =	sor.u32 $0x8C40, s20  }
0x4eb: {  	[tilespmem:s22+$0x0] =	vst.add.f32.msk $0xffff, v0  }
0x4ec: {  	v0 =	vld [tilespmem:s20+$0xC50];
	_ =	sdelay $0x3  }
0x4ed: {  	s23 =	sor.u32 $0x8C50, s20  }
0x4ee: {  	[tilespmem:s23+$0x0] =	vst.add.f32.msk $0xffff, v0  }
0x4ef: {  	v0 =	vld [tilespmem:s20+$0xC60];
	_ =	sdelay $0x3  }
0x4f0: {  	s24 =	sor.u32 $0x8C60, s20  }
0x4f1: {  	[tilespmem:s24+$0x0] =	vst.add.f32.msk $0xffff, v0  }
0x4f2: {  	v0 =	vld [tilespmem:s20+$0xC70];
	_ =	sdelay $0x3  }
0x4f3: {  	s25 =	sor.u32 $0x8C70, s20  }
0x4f4: {  	[tilespmem:s25+$0x0] =	vst.add.f32.msk $0xffff, v0  }
0x4f5: {  	v0 =	vld [tilespmem:s20+$0x1000];
	_ =	sdelay $0x3  }
0x4f6: {  	s26 =	sor.u32 $0x9000, s20  }
0x4f7: {  	[tilespmem:s26+$0x0] =	vst.add.f32.msk $0xffff, v0  }
0x4f8: {  	v0 =	vld [tilespmem:s20+$0x1010];
	_ =	sdelay $0x3  }
0x4f9: {  	s28 =	sor.u32 $0x9010, s20  }
0x4fa: {  	[tilespmem:s28+$0x0] =	vst.add.f32.msk $0xffff, v0  }
0x4fb: {  	v0 =	vld [tilespmem:s20+$0x1020];
	_ =	sdelay $0x3  }
0x4fc: {  	s29 =	sor.u32 $0x9020, s20  }
0x4fd: {  	[tilespmem:s29+$0x0] =	vst.add.f32.msk $0xffff, v0  }
0x4fe: {  	v0 =	vld [tilespmem:s20+$0x1030];
	_ =	sdelay $0x3  }
0x4ff: {  	s30 =	sor.u32 $0x9030, s20  }
0x500: {  	[tilespmem:s30+$0x0] =	vst.add.f32.msk $0xffff, v0  }
0x501: {  	v0 =	vld [tilespmem:s20+$0x1040];
	_ =	sdelay $0x3  }
0x502: {  	s31 =	sor.u32 $0x9040, s20  }
0x503: {  	[tilespmem:s31+$0x0] =	vst.add.f32.msk $0xffff, v0  }
0x504: {  	v0 =	vld [tilespmem:s20+$0x1050];
	_ =	sdelay $0x3  }
0x505: {  	s22 =	sor.u32 $0x9050, s20  }
0x506: {  	[tilespmem:s22+$0x0] =	vst.add.f32.msk $0xffff, v0  }
0x507: {  	v0 =	vld [tilespmem:s20+$0x1060];
	_ =	sdelay $0x3  }
0x508: {  	s23 =	sor.u32 $0x9060, s20  }
0x509: {  	[tilespmem:s23+$0x0] =	vst.add.f32.msk $0xffff, v0  }
0x50a: {  	v0 =	vld [tilespmem:s20+$0x1070];
	_ =	sdelay $0x3  }
0x50b: {  	s24 =	sor.u32 $0x9070, s20  }
0x50c: {  	[tilespmem:s24+$0x0] =	vst.add.f32.msk $0xffff, v0  }
0x50d: {  	v0 =	vld [tilespmem:s20+$0x1400];
	_ =	sdelay $0x3  }
0x50e: {  	s25 =	sor.u32 $0x9400, s20  }
0x50f: {  	[tilespmem:s25+$0x0] =	vst.add.f32.msk $0xffff, v0  }
0x510: {  	v0 =	vld [tilespmem:s20+$0x1410];
	_ =	sdelay $0x3  }
0x511: {  	s26 =	sor.u32 $0x9410, s20  }
0x512: {  	[tilespmem:s26+$0x0] =	vst.add.f32.msk $0xffff, v0  }
0x513: {  	v0 =	vld [tilespmem:s20+$0x1420];
	_ =	sdelay $0x3  }
0x514: {  	s28 =	sor.u32 $0x9420, s20  }
0x515: {  	[tilespmem:s28+$0x0] =	vst.add.f32.msk $0xffff, v0  }
0x516: {  	v0 =	vld [tilespmem:s20+$0x1430];
	_ =	sdelay $0x3  }
0x517: {  	s29 =	sor.u32 $0x9430, s20  }
0x518: {  	[tilespmem:s29+$0x0] =	vst.add.f32.msk $0xffff, v0  }
0x519: {  	v0 =	vld [tilespmem:s20+$0x1440];
	_ =	sdelay $0x3  }
0x51a: {  	s30 =	sor.u32 $0x9440, s20  }
0x51b: {  	[tilespmem:s30+$0x0] =	vst.add.f32.msk $0xffff, v0  }
0x51c: {  	v0 =	vld [tilespmem:s20+$0x1450];
	_ =	sdelay $0x3  }
0x51d: {  	s31 =	sor.u32 $0x9450, s20  }
0x51e: {  	[tilespmem:s31+$0x0] =	vst.add.f32.msk $0xffff, v0  }
0x51f: {  	v0 =	vld [tilespmem:s20+$0x1460];
	_ =	sdelay $0x3  }
0x520: {  	s22 =	sor.u32 $0x9460, s20  }
0x521: {  	[tilespmem:s22+$0x0] =	vst.add.f32.msk $0xffff, v0  }
0x522: {  	v0 =	vld [tilespmem:s20+$0x1470];
	_ =	sdelay $0x3  }
0x523: {  	s23 =	sor.u32 $0x9470, s20  }
0x524: {  	[tilespmem:s23+$0x0] =	vst.add.f32.msk $0xffff, v0  }
0x525: {  	v0 =	vld [tilespmem:s20+$0x1800];
	_ =	sdelay $0x3  }
0x526: {  	s24 =	sor.u32 $0x9800, s20  }
0x527: {  	[tilespmem:s24+$0x0] =	vst.add.f32.msk $0xffff, v0  }
0x528: {  	v0 =	vld [tilespmem:s20+$0x1810];
	_ =	sdelay $0x3  }
0x529: {  	s25 =	sor.u32 $0x9810, s20  }
0x52a: {  	[tilespmem:s25+$0x0] =	vst.add.f32.msk $0xffff, v0  }
0x52b: {  	v0 =	vld [tilespmem:s20+$0x1820];
	_ =	sdelay $0x3  }
0x52c: {  	s26 =	sor.u32 $0x9820, s20  }
0x52d: {  	[tilespmem:s26+$0x0] =	vst.add.f32.msk $0xffff, v0  }
0x52e: {  	v0 =	vld [tilespmem:s20+$0x1830];
	_ =	sdelay $0x3  }
0x52f: {  	s28 =	sor.u32 $0x9830, s20  }
0x530: {  	[tilespmem:s28+$0x0] =	vst.add.f32.msk $0xffff, v0  }
0x531: {  	v0 =	vld [tilespmem:s20+$0x1840];
	_ =	sdelay $0x3  }
0x532: {  	s29 =	sor.u32 $0x9840, s20  }
0x533: {  	[tilespmem:s29+$0x0] =	vst.add.f32.msk $0xffff, v0  }
0x534: {  	v0 =	vld [tilespmem:s20+$0x1850];
	_ =	sdelay $0x3  }
0x535: {  	s30 =	sor.u32 $0x9850, s20  }
0x536: {  	[tilespmem:s30+$0x0] =	vst.add.f32.msk $0xffff, v0  }
0x537: {  	v0 =	vld [tilespmem:s20+$0x1860];
	_ =	sdelay $0x3  }
0x538: {  	s31 =	sor.u32 $0x9860, s20  }
0x539: {  	[tilespmem:s31+$0x0] =	vst.add.f32.msk $0xffff, v0  }
0x53a: {  	v0 =	vld [tilespmem:s20+$0x1870];
	_ =	sdelay $0x1  }
0x53b: {  	s22 =	sand.u32 $0x7, s18  }
0x53c: {  	s21 =	sshll.u32 s22, $0x7  }
0x53d: {  	s23 =	sadd.s32 $0x0, s21;
	s20 =	sor.u32 $0x9870, s20  }
0x53e: {  	s24 =	sor.u32 $0x1C00, s23;
	[tilespmem:s20+$0x0] =	vst.add.f32.msk $0xffff, v0  }
0x53f: {  	v0 =	vld [tilespmem:s24+$0x0];
	_ =	sdelay $0x4  }
0x540: {  	s25 =	sor.u32 $0x1C10, s23;
	[tilespmem:s24+$0x8000] =	vst.add.f32.msk $0xffff, v0  }
0x541: {  	v0 =	vld [tilespmem:s25+$0x0];
	_ =	sdelay $0x4  }
0x542: {  	s26 =	sor.u32 $0x1C20, s23;
	[tilespmem:s25+$0x8000] =	vst.add.f32.msk $0xffff, v0  }
0x543: {  	v0 =	vld [tilespmem:s26+$0x0];
	_ =	sdelay $0x4  }
0x544: {  	s28 =	sor.u32 $0x1C30, s23;
	[tilespmem:s26+$0x8000] =	vst.add.f32.msk $0xffff, v0  }
0x545: {  	v0 =	vld [tilespmem:s28+$0x0];
	_ =	sdelay $0x4  }
0x546: {  	s29 =	sor.u32 $0x1C40, s23;
	[tilespmem:s28+$0x8000] =	vst.add.f32.msk $0xffff, v0  }
0x547: {  	v0 =	vld [tilespmem:s29+$0x0];
	_ =	sdelay $0x4  }
0x548: {  	s30 =	sor.u32 $0x1C50, s23;
	[tilespmem:s29+$0x8000] =	vst.add.f32.msk $0xffff, v0  }
0x549: {  	v0 =	vld [tilespmem:s30+$0x0];
	_ =	sdelay $0x4  }
0x54a: {  	s31 =	sor.u32 $0x1C60, s23;
	[tilespmem:s30+$0x8000] =	vst.add.f32.msk $0xffff, v0  }
0x54b: {  	v0 =	vld [tilespmem:s31+$0x0];
	_ =	sdelay $0x4  }
0x54c: {  	s25 =	sor.u32 $0x1C70, s23;
	[tilespmem:s31+$0x8000] =	vst.add.f32.msk $0xffff, v0  }
0x54d: {  	v0 =	vld [tilespmem:s25+$0x0];
	_ =	sdelay $0x1  }
0x54e: {  	s22 =	simm.s32 $0xFFFF8400;
	s21 =	simm.s32 $0x80  }
0x54f: {  	s20 =	simm.s32 $0x0;
	s24 =	simm.s32 $0x400;
	s23 =	simm.s32 $0x100  }
.LBB2_7:
0x550: {  	p0 =	sne.s32 s23, $0xF80;
	s24 =	sand.u32 $0x6000, s24;
	s21 =	sand.u32 $0x380, s21  }
0x551: {  	s24 =	sor.u32 s21, s24;
	[tilespmem:s25+$0x8000] =	vst.add.f32.msk $0xffff, v0;
	s21 =	smov.u32 s23  }
0x552: {  	v0 =	vld [tilespmem:s24+$0x0];
	_ =	sdelay $0x3  }
0x553: {  	s25 =	sor.u32 $0x8000, s24  }
0x554: {  	[tilespmem:s25+$0x0] =	vst.add.f32.msk $0xffff, v0  }
0x555: {  	v0 =	vld [tilespmem:s24+$0x10];
	_ =	sdelay $0x3  }
0x556: {  	s25 =	sor.u32 $0x8010, s24  }
0x557: {  	[tilespmem:s25+$0x0] =	vst.add.f32.msk $0xffff, v0  }
0x558: {  	v0 =	vld [tilespmem:s24+$0x20];
	_ =	sdelay $0x3  }
0x559: {  	s25 =	sor.u32 $0x8020, s24  }
0x55a: {  	[tilespmem:s25+$0x0] =	vst.add.f32.msk $0xffff, v0  }
0x55b: {  	v0 =	vld [tilespmem:s24+$0x30];
	_ =	sdelay $0x3  }
0x55c: {  	s25 =	sor.u32 $0x8030, s24  }
0x55d: {  	[tilespmem:s25+$0x0] =	vst.add.f32.msk $0xffff, v0  }
0x55e: {  	v0 =	vld [tilespmem:s24+$0x40];
	_ =	sdelay $0x3  }
0x55f: {  	s25 =	sor.u32 $0x8040, s24  }
0x560: {  	[tilespmem:s25+$0x0] =	vst.add.f32.msk $0xffff, v0  }
0x561: {  	v0 =	vld [tilespmem:s24+$0x50];
	_ =	sdelay $0x3  }
0x562: {  	s25 =	sor.u32 $0x8050, s24  }
0x563: {  	[tilespmem:s25+$0x0] =	vst.add.f32.msk $0xffff, v0  }
0x564: {  	v0 =	vld [tilespmem:s24+$0x60];
	_ =	sdelay $0x3  }
0x565: {  	s25 =	sor.u32 $0x8060, s24  }
0x566: {  	[tilespmem:s25+$0x0] =	vst.add.f32.msk $0xffff, v0  }
0x567: {  	v0 =	vld [tilespmem:s24+$0x70];
	_ =	sdelay $0x3  }
0x568: {  	s25 =	sor.u32 $0x8070, s24  }
0x569: {  	[tilespmem:s25+$0x0] =	vst.add.f32.msk $0xffff, v0  }
0x56a: {  	v0 =	vld [tilespmem:s24+$0x400];
	_ =	sdelay $0x3  }
0x56b: {  	s25 =	sor.u32 $0x8400, s24  }
0x56c: {  	[tilespmem:s25+$0x0] =	vst.add.f32.msk $0xffff, v0  }
0x56d: {  	v0 =	vld [tilespmem:s24+$0x410];
	_ =	sdelay $0x3  }
0x56e: {  	s25 =	sor.u32 $0x8410, s24  }
0x56f: {  	[tilespmem:s25+$0x0] =	vst.add.f32.msk $0xffff, v0  }
0x570: {  	v0 =	vld [tilespmem:s24+$0x420];
	_ =	sdelay $0x3  }
0x571: {  	s25 =	sor.u32 $0x8420, s24  }
0x572: {  	[tilespmem:s25+$0x0] =	vst.add.f32.msk $0xffff, v0  }
0x573: {  	v0 =	vld [tilespmem:s24+$0x430];
	_ =	sdelay $0x3  }
0x574: {  	s25 =	sor.u32 $0x8430, s24  }
0x575: {  	[tilespmem:s25+$0x0] =	vst.add.f32.msk $0xffff, v0  }
0x576: {  	v0 =	vld [tilespmem:s24+$0x440];
	_ =	sdelay $0x3  }
0x577: {  	s25 =	sor.u32 $0x8440, s24  }
0x578: {  	[tilespmem:s25+$0x0] =	vst.add.f32.msk $0xffff, v0  }
0x579: {  	v0 =	vld [tilespmem:s24+$0x450];
	_ =	sdelay $0x3  }
0x57a: {  	s25 =	sor.u32 $0x8450, s24  }
0x57b: {  	[tilespmem:s25+$0x0] =	vst.add.f32.msk $0xffff, v0  }
0x57c: {  	v0 =	vld [tilespmem:s24+$0x460];
	_ =	sdelay $0x3  }
0x57d: {  	s25 =	sor.u32 $0x8460, s24  }
0x57e: {  	[tilespmem:s25+$0x0] =	vst.add.f32.msk $0xffff, v0  }
0x57f: {  	v0 =	vld [tilespmem:s24+$0x470];
	_ =	sdelay $0x3  }
0x580: {  	s25 =	sor.u32 $0x8470, s24  }
0x581: {  	[tilespmem:s25+$0x0] =	vst.add.f32.msk $0xffff, v0  }
0x582: {  	v0 =	vld [tilespmem:s24+$0x800];
	_ =	sdelay $0x3  }
0x583: {  	s25 =	sor.u32 $0x8800, s24  }
0x584: {  	[tilespmem:s25+$0x0] =	vst.add.f32.msk $0xffff, v0  }
0x585: {  	v0 =	vld [tilespmem:s24+$0x810];
	_ =	sdelay $0x3  }
0x586: {  	s25 =	sor.u32 $0x8810, s24  }
0x587: {  	[tilespmem:s25+$0x0] =	vst.add.f32.msk $0xffff, v0  }
0x588: {  	v0 =	vld [tilespmem:s24+$0x820];
	_ =	sdelay $0x3  }
0x589: {  	s25 =	sor.u32 $0x8820, s24  }
0x58a: {  	[tilespmem:s25+$0x0] =	vst.add.f32.msk $0xffff, v0  }
0x58b: {  	v0 =	vld [tilespmem:s24+$0x830];
	_ =	sdelay $0x3  }
0x58c: {  	s25 =	sor.u32 $0x8830, s24  }
0x58d: {  	[tilespmem:s25+$0x0] =	vst.add.f32.msk $0xffff, v0  }
0x58e: {  	v0 =	vld [tilespmem:s24+$0x840];
	_ =	sdelay $0x3  }
0x58f: {  	s25 =	sor.u32 $0x8840, s24  }
0x590: {  	[tilespmem:s25+$0x0] =	vst.add.f32.msk $0xffff, v0  }
0x591: {  	v0 =	vld [tilespmem:s24+$0x850];
	_ =	sdelay $0x3  }
0x592: {  	s25 =	sor.u32 $0x8850, s24  }
0x593: {  	[tilespmem:s25+$0x0] =	vst.add.f32.msk $0xffff, v0  }
0x594: {  	v0 =	vld [tilespmem:s24+$0x860];
	_ =	sdelay $0x3  }
0x595: {  	s25 =	sor.u32 $0x8860, s24  }
0x596: {  	[tilespmem:s25+$0x0] =	vst.add.f32.msk $0xffff, v0  }
0x597: {  	v0 =	vld [tilespmem:s24+$0x870];
	_ =	sdelay $0x3  }
0x598: {  	s25 =	sor.u32 $0x8870, s24  }
0x599: {  	[tilespmem:s25+$0x0] =	vst.add.f32.msk $0xffff, v0  }
0x59a: {  	v0 =	vld [tilespmem:s24+$0xC00];
	_ =	sdelay $0x3  }
0x59b: {  	s25 =	sor.u32 $0x8C00, s24  }
0x59c: {  	[tilespmem:s25+$0x0] =	vst.add.f32.msk $0xffff, v0  }
0x59d: {  	v0 =	vld [tilespmem:s24+$0xC10];
	_ =	sdelay $0x3  }
0x59e: {  	s25 =	sor.u32 $0x8C10, s24  }
0x59f: {  	[tilespmem:s25+$0x0] =	vst.add.f32.msk $0xffff, v0  }
0x5a0: {  	v0 =	vld [tilespmem:s24+$0xC20];
	_ =	sdelay $0x3  }
0x5a1: {  	s25 =	sor.u32 $0x8C20, s24  }
0x5a2: {  	[tilespmem:s25+$0x0] =	vst.add.f32.msk $0xffff, v0  }
0x5a3: {  	v0 =	vld [tilespmem:s24+$0xC30];
	_ =	sdelay $0x3  }
0x5a4: {  	s25 =	sor.u32 $0x8C30, s24  }
0x5a5: {  	[tilespmem:s25+$0x0] =	vst.add.f32.msk $0xffff, v0  }
0x5a6: {  	v0 =	vld [tilespmem:s24+$0xC40];
	_ =	sdelay $0x3  }
0x5a7: {  	s25 =	sor.u32 $0x8C40, s24  }
0x5a8: {  	[tilespmem:s25+$0x0] =	vst.add.f32.msk $0xffff, v0  }
0x5a9: {  	v0 =	vld [tilespmem:s24+$0xC50];
	_ =	sdelay $0x3  }
0x5aa: {  	s25 =	sor.u32 $0x8C50, s24  }
0x5ab: {  	[tilespmem:s25+$0x0] =	vst.add.f32.msk $0xffff, v0  }
0x5ac: {  	v0 =	vld [tilespmem:s24+$0xC60];
	_ =	sdelay $0x3  }
0x5ad: {  	s25 =	sor.u32 $0x8C60, s24  }
0x5ae: {  	[tilespmem:s25+$0x0] =	vst.add.f32.msk $0xffff, v0  }
0x5af: {  	v0 =	vld [tilespmem:s24+$0xC70];
	_ =	sdelay $0x3  }
0x5b0: {  	s25 =	sor.u32 $0x8C70, s24  }
0x5b1: {  	[tilespmem:s25+$0x0] =	vst.add.f32.msk $0xffff, v0  }
0x5b2: {  	v0 =	vld [tilespmem:s24+$0x1000];
	_ =	sdelay $0x3  }
0x5b3: {  	s25 =	sor.u32 $0x9000, s24  }
0x5b4: {  	[tilespmem:s25+$0x0] =	vst.add.f32.msk $0xffff, v0  }
0x5b5: {  	v0 =	vld [tilespmem:s24+$0x1010];
	_ =	sdelay $0x3  }
0x5b6: {  	s25 =	sor.u32 $0x9010, s24  }
0x5b7: {  	[tilespmem:s25+$0x0] =	vst.add.f32.msk $0xffff, v0  }
0x5b8: {  	v0 =	vld [tilespmem:s24+$0x1020];
	_ =	sdelay $0x3  }
0x5b9: {  	s25 =	sor.u32 $0x9020, s24  }
0x5ba: {  	[tilespmem:s25+$0x0] =	vst.add.f32.msk $0xffff, v0  }
0x5bb: {  	v0 =	vld [tilespmem:s24+$0x1030];
	_ =	sdelay $0x3  }
0x5bc: {  	s25 =	sor.u32 $0x9030, s24  }
0x5bd: {  	[tilespmem:s25+$0x0] =	vst.add.f32.msk $0xffff, v0  }
0x5be: {  	v0 =	vld [tilespmem:s24+$0x1040];
	_ =	sdelay $0x3  }
0x5bf: {  	s25 =	sor.u32 $0x9040, s24  }
0x5c0: {  	[tilespmem:s25+$0x0] =	vst.add.f32.msk $0xffff, v0  }
0x5c1: {  	v0 =	vld [tilespmem:s24+$0x1050];
	_ =	sdelay $0x3  }
0x5c2: {  	s25 =	sor.u32 $0x9050, s24  }
0x5c3: {  	[tilespmem:s25+$0x0] =	vst.add.f32.msk $0xffff, v0  }
0x5c4: {  	v0 =	vld [tilespmem:s24+$0x1060];
	_ =	sdelay $0x3  }
0x5c5: {  	s25 =	sor.u32 $0x9060, s24  }
0x5c6: {  	[tilespmem:s25+$0x0] =	vst.add.f32.msk $0xffff, v0  }
0x5c7: {  	v0 =	vld [tilespmem:s24+$0x1070];
	_ =	sdelay $0x3  }
0x5c8: {  	s25 =	sor.u32 $0x9070, s24  }
0x5c9: {  	[tilespmem:s25+$0x0] =	vst.add.f32.msk $0xffff, v0  }
0x5ca: {  	v0 =	vld [tilespmem:s24+$0x1400];
	_ =	sdelay $0x3  }
0x5cb: {  	s25 =	sor.u32 $0x9400, s24  }
0x5cc: {  	[tilespmem:s25+$0x0] =	vst.add.f32.msk $0xffff, v0  }
0x5cd: {  	v0 =	vld [tilespmem:s24+$0x1410];
	_ =	sdelay $0x3  }
0x5ce: {  	s25 =	sor.u32 $0x9410, s24  }
0x5cf: {  	[tilespmem:s25+$0x0] =	vst.add.f32.msk $0xffff, v0  }
0x5d0: {  	v0 =	vld [tilespmem:s24+$0x1420];
	_ =	sdelay $0x3  }
0x5d1: {  	s25 =	sor.u32 $0x9420, s24  }
0x5d2: {  	[tilespmem:s25+$0x0] =	vst.add.f32.msk $0xffff, v0  }
0x5d3: {  	v0 =	vld [tilespmem:s24+$0x1430];
	_ =	sdelay $0x3  }
0x5d4: {  	s25 =	sor.u32 $0x9430, s24  }
0x5d5: {  	[tilespmem:s25+$0x0] =	vst.add.f32.msk $0xffff, v0  }
0x5d6: {  	v0 =	vld [tilespmem:s24+$0x1440];
	_ =	sdelay $0x3  }
0x5d7: {  	s25 =	sor.u32 $0x9440, s24  }
0x5d8: {  	[tilespmem:s25+$0x0] =	vst.add.f32.msk $0xffff, v0  }
0x5d9: {  	v0 =	vld [tilespmem:s24+$0x1450];
	_ =	sdelay $0x3  }
0x5da: {  	s25 =	sor.u32 $0x9450, s24  }
0x5db: {  	[tilespmem:s25+$0x0] =	vst.add.f32.msk $0xffff, v0  }
0x5dc: {  	v0 =	vld [tilespmem:s24+$0x1460];
	_ =	sdelay $0x3  }
0x5dd: {  	s25 =	sor.u32 $0x9460, s24  }
0x5de: {  	[tilespmem:s25+$0x0] =	vst.add.f32.msk $0xffff, v0  }
0x5df: {  	v0 =	vld [tilespmem:s24+$0x1470];
	_ =	sdelay $0x3  }
0x5e0: {  	s25 =	sor.u32 $0x9470, s24  }
0x5e1: {  	[tilespmem:s25+$0x0] =	vst.add.f32.msk $0xffff, v0  }
0x5e2: {  	v0 =	vld [tilespmem:s24+$0x1800];
	_ =	sdelay $0x3  }
0x5e3: {  	s25 =	sor.u32 $0x9800, s24  }
0x5e4: {  	[tilespmem:s25+$0x0] =	vst.add.f32.msk $0xffff, v0  }
0x5e5: {  	v0 =	vld [tilespmem:s24+$0x1810];
	_ =	sdelay $0x3  }
0x5e6: {  	s25 =	sor.u32 $0x9810, s24  }
0x5e7: {  	[tilespmem:s25+$0x0] =	vst.add.f32.msk $0xffff, v0  }
0x5e8: {  	v0 =	vld [tilespmem:s24+$0x1820];
	_ =	sdelay $0x3  }
0x5e9: {  	s25 =	sor.u32 $0x9820, s24  }
0x5ea: {  	[tilespmem:s25+$0x0] =	vst.add.f32.msk $0xffff, v0  }
0x5eb: {  	v0 =	vld [tilespmem:s24+$0x1830];
	_ =	sdelay $0x3  }
0x5ec: {  	s25 =	sor.u32 $0x9830, s24  }
0x5ed: {  	[tilespmem:s25+$0x0] =	vst.add.f32.msk $0xffff, v0  }
0x5ee: {  	v0 =	vld [tilespmem:s24+$0x1840];
	_ =	sdelay $0x3  }
0x5ef: {  	s25 =	sor.u32 $0x9840, s24  }
0x5f0: {  	[tilespmem:s25+$0x0] =	vst.add.f32.msk $0xffff, v0  }
0x5f1: {  	v0 =	vld [tilespmem:s24+$0x1850];
	_ =	sdelay $0x3  }
0x5f2: {  	s25 =	sor.u32 $0x9850, s24  }
0x5f3: {  	[tilespmem:s25+$0x0] =	vst.add.f32.msk $0xffff, v0  }
0x5f4: {  	v0 =	vld [tilespmem:s24+$0x1860];
	_ =	sdelay $0x3  }
0x5f5: {  	s25 =	sor.u32 $0x9860, s24  }
0x5f6: {  	[tilespmem:s25+$0x0] =	vst.add.f32.msk $0xffff, v0  }
0x5f7: {  	v0 =	vld [tilespmem:s24+$0x1870]  }
0x5f8: {  	s18 =	sadd.s32 $0x1, s18  }
0x5f9: {  	s25 =	sand.u32 $0x7, s18  }
0x5fa: {  	s20 =	sadd.s32 $0x400, s20;
	s25 =	sshll.u32 s25, $0x7  }
0x5fb: {  	s24 =	sor.u32 $0x9870, s24;
	s25 =	sadd.s32 s25, s20  }
0x5fc: {  	[tilespmem:s24+$0x0] =	vst.add.f32.msk $0xffff, v0;
	s24 =	sor.u32 $0x1C00, s25  }
0x5fd: {  	v0 =	vld [tilespmem:s24+$0x0];
	_ =	sdelay $0x4  }
0x5fe: {  	[tilespmem:s24+$0x8000] =	vst.add.f32.msk $0xffff, v0;
	s24 =	sor.u32 $0x1C10, s25  }
0x5ff: {  	v0 =	vld [tilespmem:s24+$0x0];
	_ =	sdelay $0x4  }
0x600: {  	[tilespmem:s24+$0x8000] =	vst.add.f32.msk $0xffff, v0;
	s24 =	sor.u32 $0x1C20, s25  }
0x601: {  	v0 =	vld [tilespmem:s24+$0x0];
	_ =	sdelay $0x4  }
0x602: {  	[tilespmem:s24+$0x8000] =	vst.add.f32.msk $0xffff, v0;
	s24 =	sor.u32 $0x1C30, s25  }
0x603: {  	v0 =	vld [tilespmem:s24+$0x0];
	_ =	sdelay $0x4  }
0x604: {  	[tilespmem:s24+$0x8000] =	vst.add.f32.msk $0xffff, v0;
	s24 =	sor.u32 $0x1C40, s25  }
0x605: {  	v0 =	vld [tilespmem:s24+$0x0];
	_ =	sdelay $0x4  }
0x606: {  	[tilespmem:s24+$0x8000] =	vst.add.f32.msk $0xffff, v0;
	s24 =	sor.u32 $0x1C50, s25  }
0x607: {  	v0 =	vld [tilespmem:s24+$0x0];
	_ =	sdelay $0x4  }
0x608: {  	[tilespmem:s24+$0x8000] =	vst.add.f32.msk $0xffff, v0;
	s24 =	sor.u32 $0x1C60, s25  }
0x609: {  	v0 =	vld [tilespmem:s24+$0x0];
	_ =	sdelay $0x4  }
.Ltmp2:
0x60a: {  	s25 =	sor.u32 $0x1C70, s25;
	[tilespmem:s24+$0x8000] =	vst.add.f32.msk $0xffff, v0;
	(pc) =	sbr.rel @p0 .LBB2_7-.Ltmp2, $3  }
0x60b: {  	v0 =	vld [tilespmem:s25+$0x0];
	_ =	sdelay $0x1  }
0x60c: {  	s22 =	sadd.s32 $0x400, s22  }
0x60d: {  	s23 =	sadd.s32 $0x80, s23;
	s24 =	sadd.s32 $0x8000, s22  }
0x60e: {  	s22 =	sand.u32 $0x6000, s24;
	s21 =	sand.u32 $0x380, s21  }
0x60f: {  	s21 =	sor.u32 s21, s22;
	[tilespmem:s25+$0x8000] =	vst.add.f32.msk $0xffff, v0  }
0x610: {  	v0 =	vld [tilespmem:s21+$0x0];
	_ =	sdelay $0x3  }
0x611: {  	s22 =	sor.u32 $0x8000, s21  }
0x612: {  	[tilespmem:s22+$0x0] =	vst.add.f32.msk $0xffff, v0  }
0x613: {  	v0 =	vld [tilespmem:s21+$0x10];
	_ =	sdelay $0x3  }
0x614: {  	s31 =	sor.u32 $0x8010, s21  }
0x615: {  	[tilespmem:s31+$0x0] =	vst.add.f32.msk $0xffff, v0  }
0x616: {  	v0 =	vld [tilespmem:s21+$0x20];
	_ =	sdelay $0x3  }
0x617: {  	s23 =	sor.u32 $0x8020, s21  }
0x618: {  	[tilespmem:s23+$0x0] =	vst.add.f32.msk $0xffff, v0  }
0x619: {  	v0 =	vld [tilespmem:s21+$0x30];
	_ =	sdelay $0x3  }
0x61a: {  	s24 =	sor.u32 $0x8030, s21  }
0x61b: {  	[tilespmem:s24+$0x0] =	vst.add.f32.msk $0xffff, v0  }
0x61c: {  	v0 =	vld [tilespmem:s21+$0x40];
	_ =	sdelay $0x3  }
0x61d: {  	s25 =	sor.u32 $0x8040, s21  }
0x61e: {  	[tilespmem:s25+$0x0] =	vst.add.f32.msk $0xffff, v0  }
0x61f: {  	v0 =	vld [tilespmem:s21+$0x50];
	_ =	sdelay $0x3  }
0x620: {  	s26 =	sor.u32 $0x8050, s21  }
0x621: {  	[tilespmem:s26+$0x0] =	vst.add.f32.msk $0xffff, v0  }
0x622: {  	v0 =	vld [tilespmem:s21+$0x60];
	_ =	sdelay $0x3  }
0x623: {  	s28 =	sor.u32 $0x8060, s21  }
0x624: {  	[tilespmem:s28+$0x0] =	vst.add.f32.msk $0xffff, v0  }
0x625: {  	v0 =	vld [tilespmem:s21+$0x70];
	_ =	sdelay $0x3  }
0x626: {  	s29 =	sor.u32 $0x8070, s21  }
0x627: {  	[tilespmem:s29+$0x0] =	vst.add.f32.msk $0xffff, v0  }
0x628: {  	v0 =	vld [tilespmem:s21+$0x400];
	_ =	sdelay $0x3  }
0x629: {  	s30 =	sor.u32 $0x8400, s21  }
0x62a: {  	[tilespmem:s30+$0x0] =	vst.add.f32.msk $0xffff, v0  }
0x62b: {  	v0 =	vld [tilespmem:s21+$0x410];
	_ =	sdelay $0x3  }
0x62c: {  	s31 =	sor.u32 $0x8410, s21  }
0x62d: {  	[tilespmem:s31+$0x0] =	vst.add.f32.msk $0xffff, v0  }
0x62e: {  	v0 =	vld [tilespmem:s21+$0x420];
	_ =	sdelay $0x3  }
0x62f: {  	s23 =	sor.u32 $0x8420, s21  }
0x630: {  	[tilespmem:s23+$0x0] =	vst.add.f32.msk $0xffff, v0  }
0x631: {  	v0 =	vld [tilespmem:s21+$0x430];
	_ =	sdelay $0x3  }
0x632: {  	s24 =	sor.u32 $0x8430, s21  }
0x633: {  	[tilespmem:s24+$0x0] =	vst.add.f32.msk $0xffff, v0  }
0x634: {  	v0 =	vld [tilespmem:s21+$0x440];
	_ =	sdelay $0x3  }
0x635: {  	s25 =	sor.u32 $0x8440, s21  }
0x636: {  	[tilespmem:s25+$0x0] =	vst.add.f32.msk $0xffff, v0  }
0x637: {  	v0 =	vld [tilespmem:s21+$0x450];
	_ =	sdelay $0x3  }
0x638: {  	s26 =	sor.u32 $0x8450, s21  }
0x639: {  	[tilespmem:s26+$0x0] =	vst.add.f32.msk $0xffff, v0  }
0x63a: {  	v0 =	vld [tilespmem:s21+$0x460];
	_ =	sdelay $0x3  }
0x63b: {  	s28 =	sor.u32 $0x8460, s21  }
0x63c: {  	[tilespmem:s28+$0x0] =	vst.add.f32.msk $0xffff, v0  }
0x63d: {  	v0 =	vld [tilespmem:s21+$0x470];
	_ =	sdelay $0x3  }
0x63e: {  	s29 =	sor.u32 $0x8470, s21  }
0x63f: {  	[tilespmem:s29+$0x0] =	vst.add.f32.msk $0xffff, v0  }
0x640: {  	v0 =	vld [tilespmem:s21+$0x800];
	_ =	sdelay $0x3  }
0x641: {  	s30 =	sor.u32 $0x8800, s21  }
0x642: {  	[tilespmem:s30+$0x0] =	vst.add.f32.msk $0xffff, v0  }
0x643: {  	v0 =	vld [tilespmem:s21+$0x810];
	_ =	sdelay $0x3  }
0x644: {  	s31 =	sor.u32 $0x8810, s21  }
0x645: {  	[tilespmem:s31+$0x0] =	vst.add.f32.msk $0xffff, v0  }
0x646: {  	v0 =	vld [tilespmem:s21+$0x820];
	_ =	sdelay $0x3  }
0x647: {  	s23 =	sor.u32 $0x8820, s21  }
0x648: {  	[tilespmem:s23+$0x0] =	vst.add.f32.msk $0xffff, v0  }
0x649: {  	v0 =	vld [tilespmem:s21+$0x830];
	_ =	sdelay $0x3  }
0x64a: {  	s24 =	sor.u32 $0x8830, s21  }
0x64b: {  	[tilespmem:s24+$0x0] =	vst.add.f32.msk $0xffff, v0  }
0x64c: {  	v0 =	vld [tilespmem:s21+$0x840];
	_ =	sdelay $0x3  }
0x64d: {  	s25 =	sor.u32 $0x8840, s21  }
0x64e: {  	[tilespmem:s25+$0x0] =	vst.add.f32.msk $0xffff, v0  }
0x64f: {  	v0 =	vld [tilespmem:s21+$0x850];
	_ =	sdelay $0x3  }
0x650: {  	s26 =	sor.u32 $0x8850, s21  }
0x651: {  	[tilespmem:s26+$0x0] =	vst.add.f32.msk $0xffff, v0  }
0x652: {  	v0 =	vld [tilespmem:s21+$0x860];
	_ =	sdelay $0x3  }
0x653: {  	s28 =	sor.u32 $0x8860, s21  }
0x654: {  	[tilespmem:s28+$0x0] =	vst.add.f32.msk $0xffff, v0  }
0x655: {  	v0 =	vld [tilespmem:s21+$0x870];
	_ =	sdelay $0x3  }
0x656: {  	s29 =	sor.u32 $0x8870, s21  }
0x657: {  	[tilespmem:s29+$0x0] =	vst.add.f32.msk $0xffff, v0  }
0x658: {  	v0 =	vld [tilespmem:s21+$0xC00];
	_ =	sdelay $0x3  }
0x659: {  	s30 =	sor.u32 $0x8C00, s21  }
0x65a: {  	[tilespmem:s30+$0x0] =	vst.add.f32.msk $0xffff, v0  }
0x65b: {  	v0 =	vld [tilespmem:s21+$0xC10];
	_ =	sdelay $0x3  }
0x65c: {  	s31 =	sor.u32 $0x8C10, s21  }
0x65d: {  	[tilespmem:s31+$0x0] =	vst.add.f32.msk $0xffff, v0  }
0x65e: {  	v0 =	vld [tilespmem:s21+$0xC20];
	_ =	sdelay $0x3  }
0x65f: {  	s23 =	sor.u32 $0x8C20, s21  }
0x660: {  	[tilespmem:s23+$0x0] =	vst.add.f32.msk $0xffff, v0  }
0x661: {  	v0 =	vld [tilespmem:s21+$0xC30];
	_ =	sdelay $0x3  }
0x662: {  	s24 =	sor.u32 $0x8C30, s21  }
0x663: {  	[tilespmem:s24+$0x0] =	vst.add.f32.msk $0xffff, v0  }
0x664: {  	v0 =	vld [tilespmem:s21+$0xC40];
	_ =	sdelay $0x3  }
0x665: {  	s25 =	sor.u32 $0x8C40, s21  }
0x666: {  	[tilespmem:s25+$0x0] =	vst.add.f32.msk $0xffff, v0  }
0x667: {  	v0 =	vld [tilespmem:s21+$0xC50];
	_ =	sdelay $0x3  }
0x668: {  	s26 =	sor.u32 $0x8C50, s21  }
0x669: {  	[tilespmem:s26+$0x0] =	vst.add.f32.msk $0xffff, v0  }
0x66a: {  	v0 =	vld [tilespmem:s21+$0xC60];
	_ =	sdelay $0x3  }
0x66b: {  	s28 =	sor.u32 $0x8C60, s21  }
0x66c: {  	[tilespmem:s28+$0x0] =	vst.add.f32.msk $0xffff, v0  }
0x66d: {  	v0 =	vld [tilespmem:s21+$0xC70];
	_ =	sdelay $0x3  }
0x66e: {  	s29 =	sor.u32 $0x8C70, s21  }
0x66f: {  	[tilespmem:s29+$0x0] =	vst.add.f32.msk $0xffff, v0  }
0x670: {  	v0 =	vld [tilespmem:s21+$0x1000];
	_ =	sdelay $0x3  }
0x671: {  	s30 =	sor.u32 $0x9000, s21  }
0x672: {  	[tilespmem:s30+$0x0] =	vst.add.f32.msk $0xffff, v0  }
0x673: {  	v0 =	vld [tilespmem:s21+$0x1010];
	_ =	sdelay $0x3  }
0x674: {  	s31 =	sor.u32 $0x9010, s21  }
0x675: {  	[tilespmem:s31+$0x0] =	vst.add.f32.msk $0xffff, v0  }
0x676: {  	v0 =	vld [tilespmem:s21+$0x1020];
	_ =	sdelay $0x3  }
0x677: {  	s23 =	sor.u32 $0x9020, s21  }
0x678: {  	[tilespmem:s23+$0x0] =	vst.add.f32.msk $0xffff, v0  }
0x679: {  	v0 =	vld [tilespmem:s21+$0x1030];
	_ =	sdelay $0x3  }
0x67a: {  	s24 =	sor.u32 $0x9030, s21  }
0x67b: {  	[tilespmem:s24+$0x0] =	vst.add.f32.msk $0xffff, v0  }
0x67c: {  	v0 =	vld [tilespmem:s21+$0x1040];
	_ =	sdelay $0x3  }
0x67d: {  	s25 =	sor.u32 $0x9040, s21  }
0x67e: {  	[tilespmem:s25+$0x0] =	vst.add.f32.msk $0xffff, v0  }
0x67f: {  	v0 =	vld [tilespmem:s21+$0x1050];
	_ =	sdelay $0x3  }
0x680: {  	s26 =	sor.u32 $0x9050, s21  }
0x681: {  	[tilespmem:s26+$0x0] =	vst.add.f32.msk $0xffff, v0  }
0x682: {  	v0 =	vld [tilespmem:s21+$0x1060];
	_ =	sdelay $0x3  }
0x683: {  	s28 =	sor.u32 $0x9060, s21  }
0x684: {  	[tilespmem:s28+$0x0] =	vst.add.f32.msk $0xffff, v0  }
0x685: {  	v0 =	vld [tilespmem:s21+$0x1070];
	_ =	sdelay $0x3  }
0x686: {  	s29 =	sor.u32 $0x9070, s21  }
0x687: {  	[tilespmem:s29+$0x0] =	vst.add.f32.msk $0xffff, v0  }
0x688: {  	v0 =	vld [tilespmem:s21+$0x1400];
	_ =	sdelay $0x3  }
0x689: {  	s30 =	sor.u32 $0x9400, s21  }
0x68a: {  	[tilespmem:s30+$0x0] =	vst.add.f32.msk $0xffff, v0  }
0x68b: {  	v0 =	vld [tilespmem:s21+$0x1410];
	_ =	sdelay $0x3  }
0x68c: {  	s31 =	sor.u32 $0x9410, s21  }
0x68d: {  	[tilespmem:s31+$0x0] =	vst.add.f32.msk $0xffff, v0  }
0x68e: {  	v0 =	vld [tilespmem:s21+$0x1420];
	_ =	sdelay $0x3  }
0x68f: {  	s23 =	sor.u32 $0x9420, s21  }
0x690: {  	[tilespmem:s23+$0x0] =	vst.add.f32.msk $0xffff, v0  }
0x691: {  	v0 =	vld [tilespmem:s21+$0x1430];
	_ =	sdelay $0x3  }
0x692: {  	s24 =	sor.u32 $0x9430, s21  }
0x693: {  	[tilespmem:s24+$0x0] =	vst.add.f32.msk $0xffff, v0  }
0x694: {  	v0 =	vld [tilespmem:s21+$0x1440];
	_ =	sdelay $0x3  }
0x695: {  	s25 =	sor.u32 $0x9440, s21  }
0x696: {  	[tilespmem:s25+$0x0] =	vst.add.f32.msk $0xffff, v0  }
0x697: {  	v0 =	vld [tilespmem:s21+$0x1450];
	_ =	sdelay $0x3  }
0x698: {  	s26 =	sor.u32 $0x9450, s21  }
0x699: {  	[tilespmem:s26+$0x0] =	vst.add.f32.msk $0xffff, v0  }
0x69a: {  	v0 =	vld [tilespmem:s21+$0x1460];
	_ =	sdelay $0x3  }
0x69b: {  	s28 =	sor.u32 $0x9460, s21  }
0x69c: {  	[tilespmem:s28+$0x0] =	vst.add.f32.msk $0xffff, v0  }
0x69d: {  	v0 =	vld [tilespmem:s21+$0x1470];
	_ =	sdelay $0x3  }
0x69e: {  	s29 =	sor.u32 $0x9470, s21  }
0x69f: {  	[tilespmem:s29+$0x0] =	vst.add.f32.msk $0xffff, v0  }
0x6a0: {  	v0 =	vld [tilespmem:s21+$0x1800];
	_ =	sdelay $0x3  }
0x6a1: {  	s30 =	sor.u32 $0x9800, s21  }
0x6a2: {  	[tilespmem:s30+$0x0] =	vst.add.f32.msk $0xffff, v0  }
0x6a3: {  	v0 =	vld [tilespmem:s21+$0x1810];
	_ =	sdelay $0x3  }
0x6a4: {  	s31 =	sor.u32 $0x9810, s21  }
0x6a5: {  	[tilespmem:s31+$0x0] =	vst.add.f32.msk $0xffff, v0  }
0x6a6: {  	v0 =	vld [tilespmem:s21+$0x1820];
	_ =	sdelay $0x3  }
0x6a7: {  	s23 =	sor.u32 $0x9820, s21  }
0x6a8: {  	[tilespmem:s23+$0x0] =	vst.add.f32.msk $0xffff, v0  }
0x6a9: {  	v0 =	vld [tilespmem:s21+$0x1830];
	_ =	sdelay $0x3  }
0x6aa: {  	s24 =	sor.u32 $0x9830, s21  }
0x6ab: {  	[tilespmem:s24+$0x0] =	vst.add.f32.msk $0xffff, v0  }
0x6ac: {  	v0 =	vld [tilespmem:s21+$0x1840];
	_ =	sdelay $0x3  }
0x6ad: {  	s25 =	sor.u32 $0x9840, s21  }
0x6ae: {  	[tilespmem:s25+$0x0] =	vst.add.f32.msk $0xffff, v0  }
0x6af: {  	v0 =	vld [tilespmem:s21+$0x1850];
	_ =	sdelay $0x3  }
0x6b0: {  	s26 =	sor.u32 $0x9850, s21  }
0x6b1: {  	[tilespmem:s26+$0x0] =	vst.add.f32.msk $0xffff, v0  }
0x6b2: {  	v0 =	vld [tilespmem:s21+$0x1860];
	_ =	sdelay $0x3  }
0x6b3: {  	s28 =	sor.u32 $0x9860, s21  }
0x6b4: {  	[tilespmem:s28+$0x0] =	vst.add.f32.msk $0xffff, v0  }
0x6b5: {  	v0 =	vld [tilespmem:s21+$0x1870]  }
0x6b6: {  	s18 =	sadd.s32 $0x1, s18  }
0x6b7: {  	s18 =	sand.u32 $0x7, s18  }
0x6b8: {  	s20 =	sadd.s32 $0x400, s20;
	s18 =	sshll.u32 s18, $0x7  }
0x6b9: {  	s18 =	sadd.s32 s18, s20;
	s29 =	sor.u32 $0x9870, s21  }
0x6ba: {  	s30 =	sor.u32 $0x1C00, s18;
	[tilespmem:s29+$0x0] =	vst.add.f32.msk $0xffff, v0  }
0x6bb: {  	v0 =	vld [tilespmem:s30+$0x0];
	_ =	sdelay $0x4  }
0x6bc: {  	s31 =	sor.u32 $0x1C10, s18;
	[tilespmem:s30+$0x8000] =	vst.add.f32.msk $0xffff, v0  }
0x6bd: {  	v0 =	vld [tilespmem:s31+$0x0];
	_ =	sdelay $0x4  }
0x6be: {  	s21 =	sor.u32 $0x1C20, s18;
	[tilespmem:s31+$0x8000] =	vst.add.f32.msk $0xffff, v0  }
0x6bf: {  	v0 =	vld [tilespmem:s21+$0x0];
	_ =	sdelay $0x4  }
0x6c0: {  	s22 =	sor.u32 $0x1C30, s18;
	[tilespmem:s21+$0x8000] =	vst.add.f32.msk $0xffff, v0  }
0x6c1: {  	v0 =	vld [tilespmem:s22+$0x0];
	_ =	sdelay $0x4  }
0x6c2: {  	s23 =	sor.u32 $0x1C40, s18;
	[tilespmem:s22+$0x8000] =	vst.add.f32.msk $0xffff, v0  }
0x6c3: {  	v0 =	vld [tilespmem:s23+$0x0];
	_ =	sdelay $0x4  }
0x6c4: {  	s24 =	sor.u32 $0x1C50, s18;
	[tilespmem:s23+$0x8000] =	vst.add.f32.msk $0xffff, v0  }
0x6c5: {  	v0 =	vld [tilespmem:s24+$0x0];
	_ =	sdelay $0x4  }
0x6c6: {  	s25 =	sor.u32 $0x1C60, s18;
	[tilespmem:s24+$0x8000] =	vst.add.f32.msk $0xffff, v0  }
0x6c7: {  	v0 =	vld [tilespmem:s25+$0x0];
	_ =	sdelay $0x4  }
0x6c8: {  	s18 =	sor.u32 $0x1C70, s18;
	[tilespmem:s25+$0x8000] =	vst.add.f32.msk $0xffff, v0  }
0x6c9: {  	v0 =	vld [tilespmem:s18+$0x0];
	_ =	sdelay $0x4  }
0x6ca: {  	s19 =	sadd.s32 s3, s19;
	[tilespmem:s18+$0x8000] =	vst.add.f32.msk $0xffff, v0;
	s18 =	simm.s32 $0x0  }
0x6cb: {  	[hbm4b:s19+s18] =	stream.linear.scatter [tilespmem:s8], [sflag:$0x3], $0x8000, $0x38;
	[tilespmem:$0x18000] =	vst v63  }
0x6cc: {  	_ =	swait.ge [sflag:s12], $0x8000  }
0x6cd: {  	[sflag:s12] =	ssyncset.done $0x0  }
0x6ce: {  	[sflag:s12] =	ssyncadd.s32 $0xFFFF8000  }
0x6cf: {  	s26 =	simm.s32 $0x0;
	_ =	swait.ge [sflag:s13], $0x8000  }
0x6d0: {  	s19 =	sand.u32 $0x6000, s26;
	s28 =	sand.u32 $0x380, s18;
	[sflag:s13] =	ssyncset.done $0x0  }
0x6d1: {  	s19 =	sor.u32 s28, s19;
	[sflag:s13] =	ssyncadd.s32 $0xFFFF8000  }
0x6d2: {  	v0 =	vld [tilespmem:s19+$0x0];
	_ =	sdelay $0x3  }
0x6d3: {  	s20 =	sor.u32 $0x10000, s19  }
0x6d4: {  	[tilespmem:s20+$0x0] =	vst.add.f32.msk $0xffff, v0  }
0x6d5: {  	v0 =	vld [tilespmem:s19+$0x10];
	_ =	sdelay $0x3  }
0x6d6: {  	s29 =	sor.u32 $0x10010, s19  }
0x6d7: {  	[tilespmem:s29+$0x0] =	vst.add.f32.msk $0xffff, v0  }
0x6d8: {  	v0 =	vld [tilespmem:s19+$0x20];
	_ =	sdelay $0x3  }
0x6d9: {  	s30 =	sor.u32 $0x10020, s19  }
0x6da: {  	[tilespmem:s30+$0x0] =	vst.add.f32.msk $0xffff, v0  }
0x6db: {  	v0 =	vld [tilespmem:s19+$0x30];
	_ =	sdelay $0x3  }
0x6dc: {  	s31 =	sor.u32 $0x10030, s19  }
0x6dd: {  	[tilespmem:s31+$0x0] =	vst.add.f32.msk $0xffff, v0  }
0x6de: {  	v0 =	vld [tilespmem:s19+$0x40];
	_ =	sdelay $0x3  }
0x6df: {  	s21 =	sor.u32 $0x10040, s19  }
0x6e0: {  	[tilespmem:s21+$0x0] =	vst.add.f32.msk $0xffff, v0  }
0x6e1: {  	v0 =	vld [tilespmem:s19+$0x50];
	_ =	sdelay $0x3  }
0x6e2: {  	s22 =	sor.u32 $0x10050, s19  }
0x6e3: {  	[tilespmem:s22+$0x0] =	vst.add.f32.msk $0xffff, v0  }
0x6e4: {  	v0 =	vld [tilespmem:s19+$0x60];
	_ =	sdelay $0x3  }
0x6e5: {  	s23 =	sor.u32 $0x10060, s19  }
0x6e6: {  	[tilespmem:s23+$0x0] =	vst.add.f32.msk $0xffff, v0  }
0x6e7: {  	v0 =	vld [tilespmem:s19+$0x70];
	_ =	sdelay $0x3  }
0x6e8: {  	s24 =	sor.u32 $0x10070, s19  }
0x6e9: {  	[tilespmem:s24+$0x0] =	vst.add.f32.msk $0xffff, v0  }
0x6ea: {  	v0 =	vld [tilespmem:s19+$0x400];
	_ =	sdelay $0x3  }
0x6eb: {  	s25 =	sor.u32 $0x10400, s19  }
0x6ec: {  	[tilespmem:s25+$0x0] =	vst.add.f32.msk $0xffff, v0  }
0x6ed: {  	v0 =	vld [tilespmem:s19+$0x410];
	_ =	sdelay $0x3  }
0x6ee: {  	s26 =	sor.u32 $0x10410, s19  }
0x6ef: {  	[tilespmem:s26+$0x0] =	vst.add.f32.msk $0xffff, v0  }
0x6f0: {  	v0 =	vld [tilespmem:s19+$0x420];
	_ =	sdelay $0x3  }
0x6f1: {  	s28 =	sor.u32 $0x10420, s19  }
0x6f2: {  	[tilespmem:s28+$0x0] =	vst.add.f32.msk $0xffff, v0  }
0x6f3: {  	v0 =	vld [tilespmem:s19+$0x430];
	_ =	sdelay $0x3  }
0x6f4: {  	s29 =	sor.u32 $0x10430, s19  }
0x6f5: {  	[tilespmem:s29+$0x0] =	vst.add.f32.msk $0xffff, v0  }
0x6f6: {  	v0 =	vld [tilespmem:s19+$0x440];
	_ =	sdelay $0x3  }
0x6f7: {  	s30 =	sor.u32 $0x10440, s19  }
0x6f8: {  	[tilespmem:s30+$0x0] =	vst.add.f32.msk $0xffff, v0  }
0x6f9: {  	v0 =	vld [tilespmem:s19+$0x450];
	_ =	sdelay $0x3  }
0x6fa: {  	s31 =	sor.u32 $0x10450, s19  }
0x6fb: {  	[tilespmem:s31+$0x0] =	vst.add.f32.msk $0xffff, v0  }
0x6fc: {  	v0 =	vld [tilespmem:s19+$0x460];
	_ =	sdelay $0x3  }
0x6fd: {  	s21 =	sor.u32 $0x10460, s19  }
0x6fe: {  	[tilespmem:s21+$0x0] =	vst.add.f32.msk $0xffff, v0  }
0x6ff: {  	v0 =	vld [tilespmem:s19+$0x470];
	_ =	sdelay $0x3  }
0x700: {  	s22 =	sor.u32 $0x10470, s19  }
0x701: {  	[tilespmem:s22+$0x0] =	vst.add.f32.msk $0xffff, v0  }
0x702: {  	v0 =	vld [tilespmem:s19+$0x800];
	_ =	sdelay $0x3  }
0x703: {  	s23 =	sor.u32 $0x10800, s19  }
0x704: {  	[tilespmem:s23+$0x0] =	vst.add.f32.msk $0xffff, v0  }
0x705: {  	v0 =	vld [tilespmem:s19+$0x810];
	_ =	sdelay $0x3  }
0x706: {  	s24 =	sor.u32 $0x10810, s19  }
0x707: {  	[tilespmem:s24+$0x0] =	vst.add.f32.msk $0xffff, v0  }
0x708: {  	v0 =	vld [tilespmem:s19+$0x820];
	_ =	sdelay $0x3  }
0x709: {  	s25 =	sor.u32 $0x10820, s19  }
0x70a: {  	[tilespmem:s25+$0x0] =	vst.add.f32.msk $0xffff, v0  }
0x70b: {  	v0 =	vld [tilespmem:s19+$0x830];
	_ =	sdelay $0x3  }
0x70c: {  	s26 =	sor.u32 $0x10830, s19  }
0x70d: {  	[tilespmem:s26+$0x0] =	vst.add.f32.msk $0xffff, v0  }
0x70e: {  	v0 =	vld [tilespmem:s19+$0x840];
	_ =	sdelay $0x3  }
0x70f: {  	s28 =	sor.u32 $0x10840, s19  }
0x710: {  	[tilespmem:s28+$0x0] =	vst.add.f32.msk $0xffff, v0  }
0x711: {  	v0 =	vld [tilespmem:s19+$0x850];
	_ =	sdelay $0x3  }
0x712: {  	s29 =	sor.u32 $0x10850, s19  }
0x713: {  	[tilespmem:s29+$0x0] =	vst.add.f32.msk $0xffff, v0  }
0x714: {  	v0 =	vld [tilespmem:s19+$0x860];
	_ =	sdelay $0x3  }
0x715: {  	s30 =	sor.u32 $0x10860, s19  }
0x716: {  	[tilespmem:s30+$0x0] =	vst.add.f32.msk $0xffff, v0  }
0x717: {  	v0 =	vld [tilespmem:s19+$0x870];
	_ =	sdelay $0x3  }
0x718: {  	s31 =	sor.u32 $0x10870, s19  }
0x719: {  	[tilespmem:s31+$0x0] =	vst.add.f32.msk $0xffff, v0  }
0x71a: {  	v0 =	vld [tilespmem:s19+$0xC00];
	_ =	sdelay $0x3  }
0x71b: {  	s21 =	sor.u32 $0x10C00, s19  }
0x71c: {  	[tilespmem:s21+$0x0] =	vst.add.f32.msk $0xffff, v0  }
0x71d: {  	v0 =	vld [tilespmem:s19+$0xC10];
	_ =	sdelay $0x3  }
0x71e: {  	s22 =	sor.u32 $0x10C10, s19  }
0x71f: {  	[tilespmem:s22+$0x0] =	vst.add.f32.msk $0xffff, v0  }
0x720: {  	v0 =	vld [tilespmem:s19+$0xC20];
	_ =	sdelay $0x3  }
0x721: {  	s23 =	sor.u32 $0x10C20, s19  }
0x722: {  	[tilespmem:s23+$0x0] =	vst.add.f32.msk $0xffff, v0  }
0x723: {  	v0 =	vld [tilespmem:s19+$0xC30];
	_ =	sdelay $0x3  }
0x724: {  	s24 =	sor.u32 $0x10C30, s19  }
0x725: {  	[tilespmem:s24+$0x0] =	vst.add.f32.msk $0xffff, v0  }
0x726: {  	v0 =	vld [tilespmem:s19+$0xC40];
	_ =	sdelay $0x3  }
0x727: {  	s25 =	sor.u32 $0x10C40, s19  }
0x728: {  	[tilespmem:s25+$0x0] =	vst.add.f32.msk $0xffff, v0  }
0x729: {  	v0 =	vld [tilespmem:s19+$0xC50];
	_ =	sdelay $0x3  }
0x72a: {  	s26 =	sor.u32 $0x10C50, s19  }
0x72b: {  	[tilespmem:s26+$0x0] =	vst.add.f32.msk $0xffff, v0  }
0x72c: {  	v0 =	vld [tilespmem:s19+$0xC60];
	_ =	sdelay $0x3  }
0x72d: {  	s28 =	sor.u32 $0x10C60, s19  }
0x72e: {  	[tilespmem:s28+$0x0] =	vst.add.f32.msk $0xffff, v0  }
0x72f: {  	v0 =	vld [tilespmem:s19+$0xC70];
	_ =	sdelay $0x3  }
0x730: {  	s29 =	sor.u32 $0x10C70, s19  }
0x731: {  	[tilespmem:s29+$0x0] =	vst.add.f32.msk $0xffff, v0  }
0x732: {  	v0 =	vld [tilespmem:s19+$0x1000];
	_ =	sdelay $0x3  }
0x733: {  	s30 =	sor.u32 $0x11000, s19  }
0x734: {  	[tilespmem:s30+$0x0] =	vst.add.f32.msk $0xffff, v0  }
0x735: {  	v0 =	vld [tilespmem:s19+$0x1010];
	_ =	sdelay $0x3  }
0x736: {  	s31 =	sor.u32 $0x11010, s19  }
0x737: {  	[tilespmem:s31+$0x0] =	vst.add.f32.msk $0xffff, v0  }
0x738: {  	v0 =	vld [tilespmem:s19+$0x1020];
	_ =	sdelay $0x3  }
0x739: {  	s21 =	sor.u32 $0x11020, s19  }
0x73a: {  	[tilespmem:s21+$0x0] =	vst.add.f32.msk $0xffff, v0  }
0x73b: {  	v0 =	vld [tilespmem:s19+$0x1030];
	_ =	sdelay $0x3  }
0x73c: {  	s22 =	sor.u32 $0x11030, s19  }
0x73d: {  	[tilespmem:s22+$0x0] =	vst.add.f32.msk $0xffff, v0  }
0x73e: {  	v0 =	vld [tilespmem:s19+$0x1040];
	_ =	sdelay $0x3  }
0x73f: {  	s23 =	sor.u32 $0x11040, s19  }
0x740: {  	[tilespmem:s23+$0x0] =	vst.add.f32.msk $0xffff, v0  }
0x741: {  	v0 =	vld [tilespmem:s19+$0x1050];
	_ =	sdelay $0x3  }
0x742: {  	s24 =	sor.u32 $0x11050, s19  }
0x743: {  	[tilespmem:s24+$0x0] =	vst.add.f32.msk $0xffff, v0  }
0x744: {  	v0 =	vld [tilespmem:s19+$0x1060];
	_ =	sdelay $0x3  }
0x745: {  	s25 =	sor.u32 $0x11060, s19  }
0x746: {  	[tilespmem:s25+$0x0] =	vst.add.f32.msk $0xffff, v0  }
0x747: {  	v0 =	vld [tilespmem:s19+$0x1070];
	_ =	sdelay $0x3  }
0x748: {  	s26 =	sor.u32 $0x11070, s19  }
0x749: {  	[tilespmem:s26+$0x0] =	vst.add.f32.msk $0xffff, v0  }
0x74a: {  	v0 =	vld [tilespmem:s19+$0x1400];
	_ =	sdelay $0x3  }
0x74b: {  	s28 =	sor.u32 $0x11400, s19  }
0x74c: {  	[tilespmem:s28+$0x0] =	vst.add.f32.msk $0xffff, v0  }
0x74d: {  	v0 =	vld [tilespmem:s19+$0x1410];
	_ =	sdelay $0x3  }
0x74e: {  	s29 =	sor.u32 $0x11410, s19  }
0x74f: {  	[tilespmem:s29+$0x0] =	vst.add.f32.msk $0xffff, v0  }
0x750: {  	v0 =	vld [tilespmem:s19+$0x1420];
	_ =	sdelay $0x3  }
0x751: {  	s30 =	sor.u32 $0x11420, s19  }
0x752: {  	[tilespmem:s30+$0x0] =	vst.add.f32.msk $0xffff, v0  }
0x753: {  	v0 =	vld [tilespmem:s19+$0x1430];
	_ =	sdelay $0x3  }
0x754: {  	s31 =	sor.u32 $0x11430, s19  }
0x755: {  	[tilespmem:s31+$0x0] =	vst.add.f32.msk $0xffff, v0  }
0x756: {  	v0 =	vld [tilespmem:s19+$0x1440];
	_ =	sdelay $0x3  }
0x757: {  	s21 =	sor.u32 $0x11440, s19  }
0x758: {  	[tilespmem:s21+$0x0] =	vst.add.f32.msk $0xffff, v0  }
0x759: {  	v0 =	vld [tilespmem:s19+$0x1450];
	_ =	sdelay $0x3  }
0x75a: {  	s22 =	sor.u32 $0x11450, s19  }
0x75b: {  	[tilespmem:s22+$0x0] =	vst.add.f32.msk $0xffff, v0  }
0x75c: {  	v0 =	vld [tilespmem:s19+$0x1460];
	_ =	sdelay $0x3  }
0x75d: {  	s23 =	sor.u32 $0x11460, s19  }
0x75e: {  	[tilespmem:s23+$0x0] =	vst.add.f32.msk $0xffff, v0  }
0x75f: {  	v0 =	vld [tilespmem:s19+$0x1470];
	_ =	sdelay $0x3  }
0x760: {  	s24 =	sor.u32 $0x11470, s19  }
0x761: {  	[tilespmem:s24+$0x0] =	vst.add.f32.msk $0xffff, v0  }
0x762: {  	v0 =	vld [tilespmem:s19+$0x1800];
	_ =	sdelay $0x3  }
0x763: {  	s25 =	sor.u32 $0x11800, s19  }
0x764: {  	[tilespmem:s25+$0x0] =	vst.add.f32.msk $0xffff, v0  }
0x765: {  	v0 =	vld [tilespmem:s19+$0x1810];
	_ =	sdelay $0x3  }
0x766: {  	s26 =	sor.u32 $0x11810, s19  }
0x767: {  	[tilespmem:s26+$0x0] =	vst.add.f32.msk $0xffff, v0  }
0x768: {  	v0 =	vld [tilespmem:s19+$0x1820];
	_ =	sdelay $0x3  }
0x769: {  	s28 =	sor.u32 $0x11820, s19  }
0x76a: {  	[tilespmem:s28+$0x0] =	vst.add.f32.msk $0xffff, v0  }
0x76b: {  	v0 =	vld [tilespmem:s19+$0x1830];
	_ =	sdelay $0x3  }
0x76c: {  	s29 =	sor.u32 $0x11830, s19  }
0x76d: {  	[tilespmem:s29+$0x0] =	vst.add.f32.msk $0xffff, v0  }
0x76e: {  	v0 =	vld [tilespmem:s19+$0x1840];
	_ =	sdelay $0x3  }
0x76f: {  	s30 =	sor.u32 $0x11840, s19  }
0x770: {  	[tilespmem:s30+$0x0] =	vst.add.f32.msk $0xffff, v0  }
0x771: {  	v0 =	vld [tilespmem:s19+$0x1850];
	_ =	sdelay $0x3  }
0x772: {  	s31 =	sor.u32 $0x11850, s19  }
0x773: {  	[tilespmem:s31+$0x0] =	vst.add.f32.msk $0xffff, v0  }
0x774: {  	v0 =	vld [tilespmem:s19+$0x1860];
	_ =	sdelay $0x3  }
0x775: {  	s21 =	sor.u32 $0x11860, s19  }
0x776: {  	[tilespmem:s21+$0x0] =	vst.add.f32.msk $0xffff, v0  }
0x777: {  	v0 =	vld [tilespmem:s19+$0x1870];
	_ =	sdelay $0x1  }
0x778: {  	s22 =	sand.u32 $0x7, s18  }
0x779: {  	s20 =	sshll.u32 s22, $0x7  }
0x77a: {  	s23 =	sadd.s32 $0x0, s20;
	s19 =	sor.u32 $0x11870, s19  }
0x77b: {  	s24 =	sor.u32 $0x1C00, s23;
	[tilespmem:s19+$0x0] =	vst.add.f32.msk $0xffff, v0  }
0x77c: {  	v0 =	vld [tilespmem:s24+$0x0];
	_ =	sdelay $0x4  }
0x77d: {  	s25 =	sor.u32 $0x1C10, s23;
	[tilespmem:s24+$0x10000] =	vst.add.f32.msk $0xffff, v0  }
0x77e: {  	v0 =	vld [tilespmem:s25+$0x0];
	_ =	sdelay $0x4  }
0x77f: {  	s26 =	sor.u32 $0x1C20, s23;
	[tilespmem:s25+$0x10000] =	vst.add.f32.msk $0xffff, v0  }
0x780: {  	v0 =	vld [tilespmem:s26+$0x0];
	_ =	sdelay $0x4  }
0x781: {  	s28 =	sor.u32 $0x1C30, s23;
	[tilespmem:s26+$0x10000] =	vst.add.f32.msk $0xffff, v0  }
0x782: {  	v0 =	vld [tilespmem:s28+$0x0];
	_ =	sdelay $0x4  }
0x783: {  	s29 =	sor.u32 $0x1C40, s23;
	[tilespmem:s28+$0x10000] =	vst.add.f32.msk $0xffff, v0  }
0x784: {  	v0 =	vld [tilespmem:s29+$0x0];
	_ =	sdelay $0x4  }
0x785: {  	s30 =	sor.u32 $0x1C50, s23;
	[tilespmem:s29+$0x10000] =	vst.add.f32.msk $0xffff, v0  }
0x786: {  	v0 =	vld [tilespmem:s30+$0x0];
	_ =	sdelay $0x4  }
0x787: {  	s31 =	sor.u32 $0x1C60, s23;
	[tilespmem:s30+$0x10000] =	vst.add.f32.msk $0xffff, v0  }
0x788: {  	v0 =	vld [tilespmem:s31+$0x0];
	_ =	sdelay $0x4  }
0x789: {  	s24 =	sor.u32 $0x1C70, s23;
	[tilespmem:s31+$0x10000] =	vst.add.f32.msk $0xffff, v0  }
0x78a: {  	v0 =	vld [tilespmem:s24+$0x0];
	_ =	sdelay $0x1  }
0x78b: {  	s22 =	simm.s32 $0x100;
	s20 =	simm.s32 $0x80  }
0x78c: {  	s21 =	simm.s32 $0xFFFF8400;
	s19 =	simm.s32 $0x0;
	s23 =	simm.s32 $0x400  }
.LBB2_9:
0x78d: {  	p0 =	sne.s32 s22, $0xF80;
	s23 =	sand.u32 $0x6000, s23;
	s20 =	sand.u32 $0x380, s20  }
0x78e: {  	s23 =	sor.u32 s20, s23;
	[tilespmem:s24+$0x10000] =	vst.add.f32.msk $0xffff, v0;
	s20 =	smov.u32 s22  }
0x78f: {  	v0 =	vld [tilespmem:s23+$0x0];
	_ =	sdelay $0x3  }
0x790: {  	s24 =	sor.u32 $0x10000, s23  }
0x791: {  	[tilespmem:s24+$0x0] =	vst.add.f32.msk $0xffff, v0  }
0x792: {  	v0 =	vld [tilespmem:s23+$0x10];
	_ =	sdelay $0x3  }
0x793: {  	s24 =	sor.u32 $0x10010, s23  }
0x794: {  	[tilespmem:s24+$0x0] =	vst.add.f32.msk $0xffff, v0  }
0x795: {  	v0 =	vld [tilespmem:s23+$0x20];
	_ =	sdelay $0x3  }
0x796: {  	s24 =	sor.u32 $0x10020, s23  }
0x797: {  	[tilespmem:s24+$0x0] =	vst.add.f32.msk $0xffff, v0  }
0x798: {  	v0 =	vld [tilespmem:s23+$0x30];
	_ =	sdelay $0x3  }
0x799: {  	s24 =	sor.u32 $0x10030, s23  }
0x79a: {  	[tilespmem:s24+$0x0] =	vst.add.f32.msk $0xffff, v0  }
0x79b: {  	v0 =	vld [tilespmem:s23+$0x40];
	_ =	sdelay $0x3  }
0x79c: {  	s24 =	sor.u32 $0x10040, s23  }
0x79d: {  	[tilespmem:s24+$0x0] =	vst.add.f32.msk $0xffff, v0  }
0x79e: {  	v0 =	vld [tilespmem:s23+$0x50];
	_ =	sdelay $0x3  }
0x79f: {  	s24 =	sor.u32 $0x10050, s23  }
0x7a0: {  	[tilespmem:s24+$0x0] =	vst.add.f32.msk $0xffff, v0  }
0x7a1: {  	v0 =	vld [tilespmem:s23+$0x60];
	_ =	sdelay $0x3  }
0x7a2: {  	s24 =	sor.u32 $0x10060, s23  }
0x7a3: {  	[tilespmem:s24+$0x0] =	vst.add.f32.msk $0xffff, v0  }
0x7a4: {  	v0 =	vld [tilespmem:s23+$0x70];
	_ =	sdelay $0x3  }
0x7a5: {  	s24 =	sor.u32 $0x10070, s23  }
0x7a6: {  	[tilespmem:s24+$0x0] =	vst.add.f32.msk $0xffff, v0  }
0x7a7: {  	v0 =	vld [tilespmem:s23+$0x400];
	_ =	sdelay $0x3  }
0x7a8: {  	s24 =	sor.u32 $0x10400, s23  }
0x7a9: {  	[tilespmem:s24+$0x0] =	vst.add.f32.msk $0xffff, v0  }
0x7aa: {  	v0 =	vld [tilespmem:s23+$0x410];
	_ =	sdelay $0x3  }
0x7ab: {  	s24 =	sor.u32 $0x10410, s23  }
0x7ac: {  	[tilespmem:s24+$0x0] =	vst.add.f32.msk $0xffff, v0  }
0x7ad: {  	v0 =	vld [tilespmem:s23+$0x420];
	_ =	sdelay $0x3  }
0x7ae: {  	s24 =	sor.u32 $0x10420, s23  }
0x7af: {  	[tilespmem:s24+$0x0] =	vst.add.f32.msk $0xffff, v0  }
0x7b0: {  	v0 =	vld [tilespmem:s23+$0x430];
	_ =	sdelay $0x3  }
0x7b1: {  	s24 =	sor.u32 $0x10430, s23  }
0x7b2: {  	[tilespmem:s24+$0x0] =	vst.add.f32.msk $0xffff, v0  }
0x7b3: {  	v0 =	vld [tilespmem:s23+$0x440];
	_ =	sdelay $0x3  }
0x7b4: {  	s24 =	sor.u32 $0x10440, s23  }
0x7b5: {  	[tilespmem:s24+$0x0] =	vst.add.f32.msk $0xffff, v0  }
0x7b6: {  	v0 =	vld [tilespmem:s23+$0x450];
	_ =	sdelay $0x3  }
0x7b7: {  	s24 =	sor.u32 $0x10450, s23  }
0x7b8: {  	[tilespmem:s24+$0x0] =	vst.add.f32.msk $0xffff, v0  }
0x7b9: {  	v0 =	vld [tilespmem:s23+$0x460];
	_ =	sdelay $0x3  }
0x7ba: {  	s24 =	sor.u32 $0x10460, s23  }
0x7bb: {  	[tilespmem:s24+$0x0] =	vst.add.f32.msk $0xffff, v0  }
0x7bc: {  	v0 =	vld [tilespmem:s23+$0x470];
	_ =	sdelay $0x3  }
0x7bd: {  	s24 =	sor.u32 $0x10470, s23  }
0x7be: {  	[tilespmem:s24+$0x0] =	vst.add.f32.msk $0xffff, v0  }
0x7bf: {  	v0 =	vld [tilespmem:s23+$0x800];
	_ =	sdelay $0x3  }
0x7c0: {  	s24 =	sor.u32 $0x10800, s23  }
0x7c1: {  	[tilespmem:s24+$0x0] =	vst.add.f32.msk $0xffff, v0  }
0x7c2: {  	v0 =	vld [tilespmem:s23+$0x810];
	_ =	sdelay $0x3  }
0x7c3: {  	s24 =	sor.u32 $0x10810, s23  }
0x7c4: {  	[tilespmem:s24+$0x0] =	vst.add.f32.msk $0xffff, v0  }
0x7c5: {  	v0 =	vld [tilespmem:s23+$0x820];
	_ =	sdelay $0x3  }
0x7c6: {  	s24 =	sor.u32 $0x10820, s23  }
0x7c7: {  	[tilespmem:s24+$0x0] =	vst.add.f32.msk $0xffff, v0  }
0x7c8: {  	v0 =	vld [tilespmem:s23+$0x830];
	_ =	sdelay $0x3  }
0x7c9: {  	s24 =	sor.u32 $0x10830, s23  }
0x7ca: {  	[tilespmem:s24+$0x0] =	vst.add.f32.msk $0xffff, v0  }
0x7cb: {  	v0 =	vld [tilespmem:s23+$0x840];
	_ =	sdelay $0x3  }
0x7cc: {  	s24 =	sor.u32 $0x10840, s23  }
0x7cd: {  	[tilespmem:s24+$0x0] =	vst.add.f32.msk $0xffff, v0  }
0x7ce: {  	v0 =	vld [tilespmem:s23+$0x850];
	_ =	sdelay $0x3  }
0x7cf: {  	s24 =	sor.u32 $0x10850, s23  }
0x7d0: {  	[tilespmem:s24+$0x0] =	vst.add.f32.msk $0xffff, v0  }
0x7d1: {  	v0 =	vld [tilespmem:s23+$0x860];
	_ =	sdelay $0x3  }
0x7d2: {  	s24 =	sor.u32 $0x10860, s23  }
0x7d3: {  	[tilespmem:s24+$0x0] =	vst.add.f32.msk $0xffff, v0  }
0x7d4: {  	v0 =	vld [tilespmem:s23+$0x870];
	_ =	sdelay $0x3  }
0x7d5: {  	s24 =	sor.u32 $0x10870, s23  }
0x7d6: {  	[tilespmem:s24+$0x0] =	vst.add.f32.msk $0xffff, v0  }
0x7d7: {  	v0 =	vld [tilespmem:s23+$0xC00];
	_ =	sdelay $0x3  }
0x7d8: {  	s24 =	sor.u32 $0x10C00, s23  }
0x7d9: {  	[tilespmem:s24+$0x0] =	vst.add.f32.msk $0xffff, v0  }
0x7da: {  	v0 =	vld [tilespmem:s23+$0xC10];
	_ =	sdelay $0x3  }
0x7db: {  	s24 =	sor.u32 $0x10C10, s23  }
0x7dc: {  	[tilespmem:s24+$0x0] =	vst.add.f32.msk $0xffff, v0  }
0x7dd: {  	v0 =	vld [tilespmem:s23+$0xC20];
	_ =	sdelay $0x3  }
0x7de: {  	s24 =	sor.u32 $0x10C20, s23  }
0x7df: {  	[tilespmem:s24+$0x0] =	vst.add.f32.msk $0xffff, v0  }
0x7e0: {  	v0 =	vld [tilespmem:s23+$0xC30];
	_ =	sdelay $0x3  }
0x7e1: {  	s24 =	sor.u32 $0x10C30, s23  }
0x7e2: {  	[tilespmem:s24+$0x0] =	vst.add.f32.msk $0xffff, v0  }
0x7e3: {  	v0 =	vld [tilespmem:s23+$0xC40];
	_ =	sdelay $0x3  }
0x7e4: {  	s24 =	sor.u32 $0x10C40, s23  }
0x7e5: {  	[tilespmem:s24+$0x0] =	vst.add.f32.msk $0xffff, v0  }
0x7e6: {  	v0 =	vld [tilespmem:s23+$0xC50];
	_ =	sdelay $0x3  }
0x7e7: {  	s24 =	sor.u32 $0x10C50, s23  }
0x7e8: {  	[tilespmem:s24+$0x0] =	vst.add.f32.msk $0xffff, v0  }
0x7e9: {  	v0 =	vld [tilespmem:s23+$0xC60];
	_ =	sdelay $0x3  }
0x7ea: {  	s24 =	sor.u32 $0x10C60, s23  }
0x7eb: {  	[tilespmem:s24+$0x0] =	vst.add.f32.msk $0xffff, v0  }
0x7ec: {  	v0 =	vld [tilespmem:s23+$0xC70];
	_ =	sdelay $0x3  }
0x7ed: {  	s24 =	sor.u32 $0x10C70, s23  }
0x7ee: {  	[tilespmem:s24+$0x0] =	vst.add.f32.msk $0xffff, v0  }
0x7ef: {  	v0 =	vld [tilespmem:s23+$0x1000];
	_ =	sdelay $0x3  }
0x7f0: {  	s24 =	sor.u32 $0x11000, s23  }
0x7f1: {  	[tilespmem:s24+$0x0] =	vst.add.f32.msk $0xffff, v0  }
0x7f2: {  	v0 =	vld [tilespmem:s23+$0x1010];
	_ =	sdelay $0x3  }
0x7f3: {  	s24 =	sor.u32 $0x11010, s23  }
0x7f4: {  	[tilespmem:s24+$0x0] =	vst.add.f32.msk $0xffff, v0  }
0x7f5: {  	v0 =	vld [tilespmem:s23+$0x1020];
	_ =	sdelay $0x3  }
0x7f6: {  	s24 =	sor.u32 $0x11020, s23  }
0x7f7: {  	[tilespmem:s24+$0x0] =	vst.add.f32.msk $0xffff, v0  }
0x7f8: {  	v0 =	vld [tilespmem:s23+$0x1030];
	_ =	sdelay $0x3  }
0x7f9: {  	s24 =	sor.u32 $0x11030, s23  }
0x7fa: {  	[tilespmem:s24+$0x0] =	vst.add.f32.msk $0xffff, v0  }
0x7fb: {  	v0 =	vld [tilespmem:s23+$0x1040];
	_ =	sdelay $0x3  }
0x7fc: {  	s24 =	sor.u32 $0x11040, s23  }
0x7fd: {  	[tilespmem:s24+$0x0] =	vst.add.f32.msk $0xffff, v0  }
0x7fe: {  	v0 =	vld [tilespmem:s23+$0x1050];
	_ =	sdelay $0x3  }
0x7ff: {  	s24 =	sor.u32 $0x11050, s23  }
0x800: {  	[tilespmem:s24+$0x0] =	vst.add.f32.msk $0xffff, v0  }
0x801: {  	v0 =	vld [tilespmem:s23+$0x1060];
	_ =	sdelay $0x3  }
0x802: {  	s24 =	sor.u32 $0x11060, s23  }
0x803: {  	[tilespmem:s24+$0x0] =	vst.add.f32.msk $0xffff, v0  }
0x804: {  	v0 =	vld [tilespmem:s23+$0x1070];
	_ =	sdelay $0x3  }
0x805: {  	s24 =	sor.u32 $0x11070, s23  }
0x806: {  	[tilespmem:s24+$0x0] =	vst.add.f32.msk $0xffff, v0  }
0x807: {  	v0 =	vld [tilespmem:s23+$0x1400];
	_ =	sdelay $0x3  }
0x808: {  	s24 =	sor.u32 $0x11400, s23  }
0x809: {  	[tilespmem:s24+$0x0] =	vst.add.f32.msk $0xffff, v0  }
0x80a: {  	v0 =	vld [tilespmem:s23+$0x1410];
	_ =	sdelay $0x3  }
0x80b: {  	s24 =	sor.u32 $0x11410, s23  }
0x80c: {  	[tilespmem:s24+$0x0] =	vst.add.f32.msk $0xffff, v0  }
0x80d: {  	v0 =	vld [tilespmem:s23+$0x1420];
	_ =	sdelay $0x3  }
0x80e: {  	s24 =	sor.u32 $0x11420, s23  }
0x80f: {  	[tilespmem:s24+$0x0] =	vst.add.f32.msk $0xffff, v0  }
0x810: {  	v0 =	vld [tilespmem:s23+$0x1430];
	_ =	sdelay $0x3  }
0x811: {  	s24 =	sor.u32 $0x11430, s23  }
0x812: {  	[tilespmem:s24+$0x0] =	vst.add.f32.msk $0xffff, v0  }
0x813: {  	v0 =	vld [tilespmem:s23+$0x1440];
	_ =	sdelay $0x3  }
0x814: {  	s24 =	sor.u32 $0x11440, s23  }
0x815: {  	[tilespmem:s24+$0x0] =	vst.add.f32.msk $0xffff, v0  }
0x816: {  	v0 =	vld [tilespmem:s23+$0x1450];
	_ =	sdelay $0x3  }
0x817: {  	s24 =	sor.u32 $0x11450, s23  }
0x818: {  	[tilespmem:s24+$0x0] =	vst.add.f32.msk $0xffff, v0  }
0x819: {  	v0 =	vld [tilespmem:s23+$0x1460];
	_ =	sdelay $0x3  }
0x81a: {  	s24 =	sor.u32 $0x11460, s23  }
0x81b: {  	[tilespmem:s24+$0x0] =	vst.add.f32.msk $0xffff, v0  }
0x81c: {  	v0 =	vld [tilespmem:s23+$0x1470];
	_ =	sdelay $0x3  }
0x81d: {  	s24 =	sor.u32 $0x11470, s23  }
0x81e: {  	[tilespmem:s24+$0x0] =	vst.add.f32.msk $0xffff, v0  }
0x81f: {  	v0 =	vld [tilespmem:s23+$0x1800];
	_ =	sdelay $0x3  }
0x820: {  	s24 =	sor.u32 $0x11800, s23  }
0x821: {  	[tilespmem:s24+$0x0] =	vst.add.f32.msk $0xffff, v0  }
0x822: {  	v0 =	vld [tilespmem:s23+$0x1810];
	_ =	sdelay $0x3  }
0x823: {  	s24 =	sor.u32 $0x11810, s23  }
0x824: {  	[tilespmem:s24+$0x0] =	vst.add.f32.msk $0xffff, v0  }
0x825: {  	v0 =	vld [tilespmem:s23+$0x1820];
	_ =	sdelay $0x3  }
0x826: {  	s24 =	sor.u32 $0x11820, s23  }
0x827: {  	[tilespmem:s24+$0x0] =	vst.add.f32.msk $0xffff, v0  }
0x828: {  	v0 =	vld [tilespmem:s23+$0x1830];
	_ =	sdelay $0x3  }
0x829: {  	s24 =	sor.u32 $0x11830, s23  }
0x82a: {  	[tilespmem:s24+$0x0] =	vst.add.f32.msk $0xffff, v0  }
0x82b: {  	v0 =	vld [tilespmem:s23+$0x1840];
	_ =	sdelay $0x3  }
0x82c: {  	s24 =	sor.u32 $0x11840, s23  }
0x82d: {  	[tilespmem:s24+$0x0] =	vst.add.f32.msk $0xffff, v0  }
0x82e: {  	v0 =	vld [tilespmem:s23+$0x1850];
	_ =	sdelay $0x3  }
0x82f: {  	s24 =	sor.u32 $0x11850, s23  }
0x830: {  	[tilespmem:s24+$0x0] =	vst.add.f32.msk $0xffff, v0  }
0x831: {  	v0 =	vld [tilespmem:s23+$0x1860];
	_ =	sdelay $0x3  }
0x832: {  	s24 =	sor.u32 $0x11860, s23  }
0x833: {  	[tilespmem:s24+$0x0] =	vst.add.f32.msk $0xffff, v0  }
0x834: {  	v0 =	vld [tilespmem:s23+$0x1870]  }
0x835: {  	s18 =	sadd.s32 $0x1, s18  }
0x836: {  	s24 =	sand.u32 $0x7, s18  }
0x837: {  	s19 =	sadd.s32 $0x400, s19;
	s24 =	sshll.u32 s24, $0x7  }
0x838: {  	s23 =	sor.u32 $0x11870, s23;
	s24 =	sadd.s32 s24, s19  }
0x839: {  	[tilespmem:s23+$0x0] =	vst.add.f32.msk $0xffff, v0;
	s23 =	sor.u32 $0x1C00, s24  }
0x83a: {  	v0 =	vld [tilespmem:s23+$0x0];
	_ =	sdelay $0x4  }
0x83b: {  	[tilespmem:s23+$0x10000] =	vst.add.f32.msk $0xffff, v0;
	s23 =	sor.u32 $0x1C10, s24  }
0x83c: {  	v0 =	vld [tilespmem:s23+$0x0];
	_ =	sdelay $0x4  }
0x83d: {  	[tilespmem:s23+$0x10000] =	vst.add.f32.msk $0xffff, v0;
	s23 =	sor.u32 $0x1C20, s24  }
0x83e: {  	v0 =	vld [tilespmem:s23+$0x0];
	_ =	sdelay $0x4  }
0x83f: {  	[tilespmem:s23+$0x10000] =	vst.add.f32.msk $0xffff, v0;
	s23 =	sor.u32 $0x1C30, s24  }
0x840: {  	v0 =	vld [tilespmem:s23+$0x0];
	_ =	sdelay $0x4  }
0x841: {  	[tilespmem:s23+$0x10000] =	vst.add.f32.msk $0xffff, v0;
	s23 =	sor.u32 $0x1C40, s24  }
0x842: {  	v0 =	vld [tilespmem:s23+$0x0];
	_ =	sdelay $0x4  }
0x843: {  	[tilespmem:s23+$0x10000] =	vst.add.f32.msk $0xffff, v0;
	s23 =	sor.u32 $0x1C50, s24  }
0x844: {  	v0 =	vld [tilespmem:s23+$0x0];
	_ =	sdelay $0x4  }
0x845: {  	[tilespmem:s23+$0x10000] =	vst.add.f32.msk $0xffff, v0;
	s23 =	sor.u32 $0x1C60, s24  }
0x846: {  	v0 =	vld [tilespmem:s23+$0x0];
	_ =	sdelay $0x4  }
.Ltmp3:
0x847: {  	s24 =	sor.u32 $0x1C70, s24;
	[tilespmem:s23+$0x10000] =	vst.add.f32.msk $0xffff, v0;
	(pc) =	sbr.rel @p0 .LBB2_9-.Ltmp3, $3  }
0x848: {  	v0 =	vld [tilespmem:s24+$0x0];
	_ =	sdelay $0x1  }
0x849: {  	s21 =	sadd.s32 $0x400, s21  }
0x84a: {  	s22 =	sadd.s32 $0x80, s22;
	s23 =	sadd.s32 $0x8000, s21  }
0x84b: {  	s21 =	sand.u32 $0x6000, s23;
	s20 =	sand.u32 $0x380, s20  }
0x84c: {  	s20 =	sor.u32 s20, s21;
	[tilespmem:s24+$0x10000] =	vst.add.f32.msk $0xffff, v0  }
0x84d: {  	v0 =	vld [tilespmem:s20+$0x0];
	_ =	sdelay $0x3  }
0x84e: {  	s21 =	sor.u32 $0x10000, s20  }
0x84f: {  	[tilespmem:s21+$0x0] =	vst.add.f32.msk $0xffff, v0  }
0x850: {  	v0 =	vld [tilespmem:s20+$0x10];
	_ =	sdelay $0x3  }
0x851: {  	s23 =	sor.u32 $0x10010, s20  }
0x852: {  	[tilespmem:s23+$0x0] =	vst.add.f32.msk $0xffff, v0  }
0x853: {  	v0 =	vld [tilespmem:s20+$0x20];
	_ =	sdelay $0x3  }
0x854: {  	s24 =	sor.u32 $0x10020, s20  }
0x855: {  	[tilespmem:s24+$0x0] =	vst.add.f32.msk $0xffff, v0  }
0x856: {  	v0 =	vld [tilespmem:s20+$0x30];
	_ =	sdelay $0x3  }
0x857: {  	s25 =	sor.u32 $0x10030, s20  }
0x858: {  	[tilespmem:s25+$0x0] =	vst.add.f32.msk $0xffff, v0  }
0x859: {  	v0 =	vld [tilespmem:s20+$0x40];
	_ =	sdelay $0x3  }
0x85a: {  	s26 =	sor.u32 $0x10040, s20  }
0x85b: {  	[tilespmem:s26+$0x0] =	vst.add.f32.msk $0xffff, v0  }
0x85c: {  	v0 =	vld [tilespmem:s20+$0x50];
	_ =	sdelay $0x3  }
0x85d: {  	s28 =	sor.u32 $0x10050, s20  }
0x85e: {  	[tilespmem:s28+$0x0] =	vst.add.f32.msk $0xffff, v0  }
0x85f: {  	v0 =	vld [tilespmem:s20+$0x60];
	_ =	sdelay $0x3  }
0x860: {  	s29 =	sor.u32 $0x10060, s20  }
0x861: {  	[tilespmem:s29+$0x0] =	vst.add.f32.msk $0xffff, v0  }
0x862: {  	v0 =	vld [tilespmem:s20+$0x70];
	_ =	sdelay $0x3  }
0x863: {  	s30 =	sor.u32 $0x10070, s20  }
0x864: {  	[tilespmem:s30+$0x0] =	vst.add.f32.msk $0xffff, v0  }
0x865: {  	v0 =	vld [tilespmem:s20+$0x400];
	_ =	sdelay $0x3  }
0x866: {  	s31 =	sor.u32 $0x10400, s20  }
0x867: {  	[tilespmem:s31+$0x0] =	vst.add.f32.msk $0xffff, v0  }
0x868: {  	v0 =	vld [tilespmem:s20+$0x410];
	_ =	sdelay $0x3  }
0x869: {  	s22 =	sor.u32 $0x10410, s20  }
0x86a: {  	[tilespmem:s22+$0x0] =	vst.add.f32.msk $0xffff, v0  }
0x86b: {  	v0 =	vld [tilespmem:s20+$0x420];
	_ =	sdelay $0x3  }
0x86c: {  	s23 =	sor.u32 $0x10420, s20  }
0x86d: {  	[tilespmem:s23+$0x0] =	vst.add.f32.msk $0xffff, v0  }
0x86e: {  	v0 =	vld [tilespmem:s20+$0x430];
	_ =	sdelay $0x3  }
0x86f: {  	s24 =	sor.u32 $0x10430, s20  }
0x870: {  	[tilespmem:s24+$0x0] =	vst.add.f32.msk $0xffff, v0  }
0x871: {  	v0 =	vld [tilespmem:s20+$0x440];
	_ =	sdelay $0x3  }
0x872: {  	s25 =	sor.u32 $0x10440, s20  }
0x873: {  	[tilespmem:s25+$0x0] =	vst.add.f32.msk $0xffff, v0  }
0x874: {  	v0 =	vld [tilespmem:s20+$0x450];
	_ =	sdelay $0x3  }
0x875: {  	s26 =	sor.u32 $0x10450, s20  }
0x876: {  	[tilespmem:s26+$0x0] =	vst.add.f32.msk $0xffff, v0  }
0x877: {  	v0 =	vld [tilespmem:s20+$0x460];
	_ =	sdelay $0x3  }
0x878: {  	s28 =	sor.u32 $0x10460, s20  }
0x879: {  	[tilespmem:s28+$0x0] =	vst.add.f32.msk $0xffff, v0  }
0x87a: {  	v0 =	vld [tilespmem:s20+$0x470];
	_ =	sdelay $0x3  }
0x87b: {  	s29 =	sor.u32 $0x10470, s20  }
0x87c: {  	[tilespmem:s29+$0x0] =	vst.add.f32.msk $0xffff, v0  }
0x87d: {  	v0 =	vld [tilespmem:s20+$0x800];
	_ =	sdelay $0x3  }
0x87e: {  	s30 =	sor.u32 $0x10800, s20  }
0x87f: {  	[tilespmem:s30+$0x0] =	vst.add.f32.msk $0xffff, v0  }
0x880: {  	v0 =	vld [tilespmem:s20+$0x810];
	_ =	sdelay $0x3  }
0x881: {  	s31 =	sor.u32 $0x10810, s20  }
0x882: {  	[tilespmem:s31+$0x0] =	vst.add.f32.msk $0xffff, v0  }
0x883: {  	v0 =	vld [tilespmem:s20+$0x820];
	_ =	sdelay $0x3  }
0x884: {  	s22 =	sor.u32 $0x10820, s20  }
0x885: {  	[tilespmem:s22+$0x0] =	vst.add.f32.msk $0xffff, v0  }
0x886: {  	v0 =	vld [tilespmem:s20+$0x830];
	_ =	sdelay $0x3  }
0x887: {  	s23 =	sor.u32 $0x10830, s20  }
0x888: {  	[tilespmem:s23+$0x0] =	vst.add.f32.msk $0xffff, v0  }
0x889: {  	v0 =	vld [tilespmem:s20+$0x840];
	_ =	sdelay $0x3  }
0x88a: {  	s24 =	sor.u32 $0x10840, s20  }
0x88b: {  	[tilespmem:s24+$0x0] =	vst.add.f32.msk $0xffff, v0  }
0x88c: {  	v0 =	vld [tilespmem:s20+$0x850];
	_ =	sdelay $0x3  }
0x88d: {  	s25 =	sor.u32 $0x10850, s20  }
0x88e: {  	[tilespmem:s25+$0x0] =	vst.add.f32.msk $0xffff, v0  }
0x88f: {  	v0 =	vld [tilespmem:s20+$0x860];
	_ =	sdelay $0x3  }
0x890: {  	s26 =	sor.u32 $0x10860, s20  }
0x891: {  	[tilespmem:s26+$0x0] =	vst.add.f32.msk $0xffff, v0  }
0x892: {  	v0 =	vld [tilespmem:s20+$0x870];
	_ =	sdelay $0x3  }
0x893: {  	s28 =	sor.u32 $0x10870, s20  }
0x894: {  	[tilespmem:s28+$0x0] =	vst.add.f32.msk $0xffff, v0  }
0x895: {  	v0 =	vld [tilespmem:s20+$0xC00];
	_ =	sdelay $0x3  }
0x896: {  	s29 =	sor.u32 $0x10C00, s20  }
0x897: {  	[tilespmem:s29+$0x0] =	vst.add.f32.msk $0xffff, v0  }
0x898: {  	v0 =	vld [tilespmem:s20+$0xC10];
	_ =	sdelay $0x3  }
0x899: {  	s30 =	sor.u32 $0x10C10, s20  }
0x89a: {  	[tilespmem:s30+$0x0] =	vst.add.f32.msk $0xffff, v0  }
0x89b: {  	v0 =	vld [tilespmem:s20+$0xC20];
	_ =	sdelay $0x3  }
0x89c: {  	s31 =	sor.u32 $0x10C20, s20  }
0x89d: {  	[tilespmem:s31+$0x0] =	vst.add.f32.msk $0xffff, v0  }
0x89e: {  	v0 =	vld [tilespmem:s20+$0xC30];
	_ =	sdelay $0x3  }
0x89f: {  	s22 =	sor.u32 $0x10C30, s20  }
0x8a0: {  	[tilespmem:s22+$0x0] =	vst.add.f32.msk $0xffff, v0  }
0x8a1: {  	v0 =	vld [tilespmem:s20+$0xC40];
	_ =	sdelay $0x3  }
0x8a2: {  	s23 =	sor.u32 $0x10C40, s20  }
0x8a3: {  	[tilespmem:s23+$0x0] =	vst.add.f32.msk $0xffff, v0  }
0x8a4: {  	v0 =	vld [tilespmem:s20+$0xC50];
	_ =	sdelay $0x3  }
0x8a5: {  	s24 =	sor.u32 $0x10C50, s20  }
0x8a6: {  	[tilespmem:s24+$0x0] =	vst.add.f32.msk $0xffff, v0  }
0x8a7: {  	v0 =	vld [tilespmem:s20+$0xC60];
	_ =	sdelay $0x3  }
0x8a8: {  	s25 =	sor.u32 $0x10C60, s20  }
0x8a9: {  	[tilespmem:s25+$0x0] =	vst.add.f32.msk $0xffff, v0  }
0x8aa: {  	v0 =	vld [tilespmem:s20+$0xC70];
	_ =	sdelay $0x3  }
0x8ab: {  	s26 =	sor.u32 $0x10C70, s20  }
0x8ac: {  	[tilespmem:s26+$0x0] =	vst.add.f32.msk $0xffff, v0  }
0x8ad: {  	v0 =	vld [tilespmem:s20+$0x1000];
	_ =	sdelay $0x3  }
0x8ae: {  	s28 =	sor.u32 $0x11000, s20  }
0x8af: {  	[tilespmem:s28+$0x0] =	vst.add.f32.msk $0xffff, v0  }
0x8b0: {  	v0 =	vld [tilespmem:s20+$0x1010];
	_ =	sdelay $0x3  }
0x8b1: {  	s29 =	sor.u32 $0x11010, s20  }
0x8b2: {  	[tilespmem:s29+$0x0] =	vst.add.f32.msk $0xffff, v0  }
0x8b3: {  	v0 =	vld [tilespmem:s20+$0x1020];
	_ =	sdelay $0x3  }
0x8b4: {  	s30 =	sor.u32 $0x11020, s20  }
0x8b5: {  	[tilespmem:s30+$0x0] =	vst.add.f32.msk $0xffff, v0  }
0x8b6: {  	v0 =	vld [tilespmem:s20+$0x1030];
	_ =	sdelay $0x3  }
0x8b7: {  	s31 =	sor.u32 $0x11030, s20  }
0x8b8: {  	[tilespmem:s31+$0x0] =	vst.add.f32.msk $0xffff, v0  }
0x8b9: {  	v0 =	vld [tilespmem:s20+$0x1040];
	_ =	sdelay $0x3  }
0x8ba: {  	s22 =	sor.u32 $0x11040, s20  }
0x8bb: {  	[tilespmem:s22+$0x0] =	vst.add.f32.msk $0xffff, v0  }
0x8bc: {  	v0 =	vld [tilespmem:s20+$0x1050];
	_ =	sdelay $0x3  }
0x8bd: {  	s23 =	sor.u32 $0x11050, s20  }
0x8be: {  	[tilespmem:s23+$0x0] =	vst.add.f32.msk $0xffff, v0  }
0x8bf: {  	v0 =	vld [tilespmem:s20+$0x1060];
	_ =	sdelay $0x3  }
0x8c0: {  	s24 =	sor.u32 $0x11060, s20  }
0x8c1: {  	[tilespmem:s24+$0x0] =	vst.add.f32.msk $0xffff, v0  }
0x8c2: {  	v0 =	vld [tilespmem:s20+$0x1070];
	_ =	sdelay $0x3  }
0x8c3: {  	s25 =	sor.u32 $0x11070, s20  }
0x8c4: {  	[tilespmem:s25+$0x0] =	vst.add.f32.msk $0xffff, v0  }
0x8c5: {  	v0 =	vld [tilespmem:s20+$0x1400];
	_ =	sdelay $0x3  }
0x8c6: {  	s26 =	sor.u32 $0x11400, s20  }
0x8c7: {  	[tilespmem:s26+$0x0] =	vst.add.f32.msk $0xffff, v0  }
0x8c8: {  	v0 =	vld [tilespmem:s20+$0x1410];
	_ =	sdelay $0x3  }
0x8c9: {  	s28 =	sor.u32 $0x11410, s20  }
0x8ca: {  	[tilespmem:s28+$0x0] =	vst.add.f32.msk $0xffff, v0  }
0x8cb: {  	v0 =	vld [tilespmem:s20+$0x1420];
	_ =	sdelay $0x3  }
0x8cc: {  	s29 =	sor.u32 $0x11420, s20  }
0x8cd: {  	[tilespmem:s29+$0x0] =	vst.add.f32.msk $0xffff, v0  }
0x8ce: {  	v0 =	vld [tilespmem:s20+$0x1430];
	_ =	sdelay $0x3  }
0x8cf: {  	s30 =	sor.u32 $0x11430, s20  }
0x8d0: {  	[tilespmem:s30+$0x0] =	vst.add.f32.msk $0xffff, v0  }
0x8d1: {  	v0 =	vld [tilespmem:s20+$0x1440];
	_ =	sdelay $0x3  }
0x8d2: {  	s31 =	sor.u32 $0x11440, s20  }
0x8d3: {  	[tilespmem:s31+$0x0] =	vst.add.f32.msk $0xffff, v0  }
0x8d4: {  	v0 =	vld [tilespmem:s20+$0x1450];
	_ =	sdelay $0x3  }
0x8d5: {  	s22 =	sor.u32 $0x11450, s20  }
0x8d6: {  	[tilespmem:s22+$0x0] =	vst.add.f32.msk $0xffff, v0  }
0x8d7: {  	v0 =	vld [tilespmem:s20+$0x1460];
	_ =	sdelay $0x3  }
0x8d8: {  	s23 =	sor.u32 $0x11460, s20  }
0x8d9: {  	[tilespmem:s23+$0x0] =	vst.add.f32.msk $0xffff, v0  }
0x8da: {  	v0 =	vld [tilespmem:s20+$0x1470];
	_ =	sdelay $0x3  }
0x8db: {  	s24 =	sor.u32 $0x11470, s20  }
0x8dc: {  	[tilespmem:s24+$0x0] =	vst.add.f32.msk $0xffff, v0  }
0x8dd: {  	v0 =	vld [tilespmem:s20+$0x1800];
	_ =	sdelay $0x3  }
0x8de: {  	s25 =	sor.u32 $0x11800, s20  }
0x8df: {  	[tilespmem:s25+$0x0] =	vst.add.f32.msk $0xffff, v0  }
0x8e0: {  	v0 =	vld [tilespmem:s20+$0x1810];
	_ =	sdelay $0x3  }
0x8e1: {  	s26 =	sor.u32 $0x11810, s20  }
0x8e2: {  	[tilespmem:s26+$0x0] =	vst.add.f32.msk $0xffff, v0  }
0x8e3: {  	v0 =	vld [tilespmem:s20+$0x1820];
	_ =	sdelay $0x3  }
0x8e4: {  	s28 =	sor.u32 $0x11820, s20  }
0x8e5: {  	[tilespmem:s28+$0x0] =	vst.add.f32.msk $0xffff, v0  }
0x8e6: {  	v0 =	vld [tilespmem:s20+$0x1830];
	_ =	sdelay $0x3  }
0x8e7: {  	s29 =	sor.u32 $0x11830, s20  }
0x8e8: {  	[tilespmem:s29+$0x0] =	vst.add.f32.msk $0xffff, v0  }
0x8e9: {  	v0 =	vld [tilespmem:s20+$0x1840];
	_ =	sdelay $0x3  }
0x8ea: {  	s30 =	sor.u32 $0x11840, s20  }
0x8eb: {  	[tilespmem:s30+$0x0] =	vst.add.f32.msk $0xffff, v0  }
0x8ec: {  	v0 =	vld [tilespmem:s20+$0x1850];
	_ =	sdelay $0x3  }
0x8ed: {  	s31 =	sor.u32 $0x11850, s20  }
0x8ee: {  	[tilespmem:s31+$0x0] =	vst.add.f32.msk $0xffff, v0  }
0x8ef: {  	v0 =	vld [tilespmem:s20+$0x1860];
	_ =	sdelay $0x3  }
0x8f0: {  	s22 =	sor.u32 $0x11860, s20  }
0x8f1: {  	[tilespmem:s22+$0x0] =	vst.add.f32.msk $0xffff, v0  }
0x8f2: {  	v0 =	vld [tilespmem:s20+$0x1870]  }
0x8f3: {  	s18 =	sadd.s32 $0x1, s18  }
0x8f4: {  	s18 =	sand.u32 $0x7, s18  }
0x8f5: {  	s19 =	sadd.s32 $0x400, s19;
	s18 =	sshll.u32 s18, $0x7  }
0x8f6: {  	s18 =	sadd.s32 s18, s19;
	s23 =	sor.u32 $0x11870, s20  }
0x8f7: {  	s24 =	sor.u32 $0x1C00, s18;
	[tilespmem:s23+$0x0] =	vst.add.f32.msk $0xffff, v0  }
0x8f8: {  	v0 =	vld [tilespmem:s24+$0x0];
	_ =	sdelay $0x4  }
0x8f9: {  	s25 =	sor.u32 $0x1C10, s18;
	[tilespmem:s24+$0x10000] =	vst.add.f32.msk $0xffff, v0  }
0x8fa: {  	v0 =	vld [tilespmem:s25+$0x0];
	_ =	sdelay $0x4  }
0x8fb: {  	s26 =	sor.u32 $0x1C20, s18;
	[tilespmem:s25+$0x10000] =	vst.add.f32.msk $0xffff, v0  }
0x8fc: {  	v0 =	vld [tilespmem:s26+$0x0];
	_ =	sdelay $0x4  }
0x8fd: {  	s28 =	sor.u32 $0x1C30, s18;
	[tilespmem:s26+$0x10000] =	vst.add.f32.msk $0xffff, v0  }
0x8fe: {  	v0 =	vld [tilespmem:s28+$0x0];
	_ =	sdelay $0x4  }
0x8ff: {  	s29 =	sor.u32 $0x1C40, s18;
	[tilespmem:s28+$0x10000] =	vst.add.f32.msk $0xffff, v0  }
0x900: {  	v0 =	vld [tilespmem:s29+$0x0];
	_ =	sdelay $0x4  }
0x901: {  	s30 =	sor.u32 $0x1C50, s18;
	[tilespmem:s29+$0x10000] =	vst.add.f32.msk $0xffff, v0  }
0x902: {  	v0 =	vld [tilespmem:s30+$0x0];
	_ =	sdelay $0x4  }
0x903: {  	s31 =	sor.u32 $0x1C60, s18;
	[tilespmem:s30+$0x10000] =	vst.add.f32.msk $0xffff, v0  }
0x904: {  	v0 =	vld [tilespmem:s31+$0x0];
	_ =	sdelay $0x4  }
0x905: {  	s18 =	sor.u32 $0x1C70, s18;
	[tilespmem:s31+$0x10000] =	vst.add.f32.msk $0xffff, v0  }
0x906: {  	v0 =	vld [tilespmem:s18+$0x0];
	_ =	sdelay $0x2  }
0x907: {  	s16 =	sadd.s32 $0x1, s16  }
0x908: {  	p0 =	sne.s32 s16, $0x8  }
.Ltmp4:
0x909: {  	s17 =	sadd.s32 s3, s17;
	[tilespmem:s18+$0x10000] =	vst.add.f32.msk $0xffff, v0;
	(pc) =	sbr.rel @p0 .LBB2_2-.Ltmp4, $4  }
0x90a: {  	[hbm4b:s17+s5] =	stream.linear.scatter [tilespmem:s10], [sflag:$0x4], $0x8000, $0x38;
	[tilespmem:$0x18000] =	vst v63  }
0x90b: {  	_ =	swait.ge [sflag:s14], $0x8000  }
0x90c: {  	[sflag:s14] =	ssyncset.done $0x0  }
0x90d: {  	[sflag:s14] =	ssyncadd.s32 $0xFFFF8000  }
0x90e: {  	s15 =	sadd.s32 $0x1, s15  }
0x90f: {  	p0 =	sne.s32 s15, s7  }
.Ltmp5:
0x910: {  	_ = 	snop;
	(pc) =	sbr.rel @p0 .LBB2_1-.Ltmp5, $1  }
0x911: {  	_ =	sdelay $0x3  }
0x912: {  	_ =	sfence.sel $0x180000  }
0x913: {  	[bflag:$0x0] =	sbarrier.arrive $0xFFFF  }
0x914: {  	p0 =	sne.s32 s4, $0x0;
	_ =	strace $0x90000047  }
0x915: {  	s0 =	sadd.s32 @!p0 $0x100000, s0;
	[bflag:$0x2] =	sbarrier.arrive $0xFFFF  }
0x916: {  	[sflag:s0] =	ssyncadd.tile.s32 @!p0 $0x1;
	_ =	shalt  }
.Lfunc_end2:
_tile_overlayer_lowered:
.L_overlay_start_2:
0x917: {  	(tag) =	ssettag $0x2  }
0x918: {  	s0 =	rddreg [dreg:$0x0];
	s2 =	stileid.u32  }
0x919: {  	s1 =	rddreg [dreg:$0x1];
	p0 =	sne.s32 s2, $0x0  }
0x91a: {  	s3 =	rddreg [dreg:$0x2];
	[bflag:$0x3] =	sbarrier.arrive $0xFFFF;
	s2 =	simm.s32 @!p0 $0x1C05  }
0x91b: {  	[timem:s3], [sflag:s2] =	dma.local @!p0 [hbm:s0], s1  }
0x91c: {  	s0 =	simm.s32 @!p0 $0x5  }
0x91d: {  	_ =	swait.ge @!p0 [sflag:s0], s1  }
0x91e: {  	s1 =	ssub.s32 @!p0 $0x0, s1;
	[sflag:s0] =	ssyncset.done @!p0 $0x0  }
0x91f: {  	[sflag:s0] =	ssyncadd.s32 @!p0 s1  }
0x920: {  	[bflag:$0x3] =	sbarrier.arrive $0xFFFF  }
0x921: {  	_ =	shalt  }

</sc_bundles>
